<compile_context>
chip_gen: v7x
topology: tpu7x:2x2x1
jax: 0.10.2.dev20260603
libtpu: 0.0.44.dev20260713+nightly
codegen_flags: <defaults>
</compile_context>

<pallas_src>
import functools

import jax
import jax.numpy as jnp
from jax import lax
from jax.experimental import pallas as pl
from jax.experimental.pallas import tpu as pltpu
from jax.experimental.pallas import tpu_sc as plsc

N = 10000
IN = 128
FH = 32
E = 160000

NUM_TILES = 16
CHUNK = 128
ROWS_PER_TILE = 80
GROUP = 8
EP = NUM_TILES * ROWS_PER_TILE * CHUNK
EP_ROWS = EP // CHUNK
NP = 10112
OUT_ROWS_PER_TILE = NP // NUM_TILES
W = 128

_MESH = plsc.VectorSubcoreMesh(core_axis_name="c", subcore_axis_name="s")


@functools.partial(
    pl.kernel,
    out_type=[
        jax.ShapeDtypeStruct((NP, W), jnp.float32),
        jax.ShapeDtypeStruct((NP, W), jnp.float32),
    ],
    mesh=_MESH,
    scratch_types=[
        pltpu.VMEM((3, GROUP, CHUNK), jnp.int32),
        pltpu.VMEM((3, GROUP, CHUNK), jnp.int32),
        pltpu.VMEM((CHUNK, W), jnp.float32),
        pltpu.VMEM((CHUNK, W), jnp.float32),
        pltpu.VMEM_SHARED((NP, W), jnp.float32),
        pltpu.SemaphoreType.DMA,
        pltpu.SemaphoreType.DMA,
        pltpu.SemaphoreType.DMA,
        pltpu.SemaphoreType.DMA,
        pltpu.SemaphoreType.DMA,
    ],
)
def _agg(feat, srcp, dstp, srcn, dstn, zeros_hbm, outp, outn,
         srcb, dstb, rows_a, rows_b, accum,
         sem_ga, sem_gb, sem_sa, sem_sb, sem_idx):
    c = lax.axis_index("c")
    s = lax.axis_index("s")
    r0 = s * OUT_ROWS_PER_TILE
    pltpu.sync_copy(zeros_hbm.at[pl.ds(r0, OUT_ROWS_PER_TILE)],
                    accum.at[pl.ds(r0, OUT_ROWS_PER_TILE)])
    plsc.subcore_barrier()

    def run(src, dst, out):
        base = s * ROWS_PER_TILE

        def prefetch_group(g):
            pltpu.async_copy(src.at[pl.ds(base + g * GROUP, GROUP)],
                             srcb.at[g % 3], sem_idx)
            pltpu.async_copy(dst.at[pl.ds(base + g * GROUP, GROUP)],
                             dstb.at[g % 3], sem_idx)

        def wait_group(g):
            pltpu.make_async_copy(src.at[pl.ds(base, GROUP)],
                                  srcb.at[g % 3], sem_idx).wait()
            pltpu.make_async_copy(dst.at[pl.ds(base, GROUP)],
                                  dstb.at[g % 3], sem_idx).wait()

        def issue_gather(j):
            p = (j // GROUP) % 3
            jj = j % GROUP
            half = CHUNK // 2

            @pl.when(j % 2 == 0)
            def _():
                pltpu.async_copy(feat.at[srcb.at[p, jj, pl.ds(0, half)]],
                                 rows_a.at[pl.ds(0, half)], sem_ga)
                pltpu.async_copy(feat.at[srcb.at[p, jj, pl.ds(half, half)]],
                                 rows_a.at[pl.ds(half, half)], sem_ga)

            @pl.when(j % 2 == 1)
            def _():
                pltpu.async_copy(feat.at[srcb.at[p, jj, pl.ds(0, half)]],
                                 rows_b.at[pl.ds(0, half)], sem_gb)
                pltpu.async_copy(feat.at[srcb.at[p, jj, pl.ds(half, half)]],
                                 rows_b.at[pl.ds(half, half)], sem_gb)

        prefetch_group(0)
        wait_group(0)
        prefetch_group(1)
        issue_gather(0)

        def drain_scatter(parity_sem, parity_rows):
            pltpu.make_async_copy(parity_rows, accum.at[dstb.at[0, 0]],
                                  parity_sem).wait()

        def body(j, tok):
            jn = j + 1

            @pl.when(jnp.logical_and(jn % GROUP == 0, jn < ROWS_PER_TILE))
            def _():
                g = jn // GROUP
                wait_group(g)

                @pl.when(g + 1 < ROWS_PER_TILE // GROUP)
                def _():
                    prefetch_group(g + 1)

            @pl.when(jnp.logical_and(jn < ROWS_PER_TILE, j >= 1))
            def _():
                @pl.when(jn % 2 == 0)
                def _():
                    drain_scatter(sem_sa, rows_a)

                @pl.when(jn % 2 == 1)
                def _():
                    drain_scatter(sem_sb, rows_b)

            @pl.when(jn < ROWS_PER_TILE)
            def _():
                issue_gather(jn)

            p = (j // GROUP) % 3

            @pl.when(j % 2 == 0)
            def _():
                pltpu.make_async_copy(feat.at[srcb.at[0, 0]], rows_a,
                                      sem_ga).wait()
                pltpu.async_copy(rows_a, accum.at[dstb.at[p, j % GROUP]],
                                 sem_sa, add=True)

            @pl.when(j % 2 == 1)
            def _():
                pltpu.make_async_copy(feat.at[srcb.at[0, 0]], rows_b,
                                      sem_gb).wait()
                pltpu.async_copy(rows_b, accum.at[dstb.at[p, j % GROUP]],
                                 sem_sb, add=True)

            return tok

        lax.fori_loop(0, ROWS_PER_TILE, body, 0)
        drain_scatter(sem_sa, rows_a)
        drain_scatter(sem_sb, rows_b)
        plsc.subcore_barrier()
        pltpu.sync_copy(accum.at[pl.ds(r0, OUT_ROWS_PER_TILE)],
                        out.at[pl.ds(r0, OUT_ROWS_PER_TILE)])

    @pl.when(c == 0)
    def _():
        run(srcp, dstp, outp)

    @pl.when(c == 1)
    def _():
        run(srcn, dstn, outn)


def _tc1_body(x_ref, w_ref, b_ref, ws_ref, bs_ref, f_ref, sc_ref):
    xv = x_ref[...]
    f_ref[...] = jnp.dot(xv, w_ref[...],
                         preferred_element_type=jnp.float32) + b_ref[...]
    sc_ref[...] = jnp.dot(xv, ws_ref[...],
                          preferred_element_type=jnp.float32) + bs_ref[...]


def _tc2_body(sp_ref, sn_ref, self_ref, zcat_ref, rinv_ref):
    sp = sp_ref[...]
    sn = sn_ref[...]
    rp = 1.0 / jnp.maximum(sp[:, FH:FH + 1], 1.0)
    rn = 1.0 / jnp.maximum(sn[:, 40 + FH:40 + FH + 1], 1.0)
    zp = sp[:, :FH] * rp + self_ref[:, :FH]
    zn = sn[:, 40:40 + FH] * rn + self_ref[:, FH:]
    zcat_ref[...] = jnp.concatenate(
        [zp, zn, jnp.zeros((zp.shape[0], W - 2 * FH), jnp.float32)], axis=1)
    rinv_ref[...] = jnp.concatenate(
        [rp, rn, jnp.zeros((rp.shape[0], 6), jnp.float32)], axis=1)


def _tc3_body(s2p_ref, s2n_ref, zcat_ref, rinv_ref, wa_ref, wb_ref, wc_ref,
              bb_ref, z_ref):
    rp = rinv_ref[:, 0:1]
    rn = rinv_ref[:, 1:2]
    g1 = s2p_ref[...] * rp
    g2 = s2n_ref[...] * rn
    z_ref[...] = (
        jnp.dot(g1, wa_ref[...], preferred_element_type=jnp.float32)
        + jnp.dot(g2, wb_ref[...], preferred_element_type=jnp.float32)
        + jnp.dot(zcat_ref[...], wc_ref[...],
                  preferred_element_type=jnp.float32)
        + bb_ref[...])


_RB = 2000


def _row_spec(width):
    return pl.BlockSpec((_RB, width), lambda i: (i, 0))


def _full_spec(shape):
    return pl.BlockSpec(shape, lambda i: (0,) * len(shape))


def _pad_edges(idx, fill):
    pad = EP - E
    return jnp.concatenate(
        [idx, jnp.full((pad,), fill, jnp.int32)]).reshape(EP_ROWS, CHUNK)


def kernel(x, pos_edge_index, neg_edge_index,
           W1p, b1p, W1n, b1n, W2p, b2p, W2n, b2n):
    f32 = jnp.float32
    A1p, B1p = W1p[:IN], W1p[IN:]
    A1n, B1n = W1n[:IN], W1n[IN:]
    W1cat = jnp.zeros((IN, W), f32).at[:, 0:FH].set(A1p).at[:, 40:40 + FH].set(A1n)
    b1cat = jnp.zeros((1, W), f32).at[0, FH].set(1.0).at[0, 40 + FH].set(1.0)
    Ws = jnp.concatenate([B1p, B1n], axis=1)
    bs = jnp.concatenate([b1p, b1n])[None, :]
    Wa = (jnp.zeros((W, 2 * FH), f32)
          .at[0:FH, 0:FH].set(W2p[0:FH])
          .at[FH:2 * FH, FH:].set(W2n[0:FH]))
    Wb = (jnp.zeros((W, 2 * FH), f32)
          .at[0:FH, FH:].set(W2n[FH:2 * FH])
          .at[FH:2 * FH, 0:FH].set(W2p[FH:2 * FH]))
    Wc = (jnp.zeros((W, 2 * FH), f32)
          .at[0:FH, 0:FH].set(W2p[2 * FH:])
          .at[FH:2 * FH, FH:].set(W2n[2 * FH:]))
    bbig = jnp.concatenate([b2p, b2n])[None, :]

    srcp = _pad_edges(pos_edge_index[0], 0)
    dstp = _pad_edges(pos_edge_index[1], N)
    srcn = _pad_edges(neg_edge_index[0], 0)
    dstn = _pad_edges(neg_edge_index[1], N)
    zeros_w = jnp.zeros((NP, W), f32)

    feat1, selfcat = pl.pallas_call(
        _tc1_body,
        grid=(N // _RB,),
        in_specs=[
            _row_spec(IN),
            _full_spec((IN, W)), _full_spec((1, W)),
            _full_spec((IN, 2 * FH)), _full_spec((1, 2 * FH)),
        ],
        out_specs=[_row_spec(W), _row_spec(2 * FH)],
        out_shape=[
            jax.ShapeDtypeStruct((N, W), f32),
            jax.ShapeDtypeStruct((N, 2 * FH), f32),
        ],
    )(x, W1cat, b1cat, Ws, bs)

    sum1p, sum1n = _agg(feat1, srcp, dstp, srcn, dstn, zeros_w)

    zcat, rinv = pl.pallas_call(
        _tc2_body,
        grid=(N // _RB,),
        in_specs=[_row_spec(W), _row_spec(W), _row_spec(2 * FH)],
        out_specs=[_row_spec(W), _row_spec(8)],
        out_shape=[
            jax.ShapeDtypeStruct((N, W), f32),
            jax.ShapeDtypeStruct((N, 8), f32),
        ],
    )(sum1p, sum1n, selfcat)

    sum2p, sum2n = _agg(zcat, srcp, dstp, srcn, dstn, zeros_w)

    z = pl.pallas_call(
        _tc3_body,
        grid=(N // _RB,),
        in_specs=[
            _row_spec(W), _row_spec(W), _row_spec(W), _row_spec(8),
            _full_spec((W, 2 * FH)), _full_spec((W, 2 * FH)),
            _full_spec((W, 2 * FH)), _full_spec((1, 2 * FH)),
        ],
        out_specs=[_row_spec(2 * FH)],
        out_shape=[jax.ShapeDtypeStruct((N, 2 * FH), f32)],
    )(sum2p, sum2n, zcat, rinv, Wa, Wb, Wc, bbig)[0]
    return z

# --- scband reference (transcript-rebuilt; emitter-appended) ---
"""Pipeline reference for scband-signed-gcn-59270548685284 (READ-ONLY COPY).

The authoritative reference and input builder live on the scoring server;
editing this copy changes nothing except your own understanding.
"""

import jax, jax.numpy as jnp
import numpy as np

N = 10000
IN = 128
HID = 64
FH = HID // 2  # 32, per-sign channel width
E = 160000


def _glorot(key, shape):
    fan_in = shape[0]
    return jax.random.normal(key, shape, dtype=jnp.float32) * (1.0 / np.sqrt(fan_in))


def setup_inputs(seed: int = 0) -> dict:
    key = jax.random.key(seed)
    ks = jax.random.split(key, 12)
    x = jax.random.normal(ks[0], (N, IN), dtype=jnp.float32)
    pos_edge_index = jax.random.randint(ks[1], (2, E), 0, N, dtype=jnp.int32)
    neg_edge_index = jax.random.randint(ks[2], (2, E), 0, N, dtype=jnp.int32)
    # SignedConv layer 1 (first_aggr=True): lin_pos/lin_neg map cat([aggr, x]) -> FH
    W1p = _glorot(ks[3], (2 * IN, FH)); b1p = jnp.zeros((FH,), jnp.float32)
    W1n = _glorot(ks[4], (2 * IN, FH)); b1n = jnp.zeros((FH,), jnp.float32)
    # SignedConv layer 2 (first_aggr=False): lin maps cat([pos_aggr, neg_aggr, self]) -> FH
    W2p = _glorot(ks[5], (3 * FH, FH)); b2p = jnp.zeros((FH,), jnp.float32)
    W2n = _glorot(ks[6], (3 * FH, FH)); b2n = jnp.zeros((FH,), jnp.float32)
    return {
        "x": x,
        "pos_edge_index": pos_edge_index,
        "neg_edge_index": neg_edge_index,
        "W1p": W1p, "b1p": b1p, "W1n": W1n, "b1n": b1n,
        "W2p": W2p, "b2p": b2p, "W2n": W2n, "b2n": b2n,
    }


def _mean_aggr(feat, edge_index, num_nodes):
    src = edge_index[0]
    dst = edge_index[1]
    msg = jnp.take(feat, src, axis=0)
    s = jax.ops.segment_sum(msg, dst, num_segments=num_nodes)
    cnt = jax.ops.segment_sum(jnp.ones((edge_index.shape[1],), feat.dtype), dst, num_segments=num_nodes)
    return s / jnp.clip(cnt, 1.0)[:, None]


def reference(x, pos_edge_index, neg_edge_index, W1p, b1p, W1n, b1n, W2p, b2p, W2n, b2n):
    n = x.shape[0]
    # ---- layer 1 (first_aggr=True) ----
    ap = _mean_aggr(x, pos_edge_index, n)
    an = _mean_aggr(x, neg_edge_index, n)
    z_pos = jnp.concatenate([ap, x], axis=-1) @ W1p + b1p
    z_neg = jnp.concatenate([an, x], axis=-1) @ W1n + b1n
    # ---- layer 2 (first_aggr=False), num_layers=2 -> one such layer ----
    app = _mean_aggr(z_pos, pos_edge_index, n)   # pos-aggregated pos channel
    apn = _mean_aggr(z_neg, neg_edge_index, n)   # neg-aggregated neg channel
    out_p = jnp.concatenate([app, apn, z_pos], axis=-1) @ W2p + b2p
    anp = _mean_aggr(z_neg, pos_edge_index, n)   # pos-aggregated neg channel
    ann = _mean_aggr(z_pos, neg_edge_index, n)   # neg-aggregated pos channel
    out_n = jnp.concatenate([anp, ann, z_neg], axis=-1) @ W2n + b2n
    z = jnp.concatenate([out_p, out_n], axis=-1)
    return z

if __name__ == "__main__":
    import jax
    _d = setup_inputs()
    print(jax.jit(kernel)(*tuple(_d.values())))

</pallas_src>

<mosaic_0001>
#map = affine_map<(d0, d1) -> (0, 0)>
module attributes {stable_mosaic.version = 14 : i64} {
  func.func @_agg(%arg0: i32, %arg1: i32, %arg2: memref<10000x128xf32, #tpu.memory_space<hbm>>, %arg3: memref<1280x128xi32, #tpu.memory_space<hbm>>, %arg4: memref<1280x128xi32, #tpu.memory_space<hbm>>, %arg5: memref<1280x128xi32, #tpu.memory_space<hbm>>, %arg6: memref<1280x128xi32, #tpu.memory_space<hbm>>, %arg7: memref<10112x128xf32, #tpu.memory_space<hbm>>, %arg8: memref<10112x128xf32, #tpu.memory_space<hbm>>, %arg9: memref<10112x128xf32, #tpu.memory_space<hbm>>, %arg10: memref<3x8x128xi32, #tpu.memory_space<vmem>>, %arg11: memref<3x8x128xi32, #tpu.memory_space<vmem>>, %arg12: memref<128x128xf32, #tpu.memory_space<vmem>>, %arg13: memref<128x128xf32, #tpu.memory_space<vmem>>, %arg14: memref<10112x128xf32, #tpu.memory_space<vmem_shared>>, %arg15: memref<!tpu.dma_semaphore, #tpu.memory_space<semaphore_mem>>, %arg16: memref<!tpu.dma_semaphore, #tpu.memory_space<semaphore_mem>>, %arg17: memref<!tpu.dma_semaphore, #tpu.memory_space<semaphore_mem>>, %arg18: memref<!tpu.dma_semaphore, #tpu.memory_space<semaphore_mem>>, %arg19: memref<!tpu.dma_semaphore, #tpu.memory_space<semaphore_mem>>) attributes {dimension_semantics = [#tpu.dimension_semantics<core_parallel>, #tpu.dimension_semantics<subcore_parallel>], iteration_bounds = array<i64: 2, 16>, scalar_prefetch = 0 : i64, scratch_operands = 10 : i64, tpu.core_type = #tpu.core_type<sc_vector_subcore>, window_params = [{transform_indices = #map}, {transform_indices = #map}, {transform_indices = #map}, {transform_indices = #map}, {transform_indices = #map}, {transform_indices = #map}, {transform_indices = #map}, {transform_indices = #map}]} {
    %mul3A = arith.constant 632 : i32
    %mul3A_0 = arith.muli %arg1, %mul3A : i32
    "tpu.region"() ({
      %run_scoped3A = tpu.sem_alloc : memref<!tpu.dma_semaphore, #tpu.memory_space<semaphore_mem>>
      %dma_start3A = arith.constant 0 : i32
      %dma_start3A_8 = tpu.memref_slice %arg14[%mul3A_0, %dma_start3A] : memref<10112x128xf32, #tpu.memory_space<vmem_shared>> -> memref<632x128xf32, #tpu.memory_space<vmem_shared>>
      %dma_start3A_9 = arith.constant 0 : i32
      %dma_start3A_10 = tpu.memref_slice %arg7[%mul3A_0, %dma_start3A_9] : memref<10112x128xf32, #tpu.memory_space<hbm>> -> memref<632x128xf32, #tpu.memory_space<hbm>>
      tpu.enqueue_dma source(%dma_start3A_10 : memref<632x128xf32, #tpu.memory_space<hbm>>) target(%dma_start3A_8 : memref<632x128xf32, #tpu.memory_space<vmem_shared>>) target_semaphore(%run_scoped3A : memref<!tpu.dma_semaphore, #tpu.memory_space<semaphore_mem>>)
      %dma_wait3A = arith.constant 0 : i32
      %dma_wait3A_11 = tpu.memref_slice %arg14[%mul3A_0, %dma_wait3A] : memref<10112x128xf32, #tpu.memory_space<vmem_shared>> -> memref<632x128xf32, #tpu.memory_space<vmem_shared>>
      %dma_wait3A_12 = arith.constant 0 : i32
      %dma_wait3A_13 = tpu.memref_slice %arg7[%mul3A_0, %dma_wait3A_12] : memref<10112x128xf32, #tpu.memory_space<hbm>> -> memref<632x128xf32, #tpu.memory_space<hbm>>
      tpu.wait_dma2 semaphore(%run_scoped3A : memref<!tpu.dma_semaphore, #tpu.memory_space<semaphore_mem>>) src(%dma_wait3A_13 : memref<632x128xf32, #tpu.memory_space<hbm>>) dst(%dma_wait3A_11 : memref<632x128xf32, #tpu.memory_space<vmem_shared>>)
      tpu.yield
    }) : () -> ()
    %barrier3A = arith.constant 0 : index
    tpu.barrier barrier_id(%barrier3A)
    %eq3A = arith.constant 0 : i32
    %eq3A_1 = arith.cmpi eq, %arg0, %eq3A : i32
    %convert_element_type3A = arith.extui %eq3A_1 : i1 to i32
    %cond3A = arith.constant 0 : i32
    %cond3A_2 = arith.cmpi ne, %convert_element_type3A, %cond3A : i32
    scf.if %cond3A_2 {
      %mul3A_8 = arith.constant 80 : i32
      %mul3A_9 = arith.muli %arg1, %mul3A_8 : i32
      %add3A = arith.constant 0 : i32
      %add3A_10 = arith.addi %mul3A_9, %add3A : i32
      %dma_start3A = arith.constant 0 : i32
      %dma_start3A_11 = arith.constant 0 : i32
      %dma_start3A_12 = arith.constant 0 : i32
      %dma_start3A_13 = tpu.memref_slice %arg10[%dma_start3A, %dma_start3A_11, %dma_start3A_12] : memref<3x8x128xi32, #tpu.memory_space<vmem>> -> memref<1x8x128xi32, #tpu.memory_space<vmem>>
      %dma_start3A_14 = tpu.memref_squeeze %dma_start3A_13 : memref<1x8x128xi32, #tpu.memory_space<vmem>> -> memref<8x128xi32, #tpu.memory_space<vmem>>
      %dma_start3A_15 = arith.constant 0 : i32
      %dma_start3A_16 = tpu.memref_slice %arg3[%add3A_10, %dma_start3A_15] : memref<1280x128xi32, #tpu.memory_space<hbm>> -> memref<8x128xi32, #tpu.memory_space<hbm>>
      %dma_start3A_17 = arith.constant 0 : i32
      %dma_start3A_18 = arith.constant 0 : i32
      %dma_start3A_19 = tpu.memref_slice %arg10[%dma_start3A, %dma_start3A_17, %dma_start3A_18] : memref<3x8x128xi32, #tpu.memory_space<vmem>> -> memref<1x8x128xi32, #tpu.memory_space<vmem>>
      %dma_start3A_20 = tpu.memref_squeeze %dma_start3A_19 : memref<1x8x128xi32, #tpu.memory_space<vmem>> -> memref<8x128xi32, #tpu.memory_space<vmem>>
      %dma_start3A_21 = arith.constant 0 : i32
      %dma_start3A_22 = tpu.memref_slice %arg3[%add3A_10, %dma_start3A_21] : memref<1280x128xi32, #tpu.memory_space<hbm>> -> memref<8x128xi32, #tpu.memory_space<hbm>>
      tpu.enqueue_dma source(%dma_start3A_22 : memref<8x128xi32, #tpu.memory_space<hbm>>) target(%dma_start3A_20 : memref<8x128xi32, #tpu.memory_space<vmem>>) target_semaphore(%arg19 : memref<!tpu.dma_semaphore, #tpu.memory_space<semaphore_mem>>)
      %add3A_23 = arith.constant 0 : i32
      %add3A_24 = arith.addi %mul3A_9, %add3A_23 : i32
      %dma_start3A_25 = arith.constant 0 : i32
      %dma_start3A_26 = arith.constant 0 : i32
      %dma_start3A_27 = arith.constant 0 : i32
      %dma_start3A_28 = tpu.memref_slice %arg11[%dma_start3A_25, %dma_start3A_26, %dma_start3A_27] : memref<3x8x128xi32, #tpu.memory_space<vmem>> -> memref<1x8x128xi32, #tpu.memory_space<vmem>>
      %dma_start3A_29 = tpu.memref_squeeze %dma_start3A_28 : memref<1x8x128xi32, #tpu.memory_space<vmem>> -> memref<8x128xi32, #tpu.memory_space<vmem>>
      %dma_start3A_30 = arith.constant 0 : i32
      %dma_start3A_31 = tpu.memref_slice %arg4[%add3A_24, %dma_start3A_30] : memref<1280x128xi32, #tpu.memory_space<hbm>> -> memref<8x128xi32, #tpu.memory_space<hbm>>
      %dma_start3A_32 = arith.constant 0 : i32
      %dma_start3A_33 = arith.constant 0 : i32
      %dma_start3A_34 = tpu.memref_slice %arg11[%dma_start3A_25, %dma_start3A_32, %dma_start3A_33] : memref<3x8x128xi32, #tpu.memory_space<vmem>> -> memref<1x8x128xi32, #tpu.memory_space<vmem>>
      %dma_start3A_35 = tpu.memref_squeeze %dma_start3A_34 : memref<1x8x128xi32, #tpu.memory_space<vmem>> -> memref<8x128xi32, #tpu.memory_space<vmem>>
      %dma_start3A_36 = arith.constant 0 : i32
      %dma_start3A_37 = tpu.memref_slice %arg4[%add3A_24, %dma_start3A_36] : memref<1280x128xi32, #tpu.memory_space<hbm>> -> memref<8x128xi32, #tpu.memory_space<hbm>>
      tpu.enqueue_dma source(%dma_start3A_37 : memref<8x128xi32, #tpu.memory_space<hbm>>) target(%dma_start3A_35 : memref<8x128xi32, #tpu.memory_space<vmem>>) target_semaphore(%arg19 : memref<!tpu.dma_semaphore, #tpu.memory_space<semaphore_mem>>)
      %dma_wait3A = arith.constant 0 : i32
      %dma_wait3A_38 = arith.constant 0 : i32
      %dma_wait3A_39 = arith.constant 0 : i32
      %dma_wait3A_40 = tpu.memref_slice %arg10[%dma_wait3A, %dma_wait3A_38, %dma_wait3A_39] : memref<3x8x128xi32, #tpu.memory_space<vmem>> -> memref<1x8x128xi32, #tpu.memory_space<vmem>>
      %dma_wait3A_41 = tpu.memref_squeeze %dma_wait3A_40 : memref<1x8x128xi32, #tpu.memory_space<vmem>> -> memref<8x128xi32, #tpu.memory_space<vmem>>
      %dma_wait3A_42 = arith.constant 0 : i32
      %dma_wait3A_43 = tpu.memref_slice %arg3[%mul3A_9, %dma_wait3A_42] : memref<1280x128xi32, #tpu.memory_space<hbm>> -> memref<8x128xi32, #tpu.memory_space<hbm>>
      %dma_wait3A_44 = arith.constant 0 : i32
      %dma_wait3A_45 = arith.constant 0 : i32
      %dma_wait3A_46 = tpu.memref_slice %arg10[%dma_wait3A, %dma_wait3A_44, %dma_wait3A_45] : memref<3x8x128xi32, #tpu.memory_space<vmem>> -> memref<1x8x128xi32, #tpu.memory_space<vmem>>
      %dma_wait3A_47 = tpu.memref_squeeze %dma_wait3A_46 : memref<1x8x128xi32, #tpu.memory_space<vmem>> -> memref<8x128xi32, #tpu.memory_space<vmem>>
      %dma_wait3A_48 = arith.constant 0 : i32
      %dma_wait3A_49 = tpu.memref_slice %arg3[%mul3A_9, %dma_wait3A_48] : memref<1280x128xi32, #tpu.memory_space<hbm>> -> memref<8x128xi32, #tpu.memory_space<hbm>>
      tpu.wait_dma2 semaphore(%arg19 : memref<!tpu.dma_semaphore, #tpu.memory_space<semaphore_mem>>) src(%dma_wait3A_49 : memref<8x128xi32, #tpu.memory_space<hbm>>) dst(%dma_wait3A_47 : memref<8x128xi32, #tpu.memory_space<vmem>>)
      %dma_wait3A_50 = arith.constant 0 : i32
      %dma_wait3A_51 = arith.constant 0 : i32
      %dma_wait3A_52 = arith.constant 0 : i32
      %dma_wait3A_53 = tpu.memref_slice %arg11[%dma_wait3A_50, %dma_wait3A_51, %dma_wait3A_52] : memref<3x8x128xi32, #tpu.memory_space<vmem>> -> memref<1x8x128xi32, #tpu.memory_space<vmem>>
      %dma_wait3A_54 = tpu.memref_squeeze %dma_wait3A_53 : memref<1x8x128xi32, #tpu.memory_space<vmem>> -> memref<8x128xi32, #tpu.memory_space<vmem>>
      %dma_wait3A_55 = arith.constant 0 : i32
      %dma_wait3A_56 = tpu.memref_slice %arg4[%mul3A_9, %dma_wait3A_55] : memref<1280x128xi32, #tpu.memory_space<hbm>> -> memref<8x128xi32, #tpu.memory_space<hbm>>
      %dma_wait3A_57 = arith.constant 0 : i32
      %dma_wait3A_58 = arith.constant 0 : i32
      %dma_wait3A_59 = tpu.memref_slice %arg11[%dma_wait3A_50, %dma_wait3A_57, %dma_wait3A_58] : memref<3x8x128xi32, #tpu.memory_space<vmem>> -> memref<1x8x128xi32, #tpu.memory_space<vmem>>
      %dma_wait3A_60 = tpu.memref_squeeze %dma_wait3A_59 : memref<1x8x128xi32, #tpu.memory_space<vmem>> -> memref<8x128xi32, #tpu.memory_space<vmem>>
      %dma_wait3A_61 = arith.constant 0 : i32
      %dma_wait3A_62 = tpu.memref_slice %arg4[%mul3A_9, %dma_wait3A_61] : memref<1280x128xi32, #tpu.memory_space<hbm>> -> memref<8x128xi32, #tpu.memory_space<hbm>>
      tpu.wait_dma2 semaphore(%arg19 : memref<!tpu.dma_semaphore, #tpu.memory_space<semaphore_mem>>) src(%dma_wait3A_62 : memref<8x128xi32, #tpu.memory_space<hbm>>) dst(%dma_wait3A_60 : memref<8x128xi32, #tpu.memory_space<vmem>>)
      %add3A_63 = arith.constant 8 : i32
      %add3A_64 = arith.addi %mul3A_9, %add3A_63 : i32
      %dma_start3A_65 = arith.constant 1 : i32
      %dma_start3A_66 = arith.constant 0 : i32
      %dma_start3A_67 = arith.constant 0 : i32
      %dma_start3A_68 = tpu.memref_slice %arg10[%dma_start3A_65, %dma_start3A_66, %dma_start3A_67] : memref<3x8x128xi32, #tpu.memory_space<vmem>> -> memref<1x8x128xi32, #tpu.memory_space<vmem>>
      %dma_start3A_69 = tpu.memref_squeeze %dma_start3A_68 : memref<1x8x128xi32, #tpu.memory_space<vmem>> -> memref<8x128xi32, #tpu.memory_space<vmem>>
      %dma_start3A_70 = arith.constant 0 : i32
      %dma_start3A_71 = tpu.memref_slice %arg3[%add3A_64, %dma_start3A_70] : memref<1280x128xi32, #tpu.memory_space<hbm>> -> memref<8x128xi32, #tpu.memory_space<hbm>>
      %dma_start3A_72 = arith.constant 0 : i32
      %dma_start3A_73 = arith.constant 0 : i32
      %dma_start3A_74 = tpu.memref_slice %arg10[%dma_start3A_65, %dma_start3A_72, %dma_start3A_73] : memref<3x8x128xi32, #tpu.memory_space<vmem>> -> memref<1x8x128xi32, #tpu.memory_space<vmem>>
      %dma_start3A_75 = tpu.memref_squeeze %dma_start3A_74 : memref<1x8x128xi32, #tpu.memory_space<vmem>> -> memref<8x128xi32, #tpu.memory_space<vmem>>
      %dma_start3A_76 = arith.constant 0 : i32
      %dma_start3A_77 = tpu.memref_slice %arg3[%add3A_64, %dma_start3A_76] : memref<1280x128xi32, #tpu.memory_space<hbm>> -> memref<8x128xi32, #tpu.memory_space<hbm>>
      tpu.enqueue_dma source(%dma_start3A_77 : memref<8x128xi32, #tpu.memory_space<hbm>>) target(%dma_start3A_75 : memref<8x128xi32, #tpu.memory_space<vmem>>) target_semaphore(%arg19 : memref<!tpu.dma_semaphore, #tpu.memory_space<semaphore_mem>>)
      %add3A_78 = arith.constant 8 : i32
      %add3A_79 = arith.addi %mul3A_9, %add3A_78 : i32
      %dma_start3A_80 = arith.constant 1 : i32
      %dma_start3A_81 = arith.constant 0 : i32
      %dma_start3A_82 = arith.constant 0 : i32
      %dma_start3A_83 = tpu.memref_slice %arg11[%dma_start3A_80, %dma_start3A_81, %dma_start3A_82] : memref<3x8x128xi32, #tpu.memory_space<vmem>> -> memref<1x8x128xi32, #tpu.memory_space<vmem>>
      %dma_start3A_84 = tpu.memref_squeeze %dma_start3A_83 : memref<1x8x128xi32, #tpu.memory_space<vmem>> -> memref<8x128xi32, #tpu.memory_space<vmem>>
      %dma_start3A_85 = arith.constant 0 : i32
      %dma_start3A_86 = tpu.memref_slice %arg4[%add3A_79, %dma_start3A_85] : memref<1280x128xi32, #tpu.memory_space<hbm>> -> memref<8x128xi32, #tpu.memory_space<hbm>>
      %dma_start3A_87 = arith.constant 0 : i32
      %dma_start3A_88 = arith.constant 0 : i32
      %dma_start3A_89 = tpu.memref_slice %arg11[%dma_start3A_80, %dma_start3A_87, %dma_start3A_88] : memref<3x8x128xi32, #tpu.memory_space<vmem>> -> memref<1x8x128xi32, #tpu.memory_space<vmem>>
      %dma_start3A_90 = tpu.memref_squeeze %dma_start3A_89 : memref<1x8x128xi32, #tpu.memory_space<vmem>> -> memref<8x128xi32, #tpu.memory_space<vmem>>
      %dma_start3A_91 = arith.constant 0 : i32
      %dma_start3A_92 = tpu.memref_slice %arg4[%add3A_79, %dma_start3A_91] : memref<1280x128xi32, #tpu.memory_space<hbm>> -> memref<8x128xi32, #tpu.memory_space<hbm>>
      tpu.enqueue_dma source(%dma_start3A_92 : memref<8x128xi32, #tpu.memory_space<hbm>>) target(%dma_start3A_90 : memref<8x128xi32, #tpu.memory_space<vmem>>) target_semaphore(%arg19 : memref<!tpu.dma_semaphore, #tpu.memory_space<semaphore_mem>>)
      %dma_start3A_93 = arith.constant 0 : i32
      %dma_start3A_94 = arith.constant 0 : i32
      %dma_start3A_95 = arith.constant 0 : i32
      %dma_start3A_96 = arith.constant 0 : i32
      %dma_start3A_97 = tpu.memref_slice %arg12[%dma_start3A_95, %dma_start3A_96] : memref<128x128xf32, #tpu.memory_space<vmem>> -> memref<64x128xf32, #tpu.memory_space<vmem>>
      %dma_start3A_98 = arith.constant 0 : i32
      %dma_start3A_99 = tpu.memref_slice %arg10[%dma_start3A_93, %dma_start3A_94, %dma_start3A_98] : memref<3x8x128xi32, #tpu.memory_space<vmem>> -> memref<1x1x64xi32, #tpu.memory_space<vmem>>
      %dma_start3A_100 = tpu.memref_squeeze %dma_start3A_99 : memref<1x1x64xi32, #tpu.memory_space<vmem>> -> memref<64xi32, #tpu.memory_space<vmem>>
      %dma_start3A_101 = arith.constant 0 : i32
      %dma_start3A_102 = arith.constant 0 : i32
      %dma_start3A_103 = tpu.memref_slice %arg2[%dma_start3A_101, %dma_start3A_102] : memref<10000x128xf32, #tpu.memory_space<hbm>> -> memref<10000x128xf32, #tpu.memory_space<hbm>>
      tpu.enqueue_indirect_dma source(%dma_start3A_103 : memref<10000x128xf32, #tpu.memory_space<hbm>>) target(%dma_start3A_97 : memref<64x128xf32, #tpu.memory_space<vmem>>) offsets(%dma_start3A_100 : memref<64xi32, #tpu.memory_space<vmem>>) semaphore(%arg15 : memref<!tpu.dma_semaphore, #tpu.memory_space<semaphore_mem>>)
      %dma_start3A_104 = arith.constant 0 : i32
      %dma_start3A_105 = arith.constant 0 : i32
      %dma_start3A_106 = arith.constant 64 : i32
      %dma_start3A_107 = arith.constant 0 : i32
      %dma_start3A_108 = tpu.memref_slice %arg12[%dma_start3A_106, %dma_start3A_107] : memref<128x128xf32, #tpu.memory_space<vmem>> -> memref<64x128xf32, #tpu.memory_space<vmem>>
      %dma_start3A_109 = arith.constant 64 : i32
      %dma_start3A_110 = tpu.memref_slice %arg10[%dma_start3A_104, %dma_start3A_105, %dma_start3A_109] : memref<3x8x128xi32, #tpu.memory_space<vmem>> -> memref<1x1x64xi32, #tpu.memory_space<vmem>>
      %dma_start3A_111 = tpu.memref_squeeze %dma_start3A_110 : memref<1x1x64xi32, #tpu.memory_space<vmem>> -> memref<64xi32, #tpu.memory_space<vmem>>
      %dma_start3A_112 = arith.constant 0 : i32
      %dma_start3A_113 = arith.constant 0 : i32
      %dma_start3A_114 = tpu.memref_slice %arg2[%dma_start3A_112, %dma_start3A_113] : memref<10000x128xf32, #tpu.memory_space<hbm>> -> memref<10000x128xf32, #tpu.memory_space<hbm>>
      tpu.enqueue_indirect_dma source(%dma_start3A_114 : memref<10000x128xf32, #tpu.memory_space<hbm>>) target(%dma_start3A_108 : memref<64x128xf32, #tpu.memory_space<vmem>>) offsets(%dma_start3A_111 : memref<64xi32, #tpu.memory_space<vmem>>) semaphore(%arg15 : memref<!tpu.dma_semaphore, #tpu.memory_space<semaphore_mem>>)
      %scan3A = arith.constant 0 : i32
      %scan3A_115 = arith.constant 0 : i32
      %scan3A_116 = arith.constant 80 : i32
      %scan3A_117 = arith.addi %scan3A_115, %scan3A_116 : i32
      %scan3A_118 = arith.constant 1 : i32
      scf.for %scan3A_137 = %scan3A_115 to %scan3A_117 step %scan3A_118  : i32 {
        %add3A_138 = arith.constant 1 : i32
        %add3A_139 = arith.addi %scan3A_137, %add3A_138 : i32
        %jit3A = arith.constant 8 : i32
        %eq3A_140 = arith.constant 0 : i32
        %eq3A_141 = arith.cmpi eq, %jit3A, %eq3A_140 : i32
        %jit3A_142 = arith.constant 1 : i32
        %select_n3A = arith.select %eq3A_141, %jit3A_142, %jit3A : i32
        %rem3A = arith.remsi %add3A_139, %select_n3A : i32
        %ne3A = arith.constant 0 : i32
        %ne3A_143 = arith.cmpi ne, %rem3A, %ne3A : i32
        %lt3A = arith.constant 0 : i32
        %lt3A_144 = arith.cmpi slt, %rem3A, %lt3A : i32
        %lt3A_145 = arith.constant 0 : i32
        %lt3A_146 = arith.cmpi slt, %select_n3A, %lt3A_145 : i32
        %ne3A_147 = arith.xori %lt3A_144, %lt3A_146 : i1
        %and3A = arith.andi %ne3A_147, %ne3A_143 : i1
        %add3A_148 = arith.addi %rem3A, %select_n3A : i32
        %select_n3A_149 = arith.select %and3A, %add3A_148, %rem3A : i32
        %eq3A_150 = arith.constant 0 : i32
        %eq3A_151 = arith.cmpi eq, %select_n3A_149, %eq3A_150 : i32
        %lt3A_152 = arith.constant 80 : i32
        %lt3A_153 = arith.cmpi slt, %add3A_139, %lt3A_152 : i32
        %and3A_154 = arith.andi %eq3A_151, %lt3A_153 : i1
        %convert_element_type3A_155 = arith.extui %and3A_154 : i1 to i32
        %cond3A_156 = arith.constant 0 : i32
        %cond3A_157 = arith.cmpi ne, %convert_element_type3A_155, %cond3A_156 : i32
        scf.if %cond3A_157 {
          %jit3A_249 = arith.constant 8 : i32
          %div3A_250 = arith.divsi %add3A_139, %jit3A_249 : i32
          %sign3A_251 = arith.constant 0 : i32
          %sign3A_252 = arith.cmpi sgt, %add3A_139, %sign3A_251 : i32
          %sign3A_253 = arith.extui %sign3A_252 : i1 to i32
          %sign3A_254 = arith.constant 0 : i32
          %sign3A_255 = arith.cmpi slt, %add3A_139, %sign3A_254 : i32
          %sign3A_256 = arith.extui %sign3A_255 : i1 to i32
          %sign3A_257 = arith.subi %sign3A_253, %sign3A_256 : i32
          %sign3A_258 = arith.constant 0 : i32
          %sign3A_259 = arith.cmpi sgt, %jit3A_249, %sign3A_258 : i32
          %sign3A_260 = arith.extui %sign3A_259 : i1 to i32
          %sign3A_261 = arith.constant 0 : i32
          %sign3A_262 = arith.cmpi slt, %jit3A_249, %sign3A_261 : i32
          %sign3A_263 = arith.extui %sign3A_262 : i1 to i32
          %sign3A_264 = arith.subi %sign3A_260, %sign3A_263 : i32
          %ne3A_265 = arith.cmpi ne, %sign3A_257, %sign3A_264 : i32
          %rem3A_266 = arith.remsi %add3A_139, %jit3A_249 : i32
          %ne3A_267 = arith.constant 0 : i32
          %ne3A_268 = arith.cmpi ne, %rem3A_266, %ne3A_267 : i32
          %and3A_269 = arith.andi %ne3A_265, %ne3A_268 : i1
          %sub3A_270 = arith.constant 1 : i32
          %sub3A_271 = arith.subi %div3A_250, %sub3A_270 : i32
          %select_n3A_272 = arith.select %and3A_269, %sub3A_271, %div3A_250 : i32
          %jit3A_273 = arith.constant 3 : i32
          %eq3A_274 = arith.constant 0 : i32
          %eq3A_275 = arith.cmpi eq, %jit3A_273, %eq3A_274 : i32
          %jit3A_276 = arith.constant 1 : i32
          %select_n3A_277 = arith.select %eq3A_275, %jit3A_276, %jit3A_273 : i32
          %rem3A_278 = arith.remsi %select_n3A_272, %select_n3A_277 : i32
          %ne3A_279 = arith.constant 0 : i32
          %ne3A_280 = arith.cmpi ne, %rem3A_278, %ne3A_279 : i32
          %lt3A_281 = arith.constant 0 : i32
          %lt3A_282 = arith.cmpi slt, %rem3A_278, %lt3A_281 : i32
          %lt3A_283 = arith.constant 0 : i32
          %lt3A_284 = arith.cmpi slt, %select_n3A_277, %lt3A_283 : i32
          %ne3A_285 = arith.xori %lt3A_282, %lt3A_284 : i1
          %and3A_286 = arith.andi %ne3A_285, %ne3A_280 : i1
          %add3A_287 = arith.addi %rem3A_278, %select_n3A_277 : i32
          %select_n3A_288 = arith.select %and3A_286, %add3A_287, %rem3A_278 : i32
          %dma_wait3A_289 = arith.constant 0 : i32
          %dma_wait3A_290 = arith.constant 0 : i32
          %dma_wait3A_291 = tpu.memref_slice %arg10[%select_n3A_288, %dma_wait3A_289, %dma_wait3A_290] : memref<3x8x128xi32, #tpu.memory_space<vmem>> -> memref<1x8x128xi32, #tpu.memory_space<vmem>>
          %dma_wait3A_292 = tpu.memref_squeeze %dma_wait3A_291 : memref<1x8x128xi32, #tpu.memory_space<vmem>> -> memref<8x128xi32, #tpu.memory_space<vmem>>
          %dma_wait3A_293 = arith.constant 0 : i32
          %dma_wait3A_294 = tpu.memref_slice %arg3[%mul3A_9, %dma_wait3A_293] : memref<1280x128xi32, #tpu.memory_space<hbm>> -> memref<8x128xi32, #tpu.memory_space<hbm>>
          %dma_wait3A_295 = arith.constant 0 : i32
          %dma_wait3A_296 = arith.constant 0 : i32
          %dma_wait3A_297 = tpu.memref_slice %arg10[%select_n3A_288, %dma_wait3A_295, %dma_wait3A_296] : memref<3x8x128xi32, #tpu.memory_space<vmem>> -> memref<1x8x128xi32, #tpu.memory_space<vmem>>
          %dma_wait3A_298 = tpu.memref_squeeze %dma_wait3A_297 : memref<1x8x128xi32, #tpu.memory_space<vmem>> -> memref<8x128xi32, #tpu.memory_space<vmem>>
          %dma_wait3A_299 = arith.constant 0 : i32
          %dma_wait3A_300 = tpu.memref_slice %arg3[%mul3A_9, %dma_wait3A_299] : memref<1280x128xi32, #tpu.memory_space<hbm>> -> memref<8x128xi32, #tpu.memory_space<hbm>>
          tpu.wait_dma2 semaphore(%arg19 : memref<!tpu.dma_semaphore, #tpu.memory_space<semaphore_mem>>) src(%dma_wait3A_300 : memref<8x128xi32, #tpu.memory_space<hbm>>) dst(%dma_wait3A_298 : memref<8x128xi32, #tpu.memory_space<vmem>>)
          %jit3A_301 = arith.constant 3 : i32
          %eq3A_302 = arith.constant 0 : i32
          %eq3A_303 = arith.cmpi eq, %jit3A_301, %eq3A_302 : i32
          %jit3A_304 = arith.constant 1 : i32
          %select_n3A_305 = arith.select %eq3A_303, %jit3A_304, %jit3A_301 : i32
          %rem3A_306 = arith.remsi %select_n3A_272, %select_n3A_305 : i32
          %ne3A_307 = arith.constant 0 : i32
          %ne3A_308 = arith.cmpi ne, %rem3A_306, %ne3A_307 : i32
          %lt3A_309 = arith.constant 0 : i32
          %lt3A_310 = arith.cmpi slt, %rem3A_306, %lt3A_309 : i32
          %lt3A_311 = arith.constant 0 : i32
          %lt3A_312 = arith.cmpi slt, %select_n3A_305, %lt3A_311 : i32
          %ne3A_313 = arith.xori %lt3A_310, %lt3A_312 : i1
          %and3A_314 = arith.andi %ne3A_313, %ne3A_308 : i1
          %add3A_315 = arith.addi %rem3A_306, %select_n3A_305 : i32
          %select_n3A_316 = arith.select %and3A_314, %add3A_315, %rem3A_306 : i32
          %dma_wait3A_317 = arith.constant 0 : i32
          %dma_wait3A_318 = arith.constant 0 : i32
          %dma_wait3A_319 = tpu.memref_slice %arg11[%select_n3A_316, %dma_wait3A_317, %dma_wait3A_318] : memref<3x8x128xi32, #tpu.memory_space<vmem>> -> memref<1x8x128xi32, #tpu.memory_space<vmem>>
          %dma_wait3A_320 = tpu.memref_squeeze %dma_wait3A_319 : memref<1x8x128xi32, #tpu.memory_space<vmem>> -> memref<8x128xi32, #tpu.memory_space<vmem>>
          %dma_wait3A_321 = arith.constant 0 : i32
          %dma_wait3A_322 = tpu.memref_slice %arg4[%mul3A_9, %dma_wait3A_321] : memref<1280x128xi32, #tpu.memory_space<hbm>> -> memref<8x128xi32, #tpu.memory_space<hbm>>
          %dma_wait3A_323 = arith.constant 0 : i32
          %dma_wait3A_324 = arith.constant 0 : i32
          %dma_wait3A_325 = tpu.memref_slice %arg11[%select_n3A_316, %dma_wait3A_323, %dma_wait3A_324] : memref<3x8x128xi32, #tpu.memory_space<vmem>> -> memref<1x8x128xi32, #tpu.memory_space<vmem>>
          %dma_wait3A_326 = tpu.memref_squeeze %dma_wait3A_325 : memref<1x8x128xi32, #tpu.memory_space<vmem>> -> memref<8x128xi32, #tpu.memory_space<vmem>>
          %dma_wait3A_327 = arith.constant 0 : i32
          %dma_wait3A_328 = tpu.memref_slice %arg4[%mul3A_9, %dma_wait3A_327] : memref<1280x128xi32, #tpu.memory_space<hbm>> -> memref<8x128xi32, #tpu.memory_space<hbm>>
          tpu.wait_dma2 semaphore(%arg19 : memref<!tpu.dma_semaphore, #tpu.memory_space<semaphore_mem>>) src(%dma_wait3A_328 : memref<8x128xi32, #tpu.memory_space<hbm>>) dst(%dma_wait3A_326 : memref<8x128xi32, #tpu.memory_space<vmem>>)
          %add3A_329 = arith.constant 1 : i32
          %add3A_330 = arith.addi %select_n3A_272, %add3A_329 : i32
          %lt3A_331 = arith.constant 10 : i32
          %lt3A_332 = arith.cmpi slt, %add3A_330, %lt3A_331 : i32
          %convert_element_type3A_333 = arith.extui %lt3A_332 : i1 to i32
          %cond3A_334 = arith.constant 0 : i32
          %cond3A_335 = arith.cmpi ne, %convert_element_type3A_333, %cond3A_334 : i32
          scf.if %cond3A_335 {
            %add3A_336 = arith.constant 1 : i32
            %add3A_337 = arith.addi %select_n3A_272, %add3A_336 : i32
            %mul3A_338 = arith.constant 8 : i32
            %mul3A_339 = arith.muli %add3A_337, %mul3A_338 : i32
            %add3A_340 = arith.addi %mul3A_9, %mul3A_339 : i32
            %jit3A_341 = arith.constant 3 : i32
            %eq3A_342 = arith.constant 0 : i32
            %eq3A_343 = arith.cmpi eq, %jit3A_341, %eq3A_342 : i32
            %jit3A_344 = arith.constant 1 : i32
            %select_n3A_345 = arith.select %eq3A_343, %jit3A_344, %jit3A_341 : i32
            %rem3A_346 = arith.remsi %add3A_337, %select_n3A_345 : i32
            %ne3A_347 = arith.constant 0 : i32
            %ne3A_348 = arith.cmpi ne, %rem3A_346, %ne3A_347 : i32
            %lt3A_349 = arith.constant 0 : i32
            %lt3A_350 = arith.cmpi slt, %rem3A_346, %lt3A_349 : i32
            %lt3A_351 = arith.constant 0 : i32
            %lt3A_352 = arith.cmpi slt, %select_n3A_345, %lt3A_351 : i32
            %ne3A_353 = arith.xori %lt3A_350, %lt3A_352 : i1
            %and3A_354 = arith.andi %ne3A_353, %ne3A_348 : i1
            %add3A_355 = arith.addi %rem3A_346, %select_n3A_345 : i32
            %select_n3A_356 = arith.select %and3A_354, %add3A_355, %rem3A_346 : i32
            %dma_start3A_357 = arith.constant 0 : i32
            %dma_start3A_358 = arith.constant 0 : i32
            %dma_start3A_359 = tpu.memref_slice %arg10[%select_n3A_356, %dma_start3A_357, %dma_start3A_358] : memref<3x8x128xi32, #tpu.memory_space<vmem>> -> memref<1x8x128xi32, #tpu.memory_space<vmem>>
            %dma_start3A_360 = tpu.memref_squeeze %dma_start3A_359 : memref<1x8x128xi32, #tpu.memory_space<vmem>> -> memref<8x128xi32, #tpu.memory_space<vmem>>
            %dma_start3A_361 = arith.constant 0 : i32
            %dma_start3A_362 = tpu.memref_slice %arg3[%add3A_340, %dma_start3A_361] : memref<1280x128xi32, #tpu.memory_space<hbm>> -> memref<8x128xi32, #tpu.memory_space<hbm>>
            %dma_start3A_363 = arith.constant 0 : i32
            %dma_start3A_364 = arith.constant 0 : i32
            %dma_start3A_365 = tpu.memref_slice %arg10[%select_n3A_356, %dma_start3A_363, %dma_start3A_364] : memref<3x8x128xi32, #tpu.memory_space<vmem>> -> memref<1x8x128xi32, #tpu.memory_space<vmem>>
            %dma_start3A_366 = tpu.memref_squeeze %dma_start3A_365 : memref<1x8x128xi32, #tpu.memory_space<vmem>> -> memref<8x128xi32, #tpu.memory_space<vmem>>
            %dma_start3A_367 = arith.constant 0 : i32
            %dma_start3A_368 = tpu.memref_slice %arg3[%add3A_340, %dma_start3A_367] : memref<1280x128xi32, #tpu.memory_space<hbm>> -> memref<8x128xi32, #tpu.memory_space<hbm>>
            tpu.enqueue_dma source(%dma_start3A_368 : memref<8x128xi32, #tpu.memory_space<hbm>>) target(%dma_start3A_366 : memref<8x128xi32, #tpu.memory_space<vmem>>) target_semaphore(%arg19 : memref<!tpu.dma_semaphore, #tpu.memory_space<semaphore_mem>>)
            %mul3A_369 = arith.constant 8 : i32
            %mul3A_370 = arith.muli %add3A_337, %mul3A_369 : i32
            %add3A_371 = arith.addi %mul3A_9, %mul3A_370 : i32
            %jit3A_372 = arith.constant 3 : i32
            %eq3A_373 = arith.constant 0 : i32
            %eq3A_374 = arith.cmpi eq, %jit3A_372, %eq3A_373 : i32
            %jit3A_375 = arith.constant 1 : i32
            %select_n3A_376 = arith.select %eq3A_374, %jit3A_375, %jit3A_372 : i32
            %rem3A_377 = arith.remsi %add3A_337, %select_n3A_376 : i32
            %ne3A_378 = arith.constant 0 : i32
            %ne3A_379 = arith.cmpi ne, %rem3A_377, %ne3A_378 : i32
            %lt3A_380 = arith.constant 0 : i32
            %lt3A_381 = arith.cmpi slt, %rem3A_377, %lt3A_380 : i32
            %lt3A_382 = arith.constant 0 : i32
            %lt3A_383 = arith.cmpi slt, %select_n3A_376, %lt3A_382 : i32
            %ne3A_384 = arith.xori %lt3A_381, %lt3A_383 : i1
            %and3A_385 = arith.andi %ne3A_384, %ne3A_379 : i1
            %add3A_386 = arith.addi %rem3A_377, %select_n3A_376 : i32
            %select_n3A_387 = arith.select %and3A_385, %add3A_386, %rem3A_377 : i32
            %dma_start3A_388 = arith.constant 0 : i32
            %dma_start3A_389 = arith.constant 0 : i32
            %dma_start3A_390 = tpu.memref_slice %arg11[%select_n3A_387, %dma_start3A_388, %dma_start3A_389] : memref<3x8x128xi32, #tpu.memory_space<vmem>> -> memref<1x8x128xi32, #tpu.memory_space<vmem>>
            %dma_start3A_391 = tpu.memref_squeeze %dma_start3A_390 : memref<1x8x128xi32, #tpu.memory_space<vmem>> -> memref<8x128xi32, #tpu.memory_space<vmem>>
            %dma_start3A_392 = arith.constant 0 : i32
            %dma_start3A_393 = tpu.memref_slice %arg4[%add3A_371, %dma_start3A_392] : memref<1280x128xi32, #tpu.memory_space<hbm>> -> memref<8x128xi32, #tpu.memory_space<hbm>>
            %dma_start3A_394 = arith.constant 0 : i32
            %dma_start3A_395 = arith.constant 0 : i32
            %dma_start3A_396 = tpu.memref_slice %arg11[%select_n3A_387, %dma_start3A_394, %dma_start3A_395] : memref<3x8x128xi32, #tpu.memory_space<vmem>> -> memref<1x8x128xi32, #tpu.memory_space<vmem>>
            %dma_start3A_397 = tpu.memref_squeeze %dma_start3A_396 : memref<1x8x128xi32, #tpu.memory_space<vmem>> -> memref<8x128xi32, #tpu.memory_space<vmem>>
            %dma_start3A_398 = arith.constant 0 : i32
            %dma_start3A_399 = tpu.memref_slice %arg4[%add3A_371, %dma_start3A_398] : memref<1280x128xi32, #tpu.memory_space<hbm>> -> memref<8x128xi32, #tpu.memory_space<hbm>>
            tpu.enqueue_dma source(%dma_start3A_399 : memref<8x128xi32, #tpu.memory_space<hbm>>) target(%dma_start3A_397 : memref<8x128xi32, #tpu.memory_space<vmem>>) target_semaphore(%arg19 : memref<!tpu.dma_semaphore, #tpu.memory_space<semaphore_mem>>)
          } else {
          }
        } else {
        }
        %lt3A_158 = arith.constant 80 : i32
        %lt3A_159 = arith.cmpi slt, %add3A_139, %lt3A_158 : i32
        %ge3A = arith.constant 1 : i32
        %ge3A_160 = arith.cmpi sge, %scan3A_137, %ge3A : i32
        %and3A_161 = arith.andi %lt3A_159, %ge3A_160 : i1
        %convert_element_type3A_162 = arith.extui %and3A_161 : i1 to i32
        %cond3A_163 = arith.constant 0 : i32
        %cond3A_164 = arith.cmpi ne, %convert_element_type3A_162, %cond3A_163 : i32
        scf.if %cond3A_164 {
          %jit3A_249 = arith.constant 2 : i32
          %eq3A_250 = arith.constant 0 : i32
          %eq3A_251 = arith.cmpi eq, %jit3A_249, %eq3A_250 : i32
          %jit3A_252 = arith.constant 1 : i32
          %select_n3A_253 = arith.select %eq3A_251, %jit3A_252, %jit3A_249 : i32
          %rem3A_254 = arith.remsi %add3A_139, %select_n3A_253 : i32
          %ne3A_255 = arith.constant 0 : i32
          %ne3A_256 = arith.cmpi ne, %rem3A_254, %ne3A_255 : i32
          %lt3A_257 = arith.constant 0 : i32
          %lt3A_258 = arith.cmpi slt, %rem3A_254, %lt3A_257 : i32
          %lt3A_259 = arith.constant 0 : i32
          %lt3A_260 = arith.cmpi slt, %select_n3A_253, %lt3A_259 : i32
          %ne3A_261 = arith.xori %lt3A_258, %lt3A_260 : i1
          %and3A_262 = arith.andi %ne3A_261, %ne3A_256 : i1
          %add3A_263 = arith.addi %rem3A_254, %select_n3A_253 : i32
          %select_n3A_264 = arith.select %and3A_262, %add3A_263, %rem3A_254 : i32
          %eq3A_265 = arith.constant 0 : i32
          %eq3A_266 = arith.cmpi eq, %select_n3A_264, %eq3A_265 : i32
          %convert_element_type3A_267 = arith.extui %eq3A_266 : i1 to i32
          %cond3A_268 = arith.constant 0 : i32
          %cond3A_269 = arith.cmpi ne, %convert_element_type3A_267, %cond3A_268 : i32
          scf.if %cond3A_269 {
            %dma_wait3A_291 = arith.constant 0 : i32
            %dma_wait3A_292 = arith.constant 0 : i32
            %dma_wait3A_293 = arith.constant 0 : i32
            %dma_wait3A_294 = tpu.memref_slice %arg11[%dma_wait3A_291, %dma_wait3A_292, %dma_wait3A_293] : memref<3x8x128xi32, #tpu.memory_space<vmem>> -> memref<1x1x128xi32, #tpu.memory_space<vmem>>
            %dma_wait3A_295 = tpu.memref_squeeze %dma_wait3A_294 : memref<1x1x128xi32, #tpu.memory_space<vmem>> -> memref<128xi32, #tpu.memory_space<vmem>>
            %dma_wait3A_296 = arith.constant 0 : i32
            %dma_wait3A_297 = arith.constant 0 : i32
            %dma_wait3A_298 = tpu.memref_slice %arg14[%dma_wait3A_296, %dma_wait3A_297] : memref<10112x128xf32, #tpu.memory_space<vmem_shared>> -> memref<10112x128xf32, #tpu.memory_space<vmem_shared>>
            tpu.wait_indirect_dma semaphore(%arg17 : memref<!tpu.dma_semaphore, #tpu.memory_space<semaphore_mem>>) src(%arg12 : memref<128x128xf32, #tpu.memory_space<vmem>>) dst(%dma_wait3A_298 : memref<10112x128xf32, #tpu.memory_space<vmem_shared>>)
          } else {
          }
          %jit3A_270 = arith.constant 2 : i32
          %eq3A_271 = arith.constant 0 : i32
          %eq3A_272 = arith.cmpi eq, %jit3A_270, %eq3A_271 : i32
          %jit3A_273 = arith.constant 1 : i32
          %select_n3A_274 = arith.select %eq3A_272, %jit3A_273, %jit3A_270 : i32
          %rem3A_275 = arith.remsi %add3A_139, %select_n3A_274 : i32
          %ne3A_276 = arith.constant 0 : i32
          %ne3A_277 = arith.cmpi ne, %rem3A_275, %ne3A_276 : i32
          %lt3A_278 = arith.constant 0 : i32
          %lt3A_279 = arith.cmpi slt, %rem3A_275, %lt3A_278 : i32
          %lt3A_280 = arith.constant 0 : i32
          %lt3A_281 = arith.cmpi slt, %select_n3A_274, %lt3A_280 : i32
          %ne3A_282 = arith.xori %lt3A_279, %lt3A_281 : i1
          %and3A_283 = arith.andi %ne3A_282, %ne3A_277 : i1
          %add3A_284 = arith.addi %rem3A_275, %select_n3A_274 : i32
          %select_n3A_285 = arith.select %and3A_283, %add3A_284, %rem3A_275 : i32
          %eq3A_286 = arith.constant 1 : i32
          %eq3A_287 = arith.cmpi eq, %select_n3A_285, %eq3A_286 : i32
          %convert_element_type3A_288 = arith.extui %eq3A_287 : i1 to i32
          %cond3A_289 = arith.constant 0 : i32
          %cond3A_290 = arith.cmpi ne, %convert_element_type3A_288, %cond3A_289 : i32
          scf.if %cond3A_290 {
            %dma_wait3A_291 = arith.constant 0 : i32
            %dma_wait3A_292 = arith.constant 0 : i32
            %dma_wait3A_293 = arith.constant 0 : i32
            %dma_wait3A_294 = tpu.memref_slice %arg11[%dma_wait3A_291, %dma_wait3A_292, %dma_wait3A_293] : memref<3x8x128xi32, #tpu.memory_space<vmem>> -> memref<1x1x128xi32, #tpu.memory_space<vmem>>
            %dma_wait3A_295 = tpu.memref_squeeze %dma_wait3A_294 : memref<1x1x128xi32, #tpu.memory_space<vmem>> -> memref<128xi32, #tpu.memory_space<vmem>>
            %dma_wait3A_296 = arith.constant 0 : i32
            %dma_wait3A_297 = arith.constant 0 : i32
            %dma_wait3A_298 = tpu.memref_slice %arg14[%dma_wait3A_296, %dma_wait3A_297] : memref<10112x128xf32, #tpu.memory_space<vmem_shared>> -> memref<10112x128xf32, #tpu.memory_space<vmem_shared>>
            tpu.wait_indirect_dma semaphore(%arg18 : memref<!tpu.dma_semaphore, #tpu.memory_space<semaphore_mem>>) src(%arg13 : memref<128x128xf32, #tpu.memory_space<vmem>>) dst(%dma_wait3A_298 : memref<10112x128xf32, #tpu.memory_space<vmem_shared>>)
          } else {
          }
        } else {
        }
        %lt3A_165 = arith.constant 80 : i32
        %lt3A_166 = arith.cmpi slt, %add3A_139, %lt3A_165 : i32
        %convert_element_type3A_167 = arith.extui %lt3A_166 : i1 to i32
        %cond3A_168 = arith.constant 0 : i32
        %cond3A_169 = arith.cmpi ne, %convert_element_type3A_167, %cond3A_168 : i32
        scf.if %cond3A_169 {
          %jit3A_249 = arith.constant 8 : i32
          %div3A_250 = arith.divsi %add3A_139, %jit3A_249 : i32
          %sign3A_251 = arith.constant 0 : i32
          %sign3A_252 = arith.cmpi sgt, %add3A_139, %sign3A_251 : i32
          %sign3A_253 = arith.extui %sign3A_252 : i1 to i32
          %sign3A_254 = arith.constant 0 : i32
          %sign3A_255 = arith.cmpi slt, %add3A_139, %sign3A_254 : i32
          %sign3A_256 = arith.extui %sign3A_255 : i1 to i32
          %sign3A_257 = arith.subi %sign3A_253, %sign3A_256 : i32
          %sign3A_258 = arith.constant 0 : i32
          %sign3A_259 = arith.cmpi sgt, %jit3A_249, %sign3A_258 : i32
          %sign3A_260 = arith.extui %sign3A_259 : i1 to i32
          %sign3A_261 = arith.constant 0 : i32
          %sign3A_262 = arith.cmpi slt, %jit3A_249, %sign3A_261 : i32
          %sign3A_263 = arith.extui %sign3A_262 : i1 to i32
          %sign3A_264 = arith.subi %sign3A_260, %sign3A_263 : i32
          %ne3A_265 = arith.cmpi ne, %sign3A_257, %sign3A_264 : i32
          %rem3A_266 = arith.remsi %add3A_139, %jit3A_249 : i32
          %ne3A_267 = arith.constant 0 : i32
          %ne3A_268 = arith.cmpi ne, %rem3A_266, %ne3A_267 : i32
          %and3A_269 = arith.andi %ne3A_265, %ne3A_268 : i1
          %sub3A_270 = arith.constant 1 : i32
          %sub3A_271 = arith.subi %div3A_250, %sub3A_270 : i32
          %select_n3A_272 = arith.select %and3A_269, %sub3A_271, %div3A_250 : i32
          %jit3A_273 = arith.constant 3 : i32
          %eq3A_274 = arith.constant 0 : i32
          %eq3A_275 = arith.cmpi eq, %jit3A_273, %eq3A_274 : i32
          %jit3A_276 = arith.constant 1 : i32
          %select_n3A_277 = arith.select %eq3A_275, %jit3A_276, %jit3A_273 : i32
          %rem3A_278 = arith.remsi %select_n3A_272, %select_n3A_277 : i32
          %ne3A_279 = arith.constant 0 : i32
          %ne3A_280 = arith.cmpi ne, %rem3A_278, %ne3A_279 : i32
          %lt3A_281 = arith.constant 0 : i32
          %lt3A_282 = arith.cmpi slt, %rem3A_278, %lt3A_281 : i32
          %lt3A_283 = arith.constant 0 : i32
          %lt3A_284 = arith.cmpi slt, %select_n3A_277, %lt3A_283 : i32
          %ne3A_285 = arith.xori %lt3A_282, %lt3A_284 : i1
          %and3A_286 = arith.andi %ne3A_285, %ne3A_280 : i1
          %add3A_287 = arith.addi %rem3A_278, %select_n3A_277 : i32
          %select_n3A_288 = arith.select %and3A_286, %add3A_287, %rem3A_278 : i32
          %jit3A_289 = arith.constant 8 : i32
          %eq3A_290 = arith.constant 0 : i32
          %eq3A_291 = arith.cmpi eq, %jit3A_289, %eq3A_290 : i32
          %jit3A_292 = arith.constant 1 : i32
          %select_n3A_293 = arith.select %eq3A_291, %jit3A_292, %jit3A_289 : i32
          %rem3A_294 = arith.remsi %add3A_139, %select_n3A_293 : i32
          %ne3A_295 = arith.constant 0 : i32
          %ne3A_296 = arith.cmpi ne, %rem3A_294, %ne3A_295 : i32
          %lt3A_297 = arith.constant 0 : i32
          %lt3A_298 = arith.cmpi slt, %rem3A_294, %lt3A_297 : i32
          %lt3A_299 = arith.constant 0 : i32
          %lt3A_300 = arith.cmpi slt, %select_n3A_293, %lt3A_299 : i32
          %ne3A_301 = arith.xori %lt3A_298, %lt3A_300 : i1
          %and3A_302 = arith.andi %ne3A_301, %ne3A_296 : i1
          %add3A_303 = arith.addi %rem3A_294, %select_n3A_293 : i32
          %select_n3A_304 = arith.select %and3A_302, %add3A_303, %rem3A_294 : i32
          %jit3A_305 = arith.constant 2 : i32
          %eq3A_306 = arith.constant 0 : i32
          %eq3A_307 = arith.cmpi eq, %jit3A_305, %eq3A_306 : i32
          %jit3A_308 = arith.constant 1 : i32
          %select_n3A_309 = arith.select %eq3A_307, %jit3A_308, %jit3A_305 : i32
          %rem3A_310 = arith.remsi %add3A_139, %select_n3A_309 : i32
          %ne3A_311 = arith.constant 0 : i32
          %ne3A_312 = arith.cmpi ne, %rem3A_310, %ne3A_311 : i32
          %lt3A_313 = arith.constant 0 : i32
          %lt3A_314 = arith.cmpi slt, %rem3A_310, %lt3A_313 : i32
          %lt3A_315 = arith.constant 0 : i32
          %lt3A_316 = arith.cmpi slt, %select_n3A_309, %lt3A_315 : i32
          %ne3A_317 = arith.xori %lt3A_314, %lt3A_316 : i1
          %and3A_318 = arith.andi %ne3A_317, %ne3A_312 : i1
          %add3A_319 = arith.addi %rem3A_310, %select_n3A_309 : i32
          %select_n3A_320 = arith.select %and3A_318, %add3A_319, %rem3A_310 : i32
          %eq3A_321 = arith.constant 0 : i32
          %eq3A_322 = arith.cmpi eq, %select_n3A_320, %eq3A_321 : i32
          %convert_element_type3A_323 = arith.extui %eq3A_322 : i1 to i32
          %cond3A_324 = arith.constant 0 : i32
          %cond3A_325 = arith.cmpi ne, %convert_element_type3A_323, %cond3A_324 : i32
          scf.if %cond3A_325 {
            %dma_start3A_347 = arith.constant 0 : i32
            %dma_start3A_348 = arith.constant 0 : i32
            %dma_start3A_349 = tpu.memref_slice %arg12[%dma_start3A_347, %dma_start3A_348] : memref<128x128xf32, #tpu.memory_space<vmem>> -> memref<64x128xf32, #tpu.memory_space<vmem>>
            %dma_start3A_350 = arith.constant 0 : i32
            %dma_start3A_351 = tpu.memref_slice %arg10[%select_n3A_288, %select_n3A_304, %dma_start3A_350] : memref<3x8x128xi32, #tpu.memory_space<vmem>> -> memref<1x1x64xi32, #tpu.memory_space<vmem>>
            %dma_start3A_352 = tpu.memref_squeeze %dma_start3A_351 : memref<1x1x64xi32, #tpu.memory_space<vmem>> -> memref<64xi32, #tpu.memory_space<vmem>>
            %dma_start3A_353 = arith.constant 0 : i32
            %dma_start3A_354 = arith.constant 0 : i32
            %dma_start3A_355 = tpu.memref_slice %arg2[%dma_start3A_353, %dma_start3A_354] : memref<10000x128xf32, #tpu.memory_space<hbm>> -> memref<10000x128xf32, #tpu.memory_space<hbm>>
            tpu.enqueue_indirect_dma source(%dma_start3A_355 : memref<10000x128xf32, #tpu.memory_space<hbm>>) target(%dma_start3A_349 : memref<64x128xf32, #tpu.memory_space<vmem>>) offsets(%dma_start3A_352 : memref<64xi32, #tpu.memory_space<vmem>>) semaphore(%arg15 : memref<!tpu.dma_semaphore, #tpu.memory_space<semaphore_mem>>)
            %dma_start3A_356 = arith.constant 64 : i32
            %dma_start3A_357 = arith.constant 0 : i32
            %dma_start3A_358 = tpu.memref_slice %arg12[%dma_start3A_356, %dma_start3A_357] : memref<128x128xf32, #tpu.memory_space<vmem>> -> memref<64x128xf32, #tpu.memory_space<vmem>>
            %dma_start3A_359 = arith.constant 64 : i32
            %dma_start3A_360 = tpu.memref_slice %arg10[%select_n3A_288, %select_n3A_304, %dma_start3A_359] : memref<3x8x128xi32, #tpu.memory_space<vmem>> -> memref<1x1x64xi32, #tpu.memory_space<vmem>>
            %dma_start3A_361 = tpu.memref_squeeze %dma_start3A_360 : memref<1x1x64xi32, #tpu.memory_space<vmem>> -> memref<64xi32, #tpu.memory_space<vmem>>
            %dma_start3A_362 = arith.constant 0 : i32
            %dma_start3A_363 = arith.constant 0 : i32
            %dma_start3A_364 = tpu.memref_slice %arg2[%dma_start3A_362, %dma_start3A_363] : memref<10000x128xf32, #tpu.memory_space<hbm>> -> memref<10000x128xf32, #tpu.memory_space<hbm>>
            tpu.enqueue_indirect_dma source(%dma_start3A_364 : memref<10000x128xf32, #tpu.memory_space<hbm>>) target(%dma_start3A_358 : memref<64x128xf32, #tpu.memory_space<vmem>>) offsets(%dma_start3A_361 : memref<64xi32, #tpu.memory_space<vmem>>) semaphore(%arg15 : memref<!tpu.dma_semaphore, #tpu.memory_space<semaphore_mem>>)
          } else {
          }
          %jit3A_326 = arith.constant 2 : i32
          %eq3A_327 = arith.constant 0 : i32
          %eq3A_328 = arith.cmpi eq, %jit3A_326, %eq3A_327 : i32
          %jit3A_329 = arith.constant 1 : i32
          %select_n3A_330 = arith.select %eq3A_328, %jit3A_329, %jit3A_326 : i32
          %rem3A_331 = arith.remsi %add3A_139, %select_n3A_330 : i32
          %ne3A_332 = arith.constant 0 : i32
          %ne3A_333 = arith.cmpi ne, %rem3A_331, %ne3A_332 : i32
          %lt3A_334 = arith.constant 0 : i32
          %lt3A_335 = arith.cmpi slt, %rem3A_331, %lt3A_334 : i32
          %lt3A_336 = arith.constant 0 : i32
          %lt3A_337 = arith.cmpi slt, %select_n3A_330, %lt3A_336 : i32
          %ne3A_338 = arith.xori %lt3A_335, %lt3A_337 : i1
          %and3A_339 = arith.andi %ne3A_338, %ne3A_333 : i1
          %add3A_340 = arith.addi %rem3A_331, %select_n3A_330 : i32
          %select_n3A_341 = arith.select %and3A_339, %add3A_340, %rem3A_331 : i32
          %eq3A_342 = arith.constant 1 : i32
          %eq3A_343 = arith.cmpi eq, %select_n3A_341, %eq3A_342 : i32
          %convert_element_type3A_344 = arith.extui %eq3A_343 : i1 to i32
          %cond3A_345 = arith.constant 0 : i32
          %cond3A_346 = arith.cmpi ne, %convert_element_type3A_344, %cond3A_345 : i32
          scf.if %cond3A_346 {
            %dma_start3A_347 = arith.constant 0 : i32
            %dma_start3A_348 = arith.constant 0 : i32
            %dma_start3A_349 = tpu.memref_slice %arg13[%dma_start3A_347, %dma_start3A_348] : memref<128x128xf32, #tpu.memory_space<vmem>> -> memref<64x128xf32, #tpu.memory_space<vmem>>
            %dma_start3A_350 = arith.constant 0 : i32
            %dma_start3A_351 = tpu.memref_slice %arg10[%select_n3A_288, %select_n3A_304, %dma_start3A_350] : memref<3x8x128xi32, #tpu.memory_space<vmem>> -> memref<1x1x64xi32, #tpu.memory_space<vmem>>
            %dma_start3A_352 = tpu.memref_squeeze %dma_start3A_351 : memref<1x1x64xi32, #tpu.memory_space<vmem>> -> memref<64xi32, #tpu.memory_space<vmem>>
            %dma_start3A_353 = arith.constant 0 : i32
            %dma_start3A_354 = arith.constant 0 : i32
            %dma_start3A_355 = tpu.memref_slice %arg2[%dma_start3A_353, %dma_start3A_354] : memref<10000x128xf32, #tpu.memory_space<hbm>> -> memref<10000x128xf32, #tpu.memory_space<hbm>>
            tpu.enqueue_indirect_dma source(%dma_start3A_355 : memref<10000x128xf32, #tpu.memory_space<hbm>>) target(%dma_start3A_349 : memref<64x128xf32, #tpu.memory_space<vmem>>) offsets(%dma_start3A_352 : memref<64xi32, #tpu.memory_space<vmem>>) semaphore(%arg16 : memref<!tpu.dma_semaphore, #tpu.memory_space<semaphore_mem>>)
            %dma_start3A_356 = arith.constant 64 : i32
            %dma_start3A_357 = arith.constant 0 : i32
            %dma_start3A_358 = tpu.memref_slice %arg13[%dma_start3A_356, %dma_start3A_357] : memref<128x128xf32, #tpu.memory_space<vmem>> -> memref<64x128xf32, #tpu.memory_space<vmem>>
            %dma_start3A_359 = arith.constant 64 : i32
            %dma_start3A_360 = tpu.memref_slice %arg10[%select_n3A_288, %select_n3A_304, %dma_start3A_359] : memref<3x8x128xi32, #tpu.memory_space<vmem>> -> memref<1x1x64xi32, #tpu.memory_space<vmem>>
            %dma_start3A_361 = tpu.memref_squeeze %dma_start3A_360 : memref<1x1x64xi32, #tpu.memory_space<vmem>> -> memref<64xi32, #tpu.memory_space<vmem>>
            %dma_start3A_362 = arith.constant 0 : i32
            %dma_start3A_363 = arith.constant 0 : i32
            %dma_start3A_364 = tpu.memref_slice %arg2[%dma_start3A_362, %dma_start3A_363] : memref<10000x128xf32, #tpu.memory_space<hbm>> -> memref<10000x128xf32, #tpu.memory_space<hbm>>
            tpu.enqueue_indirect_dma source(%dma_start3A_364 : memref<10000x128xf32, #tpu.memory_space<hbm>>) target(%dma_start3A_358 : memref<64x128xf32, #tpu.memory_space<vmem>>) offsets(%dma_start3A_361 : memref<64xi32, #tpu.memory_space<vmem>>) semaphore(%arg16 : memref<!tpu.dma_semaphore, #tpu.memory_space<semaphore_mem>>)
          } else {
          }
        } else {
        }
        %jit3A_170 = arith.constant 8 : i32
        %div3A = arith.divsi %scan3A_137, %jit3A_170 : i32
        %sign3A = arith.constant 0 : i32
        %sign3A_171 = arith.cmpi sgt, %scan3A_137, %sign3A : i32
        %sign3A_172 = arith.extui %sign3A_171 : i1 to i32
        %sign3A_173 = arith.constant 0 : i32
        %sign3A_174 = arith.cmpi slt, %scan3A_137, %sign3A_173 : i32
        %sign3A_175 = arith.extui %sign3A_174 : i1 to i32
        %sign3A_176 = arith.subi %sign3A_172, %sign3A_175 : i32
        %sign3A_177 = arith.constant 0 : i32
        %sign3A_178 = arith.cmpi sgt, %jit3A_170, %sign3A_177 : i32
        %sign3A_179 = arith.extui %sign3A_178 : i1 to i32
        %sign3A_180 = arith.constant 0 : i32
        %sign3A_181 = arith.cmpi slt, %jit3A_170, %sign3A_180 : i32
        %sign3A_182 = arith.extui %sign3A_181 : i1 to i32
        %sign3A_183 = arith.subi %sign3A_179, %sign3A_182 : i32
        %ne3A_184 = arith.cmpi ne, %sign3A_176, %sign3A_183 : i32
        %rem3A_185 = arith.remsi %scan3A_137, %jit3A_170 : i32
        %ne3A_186 = arith.constant 0 : i32
        %ne3A_187 = arith.cmpi ne, %rem3A_185, %ne3A_186 : i32
        %and3A_188 = arith.andi %ne3A_184, %ne3A_187 : i1
        %sub3A = arith.constant 1 : i32
        %sub3A_189 = arith.subi %div3A, %sub3A : i32
        %select_n3A_190 = arith.select %and3A_188, %sub3A_189, %div3A : i32
        %jit3A_191 = arith.constant 3 : i32
        %eq3A_192 = arith.constant 0 : i32
        %eq3A_193 = arith.cmpi eq, %jit3A_191, %eq3A_192 : i32
        %jit3A_194 = arith.constant 1 : i32
        %select_n3A_195 = arith.select %eq3A_193, %jit3A_194, %jit3A_191 : i32
        %rem3A_196 = arith.remsi %select_n3A_190, %select_n3A_195 : i32
        %ne3A_197 = arith.constant 0 : i32
        %ne3A_198 = arith.cmpi ne, %rem3A_196, %ne3A_197 : i32
        %lt3A_199 = arith.constant 0 : i32
        %lt3A_200 = arith.cmpi slt, %rem3A_196, %lt3A_199 : i32
        %lt3A_201 = arith.constant 0 : i32
        %lt3A_202 = arith.cmpi slt, %select_n3A_195, %lt3A_201 : i32
        %ne3A_203 = arith.xori %lt3A_200, %lt3A_202 : i1
        %and3A_204 = arith.andi %ne3A_203, %ne3A_198 : i1
        %add3A_205 = arith.addi %rem3A_196, %select_n3A_195 : i32
        %select_n3A_206 = arith.select %and3A_204, %add3A_205, %rem3A_196 : i32
        %jit3A_207 = arith.constant 2 : i32
        %eq3A_208 = arith.constant 0 : i32
        %eq3A_209 = arith.cmpi eq, %jit3A_207, %eq3A_208 : i32
        %jit3A_210 = arith.constant 1 : i32
        %select_n3A_211 = arith.select %eq3A_209, %jit3A_210, %jit3A_207 : i32
        %rem3A_212 = arith.remsi %scan3A_137, %select_n3A_211 : i32
        %ne3A_213 = arith.constant 0 : i32
        %ne3A_214 = arith.cmpi ne, %rem3A_212, %ne3A_213 : i32
        %lt3A_215 = arith.constant 0 : i32
        %lt3A_216 = arith.cmpi slt, %rem3A_212, %lt3A_215 : i32
        %lt3A_217 = arith.constant 0 : i32
        %lt3A_218 = arith.cmpi slt, %select_n3A_211, %lt3A_217 : i32
        %ne3A_219 = arith.xori %lt3A_216, %lt3A_218 : i1
        %and3A_220 = arith.andi %ne3A_219, %ne3A_214 : i1
        %add3A_221 = arith.addi %rem3A_212, %select_n3A_211 : i32
        %select_n3A_222 = arith.select %and3A_220, %add3A_221, %rem3A_212 : i32
        %eq3A_223 = arith.constant 0 : i32
        %eq3A_224 = arith.cmpi eq, %select_n3A_222, %eq3A_223 : i32
        %convert_element_type3A_225 = arith.extui %eq3A_224 : i1 to i32
        %cond3A_226 = arith.constant 0 : i32
        %cond3A_227 = arith.cmpi ne, %convert_element_type3A_225, %cond3A_226 : i32
        scf.if %cond3A_227 {
          %dma_wait3A_249 = arith.constant 0 : i32
          %dma_wait3A_250 = arith.constant 0 : i32
          %dma_wait3A_251 = arith.constant 0 : i32
          %dma_wait3A_252 = tpu.memref_slice %arg10[%dma_wait3A_249, %dma_wait3A_250, %dma_wait3A_251] : memref<3x8x128xi32, #tpu.memory_space<vmem>> -> memref<1x1x128xi32, #tpu.memory_space<vmem>>
          %dma_wait3A_253 = tpu.memref_squeeze %dma_wait3A_252 : memref<1x1x128xi32, #tpu.memory_space<vmem>> -> memref<128xi32, #tpu.memory_space<vmem>>
          %dma_wait3A_254 = arith.constant 0 : i32
          %dma_wait3A_255 = arith.constant 0 : i32
          %dma_wait3A_256 = tpu.memref_slice %arg2[%dma_wait3A_254, %dma_wait3A_255] : memref<10000x128xf32, #tpu.memory_space<hbm>> -> memref<10000x128xf32, #tpu.memory_space<hbm>>
          tpu.wait_indirect_dma semaphore(%arg15 : memref<!tpu.dma_semaphore, #tpu.memory_space<semaphore_mem>>) src(%dma_wait3A_256 : memref<10000x128xf32, #tpu.memory_space<hbm>>) dst(%arg12 : memref<128x128xf32, #tpu.memory_space<vmem>>)
          %jit3A_257 = arith.constant 8 : i32
          %eq3A_258 = arith.constant 0 : i32
          %eq3A_259 = arith.cmpi eq, %jit3A_257, %eq3A_258 : i32
          %jit3A_260 = arith.constant 1 : i32
          %select_n3A_261 = arith.select %eq3A_259, %jit3A_260, %jit3A_257 : i32
          %rem3A_262 = arith.remsi %scan3A_137, %select_n3A_261 : i32
          %ne3A_263 = arith.constant 0 : i32
          %ne3A_264 = arith.cmpi ne, %rem3A_262, %ne3A_263 : i32
          %lt3A_265 = arith.constant 0 : i32
          %lt3A_266 = arith.cmpi slt, %rem3A_262, %lt3A_265 : i32
          %lt3A_267 = arith.constant 0 : i32
          %lt3A_268 = arith.cmpi slt, %select_n3A_261, %lt3A_267 : i32
          %ne3A_269 = arith.xori %lt3A_266, %lt3A_268 : i1
          %and3A_270 = arith.andi %ne3A_269, %ne3A_264 : i1
          %add3A_271 = arith.addi %rem3A_262, %select_n3A_261 : i32
          %select_n3A_272 = arith.select %and3A_270, %add3A_271, %rem3A_262 : i32
          %dma_start3A_273 = arith.constant 0 : i32
          %dma_start3A_274 = tpu.memref_slice %arg11[%select_n3A_206, %select_n3A_272, %dma_start3A_273] : memref<3x8x128xi32, #tpu.memory_space<vmem>> -> memref<1x1x128xi32, #tpu.memory_space<vmem>>
          %dma_start3A_275 = tpu.memref_squeeze %dma_start3A_274 : memref<1x1x128xi32, #tpu.memory_space<vmem>> -> memref<128xi32, #tpu.memory_space<vmem>>
          %dma_start3A_276 = arith.constant 0 : i32
          %dma_start3A_277 = arith.constant 0 : i32
          %dma_start3A_278 = tpu.memref_slice %arg14[%dma_start3A_276, %dma_start3A_277] : memref<10112x128xf32, #tpu.memory_space<vmem_shared>> -> memref<10112x128xf32, #tpu.memory_space<vmem_shared>>
          tpu.enqueue_indirect_dma source(%arg12 : memref<128x128xf32, #tpu.memory_space<vmem>>) target(%dma_start3A_278 : memref<10112x128xf32, #tpu.memory_space<vmem_shared>>) offsets(%dma_start3A_275 : memref<128xi32, #tpu.memory_space<vmem>>) semaphore(%arg17 : memref<!tpu.dma_semaphore, #tpu.memory_space<semaphore_mem>>) {add = true}
        } else {
        }
        %jit3A_228 = arith.constant 2 : i32
        %eq3A_229 = arith.constant 0 : i32
        %eq3A_230 = arith.cmpi eq, %jit3A_228, %eq3A_229 : i32
        %jit3A_231 = arith.constant 1 : i32
        %select_n3A_232 = arith.select %eq3A_230, %jit3A_231, %jit3A_228 : i32
        %rem3A_233 = arith.remsi %scan3A_137, %select_n3A_232 : i32
        %ne3A_234 = arith.constant 0 : i32
        %ne3A_235 = arith.cmpi ne, %rem3A_233, %ne3A_234 : i32
        %lt3A_236 = arith.constant 0 : i32
        %lt3A_237 = arith.cmpi slt, %rem3A_233, %lt3A_236 : i32
        %lt3A_238 = arith.constant 0 : i32
        %lt3A_239 = arith.cmpi slt, %select_n3A_232, %lt3A_238 : i32
        %ne3A_240 = arith.xori %lt3A_237, %lt3A_239 : i1
        %and3A_241 = arith.andi %ne3A_240, %ne3A_235 : i1
        %add3A_242 = arith.addi %rem3A_233, %select_n3A_232 : i32
        %select_n3A_243 = arith.select %and3A_241, %add3A_242, %rem3A_233 : i32
        %eq3A_244 = arith.constant 1 : i32
        %eq3A_245 = arith.cmpi eq, %select_n3A_243, %eq3A_244 : i32
        %convert_element_type3A_246 = arith.extui %eq3A_245 : i1 to i32
        %cond3A_247 = arith.constant 0 : i32
        %cond3A_248 = arith.cmpi ne, %convert_element_type3A_246, %cond3A_247 : i32
        scf.if %cond3A_248 {
          %dma_wait3A_249 = arith.constant 0 : i32
          %dma_wait3A_250 = arith.constant 0 : i32
          %dma_wait3A_251 = arith.constant 0 : i32
          %dma_wait3A_252 = tpu.memref_slice %arg10[%dma_wait3A_249, %dma_wait3A_250, %dma_wait3A_251] : memref<3x8x128xi32, #tpu.memory_space<vmem>> -> memref<1x1x128xi32, #tpu.memory_space<vmem>>
          %dma_wait3A_253 = tpu.memref_squeeze %dma_wait3A_252 : memref<1x1x128xi32, #tpu.memory_space<vmem>> -> memref<128xi32, #tpu.memory_space<vmem>>
          %dma_wait3A_254 = arith.constant 0 : i32
          %dma_wait3A_255 = arith.constant 0 : i32
          %dma_wait3A_256 = tpu.memref_slice %arg2[%dma_wait3A_254, %dma_wait3A_255] : memref<10000x128xf32, #tpu.memory_space<hbm>> -> memref<10000x128xf32, #tpu.memory_space<hbm>>
          tpu.wait_indirect_dma semaphore(%arg16 : memref<!tpu.dma_semaphore, #tpu.memory_space<semaphore_mem>>) src(%dma_wait3A_256 : memref<10000x128xf32, #tpu.memory_space<hbm>>) dst(%arg13 : memref<128x128xf32, #tpu.memory_space<vmem>>)
          %jit3A_257 = arith.constant 8 : i32
          %eq3A_258 = arith.constant 0 : i32
          %eq3A_259 = arith.cmpi eq, %jit3A_257, %eq3A_258 : i32
          %jit3A_260 = arith.constant 1 : i32
          %select_n3A_261 = arith.select %eq3A_259, %jit3A_260, %jit3A_257 : i32
          %rem3A_262 = arith.remsi %scan3A_137, %select_n3A_261 : i32
          %ne3A_263 = arith.constant 0 : i32
          %ne3A_264 = arith.cmpi ne, %rem3A_262, %ne3A_263 : i32
          %lt3A_265 = arith.constant 0 : i32
          %lt3A_266 = arith.cmpi slt, %rem3A_262, %lt3A_265 : i32
          %lt3A_267 = arith.constant 0 : i32
          %lt3A_268 = arith.cmpi slt, %select_n3A_261, %lt3A_267 : i32
          %ne3A_269 = arith.xori %lt3A_266, %lt3A_268 : i1
          %and3A_270 = arith.andi %ne3A_269, %ne3A_264 : i1
          %add3A_271 = arith.addi %rem3A_262, %select_n3A_261 : i32
          %select_n3A_272 = arith.select %and3A_270, %add3A_271, %rem3A_262 : i32
          %dma_start3A_273 = arith.constant 0 : i32
          %dma_start3A_274 = tpu.memref_slice %arg11[%select_n3A_206, %select_n3A_272, %dma_start3A_273] : memref<3x8x128xi32, #tpu.memory_space<vmem>> -> memref<1x1x128xi32, #tpu.memory_space<vmem>>
          %dma_start3A_275 = tpu.memref_squeeze %dma_start3A_274 : memref<1x1x128xi32, #tpu.memory_space<vmem>> -> memref<128xi32, #tpu.memory_space<vmem>>
          %dma_start3A_276 = arith.constant 0 : i32
          %dma_start3A_277 = arith.constant 0 : i32
          %dma_start3A_278 = tpu.memref_slice %arg14[%dma_start3A_276, %dma_start3A_277] : memref<10112x128xf32, #tpu.memory_space<vmem_shared>> -> memref<10112x128xf32, #tpu.memory_space<vmem_shared>>
          tpu.enqueue_indirect_dma source(%arg13 : memref<128x128xf32, #tpu.memory_space<vmem>>) target(%dma_start3A_278 : memref<10112x128xf32, #tpu.memory_space<vmem_shared>>) offsets(%dma_start3A_275 : memref<128xi32, #tpu.memory_space<vmem>>) semaphore(%arg18 : memref<!tpu.dma_semaphore, #tpu.memory_space<semaphore_mem>>) {add = true}
        } else {
        }
      }
      %scan3A_119 = arith.constant 80 : i32
      %dma_wait3A_120 = arith.constant 0 : i32
      %dma_wait3A_121 = arith.constant 0 : i32
      %dma_wait3A_122 = arith.constant 0 : i32
      %dma_wait3A_123 = tpu.memref_slice %arg11[%dma_wait3A_120, %dma_wait3A_121, %dma_wait3A_122] : memref<3x8x128xi32, #tpu.memory_space<vmem>> -> memref<1x1x128xi32, #tpu.memory_space<vmem>>
      %dma_wait3A_124 = tpu.memref_squeeze %dma_wait3A_123 : memref<1x1x128xi32, #tpu.memory_space<vmem>> -> memref<128xi32, #tpu.memory_space<vmem>>
      %dma_wait3A_125 = arith.constant 0 : i32
      %dma_wait3A_126 = arith.constant 0 : i32
      %dma_wait3A_127 = tpu.memref_slice %arg14[%dma_wait3A_125, %dma_wait3A_126] : memref<10112x128xf32, #tpu.memory_space<vmem_shared>> -> memref<10112x128xf32, #tpu.memory_space<vmem_shared>>
      tpu.wait_indirect_dma semaphore(%arg17 : memref<!tpu.dma_semaphore, #tpu.memory_space<semaphore_mem>>) src(%arg12 : memref<128x128xf32, #tpu.memory_space<vmem>>) dst(%dma_wait3A_127 : memref<10112x128xf32, #tpu.memory_space<vmem_shared>>)
      %dma_wait3A_128 = arith.constant 0 : i32
      %dma_wait3A_129 = arith.constant 0 : i32
      %dma_wait3A_130 = arith.constant 0 : i32
      %dma_wait3A_131 = tpu.memref_slice %arg11[%dma_wait3A_128, %dma_wait3A_129, %dma_wait3A_130] : memref<3x8x128xi32, #tpu.memory_space<vmem>> -> memref<1x1x128xi32, #tpu.memory_space<vmem>>
      %dma_wait3A_132 = tpu.memref_squeeze %dma_wait3A_131 : memref<1x1x128xi32, #tpu.memory_space<vmem>> -> memref<128xi32, #tpu.memory_space<vmem>>
      %dma_wait3A_133 = arith.constant 0 : i32
      %dma_wait3A_134 = arith.constant 0 : i32
      %dma_wait3A_135 = tpu.memref_slice %arg14[%dma_wait3A_133, %dma_wait3A_134] : memref<10112x128xf32, #tpu.memory_space<vmem_shared>> -> memref<10112x128xf32, #tpu.memory_space<vmem_shared>>
      tpu.wait_indirect_dma semaphore(%arg18 : memref<!tpu.dma_semaphore, #tpu.memory_space<semaphore_mem>>) src(%arg13 : memref<128x128xf32, #tpu.memory_space<vmem>>) dst(%dma_wait3A_135 : memref<10112x128xf32, #tpu.memory_space<vmem_shared>>)
      %barrier3A_136 = arith.constant 0 : index
      tpu.barrier barrier_id(%barrier3A_136)
      "tpu.region"() ({
        %run_scoped3A = tpu.sem_alloc : memref<!tpu.dma_semaphore, #tpu.memory_space<semaphore_mem>>
        %dma_start3A_137 = arith.constant 0 : i32
        %dma_start3A_138 = tpu.memref_slice %arg8[%mul3A_0, %dma_start3A_137] : memref<10112x128xf32, #tpu.memory_space<hbm>> -> memref<632x128xf32, #tpu.memory_space<hbm>>
        %dma_start3A_139 = arith.constant 0 : i32
        %dma_start3A_140 = tpu.memref_slice %arg14[%mul3A_0, %dma_start3A_139] : memref<10112x128xf32, #tpu.memory_space<vmem_shared>> -> memref<632x128xf32, #tpu.memory_space<vmem_shared>>
        tpu.enqueue_dma source(%dma_start3A_140 : memref<632x128xf32, #tpu.memory_space<vmem_shared>>) target(%dma_start3A_138 : memref<632x128xf32, #tpu.memory_space<hbm>>) target_semaphore(%run_scoped3A : memref<!tpu.dma_semaphore, #tpu.memory_space<semaphore_mem>>)
        %dma_wait3A_141 = arith.constant 0 : i32
        %dma_wait3A_142 = tpu.memref_slice %arg8[%mul3A_0, %dma_wait3A_141] : memref<10112x128xf32, #tpu.memory_space<hbm>> -> memref<632x128xf32, #tpu.memory_space<hbm>>
        %dma_wait3A_143 = arith.constant 0 : i32
        %dma_wait3A_144 = tpu.memref_slice %arg14[%mul3A_0, %dma_wait3A_143] : memref<10112x128xf32, #tpu.memory_space<vmem_shared>> -> memref<632x128xf32, #tpu.memory_space<vmem_shared>>
        tpu.wait_dma2 semaphore(%run_scoped3A : memref<!tpu.dma_semaphore, #tpu.memory_space<semaphore_mem>>) src(%dma_wait3A_144 : memref<632x128xf32, #tpu.memory_space<vmem_shared>>) dst(%dma_wait3A_142 : memref<632x128xf32, #tpu.memory_space<hbm>>)
        tpu.yield
      }) : () -> ()
    } else {
    }
    %eq3A_3 = arith.constant 1 : i32
    %eq3A_4 = arith.cmpi eq, %arg0, %eq3A_3 : i32
    %convert_element_type3A_5 = arith.extui %eq3A_4 : i1 to i32
    %cond3A_6 = arith.constant 0 : i32
    %cond3A_7 = arith.cmpi ne, %convert_element_type3A_5, %cond3A_6 : i32
    scf.if %cond3A_7 {
      %mul3A_8 = arith.constant 80 : i32
      %mul3A_9 = arith.muli %arg1, %mul3A_8 : i32
      %add3A = arith.constant 0 : i32
      %add3A_10 = arith.addi %mul3A_9, %add3A : i32
      %dma_start3A = arith.constant 0 : i32
      %dma_start3A_11 = arith.constant 0 : i32
      %dma_start3A_12 = arith.constant 0 : i32
      %dma_start3A_13 = tpu.memref_slice %arg10[%dma_start3A, %dma_start3A_11, %dma_start3A_12] : memref<3x8x128xi32, #tpu.memory_space<vmem>> -> memref<1x8x128xi32, #tpu.memory_space<vmem>>
      %dma_start3A_14 = tpu.memref_squeeze %dma_start3A_13 : memref<1x8x128xi32, #tpu.memory_space<vmem>> -> memref<8x128xi32, #tpu.memory_space<vmem>>
      %dma_start3A_15 = arith.constant 0 : i32
      %dma_start3A_16 = tpu.memref_slice %arg5[%add3A_10, %dma_start3A_15] : memref<1280x128xi32, #tpu.memory_space<hbm>> -> memref<8x128xi32, #tpu.memory_space<hbm>>
      %dma_start3A_17 = arith.constant 0 : i32
      %dma_start3A_18 = arith.constant 0 : i32
      %dma_start3A_19 = tpu.memref_slice %arg10[%dma_start3A, %dma_start3A_17, %dma_start3A_18] : memref<3x8x128xi32, #tpu.memory_space<vmem>> -> memref<1x8x128xi32, #tpu.memory_space<vmem>>
      %dma_start3A_20 = tpu.memref_squeeze %dma_start3A_19 : memref<1x8x128xi32, #tpu.memory_space<vmem>> -> memref<8x128xi32, #tpu.memory_space<vmem>>
      %dma_start3A_21 = arith.constant 0 : i32
      %dma_start3A_22 = tpu.memref_slice %arg5[%add3A_10, %dma_start3A_21] : memref<1280x128xi32, #tpu.memory_space<hbm>> -> memref<8x128xi32, #tpu.memory_space<hbm>>
      tpu.enqueue_dma source(%dma_start3A_22 : memref<8x128xi32, #tpu.memory_space<hbm>>) target(%dma_start3A_20 : memref<8x128xi32, #tpu.memory_space<vmem>>) target_semaphore(%arg19 : memref<!tpu.dma_semaphore, #tpu.memory_space<semaphore_mem>>)
      %add3A_23 = arith.constant 0 : i32
      %add3A_24 = arith.addi %mul3A_9, %add3A_23 : i32
      %dma_start3A_25 = arith.constant 0 : i32
      %dma_start3A_26 = arith.constant 0 : i32
      %dma_start3A_27 = arith.constant 0 : i32
      %dma_start3A_28 = tpu.memref_slice %arg11[%dma_start3A_25, %dma_start3A_26, %dma_start3A_27] : memref<3x8x128xi32, #tpu.memory_space<vmem>> -> memref<1x8x128xi32, #tpu.memory_space<vmem>>
      %dma_start3A_29 = tpu.memref_squeeze %dma_start3A_28 : memref<1x8x128xi32, #tpu.memory_space<vmem>> -> memref<8x128xi32, #tpu.memory_space<vmem>>
      %dma_start3A_30 = arith.constant 0 : i32
      %dma_start3A_31 = tpu.memref_slice %arg6[%add3A_24, %dma_start3A_30] : memref<1280x128xi32, #tpu.memory_space<hbm>> -> memref<8x128xi32, #tpu.memory_space<hbm>>
      %dma_start3A_32 = arith.constant 0 : i32
      %dma_start3A_33 = arith.constant 0 : i32
      %dma_start3A_34 = tpu.memref_slice %arg11[%dma_start3A_25, %dma_start3A_32, %dma_start3A_33] : memref<3x8x128xi32, #tpu.memory_space<vmem>> -> memref<1x8x128xi32, #tpu.memory_space<vmem>>
      %dma_start3A_35 = tpu.memref_squeeze %dma_start3A_34 : memref<1x8x128xi32, #tpu.memory_space<vmem>> -> memref<8x128xi32, #tpu.memory_space<vmem>>
      %dma_start3A_36 = arith.constant 0 : i32
      %dma_start3A_37 = tpu.memref_slice %arg6[%add3A_24, %dma_start3A_36] : memref<1280x128xi32, #tpu.memory_space<hbm>> -> memref<8x128xi32, #tpu.memory_space<hbm>>
      tpu.enqueue_dma source(%dma_start3A_37 : memref<8x128xi32, #tpu.memory_space<hbm>>) target(%dma_start3A_35 : memref<8x128xi32, #tpu.memory_space<vmem>>) target_semaphore(%arg19 : memref<!tpu.dma_semaphore, #tpu.memory_space<semaphore_mem>>)
      %dma_wait3A = arith.constant 0 : i32
      %dma_wait3A_38 = arith.constant 0 : i32
      %dma_wait3A_39 = arith.constant 0 : i32
      %dma_wait3A_40 = tpu.memref_slice %arg10[%dma_wait3A, %dma_wait3A_38, %dma_wait3A_39] : memref<3x8x128xi32, #tpu.memory_space<vmem>> -> memref<1x8x128xi32, #tpu.memory_space<vmem>>
      %dma_wait3A_41 = tpu.memref_squeeze %dma_wait3A_40 : memref<1x8x128xi32, #tpu.memory_space<vmem>> -> memref<8x128xi32, #tpu.memory_space<vmem>>
      %dma_wait3A_42 = arith.constant 0 : i32
      %dma_wait3A_43 = tpu.memref_slice %arg5[%mul3A_9, %dma_wait3A_42] : memref<1280x128xi32, #tpu.memory_space<hbm>> -> memref<8x128xi32, #tpu.memory_space<hbm>>
      %dma_wait3A_44 = arith.constant 0 : i32
      %dma_wait3A_45 = arith.constant 0 : i32
      %dma_wait3A_46 = tpu.memref_slice %arg10[%dma_wait3A, %dma_wait3A_44, %dma_wait3A_45] : memref<3x8x128xi32, #tpu.memory_space<vmem>> -> memref<1x8x128xi32, #tpu.memory_space<vmem>>
      %dma_wait3A_47 = tpu.memref_squeeze %dma_wait3A_46 : memref<1x8x128xi32, #tpu.memory_space<vmem>> -> memref<8x128xi32, #tpu.memory_space<vmem>>
      %dma_wait3A_48 = arith.constant 0 : i32
      %dma_wait3A_49 = tpu.memref_slice %arg5[%mul3A_9, %dma_wait3A_48] : memref<1280x128xi32, #tpu.memory_space<hbm>> -> memref<8x128xi32, #tpu.memory_space<hbm>>
      tpu.wait_dma2 semaphore(%arg19 : memref<!tpu.dma_semaphore, #tpu.memory_space<semaphore_mem>>) src(%dma_wait3A_49 : memref<8x128xi32, #tpu.memory_space<hbm>>) dst(%dma_wait3A_47 : memref<8x128xi32, #tpu.memory_space<vmem>>)
      %dma_wait3A_50 = arith.constant 0 : i32
      %dma_wait3A_51 = arith.constant 0 : i32
      %dma_wait3A_52 = arith.constant 0 : i32
      %dma_wait3A_53 = tpu.memref_slice %arg11[%dma_wait3A_50, %dma_wait3A_51, %dma_wait3A_52] : memref<3x8x128xi32, #tpu.memory_space<vmem>> -> memref<1x8x128xi32, #tpu.memory_space<vmem>>
      %dma_wait3A_54 = tpu.memref_squeeze %dma_wait3A_53 : memref<1x8x128xi32, #tpu.memory_space<vmem>> -> memref<8x128xi32, #tpu.memory_space<vmem>>
      %dma_wait3A_55 = arith.constant 0 : i32
      %dma_wait3A_56 = tpu.memref_slice %arg6[%mul3A_9, %dma_wait3A_55] : memref<1280x128xi32, #tpu.memory_space<hbm>> -> memref<8x128xi32, #tpu.memory_space<hbm>>
      %dma_wait3A_57 = arith.constant 0 : i32
      %dma_wait3A_58 = arith.constant 0 : i32
      %dma_wait3A_59 = tpu.memref_slice %arg11[%dma_wait3A_50, %dma_wait3A_57, %dma_wait3A_58] : memref<3x8x128xi32, #tpu.memory_space<vmem>> -> memref<1x8x128xi32, #tpu.memory_space<vmem>>
      %dma_wait3A_60 = tpu.memref_squeeze %dma_wait3A_59 : memref<1x8x128xi32, #tpu.memory_space<vmem>> -> memref<8x128xi32, #tpu.memory_space<vmem>>
      %dma_wait3A_61 = arith.constant 0 : i32
      %dma_wait3A_62 = tpu.memref_slice %arg6[%mul3A_9, %dma_wait3A_61] : memref<1280x128xi32, #tpu.memory_space<hbm>> -> memref<8x128xi32, #tpu.memory_space<hbm>>
      tpu.wait_dma2 semaphore(%arg19 : memref<!tpu.dma_semaphore, #tpu.memory_space<semaphore_mem>>) src(%dma_wait3A_62 : memref<8x128xi32, #tpu.memory_space<hbm>>) dst(%dma_wait3A_60 : memref<8x128xi32, #tpu.memory_space<vmem>>)
      %add3A_63 = arith.constant 8 : i32
      %add3A_64 = arith.addi %mul3A_9, %add3A_63 : i32
      %dma_start3A_65 = arith.constant 1 : i32
      %dma_start3A_66 = arith.constant 0 : i32
      %dma_start3A_67 = arith.constant 0 : i32
      %dma_start3A_68 = tpu.memref_slice %arg10[%dma_start3A_65, %dma_start3A_66, %dma_start3A_67] : memref<3x8x128xi32, #tpu.memory_space<vmem>> -> memref<1x8x128xi32, #tpu.memory_space<vmem>>
      %dma_start3A_69 = tpu.memref_squeeze %dma_start3A_68 : memref<1x8x128xi32, #tpu.memory_space<vmem>> -> memref<8x128xi32, #tpu.memory_space<vmem>>
      %dma_start3A_70 = arith.constant 0 : i32
      %dma_start3A_71 = tpu.memref_slice %arg5[%add3A_64, %dma_start3A_70] : memref<1280x128xi32, #tpu.memory_space<hbm>> -> memref<8x128xi32, #tpu.memory_space<hbm>>
      %dma_start3A_72 = arith.constant 0 : i32
      %dma_start3A_73 = arith.constant 0 : i32
      %dma_start3A_74 = tpu.memref_slice %arg10[%dma_start3A_65, %dma_start3A_72, %dma_start3A_73] : memref<3x8x128xi32, #tpu.memory_space<vmem>> -> memref<1x8x128xi32, #tpu.memory_space<vmem>>
      %dma_start3A_75 = tpu.memref_squeeze %dma_start3A_74 : memref<1x8x128xi32, #tpu.memory_space<vmem>> -> memref<8x128xi32, #tpu.memory_space<vmem>>
      %dma_start3A_76 = arith.constant 0 : i32
      %dma_start3A_77 = tpu.memref_slice %arg5[%add3A_64, %dma_start3A_76] : memref<1280x128xi32, #tpu.memory_space<hbm>> -> memref<8x128xi32, #tpu.memory_space<hbm>>
      tpu.enqueue_dma source(%dma_start3A_77 : memref<8x128xi32, #tpu.memory_space<hbm>>) target(%dma_start3A_75 : memref<8x128xi32, #tpu.memory_space<vmem>>) target_semaphore(%arg19 : memref<!tpu.dma_semaphore, #tpu.memory_space<semaphore_mem>>)
      %add3A_78 = arith.constant 8 : i32
      %add3A_79 = arith.addi %mul3A_9, %add3A_78 : i32
      %dma_start3A_80 = arith.constant 1 : i32
      %dma_start3A_81 = arith.constant 0 : i32
      %dma_start3A_82 = arith.constant 0 : i32
      %dma_start3A_83 = tpu.memref_slice %arg11[%dma_start3A_80, %dma_start3A_81, %dma_start3A_82] : memref<3x8x128xi32, #tpu.memory_space<vmem>> -> memref<1x8x128xi32, #tpu.memory_space<vmem>>
      %dma_start3A_84 = tpu.memref_squeeze %dma_start3A_83 : memref<1x8x128xi32, #tpu.memory_space<vmem>> -> memref<8x128xi32, #tpu.memory_space<vmem>>
      %dma_start3A_85 = arith.constant 0 : i32
      %dma_start3A_86 = tpu.memref_slice %arg6[%add3A_79, %dma_start3A_85] : memref<1280x128xi32, #tpu.memory_space<hbm>> -> memref<8x128xi32, #tpu.memory_space<hbm>>
      %dma_start3A_87 = arith.constant 0 : i32
      %dma_start3A_88 = arith.constant 0 : i32
      %dma_start3A_89 = tpu.memref_slice %arg11[%dma_start3A_80, %dma_start3A_87, %dma_start3A_88] : memref<3x8x128xi32, #tpu.memory_space<vmem>> -> memref<1x8x128xi32, #tpu.memory_space<vmem>>
      %dma_start3A_90 = tpu.memref_squeeze %dma_start3A_89 : memref<1x8x128xi32, #tpu.memory_space<vmem>> -> memref<8x128xi32, #tpu.memory_space<vmem>>
      %dma_start3A_91 = arith.constant 0 : i32
      %dma_start3A_92 = tpu.memref_slice %arg6[%add3A_79, %dma_start3A_91] : memref<1280x128xi32, #tpu.memory_space<hbm>> -> memref<8x128xi32, #tpu.memory_space<hbm>>
      tpu.enqueue_dma source(%dma_start3A_92 : memref<8x128xi32, #tpu.memory_space<hbm>>) target(%dma_start3A_90 : memref<8x128xi32, #tpu.memory_space<vmem>>) target_semaphore(%arg19 : memref<!tpu.dma_semaphore, #tpu.memory_space<semaphore_mem>>)
      %dma_start3A_93 = arith.constant 0 : i32
      %dma_start3A_94 = arith.constant 0 : i32
      %dma_start3A_95 = arith.constant 0 : i32
      %dma_start3A_96 = arith.constant 0 : i32
      %dma_start3A_97 = tpu.memref_slice %arg12[%dma_start3A_95, %dma_start3A_96] : memref<128x128xf32, #tpu.memory_space<vmem>> -> memref<64x128xf32, #tpu.memory_space<vmem>>
      %dma_start3A_98 = arith.constant 0 : i32
      %dma_start3A_99 = tpu.memref_slice %arg10[%dma_start3A_93, %dma_start3A_94, %dma_start3A_98] : memref<3x8x128xi32, #tpu.memory_space<vmem>> -> memref<1x1x64xi32, #tpu.memory_space<vmem>>
      %dma_start3A_100 = tpu.memref_squeeze %dma_start3A_99 : memref<1x1x64xi32, #tpu.memory_space<vmem>> -> memref<64xi32, #tpu.memory_space<vmem>>
      %dma_start3A_101 = arith.constant 0 : i32
      %dma_start3A_102 = arith.constant 0 : i32
      %dma_start3A_103 = tpu.memref_slice %arg2[%dma_start3A_101, %dma_start3A_102] : memref<10000x128xf32, #tpu.memory_space<hbm>> -> memref<10000x128xf32, #tpu.memory_space<hbm>>
      tpu.enqueue_indirect_dma source(%dma_start3A_103 : memref<10000x128xf32, #tpu.memory_space<hbm>>) target(%dma_start3A_97 : memref<64x128xf32, #tpu.memory_space<vmem>>) offsets(%dma_start3A_100 : memref<64xi32, #tpu.memory_space<vmem>>) semaphore(%arg15 : memref<!tpu.dma_semaphore, #tpu.memory_space<semaphore_mem>>)
      %dma_start3A_104 = arith.constant 0 : i32
      %dma_start3A_105 = arith.constant 0 : i32
      %dma_start3A_106 = arith.constant 64 : i32
      %dma_start3A_107 = arith.constant 0 : i32
      %dma_start3A_108 = tpu.memref_slice %arg12[%dma_start3A_106, %dma_start3A_107] : memref<128x128xf32, #tpu.memory_space<vmem>> -> memref<64x128xf32, #tpu.memory_space<vmem>>
      %dma_start3A_109 = arith.constant 64 : i32
      %dma_start3A_110 = tpu.memref_slice %arg10[%dma_start3A_104, %dma_start3A_105, %dma_start3A_109] : memref<3x8x128xi32, #tpu.memory_space<vmem>> -> memref<1x1x64xi32, #tpu.memory_space<vmem>>
      %dma_start3A_111 = tpu.memref_squeeze %dma_start3A_110 : memref<1x1x64xi32, #tpu.memory_space<vmem>> -> memref<64xi32, #tpu.memory_space<vmem>>
      %dma_start3A_112 = arith.constant 0 : i32
      %dma_start3A_113 = arith.constant 0 : i32
      %dma_start3A_114 = tpu.memref_slice %arg2[%dma_start3A_112, %dma_start3A_113] : memref<10000x128xf32, #tpu.memory_space<hbm>> -> memref<10000x128xf32, #tpu.memory_space<hbm>>
      tpu.enqueue_indirect_dma source(%dma_start3A_114 : memref<10000x128xf32, #tpu.memory_space<hbm>>) target(%dma_start3A_108 : memref<64x128xf32, #tpu.memory_space<vmem>>) offsets(%dma_start3A_111 : memref<64xi32, #tpu.memory_space<vmem>>) semaphore(%arg15 : memref<!tpu.dma_semaphore, #tpu.memory_space<semaphore_mem>>)
      %scan3A = arith.constant 0 : i32
      %scan3A_115 = arith.constant 0 : i32
      %scan3A_116 = arith.constant 80 : i32
      %scan3A_117 = arith.addi %scan3A_115, %scan3A_116 : i32
      %scan3A_118 = arith.constant 1 : i32
      scf.for %scan3A_137 = %scan3A_115 to %scan3A_117 step %scan3A_118  : i32 {
        %add3A_138 = arith.constant 1 : i32
        %add3A_139 = arith.addi %scan3A_137, %add3A_138 : i32
        %jit3A = arith.constant 8 : i32
        %eq3A_140 = arith.constant 0 : i32
        %eq3A_141 = arith.cmpi eq, %jit3A, %eq3A_140 : i32
        %jit3A_142 = arith.constant 1 : i32
        %select_n3A = arith.select %eq3A_141, %jit3A_142, %jit3A : i32
        %rem3A = arith.remsi %add3A_139, %select_n3A : i32
        %ne3A = arith.constant 0 : i32
        %ne3A_143 = arith.cmpi ne, %rem3A, %ne3A : i32
        %lt3A = arith.constant 0 : i32
        %lt3A_144 = arith.cmpi slt, %rem3A, %lt3A : i32
        %lt3A_145 = arith.constant 0 : i32
        %lt3A_146 = arith.cmpi slt, %select_n3A, %lt3A_145 : i32
        %ne3A_147 = arith.xori %lt3A_144, %lt3A_146 : i1
        %and3A = arith.andi %ne3A_147, %ne3A_143 : i1
        %add3A_148 = arith.addi %rem3A, %select_n3A : i32
        %select_n3A_149 = arith.select %and3A, %add3A_148, %rem3A : i32
        %eq3A_150 = arith.constant 0 : i32
        %eq3A_151 = arith.cmpi eq, %select_n3A_149, %eq3A_150 : i32
        %lt3A_152 = arith.constant 80 : i32
        %lt3A_153 = arith.cmpi slt, %add3A_139, %lt3A_152 : i32
        %and3A_154 = arith.andi %eq3A_151, %lt3A_153 : i1
        %convert_element_type3A_155 = arith.extui %and3A_154 : i1 to i32
        %cond3A_156 = arith.constant 0 : i32
        %cond3A_157 = arith.cmpi ne, %convert_element_type3A_155, %cond3A_156 : i32
        scf.if %cond3A_157 {
          %jit3A_249 = arith.constant 8 : i32
          %div3A_250 = arith.divsi %add3A_139, %jit3A_249 : i32
          %sign3A_251 = arith.constant 0 : i32
          %sign3A_252 = arith.cmpi sgt, %add3A_139, %sign3A_251 : i32
          %sign3A_253 = arith.extui %sign3A_252 : i1 to i32
          %sign3A_254 = arith.constant 0 : i32
          %sign3A_255 = arith.cmpi slt, %add3A_139, %sign3A_254 : i32
          %sign3A_256 = arith.extui %sign3A_255 : i1 to i32
          %sign3A_257 = arith.subi %sign3A_253, %sign3A_256 : i32
          %sign3A_258 = arith.constant 0 : i32
          %sign3A_259 = arith.cmpi sgt, %jit3A_249, %sign3A_258 : i32
          %sign3A_260 = arith.extui %sign3A_259 : i1 to i32
          %sign3A_261 = arith.constant 0 : i32
          %sign3A_262 = arith.cmpi slt, %jit3A_249, %sign3A_261 : i32
          %sign3A_263 = arith.extui %sign3A_262 : i1 to i32
          %sign3A_264 = arith.subi %sign3A_260, %sign3A_263 : i32
          %ne3A_265 = arith.cmpi ne, %sign3A_257, %sign3A_264 : i32
          %rem3A_266 = arith.remsi %add3A_139, %jit3A_249 : i32
          %ne3A_267 = arith.constant 0 : i32
          %ne3A_268 = arith.cmpi ne, %rem3A_266, %ne3A_267 : i32
          %and3A_269 = arith.andi %ne3A_265, %ne3A_268 : i1
          %sub3A_270 = arith.constant 1 : i32
          %sub3A_271 = arith.subi %div3A_250, %sub3A_270 : i32
          %select_n3A_272 = arith.select %and3A_269, %sub3A_271, %div3A_250 : i32
          %jit3A_273 = arith.constant 3 : i32
          %eq3A_274 = arith.constant 0 : i32
          %eq3A_275 = arith.cmpi eq, %jit3A_273, %eq3A_274 : i32
          %jit3A_276 = arith.constant 1 : i32
          %select_n3A_277 = arith.select %eq3A_275, %jit3A_276, %jit3A_273 : i32
          %rem3A_278 = arith.remsi %select_n3A_272, %select_n3A_277 : i32
          %ne3A_279 = arith.constant 0 : i32
          %ne3A_280 = arith.cmpi ne, %rem3A_278, %ne3A_279 : i32
          %lt3A_281 = arith.constant 0 : i32
          %lt3A_282 = arith.cmpi slt, %rem3A_278, %lt3A_281 : i32
          %lt3A_283 = arith.constant 0 : i32
          %lt3A_284 = arith.cmpi slt, %select_n3A_277, %lt3A_283 : i32
          %ne3A_285 = arith.xori %lt3A_282, %lt3A_284 : i1
          %and3A_286 = arith.andi %ne3A_285, %ne3A_280 : i1
          %add3A_287 = arith.addi %rem3A_278, %select_n3A_277 : i32
          %select_n3A_288 = arith.select %and3A_286, %add3A_287, %rem3A_278 : i32
          %dma_wait3A_289 = arith.constant 0 : i32
          %dma_wait3A_290 = arith.constant 0 : i32
          %dma_wait3A_291 = tpu.memref_slice %arg10[%select_n3A_288, %dma_wait3A_289, %dma_wait3A_290] : memref<3x8x128xi32, #tpu.memory_space<vmem>> -> memref<1x8x128xi32, #tpu.memory_space<vmem>>
          %dma_wait3A_292 = tpu.memref_squeeze %dma_wait3A_291 : memref<1x8x128xi32, #tpu.memory_space<vmem>> -> memref<8x128xi32, #tpu.memory_space<vmem>>
          %dma_wait3A_293 = arith.constant 0 : i32
          %dma_wait3A_294 = tpu.memref_slice %arg5[%mul3A_9, %dma_wait3A_293] : memref<1280x128xi32, #tpu.memory_space<hbm>> -> memref<8x128xi32, #tpu.memory_space<hbm>>
          %dma_wait3A_295 = arith.constant 0 : i32
          %dma_wait3A_296 = arith.constant 0 : i32
          %dma_wait3A_297 = tpu.memref_slice %arg10[%select_n3A_288, %dma_wait3A_295, %dma_wait3A_296] : memref<3x8x128xi32, #tpu.memory_space<vmem>> -> memref<1x8x128xi32, #tpu.memory_space<vmem>>
          %dma_wait3A_298 = tpu.memref_squeeze %dma_wait3A_297 : memref<1x8x128xi32, #tpu.memory_space<vmem>> -> memref<8x128xi32, #tpu.memory_space<vmem>>
          %dma_wait3A_299 = arith.constant 0 : i32
          %dma_wait3A_300 = tpu.memref_slice %arg5[%mul3A_9, %dma_wait3A_299] : memref<1280x128xi32, #tpu.memory_space<hbm>> -> memref<8x128xi32, #tpu.memory_space<hbm>>
          tpu.wait_dma2 semaphore(%arg19 : memref<!tpu.dma_semaphore, #tpu.memory_space<semaphore_mem>>) src(%dma_wait3A_300 : memref<8x128xi32, #tpu.memory_space<hbm>>) dst(%dma_wait3A_298 : memref<8x128xi32, #tpu.memory_space<vmem>>)
          %jit3A_301 = arith.constant 3 : i32
          %eq3A_302 = arith.constant 0 : i32
          %eq3A_303 = arith.cmpi eq, %jit3A_301, %eq3A_302 : i32
          %jit3A_304 = arith.constant 1 : i32
          %select_n3A_305 = arith.select %eq3A_303, %jit3A_304, %jit3A_301 : i32
          %rem3A_306 = arith.remsi %select_n3A_272, %select_n3A_305 : i32
          %ne3A_307 = arith.constant 0 : i32
          %ne3A_308 = arith.cmpi ne, %rem3A_306, %ne3A_307 : i32
          %lt3A_309 = arith.constant 0 : i32
          %lt3A_310 = arith.cmpi slt, %rem3A_306, %lt3A_309 : i32
          %lt3A_311 = arith.constant 0 : i32
          %lt3A_312 = arith.cmpi slt, %select_n3A_305, %lt3A_311 : i32
          %ne3A_313 = arith.xori %lt3A_310, %lt3A_312 : i1
          %and3A_314 = arith.andi %ne3A_313, %ne3A_308 : i1
          %add3A_315 = arith.addi %rem3A_306, %select_n3A_305 : i32
          %select_n3A_316 = arith.select %and3A_314, %add3A_315, %rem3A_306 : i32
          %dma_wait3A_317 = arith.constant 0 : i32
          %dma_wait3A_318 = arith.constant 0 : i32
          %dma_wait3A_319 = tpu.memref_slice %arg11[%select_n3A_316, %dma_wait3A_317, %dma_wait3A_318] : memref<3x8x128xi32, #tpu.memory_space<vmem>> -> memref<1x8x128xi32, #tpu.memory_space<vmem>>
          %dma_wait3A_320 = tpu.memref_squeeze %dma_wait3A_319 : memref<1x8x128xi32, #tpu.memory_space<vmem>> -> memref<8x128xi32, #tpu.memory_space<vmem>>
          %dma_wait3A_321 = arith.constant 0 : i32
          %dma_wait3A_322 = tpu.memref_slice %arg6[%mul3A_9, %dma_wait3A_321] : memref<1280x128xi32, #tpu.memory_space<hbm>> -> memref<8x128xi32, #tpu.memory_space<hbm>>
          %dma_wait3A_323 = arith.constant 0 : i32
          %dma_wait3A_324 = arith.constant 0 : i32
          %dma_wait3A_325 = tpu.memref_slice %arg11[%select_n3A_316, %dma_wait3A_323, %dma_wait3A_324] : memref<3x8x128xi32, #tpu.memory_space<vmem>> -> memref<1x8x128xi32, #tpu.memory_space<vmem>>
          %dma_wait3A_326 = tpu.memref_squeeze %dma_wait3A_325 : memref<1x8x128xi32, #tpu.memory_space<vmem>> -> memref<8x128xi32, #tpu.memory_space<vmem>>
          %dma_wait3A_327 = arith.constant 0 : i32
          %dma_wait3A_328 = tpu.memref_slice %arg6[%mul3A_9, %dma_wait3A_327] : memref<1280x128xi32, #tpu.memory_space<hbm>> -> memref<8x128xi32, #tpu.memory_space<hbm>>
          tpu.wait_dma2 semaphore(%arg19 : memref<!tpu.dma_semaphore, #tpu.memory_space<semaphore_mem>>) src(%dma_wait3A_328 : memref<8x128xi32, #tpu.memory_space<hbm>>) dst(%dma_wait3A_326 : memref<8x128xi32, #tpu.memory_space<vmem>>)
          %add3A_329 = arith.constant 1 : i32
          %add3A_330 = arith.addi %select_n3A_272, %add3A_329 : i32
          %lt3A_331 = arith.constant 10 : i32
          %lt3A_332 = arith.cmpi slt, %add3A_330, %lt3A_331 : i32
          %convert_element_type3A_333 = arith.extui %lt3A_332 : i1 to i32
          %cond3A_334 = arith.constant 0 : i32
          %cond3A_335 = arith.cmpi ne, %convert_element_type3A_333, %cond3A_334 : i32
          scf.if %cond3A_335 {
            %add3A_336 = arith.constant 1 : i32
            %add3A_337 = arith.addi %select_n3A_272, %add3A_336 : i32
            %mul3A_338 = arith.constant 8 : i32
            %mul3A_339 = arith.muli %add3A_337, %mul3A_338 : i32
            %add3A_340 = arith.addi %mul3A_9, %mul3A_339 : i32
            %jit3A_341 = arith.constant 3 : i32
            %eq3A_342 = arith.constant 0 : i32
            %eq3A_343 = arith.cmpi eq, %jit3A_341, %eq3A_342 : i32
            %jit3A_344 = arith.constant 1 : i32
            %select_n3A_345 = arith.select %eq3A_343, %jit3A_344, %jit3A_341 : i32
            %rem3A_346 = arith.remsi %add3A_337, %select_n3A_345 : i32
            %ne3A_347 = arith.constant 0 : i32
            %ne3A_348 = arith.cmpi ne, %rem3A_346, %ne3A_347 : i32
            %lt3A_349 = arith.constant 0 : i32
            %lt3A_350 = arith.cmpi slt, %rem3A_346, %lt3A_349 : i32
            %lt3A_351 = arith.constant 0 : i32
            %lt3A_352 = arith.cmpi slt, %select_n3A_345, %lt3A_351 : i32
            %ne3A_353 = arith.xori %lt3A_350, %lt3A_352 : i1
            %and3A_354 = arith.andi %ne3A_353, %ne3A_348 : i1
            %add3A_355 = arith.addi %rem3A_346, %select_n3A_345 : i32
            %select_n3A_356 = arith.select %and3A_354, %add3A_355, %rem3A_346 : i32
            %dma_start3A_357 = arith.constant 0 : i32
            %dma_start3A_358 = arith.constant 0 : i32
            %dma_start3A_359 = tpu.memref_slice %arg10[%select_n3A_356, %dma_start3A_357, %dma_start3A_358] : memref<3x8x128xi32, #tpu.memory_space<vmem>> -> memref<1x8x128xi32, #tpu.memory_space<vmem>>
            %dma_start3A_360 = tpu.memref_squeeze %dma_start3A_359 : memref<1x8x128xi32, #tpu.memory_space<vmem>> -> memref<8x128xi32, #tpu.memory_space<vmem>>
            %dma_start3A_361 = arith.constant 0 : i32
            %dma_start3A_362 = tpu.memref_slice %arg5[%add3A_340, %dma_start3A_361] : memref<1280x128xi32, #tpu.memory_space<hbm>> -> memref<8x128xi32, #tpu.memory_space<hbm>>
            %dma_start3A_363 = arith.constant 0 : i32
            %dma_start3A_364 = arith.constant 0 : i32
            %dma_start3A_365 = tpu.memref_slice %arg10[%select_n3A_356, %dma_start3A_363, %dma_start3A_364] : memref<3x8x128xi32, #tpu.memory_space<vmem>> -> memref<1x8x128xi32, #tpu.memory_space<vmem>>
            %dma_start3A_366 = tpu.memref_squeeze %dma_start3A_365 : memref<1x8x128xi32, #tpu.memory_space<vmem>> -> memref<8x128xi32, #tpu.memory_space<vmem>>
            %dma_start3A_367 = arith.constant 0 : i32
            %dma_start3A_368 = tpu.memref_slice %arg5[%add3A_340, %dma_start3A_367] : memref<1280x128xi32, #tpu.memory_space<hbm>> -> memref<8x128xi32, #tpu.memory_space<hbm>>
            tpu.enqueue_dma source(%dma_start3A_368 : memref<8x128xi32, #tpu.memory_space<hbm>>) target(%dma_start3A_366 : memref<8x128xi32, #tpu.memory_space<vmem>>) target_semaphore(%arg19 : memref<!tpu.dma_semaphore, #tpu.memory_space<semaphore_mem>>)
            %mul3A_369 = arith.constant 8 : i32
            %mul3A_370 = arith.muli %add3A_337, %mul3A_369 : i32
            %add3A_371 = arith.addi %mul3A_9, %mul3A_370 : i32
            %jit3A_372 = arith.constant 3 : i32
            %eq3A_373 = arith.constant 0 : i32
            %eq3A_374 = arith.cmpi eq, %jit3A_372, %eq3A_373 : i32
            %jit3A_375 = arith.constant 1 : i32
            %select_n3A_376 = arith.select %eq3A_374, %jit3A_375, %jit3A_372 : i32
            %rem3A_377 = arith.remsi %add3A_337, %select_n3A_376 : i32
            %ne3A_378 = arith.constant 0 : i32
            %ne3A_379 = arith.cmpi ne, %rem3A_377, %ne3A_378 : i32
            %lt3A_380 = arith.constant 0 : i32
            %lt3A_381 = arith.cmpi slt, %rem3A_377, %lt3A_380 : i32
            %lt3A_382 = arith.constant 0 : i32
            %lt3A_383 = arith.cmpi slt, %select_n3A_376, %lt3A_382 : i32
            %ne3A_384 = arith.xori %lt3A_381, %lt3A_383 : i1
            %and3A_385 = arith.andi %ne3A_384, %ne3A_379 : i1
            %add3A_386 = arith.addi %rem3A_377, %select_n3A_376 : i32
            %select_n3A_387 = arith.select %and3A_385, %add3A_386, %rem3A_377 : i32
            %dma_start3A_388 = arith.constant 0 : i32
            %dma_start3A_389 = arith.constant 0 : i32
            %dma_start3A_390 = tpu.memref_slice %arg11[%select_n3A_387, %dma_start3A_388, %dma_start3A_389] : memref<3x8x128xi32, #tpu.memory_space<vmem>> -> memref<1x8x128xi32, #tpu.memory_space<vmem>>
            %dma_start3A_391 = tpu.memref_squeeze %dma_start3A_390 : memref<1x8x128xi32, #tpu.memory_space<vmem>> -> memref<8x128xi32, #tpu.memory_space<vmem>>
            %dma_start3A_392 = arith.constant 0 : i32
            %dma_start3A_393 = tpu.memref_slice %arg6[%add3A_371, %dma_start3A_392] : memref<1280x128xi32, #tpu.memory_space<hbm>> -> memref<8x128xi32, #tpu.memory_space<hbm>>
            %dma_start3A_394 = arith.constant 0 : i32
            %dma_start3A_395 = arith.constant 0 : i32
            %dma_start3A_396 = tpu.memref_slice %arg11[%select_n3A_387, %dma_start3A_394, %dma_start3A_395] : memref<3x8x128xi32, #tpu.memory_space<vmem>> -> memref<1x8x128xi32, #tpu.memory_space<vmem>>
            %dma_start3A_397 = tpu.memref_squeeze %dma_start3A_396 : memref<1x8x128xi32, #tpu.memory_space<vmem>> -> memref<8x128xi32, #tpu.memory_space<vmem>>
            %dma_start3A_398 = arith.constant 0 : i32
            %dma_start3A_399 = tpu.memref_slice %arg6[%add3A_371, %dma_start3A_398] : memref<1280x128xi32, #tpu.memory_space<hbm>> -> memref<8x128xi32, #tpu.memory_space<hbm>>
            tpu.enqueue_dma source(%dma_start3A_399 : memref<8x128xi32, #tpu.memory_space<hbm>>) target(%dma_start3A_397 : memref<8x128xi32, #tpu.memory_space<vmem>>) target_semaphore(%arg19 : memref<!tpu.dma_semaphore, #tpu.memory_space<semaphore_mem>>)
          } else {
          }
        } else {
        }
        %lt3A_158 = arith.constant 80 : i32
        %lt3A_159 = arith.cmpi slt, %add3A_139, %lt3A_158 : i32
        %ge3A = arith.constant 1 : i32
        %ge3A_160 = arith.cmpi sge, %scan3A_137, %ge3A : i32
        %and3A_161 = arith.andi %lt3A_159, %ge3A_160 : i1
        %convert_element_type3A_162 = arith.extui %and3A_161 : i1 to i32
        %cond3A_163 = arith.constant 0 : i32
        %cond3A_164 = arith.cmpi ne, %convert_element_type3A_162, %cond3A_163 : i32
        scf.if %cond3A_164 {
          %jit3A_249 = arith.constant 2 : i32
          %eq3A_250 = arith.constant 0 : i32
          %eq3A_251 = arith.cmpi eq, %jit3A_249, %eq3A_250 : i32
          %jit3A_252 = arith.constant 1 : i32
          %select_n3A_253 = arith.select %eq3A_251, %jit3A_252, %jit3A_249 : i32
          %rem3A_254 = arith.remsi %add3A_139, %select_n3A_253 : i32
          %ne3A_255 = arith.constant 0 : i32
          %ne3A_256 = arith.cmpi ne, %rem3A_254, %ne3A_255 : i32
          %lt3A_257 = arith.constant 0 : i32
          %lt3A_258 = arith.cmpi slt, %rem3A_254, %lt3A_257 : i32
          %lt3A_259 = arith.constant 0 : i32
          %lt3A_260 = arith.cmpi slt, %select_n3A_253, %lt3A_259 : i32
          %ne3A_261 = arith.xori %lt3A_258, %lt3A_260 : i1
          %and3A_262 = arith.andi %ne3A_261, %ne3A_256 : i1
          %add3A_263 = arith.addi %rem3A_254, %select_n3A_253 : i32
          %select_n3A_264 = arith.select %and3A_262, %add3A_263, %rem3A_254 : i32
          %eq3A_265 = arith.constant 0 : i32
          %eq3A_266 = arith.cmpi eq, %select_n3A_264, %eq3A_265 : i32
          %convert_element_type3A_267 = arith.extui %eq3A_266 : i1 to i32
          %cond3A_268 = arith.constant 0 : i32
          %cond3A_269 = arith.cmpi ne, %convert_element_type3A_267, %cond3A_268 : i32
          scf.if %cond3A_269 {
            %dma_wait3A_291 = arith.constant 0 : i32
            %dma_wait3A_292 = arith.constant 0 : i32
            %dma_wait3A_293 = arith.constant 0 : i32
            %dma_wait3A_294 = tpu.memref_slice %arg11[%dma_wait3A_291, %dma_wait3A_292, %dma_wait3A_293] : memref<3x8x128xi32, #tpu.memory_space<vmem>> -> memref<1x1x128xi32, #tpu.memory_space<vmem>>
            %dma_wait3A_295 = tpu.memref_squeeze %dma_wait3A_294 : memref<1x1x128xi32, #tpu.memory_space<vmem>> -> memref<128xi32, #tpu.memory_space<vmem>>
            %dma_wait3A_296 = arith.constant 0 : i32
            %dma_wait3A_297 = arith.constant 0 : i32
            %dma_wait3A_298 = tpu.memref_slice %arg14[%dma_wait3A_296, %dma_wait3A_297] : memref<10112x128xf32, #tpu.memory_space<vmem_shared>> -> memref<10112x128xf32, #tpu.memory_space<vmem_shared>>
            tpu.wait_indirect_dma semaphore(%arg17 : memref<!tpu.dma_semaphore, #tpu.memory_space<semaphore_mem>>) src(%arg12 : memref<128x128xf32, #tpu.memory_space<vmem>>) dst(%dma_wait3A_298 : memref<10112x128xf32, #tpu.memory_space<vmem_shared>>)
          } else {
          }
          %jit3A_270 = arith.constant 2 : i32
          %eq3A_271 = arith.constant 0 : i32
          %eq3A_272 = arith.cmpi eq, %jit3A_270, %eq3A_271 : i32
          %jit3A_273 = arith.constant 1 : i32
          %select_n3A_274 = arith.select %eq3A_272, %jit3A_273, %jit3A_270 : i32
          %rem3A_275 = arith.remsi %add3A_139, %select_n3A_274 : i32
          %ne3A_276 = arith.constant 0 : i32
          %ne3A_277 = arith.cmpi ne, %rem3A_275, %ne3A_276 : i32
          %lt3A_278 = arith.constant 0 : i32
          %lt3A_279 = arith.cmpi slt, %rem3A_275, %lt3A_278 : i32
          %lt3A_280 = arith.constant 0 : i32
          %lt3A_281 = arith.cmpi slt, %select_n3A_274, %lt3A_280 : i32
          %ne3A_282 = arith.xori %lt3A_279, %lt3A_281 : i1
          %and3A_283 = arith.andi %ne3A_282, %ne3A_277 : i1
          %add3A_284 = arith.addi %rem3A_275, %select_n3A_274 : i32
          %select_n3A_285 = arith.select %and3A_283, %add3A_284, %rem3A_275 : i32
          %eq3A_286 = arith.constant 1 : i32
          %eq3A_287 = arith.cmpi eq, %select_n3A_285, %eq3A_286 : i32
          %convert_element_type3A_288 = arith.extui %eq3A_287 : i1 to i32
          %cond3A_289 = arith.constant 0 : i32
          %cond3A_290 = arith.cmpi ne, %convert_element_type3A_288, %cond3A_289 : i32
          scf.if %cond3A_290 {
            %dma_wait3A_291 = arith.constant 0 : i32
            %dma_wait3A_292 = arith.constant 0 : i32
            %dma_wait3A_293 = arith.constant 0 : i32
            %dma_wait3A_294 = tpu.memref_slice %arg11[%dma_wait3A_291, %dma_wait3A_292, %dma_wait3A_293] : memref<3x8x128xi32, #tpu.memory_space<vmem>> -> memref<1x1x128xi32, #tpu.memory_space<vmem>>
            %dma_wait3A_295 = tpu.memref_squeeze %dma_wait3A_294 : memref<1x1x128xi32, #tpu.memory_space<vmem>> -> memref<128xi32, #tpu.memory_space<vmem>>
            %dma_wait3A_296 = arith.constant 0 : i32
            %dma_wait3A_297 = arith.constant 0 : i32
            %dma_wait3A_298 = tpu.memref_slice %arg14[%dma_wait3A_296, %dma_wait3A_297] : memref<10112x128xf32, #tpu.memory_space<vmem_shared>> -> memref<10112x128xf32, #tpu.memory_space<vmem_shared>>
            tpu.wait_indirect_dma semaphore(%arg18 : memref<!tpu.dma_semaphore, #tpu.memory_space<semaphore_mem>>) src(%arg13 : memref<128x128xf32, #tpu.memory_space<vmem>>) dst(%dma_wait3A_298 : memref<10112x128xf32, #tpu.memory_space<vmem_shared>>)
          } else {
          }
        } else {
        }
        %lt3A_165 = arith.constant 80 : i32
        %lt3A_166 = arith.cmpi slt, %add3A_139, %lt3A_165 : i32
        %convert_element_type3A_167 = arith.extui %lt3A_166 : i1 to i32
        %cond3A_168 = arith.constant 0 : i32
        %cond3A_169 = arith.cmpi ne, %convert_element_type3A_167, %cond3A_168 : i32
        scf.if %cond3A_169 {
          %jit3A_249 = arith.constant 8 : i32
          %div3A_250 = arith.divsi %add3A_139, %jit3A_249 : i32
          %sign3A_251 = arith.constant 0 : i32
          %sign3A_252 = arith.cmpi sgt, %add3A_139, %sign3A_251 : i32
          %sign3A_253 = arith.extui %sign3A_252 : i1 to i32
          %sign3A_254 = arith.constant 0 : i32
          %sign3A_255 = arith.cmpi slt, %add3A_139, %sign3A_254 : i32
          %sign3A_256 = arith.extui %sign3A_255 : i1 to i32
          %sign3A_257 = arith.subi %sign3A_253, %sign3A_256 : i32
          %sign3A_258 = arith.constant 0 : i32
          %sign3A_259 = arith.cmpi sgt, %jit3A_249, %sign3A_258 : i32
          %sign3A_260 = arith.extui %sign3A_259 : i1 to i32
          %sign3A_261 = arith.constant 0 : i32
          %sign3A_262 = arith.cmpi slt, %jit3A_249, %sign3A_261 : i32
          %sign3A_263 = arith.extui %sign3A_262 : i1 to i32
          %sign3A_264 = arith.subi %sign3A_260, %sign3A_263 : i32
          %ne3A_265 = arith.cmpi ne, %sign3A_257, %sign3A_264 : i32
          %rem3A_266 = arith.remsi %add3A_139, %jit3A_249 : i32
          %ne3A_267 = arith.constant 0 : i32
          %ne3A_268 = arith.cmpi ne, %rem3A_266, %ne3A_267 : i32
          %and3A_269 = arith.andi %ne3A_265, %ne3A_268 : i1
          %sub3A_270 = arith.constant 1 : i32
          %sub3A_271 = arith.subi %div3A_250, %sub3A_270 : i32
          %select_n3A_272 = arith.select %and3A_269, %sub3A_271, %div3A_250 : i32
          %jit3A_273 = arith.constant 3 : i32
          %eq3A_274 = arith.constant 0 : i32
          %eq3A_275 = arith.cmpi eq, %jit3A_273, %eq3A_274 : i32
          %jit3A_276 = arith.constant 1 : i32
          %select_n3A_277 = arith.select %eq3A_275, %jit3A_276, %jit3A_273 : i32
          %rem3A_278 = arith.remsi %select_n3A_272, %select_n3A_277 : i32
          %ne3A_279 = arith.constant 0 : i32
          %ne3A_280 = arith.cmpi ne, %rem3A_278, %ne3A_279 : i32
          %lt3A_281 = arith.constant 0 : i32
          %lt3A_282 = arith.cmpi slt, %rem3A_278, %lt3A_281 : i32
          %lt3A_283 = arith.constant 0 : i32
          %lt3A_284 = arith.cmpi slt, %select_n3A_277, %lt3A_283 : i32
          %ne3A_285 = arith.xori %lt3A_282, %lt3A_284 : i1
          %and3A_286 = arith.andi %ne3A_285, %ne3A_280 : i1
          %add3A_287 = arith.addi %rem3A_278, %select_n3A_277 : i32
          %select_n3A_288 = arith.select %and3A_286, %add3A_287, %rem3A_278 : i32
          %jit3A_289 = arith.constant 8 : i32
          %eq3A_290 = arith.constant 0 : i32
          %eq3A_291 = arith.cmpi eq, %jit3A_289, %eq3A_290 : i32
          %jit3A_292 = arith.constant 1 : i32
          %select_n3A_293 = arith.select %eq3A_291, %jit3A_292, %jit3A_289 : i32
          %rem3A_294 = arith.remsi %add3A_139, %select_n3A_293 : i32
          %ne3A_295 = arith.constant 0 : i32
          %ne3A_296 = arith.cmpi ne, %rem3A_294, %ne3A_295 : i32
          %lt3A_297 = arith.constant 0 : i32
          %lt3A_298 = arith.cmpi slt, %rem3A_294, %lt3A_297 : i32
          %lt3A_299 = arith.constant 0 : i32
          %lt3A_300 = arith.cmpi slt, %select_n3A_293, %lt3A_299 : i32
          %ne3A_301 = arith.xori %lt3A_298, %lt3A_300 : i1
          %and3A_302 = arith.andi %ne3A_301, %ne3A_296 : i1
          %add3A_303 = arith.addi %rem3A_294, %select_n3A_293 : i32
          %select_n3A_304 = arith.select %and3A_302, %add3A_303, %rem3A_294 : i32
          %jit3A_305 = arith.constant 2 : i32
          %eq3A_306 = arith.constant 0 : i32
          %eq3A_307 = arith.cmpi eq, %jit3A_305, %eq3A_306 : i32
          %jit3A_308 = arith.constant 1 : i32
          %select_n3A_309 = arith.select %eq3A_307, %jit3A_308, %jit3A_305 : i32
          %rem3A_310 = arith.remsi %add3A_139, %select_n3A_309 : i32
          %ne3A_311 = arith.constant 0 : i32
          %ne3A_312 = arith.cmpi ne, %rem3A_310, %ne3A_311 : i32
          %lt3A_313 = arith.constant 0 : i32
          %lt3A_314 = arith.cmpi slt, %rem3A_310, %lt3A_313 : i32
          %lt3A_315 = arith.constant 0 : i32
          %lt3A_316 = arith.cmpi slt, %select_n3A_309, %lt3A_315 : i32
          %ne3A_317 = arith.xori %lt3A_314, %lt3A_316 : i1
          %and3A_318 = arith.andi %ne3A_317, %ne3A_312 : i1
          %add3A_319 = arith.addi %rem3A_310, %select_n3A_309 : i32
          %select_n3A_320 = arith.select %and3A_318, %add3A_319, %rem3A_310 : i32
          %eq3A_321 = arith.constant 0 : i32
          %eq3A_322 = arith.cmpi eq, %select_n3A_320, %eq3A_321 : i32
          %convert_element_type3A_323 = arith.extui %eq3A_322 : i1 to i32
          %cond3A_324 = arith.constant 0 : i32
          %cond3A_325 = arith.cmpi ne, %convert_element_type3A_323, %cond3A_324 : i32
          scf.if %cond3A_325 {
            %dma_start3A_347 = arith.constant 0 : i32
            %dma_start3A_348 = arith.constant 0 : i32
            %dma_start3A_349 = tpu.memref_slice %arg12[%dma_start3A_347, %dma_start3A_348] : memref<128x128xf32, #tpu.memory_space<vmem>> -> memref<64x128xf32, #tpu.memory_space<vmem>>
            %dma_start3A_350 = arith.constant 0 : i32
            %dma_start3A_351 = tpu.memref_slice %arg10[%select_n3A_288, %select_n3A_304, %dma_start3A_350] : memref<3x8x128xi32, #tpu.memory_space<vmem>> -> memref<1x1x64xi32, #tpu.memory_space<vmem>>
            %dma_start3A_352 = tpu.memref_squeeze %dma_start3A_351 : memref<1x1x64xi32, #tpu.memory_space<vmem>> -> memref<64xi32, #tpu.memory_space<vmem>>
            %dma_start3A_353 = arith.constant 0 : i32
            %dma_start3A_354 = arith.constant 0 : i32
            %dma_start3A_355 = tpu.memref_slice %arg2[%dma_start3A_353, %dma_start3A_354] : memref<10000x128xf32, #tpu.memory_space<hbm>> -> memref<10000x128xf32, #tpu.memory_space<hbm>>
            tpu.enqueue_indirect_dma source(%dma_start3A_355 : memref<10000x128xf32, #tpu.memory_space<hbm>>) target(%dma_start3A_349 : memref<64x128xf32, #tpu.memory_space<vmem>>) offsets(%dma_start3A_352 : memref<64xi32, #tpu.memory_space<vmem>>) semaphore(%arg15 : memref<!tpu.dma_semaphore, #tpu.memory_space<semaphore_mem>>)
            %dma_start3A_356 = arith.constant 64 : i32
            %dma_start3A_357 = arith.constant 0 : i32
            %dma_start3A_358 = tpu.memref_slice %arg12[%dma_start3A_356, %dma_start3A_357] : memref<128x128xf32, #tpu.memory_space<vmem>> -> memref<64x128xf32, #tpu.memory_space<vmem>>
            %dma_start3A_359 = arith.constant 64 : i32
            %dma_start3A_360 = tpu.memref_slice %arg10[%select_n3A_288, %select_n3A_304, %dma_start3A_359] : memref<3x8x128xi32, #tpu.memory_space<vmem>> -> memref<1x1x64xi32, #tpu.memory_space<vmem>>
            %dma_start3A_361 = tpu.memref_squeeze %dma_start3A_360 : memref<1x1x64xi32, #tpu.memory_space<vmem>> -> memref<64xi32, #tpu.memory_space<vmem>>
            %dma_start3A_362 = arith.constant 0 : i32
            %dma_start3A_363 = arith.constant 0 : i32
            %dma_start3A_364 = tpu.memref_slice %arg2[%dma_start3A_362, %dma_start3A_363] : memref<10000x128xf32, #tpu.memory_space<hbm>> -> memref<10000x128xf32, #tpu.memory_space<hbm>>
            tpu.enqueue_indirect_dma source(%dma_start3A_364 : memref<10000x128xf32, #tpu.memory_space<hbm>>) target(%dma_start3A_358 : memref<64x128xf32, #tpu.memory_space<vmem>>) offsets(%dma_start3A_361 : memref<64xi32, #tpu.memory_space<vmem>>) semaphore(%arg15 : memref<!tpu.dma_semaphore, #tpu.memory_space<semaphore_mem>>)
          } else {
          }
          %jit3A_326 = arith.constant 2 : i32
          %eq3A_327 = arith.constant 0 : i32
          %eq3A_328 = arith.cmpi eq, %jit3A_326, %eq3A_327 : i32
          %jit3A_329 = arith.constant 1 : i32
          %select_n3A_330 = arith.select %eq3A_328, %jit3A_329, %jit3A_326 : i32
          %rem3A_331 = arith.remsi %add3A_139, %select_n3A_330 : i32
          %ne3A_332 = arith.constant 0 : i32
          %ne3A_333 = arith.cmpi ne, %rem3A_331, %ne3A_332 : i32
          %lt3A_334 = arith.constant 0 : i32
          %lt3A_335 = arith.cmpi slt, %rem3A_331, %lt3A_334 : i32
          %lt3A_336 = arith.constant 0 : i32
          %lt3A_337 = arith.cmpi slt, %select_n3A_330, %lt3A_336 : i32
          %ne3A_338 = arith.xori %lt3A_335, %lt3A_337 : i1
          %and3A_339 = arith.andi %ne3A_338, %ne3A_333 : i1
          %add3A_340 = arith.addi %rem3A_331, %select_n3A_330 : i32
          %select_n3A_341 = arith.select %and3A_339, %add3A_340, %rem3A_331 : i32
          %eq3A_342 = arith.constant 1 : i32
          %eq3A_343 = arith.cmpi eq, %select_n3A_341, %eq3A_342 : i32
          %convert_element_type3A_344 = arith.extui %eq3A_343 : i1 to i32
          %cond3A_345 = arith.constant 0 : i32
          %cond3A_346 = arith.cmpi ne, %convert_element_type3A_344, %cond3A_345 : i32
          scf.if %cond3A_346 {
            %dma_start3A_347 = arith.constant 0 : i32
            %dma_start3A_348 = arith.constant 0 : i32
            %dma_start3A_349 = tpu.memref_slice %arg13[%dma_start3A_347, %dma_start3A_348] : memref<128x128xf32, #tpu.memory_space<vmem>> -> memref<64x128xf32, #tpu.memory_space<vmem>>
            %dma_start3A_350 = arith.constant 0 : i32
            %dma_start3A_351 = tpu.memref_slice %arg10[%select_n3A_288, %select_n3A_304, %dma_start3A_350] : memref<3x8x128xi32, #tpu.memory_space<vmem>> -> memref<1x1x64xi32, #tpu.memory_space<vmem>>
            %dma_start3A_352 = tpu.memref_squeeze %dma_start3A_351 : memref<1x1x64xi32, #tpu.memory_space<vmem>> -> memref<64xi32, #tpu.memory_space<vmem>>
            %dma_start3A_353 = arith.constant 0 : i32
            %dma_start3A_354 = arith.constant 0 : i32
            %dma_start3A_355 = tpu.memref_slice %arg2[%dma_start3A_353, %dma_start3A_354] : memref<10000x128xf32, #tpu.memory_space<hbm>> -> memref<10000x128xf32, #tpu.memory_space<hbm>>
            tpu.enqueue_indirect_dma source(%dma_start3A_355 : memref<10000x128xf32, #tpu.memory_space<hbm>>) target(%dma_start3A_349 : memref<64x128xf32, #tpu.memory_space<vmem>>) offsets(%dma_start3A_352 : memref<64xi32, #tpu.memory_space<vmem>>) semaphore(%arg16 : memref<!tpu.dma_semaphore, #tpu.memory_space<semaphore_mem>>)
            %dma_start3A_356 = arith.constant 64 : i32
            %dma_start3A_357 = arith.constant 0 : i32
            %dma_start3A_358 = tpu.memref_slice %arg13[%dma_start3A_356, %dma_start3A_357] : memref<128x128xf32, #tpu.memory_space<vmem>> -> memref<64x128xf32, #tpu.memory_space<vmem>>
            %dma_start3A_359 = arith.constant 64 : i32
            %dma_start3A_360 = tpu.memref_slice %arg10[%select_n3A_288, %select_n3A_304, %dma_start3A_359] : memref<3x8x128xi32, #tpu.memory_space<vmem>> -> memref<1x1x64xi32, #tpu.memory_space<vmem>>
            %dma_start3A_361 = tpu.memref_squeeze %dma_start3A_360 : memref<1x1x64xi32, #tpu.memory_space<vmem>> -> memref<64xi32, #tpu.memory_space<vmem>>
            %dma_start3A_362 = arith.constant 0 : i32
            %dma_start3A_363 = arith.constant 0 : i32
            %dma_start3A_364 = tpu.memref_slice %arg2[%dma_start3A_362, %dma_start3A_363] : memref<10000x128xf32, #tpu.memory_space<hbm>> -> memref<10000x128xf32, #tpu.memory_space<hbm>>
            tpu.enqueue_indirect_dma source(%dma_start3A_364 : memref<10000x128xf32, #tpu.memory_space<hbm>>) target(%dma_start3A_358 : memref<64x128xf32, #tpu.memory_space<vmem>>) offsets(%dma_start3A_361 : memref<64xi32, #tpu.memory_space<vmem>>) semaphore(%arg16 : memref<!tpu.dma_semaphore, #tpu.memory_space<semaphore_mem>>)
          } else {
          }
        } else {
        }
        %jit3A_170 = arith.constant 8 : i32
        %div3A = arith.divsi %scan3A_137, %jit3A_170 : i32
        %sign3A = arith.constant 0 : i32
        %sign3A_171 = arith.cmpi sgt, %scan3A_137, %sign3A : i32
        %sign3A_172 = arith.extui %sign3A_171 : i1 to i32
        %sign3A_173 = arith.constant 0 : i32
        %sign3A_174 = arith.cmpi slt, %scan3A_137, %sign3A_173 : i32
        %sign3A_175 = arith.extui %sign3A_174 : i1 to i32
        %sign3A_176 = arith.subi %sign3A_172, %sign3A_175 : i32
        %sign3A_177 = arith.constant 0 : i32
        %sign3A_178 = arith.cmpi sgt, %jit3A_170, %sign3A_177 : i32
        %sign3A_179 = arith.extui %sign3A_178 : i1 to i32
        %sign3A_180 = arith.constant 0 : i32
        %sign3A_181 = arith.cmpi slt, %jit3A_170, %sign3A_180 : i32
        %sign3A_182 = arith.extui %sign3A_181 : i1 to i32
        %sign3A_183 = arith.subi %sign3A_179, %sign3A_182 : i32
        %ne3A_184 = arith.cmpi ne, %sign3A_176, %sign3A_183 : i32
        %rem3A_185 = arith.remsi %scan3A_137, %jit3A_170 : i32
        %ne3A_186 = arith.constant 0 : i32
        %ne3A_187 = arith.cmpi ne, %rem3A_185, %ne3A_186 : i32
        %and3A_188 = arith.andi %ne3A_184, %ne3A_187 : i1
        %sub3A = arith.constant 1 : i32
        %sub3A_189 = arith.subi %div3A, %sub3A : i32
        %select_n3A_190 = arith.select %and3A_188, %sub3A_189, %div3A : i32
        %jit3A_191 = arith.constant 3 : i32
        %eq3A_192 = arith.constant 0 : i32
        %eq3A_193 = arith.cmpi eq, %jit3A_191, %eq3A_192 : i32
        %jit3A_194 = arith.constant 1 : i32
        %select_n3A_195 = arith.select %eq3A_193, %jit3A_194, %jit3A_191 : i32
        %rem3A_196 = arith.remsi %select_n3A_190, %select_n3A_195 : i32
        %ne3A_197 = arith.constant 0 : i32
        %ne3A_198 = arith.cmpi ne, %rem3A_196, %ne3A_197 : i32
        %lt3A_199 = arith.constant 0 : i32
        %lt3A_200 = arith.cmpi slt, %rem3A_196, %lt3A_199 : i32
        %lt3A_201 = arith.constant 0 : i32
        %lt3A_202 = arith.cmpi slt, %select_n3A_195, %lt3A_201 : i32
        %ne3A_203 = arith.xori %lt3A_200, %lt3A_202 : i1
        %and3A_204 = arith.andi %ne3A_203, %ne3A_198 : i1
        %add3A_205 = arith.addi %rem3A_196, %select_n3A_195 : i32
        %select_n3A_206 = arith.select %and3A_204, %add3A_205, %rem3A_196 : i32
        %jit3A_207 = arith.constant 2 : i32
        %eq3A_208 = arith.constant 0 : i32
        %eq3A_209 = arith.cmpi eq, %jit3A_207, %eq3A_208 : i32
        %jit3A_210 = arith.constant 1 : i32
        %select_n3A_211 = arith.select %eq3A_209, %jit3A_210, %jit3A_207 : i32
        %rem3A_212 = arith.remsi %scan3A_137, %select_n3A_211 : i32
        %ne3A_213 = arith.constant 0 : i32
        %ne3A_214 = arith.cmpi ne, %rem3A_212, %ne3A_213 : i32
        %lt3A_215 = arith.constant 0 : i32
        %lt3A_216 = arith.cmpi slt, %rem3A_212, %lt3A_215 : i32
        %lt3A_217 = arith.constant 0 : i32
        %lt3A_218 = arith.cmpi slt, %select_n3A_211, %lt3A_217 : i32
        %ne3A_219 = arith.xori %lt3A_216, %lt3A_218 : i1
        %and3A_220 = arith.andi %ne3A_219, %ne3A_214 : i1
        %add3A_221 = arith.addi %rem3A_212, %select_n3A_211 : i32
        %select_n3A_222 = arith.select %and3A_220, %add3A_221, %rem3A_212 : i32
        %eq3A_223 = arith.constant 0 : i32
        %eq3A_224 = arith.cmpi eq, %select_n3A_222, %eq3A_223 : i32
        %convert_element_type3A_225 = arith.extui %eq3A_224 : i1 to i32
        %cond3A_226 = arith.constant 0 : i32
        %cond3A_227 = arith.cmpi ne, %convert_element_type3A_225, %cond3A_226 : i32
        scf.if %cond3A_227 {
          %dma_wait3A_249 = arith.constant 0 : i32
          %dma_wait3A_250 = arith.constant 0 : i32
          %dma_wait3A_251 = arith.constant 0 : i32
          %dma_wait3A_252 = tpu.memref_slice %arg10[%dma_wait3A_249, %dma_wait3A_250, %dma_wait3A_251] : memref<3x8x128xi32, #tpu.memory_space<vmem>> -> memref<1x1x128xi32, #tpu.memory_space<vmem>>
          %dma_wait3A_253 = tpu.memref_squeeze %dma_wait3A_252 : memref<1x1x128xi32, #tpu.memory_space<vmem>> -> memref<128xi32, #tpu.memory_space<vmem>>
          %dma_wait3A_254 = arith.constant 0 : i32
          %dma_wait3A_255 = arith.constant 0 : i32
          %dma_wait3A_256 = tpu.memref_slice %arg2[%dma_wait3A_254, %dma_wait3A_255] : memref<10000x128xf32, #tpu.memory_space<hbm>> -> memref<10000x128xf32, #tpu.memory_space<hbm>>
          tpu.wait_indirect_dma semaphore(%arg15 : memref<!tpu.dma_semaphore, #tpu.memory_space<semaphore_mem>>) src(%dma_wait3A_256 : memref<10000x128xf32, #tpu.memory_space<hbm>>) dst(%arg12 : memref<128x128xf32, #tpu.memory_space<vmem>>)
          %jit3A_257 = arith.constant 8 : i32
          %eq3A_258 = arith.constant 0 : i32
          %eq3A_259 = arith.cmpi eq, %jit3A_257, %eq3A_258 : i32
          %jit3A_260 = arith.constant 1 : i32
          %select_n3A_261 = arith.select %eq3A_259, %jit3A_260, %jit3A_257 : i32
          %rem3A_262 = arith.remsi %scan3A_137, %select_n3A_261 : i32
          %ne3A_263 = arith.constant 0 : i32
          %ne3A_264 = arith.cmpi ne, %rem3A_262, %ne3A_263 : i32
          %lt3A_265 = arith.constant 0 : i32
          %lt3A_266 = arith.cmpi slt, %rem3A_262, %lt3A_265 : i32
          %lt3A_267 = arith.constant 0 : i32
          %lt3A_268 = arith.cmpi slt, %select_n3A_261, %lt3A_267 : i32
          %ne3A_269 = arith.xori %lt3A_266, %lt3A_268 : i1
          %and3A_270 = arith.andi %ne3A_269, %ne3A_264 : i1
          %add3A_271 = arith.addi %rem3A_262, %select_n3A_261 : i32
          %select_n3A_272 = arith.select %and3A_270, %add3A_271, %rem3A_262 : i32
          %dma_start3A_273 = arith.constant 0 : i32
          %dma_start3A_274 = tpu.memref_slice %arg11[%select_n3A_206, %select_n3A_272, %dma_start3A_273] : memref<3x8x128xi32, #tpu.memory_space<vmem>> -> memref<1x1x128xi32, #tpu.memory_space<vmem>>
          %dma_start3A_275 = tpu.memref_squeeze %dma_start3A_274 : memref<1x1x128xi32, #tpu.memory_space<vmem>> -> memref<128xi32, #tpu.memory_space<vmem>>
          %dma_start3A_276 = arith.constant 0 : i32
          %dma_start3A_277 = arith.constant 0 : i32
          %dma_start3A_278 = tpu.memref_slice %arg14[%dma_start3A_276, %dma_start3A_277] : memref<10112x128xf32, #tpu.memory_space<vmem_shared>> -> memref<10112x128xf32, #tpu.memory_space<vmem_shared>>
          tpu.enqueue_indirect_dma source(%arg12 : memref<128x128xf32, #tpu.memory_space<vmem>>) target(%dma_start3A_278 : memref<10112x128xf32, #tpu.memory_space<vmem_shared>>) offsets(%dma_start3A_275 : memref<128xi32, #tpu.memory_space<vmem>>) semaphore(%arg17 : memref<!tpu.dma_semaphore, #tpu.memory_space<semaphore_mem>>) {add = true}
        } else {
        }
        %jit3A_228 = arith.constant 2 : i32
        %eq3A_229 = arith.constant 0 : i32
        %eq3A_230 = arith.cmpi eq, %jit3A_228, %eq3A_229 : i32
        %jit3A_231 = arith.constant 1 : i32
        %select_n3A_232 = arith.select %eq3A_230, %jit3A_231, %jit3A_228 : i32
        %rem3A_233 = arith.remsi %scan3A_137, %select_n3A_232 : i32
        %ne3A_234 = arith.constant 0 : i32
        %ne3A_235 = arith.cmpi ne, %rem3A_233, %ne3A_234 : i32
        %lt3A_236 = arith.constant 0 : i32
        %lt3A_237 = arith.cmpi slt, %rem3A_233, %lt3A_236 : i32
        %lt3A_238 = arith.constant 0 : i32
        %lt3A_239 = arith.cmpi slt, %select_n3A_232, %lt3A_238 : i32
        %ne3A_240 = arith.xori %lt3A_237, %lt3A_239 : i1
        %and3A_241 = arith.andi %ne3A_240, %ne3A_235 : i1
        %add3A_242 = arith.addi %rem3A_233, %select_n3A_232 : i32
        %select_n3A_243 = arith.select %and3A_241, %add3A_242, %rem3A_233 : i32
        %eq3A_244 = arith.constant 1 : i32
        %eq3A_245 = arith.cmpi eq, %select_n3A_243, %eq3A_244 : i32
        %convert_element_type3A_246 = arith.extui %eq3A_245 : i1 to i32
        %cond3A_247 = arith.constant 0 : i32
        %cond3A_248 = arith.cmpi ne, %convert_element_type3A_246, %cond3A_247 : i32
        scf.if %cond3A_248 {
          %dma_wait3A_249 = arith.constant 0 : i32
          %dma_wait3A_250 = arith.constant 0 : i32
          %dma_wait3A_251 = arith.constant 0 : i32
          %dma_wait3A_252 = tpu.memref_slice %arg10[%dma_wait3A_249, %dma_wait3A_250, %dma_wait3A_251] : memref<3x8x128xi32, #tpu.memory_space<vmem>> -> memref<1x1x128xi32, #tpu.memory_space<vmem>>
          %dma_wait3A_253 = tpu.memref_squeeze %dma_wait3A_252 : memref<1x1x128xi32, #tpu.memory_space<vmem>> -> memref<128xi32, #tpu.memory_space<vmem>>
          %dma_wait3A_254 = arith.constant 0 : i32
          %dma_wait3A_255 = arith.constant 0 : i32
          %dma_wait3A_256 = tpu.memref_slice %arg2[%dma_wait3A_254, %dma_wait3A_255] : memref<10000x128xf32, #tpu.memory_space<hbm>> -> memref<10000x128xf32, #tpu.memory_space<hbm>>
          tpu.wait_indirect_dma semaphore(%arg16 : memref<!tpu.dma_semaphore, #tpu.memory_space<semaphore_mem>>) src(%dma_wait3A_256 : memref<10000x128xf32, #tpu.memory_space<hbm>>) dst(%arg13 : memref<128x128xf32, #tpu.memory_space<vmem>>)
          %jit3A_257 = arith.constant 8 : i32
          %eq3A_258 = arith.constant 0 : i32
          %eq3A_259 = arith.cmpi eq, %jit3A_257, %eq3A_258 : i32
          %jit3A_260 = arith.constant 1 : i32
          %select_n3A_261 = arith.select %eq3A_259, %jit3A_260, %jit3A_257 : i32
          %rem3A_262 = arith.remsi %scan3A_137, %select_n3A_261 : i32
          %ne3A_263 = arith.constant 0 : i32
          %ne3A_264 = arith.cmpi ne, %rem3A_262, %ne3A_263 : i32
          %lt3A_265 = arith.constant 0 : i32
          %lt3A_266 = arith.cmpi slt, %rem3A_262, %lt3A_265 : i32
          %lt3A_267 = arith.constant 0 : i32
          %lt3A_268 = arith.cmpi slt, %select_n3A_261, %lt3A_267 : i32
          %ne3A_269 = arith.xori %lt3A_266, %lt3A_268 : i1
          %and3A_270 = arith.andi %ne3A_269, %ne3A_264 : i1
          %add3A_271 = arith.addi %rem3A_262, %select_n3A_261 : i32
          %select_n3A_272 = arith.select %and3A_270, %add3A_271, %rem3A_262 : i32
          %dma_start3A_273 = arith.constant 0 : i32
          %dma_start3A_274 = tpu.memref_slice %arg11[%select_n3A_206, %select_n3A_272, %dma_start3A_273] : memref<3x8x128xi32, #tpu.memory_space<vmem>> -> memref<1x1x128xi32, #tpu.memory_space<vmem>>
          %dma_start3A_275 = tpu.memref_squeeze %dma_start3A_274 : memref<1x1x128xi32, #tpu.memory_space<vmem>> -> memref<128xi32, #tpu.memory_space<vmem>>
          %dma_start3A_276 = arith.constant 0 : i32
          %dma_start3A_277 = arith.constant 0 : i32
          %dma_start3A_278 = tpu.memref_slice %arg14[%dma_start3A_276, %dma_start3A_277] : memref<10112x128xf32, #tpu.memory_space<vmem_shared>> -> memref<10112x128xf32, #tpu.memory_space<vmem_shared>>
          tpu.enqueue_indirect_dma source(%arg13 : memref<128x128xf32, #tpu.memory_space<vmem>>) target(%dma_start3A_278 : memref<10112x128xf32, #tpu.memory_space<vmem_shared>>) offsets(%dma_start3A_275 : memref<128xi32, #tpu.memory_space<vmem>>) semaphore(%arg18 : memref<!tpu.dma_semaphore, #tpu.memory_space<semaphore_mem>>) {add = true}
        } else {
        }
      }
      %scan3A_119 = arith.constant 80 : i32
      %dma_wait3A_120 = arith.constant 0 : i32
      %dma_wait3A_121 = arith.constant 0 : i32
      %dma_wait3A_122 = arith.constant 0 : i32
      %dma_wait3A_123 = tpu.memref_slice %arg11[%dma_wait3A_120, %dma_wait3A_121, %dma_wait3A_122] : memref<3x8x128xi32, #tpu.memory_space<vmem>> -> memref<1x1x128xi32, #tpu.memory_space<vmem>>
      %dma_wait3A_124 = tpu.memref_squeeze %dma_wait3A_123 : memref<1x1x128xi32, #tpu.memory_space<vmem>> -> memref<128xi32, #tpu.memory_space<vmem>>
      %dma_wait3A_125 = arith.constant 0 : i32
      %dma_wait3A_126 = arith.constant 0 : i32
      %dma_wait3A_127 = tpu.memref_slice %arg14[%dma_wait3A_125, %dma_wait3A_126] : memref<10112x128xf32, #tpu.memory_space<vmem_shared>> -> memref<10112x128xf32, #tpu.memory_space<vmem_shared>>
      tpu.wait_indirect_dma semaphore(%arg17 : memref<!tpu.dma_semaphore, #tpu.memory_space<semaphore_mem>>) src(%arg12 : memref<128x128xf32, #tpu.memory_space<vmem>>) dst(%dma_wait3A_127 : memref<10112x128xf32, #tpu.memory_space<vmem_shared>>)
      %dma_wait3A_128 = arith.constant 0 : i32
      %dma_wait3A_129 = arith.constant 0 : i32
      %dma_wait3A_130 = arith.constant 0 : i32
      %dma_wait3A_131 = tpu.memref_slice %arg11[%dma_wait3A_128, %dma_wait3A_129, %dma_wait3A_130] : memref<3x8x128xi32, #tpu.memory_space<vmem>> -> memref<1x1x128xi32, #tpu.memory_space<vmem>>
      %dma_wait3A_132 = tpu.memref_squeeze %dma_wait3A_131 : memref<1x1x128xi32, #tpu.memory_space<vmem>> -> memref<128xi32, #tpu.memory_space<vmem>>
      %dma_wait3A_133 = arith.constant 0 : i32
      %dma_wait3A_134 = arith.constant 0 : i32
      %dma_wait3A_135 = tpu.memref_slice %arg14[%dma_wait3A_133, %dma_wait3A_134] : memref<10112x128xf32, #tpu.memory_space<vmem_shared>> -> memref<10112x128xf32, #tpu.memory_space<vmem_shared>>
      tpu.wait_indirect_dma semaphore(%arg18 : memref<!tpu.dma_semaphore, #tpu.memory_space<semaphore_mem>>) src(%arg13 : memref<128x128xf32, #tpu.memory_space<vmem>>) dst(%dma_wait3A_135 : memref<10112x128xf32, #tpu.memory_space<vmem_shared>>)
      %barrier3A_136 = arith.constant 0 : index
      tpu.barrier barrier_id(%barrier3A_136)
      "tpu.region"() ({
        %run_scoped3A = tpu.sem_alloc : memref<!tpu.dma_semaphore, #tpu.memory_space<semaphore_mem>>
        %dma_start3A_137 = arith.constant 0 : i32
        %dma_start3A_138 = tpu.memref_slice %arg9[%mul3A_0, %dma_start3A_137] : memref<10112x128xf32, #tpu.memory_space<hbm>> -> memref<632x128xf32, #tpu.memory_space<hbm>>
        %dma_start3A_139 = arith.constant 0 : i32
        %dma_start3A_140 = tpu.memref_slice %arg14[%mul3A_0, %dma_start3A_139] : memref<10112x128xf32, #tpu.memory_space<vmem_shared>> -> memref<632x128xf32, #tpu.memory_space<vmem_shared>>
        tpu.enqueue_dma source(%dma_start3A_140 : memref<632x128xf32, #tpu.memory_space<vmem_shared>>) target(%dma_start3A_138 : memref<632x128xf32, #tpu.memory_space<hbm>>) target_semaphore(%run_scoped3A : memref<!tpu.dma_semaphore, #tpu.memory_space<semaphore_mem>>)
        %dma_wait3A_141 = arith.constant 0 : i32
        %dma_wait3A_142 = tpu.memref_slice %arg9[%mul3A_0, %dma_wait3A_141] : memref<10112x128xf32, #tpu.memory_space<hbm>> -> memref<632x128xf32, #tpu.memory_space<hbm>>
        %dma_wait3A_143 = arith.constant 0 : i32
        %dma_wait3A_144 = tpu.memref_slice %arg14[%mul3A_0, %dma_wait3A_143] : memref<10112x128xf32, #tpu.memory_space<vmem_shared>> -> memref<632x128xf32, #tpu.memory_space<vmem_shared>>
        tpu.wait_dma2 semaphore(%run_scoped3A : memref<!tpu.dma_semaphore, #tpu.memory_space<semaphore_mem>>) src(%dma_wait3A_144 : memref<632x128xf32, #tpu.memory_space<vmem_shared>>) dst(%dma_wait3A_142 : memref<632x128xf32, #tpu.memory_space<hbm>>)
        tpu.yield
      }) : () -> ()
    } else {
    }
    return
  }
}

#map = affine_map<(d0, d1) -> (0, 0)>
module attributes {stable_mosaic.version = 14 : i64} {
  func.func @_agg(%arg0: i32, %arg1: i32, %arg2: memref<10000x128xf32, #tpu.memory_space<hbm>>, %arg3: memref<1280x128xi32, #tpu.memory_space<hbm>>, %arg4: memref<1280x128xi32, #tpu.memory_space<hbm>>, %arg5: memref<1280x128xi32, #tpu.memory_space<hbm>>, %arg6: memref<1280x128xi32, #tpu.memory_space<hbm>>, %arg7: memref<10112x128xf32, #tpu.memory_space<hbm>>, %arg8: memref<10112x128xf32, #tpu.memory_space<hbm>>, %arg9: memref<10112x128xf32, #tpu.memory_space<hbm>>, %arg10: memref<3x8x128xi32, #tpu.memory_space<vmem>>, %arg11: memref<3x8x128xi32, #tpu.memory_space<vmem>>, %arg12: memref<128x128xf32, #tpu.memory_space<vmem>>, %arg13: memref<128x128xf32, #tpu.memory_space<vmem>>, %arg14: memref<10112x128xf32, #tpu.memory_space<vmem_shared>>, %arg15: memref<!tpu.dma_semaphore, #tpu.memory_space<semaphore_mem>>, %arg16: memref<!tpu.dma_semaphore, #tpu.memory_space<semaphore_mem>>, %arg17: memref<!tpu.dma_semaphore, #tpu.memory_space<semaphore_mem>>, %arg18: memref<!tpu.dma_semaphore, #tpu.memory_space<semaphore_mem>>, %arg19: memref<!tpu.dma_semaphore, #tpu.memory_space<semaphore_mem>>) attributes {dimension_semantics = [#tpu.dimension_semantics<core_parallel>, #tpu.dimension_semantics<subcore_parallel>], iteration_bounds = array<i64: 2, 16>, scalar_prefetch = 0 : i64, scratch_operands = 10 : i64, tpu.core_type = #tpu.core_type<sc_vector_subcore>, window_params = [{transform_indices = #map}, {transform_indices = #map}, {transform_indices = #map}, {transform_indices = #map}, {transform_indices = #map}, {transform_indices = #map}, {transform_indices = #map}, {transform_indices = #map}]} {
    %mul3A = arith.constant 632 : i32
    %mul3A_0 = arith.muli %arg1, %mul3A : i32
    "tpu.region"() ({
      %run_scoped3A = tpu.sem_alloc : memref<!tpu.dma_semaphore, #tpu.memory_space<semaphore_mem>>
      %dma_start3A = arith.constant 0 : i32
      %dma_start3A_8 = tpu.memref_slice %arg14[%mul3A_0, %dma_start3A] : memref<10112x128xf32, #tpu.memory_space<vmem_shared>> -> memref<632x128xf32, #tpu.memory_space<vmem_shared>>
      %dma_start3A_9 = arith.constant 0 : i32
      %dma_start3A_10 = tpu.memref_slice %arg7[%mul3A_0, %dma_start3A_9] : memref<10112x128xf32, #tpu.memory_space<hbm>> -> memref<632x128xf32, #tpu.memory_space<hbm>>
      tpu.enqueue_dma source(%dma_start3A_10 : memref<632x128xf32, #tpu.memory_space<hbm>>) target(%dma_start3A_8 : memref<632x128xf32, #tpu.memory_space<vmem_shared>>) target_semaphore(%run_scoped3A : memref<!tpu.dma_semaphore, #tpu.memory_space<semaphore_mem>>)
      %dma_wait3A = arith.constant 0 : i32
      %dma_wait3A_11 = tpu.memref_slice %arg14[%mul3A_0, %dma_wait3A] : memref<10112x128xf32, #tpu.memory_space<vmem_shared>> -> memref<632x128xf32, #tpu.memory_space<vmem_shared>>
      %dma_wait3A_12 = arith.constant 0 : i32
      %dma_wait3A_13 = tpu.memref_slice %arg7[%mul3A_0, %dma_wait3A_12] : memref<10112x128xf32, #tpu.memory_space<hbm>> -> memref<632x128xf32, #tpu.memory_space<hbm>>
      tpu.wait_dma2 semaphore(%run_scoped3A : memref<!tpu.dma_semaphore, #tpu.memory_space<semaphore_mem>>) src(%dma_wait3A_13 : memref<632x128xf32, #tpu.memory_space<hbm>>) dst(%dma_wait3A_11 : memref<632x128xf32, #tpu.memory_space<vmem_shared>>)
      tpu.yield
    }) : () -> ()
    %barrier3A = arith.constant 0 : index
    tpu.barrier barrier_id(%barrier3A)
    %eq3A = arith.constant 0 : i32
    %eq3A_1 = arith.cmpi eq, %arg0, %eq3A : i32
    %convert_element_type3A = arith.extui %eq3A_1 : i1 to i32
    %cond3A = arith.constant 0 : i32
    %cond3A_2 = arith.cmpi ne, %convert_element_type3A, %cond3A : i32
    scf.if %cond3A_2 {
      %mul3A_8 = arith.constant 80 : i32
      %mul3A_9 = arith.muli %arg1, %mul3A_8 : i32
      %add3A = arith.constant 0 : i32
      %add3A_10 = arith.addi %mul3A_9, %add3A : i32
      %dma_start3A = arith.constant 0 : i32
      %dma_start3A_11 = arith.constant 0 : i32
      %dma_start3A_12 = arith.constant 0 : i32
      %dma_start3A_13 = tpu.memref_slice %arg10[%dma_start3A, %dma_start3A_11, %dma_start3A_12] : memref<3x8x128xi32, #tpu.memory_space<vmem>> -> memref<1x8x128xi32, #tpu.memory_space<vmem>>
      %dma_start3A_14 = tpu.memref_squeeze %dma_start3A_13 : memref<1x8x128xi32, #tpu.memory_space<vmem>> -> memref<8x128xi32, #tpu.memory_space<vmem>>
      %dma_start3A_15 = arith.constant 0 : i32
      %dma_start3A_16 = tpu.memref_slice %arg3[%add3A_10, %dma_start3A_15] : memref<1280x128xi32, #tpu.memory_space<hbm>> -> memref<8x128xi32, #tpu.memory_space<hbm>>
      %dma_start3A_17 = arith.constant 0 : i32
      %dma_start3A_18 = arith.constant 0 : i32
      %dma_start3A_19 = tpu.memref_slice %arg10[%dma_start3A, %dma_start3A_17, %dma_start3A_18] : memref<3x8x128xi32, #tpu.memory_space<vmem>> -> memref<1x8x128xi32, #tpu.memory_space<vmem>>
      %dma_start3A_20 = tpu.memref_squeeze %dma_start3A_19 : memref<1x8x128xi32, #tpu.memory_space<vmem>> -> memref<8x128xi32, #tpu.memory_space<vmem>>
      %dma_start3A_21 = arith.constant 0 : i32
      %dma_start3A_22 = tpu.memref_slice %arg3[%add3A_10, %dma_start3A_21] : memref<1280x128xi32, #tpu.memory_space<hbm>> -> memref<8x128xi32, #tpu.memory_space<hbm>>
      tpu.enqueue_dma source(%dma_start3A_22 : memref<8x128xi32, #tpu.memory_space<hbm>>) target(%dma_start3A_20 : memref<8x128xi32, #tpu.memory_space<vmem>>) target_semaphore(%arg19 : memref<!tpu.dma_semaphore, #tpu.memory_space<semaphore_mem>>)
      %add3A_23 = arith.constant 0 : i32
      %add3A_24 = arith.addi %mul3A_9, %add3A_23 : i32
      %dma_start3A_25 = arith.constant 0 : i32
      %dma_start3A_26 = arith.constant 0 : i32
      %dma_start3A_27 = arith.constant 0 : i32
      %dma_start3A_28 = tpu.memref_slice %arg11[%dma_start3A_25, %dma_start3A_26, %dma_start3A_27] : memref<3x8x128xi32, #tpu.memory_space<vmem>> -> memref<1x8x128xi32, #tpu.memory_space<vmem>>
      %dma_start3A_29 = tpu.memref_squeeze %dma_start3A_28 : memref<1x8x128xi32, #tpu.memory_space<vmem>> -> memref<8x128xi32, #tpu.memory_space<vmem>>
      %dma_start3A_30 = arith.constant 0 : i32
      %dma_start3A_31 = tpu.memref_slice %arg4[%add3A_24, %dma_start3A_30] : memref<1280x128xi32, #tpu.memory_space<hbm>> -> memref<8x128xi32, #tpu.memory_space<hbm>>
      %dma_start3A_32 = arith.constant 0 : i32
      %dma_start3A_33 = arith.constant 0 : i32
      %dma_start3A_34 = tpu.memref_slice %arg11[%dma_start3A_25, %dma_start3A_32, %dma_start3A_33] : memref<3x8x128xi32, #tpu.memory_space<vmem>> -> memref<1x8x128xi32, #tpu.memory_space<vmem>>
      %dma_start3A_35 = tpu.memref_squeeze %dma_start3A_34 : memref<1x8x128xi32, #tpu.memory_space<vmem>> -> memref<8x128xi32, #tpu.memory_space<vmem>>
      %dma_start3A_36 = arith.constant 0 : i32
      %dma_start3A_37 = tpu.memref_slice %arg4[%add3A_24, %dma_start3A_36] : memref<1280x128xi32, #tpu.memory_space<hbm>> -> memref<8x128xi32, #tpu.memory_space<hbm>>
      tpu.enqueue_dma source(%dma_start3A_37 : memref<8x128xi32, #tpu.memory_space<hbm>>) target(%dma_start3A_35 : memref<8x128xi32, #tpu.memory_space<vmem>>) target_semaphore(%arg19 : memref<!tpu.dma_semaphore, #tpu.memory_space<semaphore_mem>>)
      %dma_wait3A = arith.constant 0 : i32
      %dma_wait3A_38 = arith.constant 0 : i32
      %dma_wait3A_39 = arith.constant 0 : i32
      %dma_wait3A_40 = tpu.memref_slice %arg10[%dma_wait3A, %dma_wait3A_38, %dma_wait3A_39] : memref<3x8x128xi32, #tpu.memory_space<vmem>> -> memref<1x8x128xi32, #tpu.memory_space<vmem>>
      %dma_wait3A_41 = tpu.memref_squeeze %dma_wait3A_40 : memref<1x8x128xi32, #tpu.memory_space<vmem>> -> memref<8x128xi32, #tpu.memory_space<vmem>>
      %dma_wait3A_42 = arith.constant 0 : i32
      %dma_wait3A_43 = tpu.memref_slice %arg3[%mul3A_9, %dma_wait3A_42] : memref<1280x128xi32, #tpu.memory_space<hbm>> -> memref<8x128xi32, #tpu.memory_space<hbm>>
      %dma_wait3A_44 = arith.constant 0 : i32
      %dma_wait3A_45 = arith.constant 0 : i32
      %dma_wait3A_46 = tpu.memref_slice %arg10[%dma_wait3A, %dma_wait3A_44, %dma_wait3A_45] : memref<3x8x128xi32, #tpu.memory_space<vmem>> -> memref<1x8x128xi32, #tpu.memory_space<vmem>>
      %dma_wait3A_47 = tpu.memref_squeeze %dma_wait3A_46 : memref<1x8x128xi32, #tpu.memory_space<vmem>> -> memref<8x128xi32, #tpu.memory_space<vmem>>
      %dma_wait3A_48 = arith.constant 0 : i32
      %dma_wait3A_49 = tpu.memref_slice %arg3[%mul3A_9, %dma_wait3A_48] : memref<1280x128xi32, #tpu.memory_space<hbm>> -> memref<8x128xi32, #tpu.memory_space<hbm>>
      tpu.wait_dma2 semaphore(%arg19 : memref<!tpu.dma_semaphore, #tpu.memory_space<semaphore_mem>>) src(%dma_wait3A_49 : memref<8x128xi32, #tpu.memory_space<hbm>>) dst(%dma_wait3A_47 : memref<8x128xi32, #tpu.memory_space<vmem>>)
      %dma_wait3A_50 = arith.constant 0 : i32
      %dma_wait3A_51 = arith.constant 0 : i32
      %dma_wait3A_52 = arith.constant 0 : i32
      %dma_wait3A_53 = tpu.memref_slice %arg11[%dma_wait3A_50, %dma_wait3A_51, %dma_wait3A_52] : memref<3x8x128xi32, #tpu.memory_space<vmem>> -> memref<1x8x128xi32, #tpu.memory_space<vmem>>
      %dma_wait3A_54 = tpu.memref_squeeze %dma_wait3A_53 : memref<1x8x128xi32, #tpu.memory_space<vmem>> -> memref<8x128xi32, #tpu.memory_space<vmem>>
      %dma_wait3A_55 = arith.constant 0 : i32
      %dma_wait3A_56 = tpu.memref_slice %arg4[%mul3A_9, %dma_wait3A_55] : memref<1280x128xi32, #tpu.memory_space<hbm>> -> memref<8x128xi32, #tpu.memory_space<hbm>>
      %dma_wait3A_57 = arith.constant 0 : i32
      %dma_wait3A_58 = arith.constant 0 : i32
      %dma_wait3A_59 = tpu.memref_slice %arg11[%dma_wait3A_50, %dma_wait3A_57, %dma_wait3A_58] : memref<3x8x128xi32, #tpu.memory_space<vmem>> -> memref<1x8x128xi32, #tpu.memory_space<vmem>>
      %dma_wait3A_60 = tpu.memref_squeeze %dma_wait3A_59 : memref<1x8x128xi32, #tpu.memory_space<vmem>> -> memref<8x128xi32, #tpu.memory_space<vmem>>
      %dma_wait3A_61 = arith.constant 0 : i32
      %dma_wait3A_62 = tpu.memref_slice %arg4[%mul3A_9, %dma_wait3A_61] : memref<1280x128xi32, #tpu.memory_space<hbm>> -> memref<8x128xi32, #tpu.memory_space<hbm>>
      tpu.wait_dma2 semaphore(%arg19 : memref<!tpu.dma_semaphore, #tpu.memory_space<semaphore_mem>>) src(%dma_wait3A_62 : memref<8x128xi32, #tpu.memory_space<hbm>>) dst(%dma_wait3A_60 : memref<8x128xi32, #tpu.memory_space<vmem>>)
      %add3A_63 = arith.constant 8 : i32
      %add3A_64 = arith.addi %mul3A_9, %add3A_63 : i32
      %dma_start3A_65 = arith.constant 1 : i32
      %dma_start3A_66 = arith.constant 0 : i32
      %dma_start3A_67 = arith.constant 0 : i32
      %dma_start3A_68 = tpu.memref_slice %arg10[%dma_start3A_65, %dma_start3A_66, %dma_start3A_67] : memref<3x8x128xi32, #tpu.memory_space<vmem>> -> memref<1x8x128xi32, #tpu.memory_space<vmem>>
      %dma_start3A_69 = tpu.memref_squeeze %dma_start3A_68 : memref<1x8x128xi32, #tpu.memory_space<vmem>> -> memref<8x128xi32, #tpu.memory_space<vmem>>
      %dma_start3A_70 = arith.constant 0 : i32
      %dma_start3A_71 = tpu.memref_slice %arg3[%add3A_64, %dma_start3A_70] : memref<1280x128xi32, #tpu.memory_space<hbm>> -> memref<8x128xi32, #tpu.memory_space<hbm>>
      %dma_start3A_72 = arith.constant 0 : i32
      %dma_start3A_73 = arith.constant 0 : i32
      %dma_start3A_74 = tpu.memref_slice %arg10[%dma_start3A_65, %dma_start3A_72, %dma_start3A_73] : memref<3x8x128xi32, #tpu.memory_space<vmem>> -> memref<1x8x128xi32, #tpu.memory_space<vmem>>
      %dma_start3A_75 = tpu.memref_squeeze %dma_start3A_74 : memref<1x8x128xi32, #tpu.memory_space<vmem>> -> memref<8x128xi32, #tpu.memory_space<vmem>>
      %dma_start3A_76 = arith.constant 0 : i32
      %dma_start3A_77 = tpu.memref_slice %arg3[%add3A_64, %dma_start3A_76] : memref<1280x128xi32, #tpu.memory_space<hbm>> -> memref<8x128xi32, #tpu.memory_space<hbm>>
      tpu.enqueue_dma source(%dma_start3A_77 : memref<8x128xi32, #tpu.memory_space<hbm>>) target(%dma_start3A_75 : memref<8x128xi32, #tpu.memory_space<vmem>>) target_semaphore(%arg19 : memref<!tpu.dma_semaphore, #tpu.memory_space<semaphore_mem>>)
      %add3A_78 = arith.constant 8 : i32
      %add3A_79 = arith.addi %mul3A_9, %add3A_78 : i32
      %dma_start3A_80 = arith.constant 1 : i32
      %dma_start3A_81 = arith.constant 0 : i32
      %dma_start3A_82 = arith.constant 0 : i32
      %dma_start3A_83 = tpu.memref_slice %arg11[%dma_start3A_80, %dma_start3A_81, %dma_start3A_82] : memref<3x8x128xi32, #tpu.memory_space<vmem>> -> memref<1x8x128xi32, #tpu.memory_space<vmem>>
      %dma_start3A_84 = tpu.memref_squeeze %dma_start3A_83 : memref<1x8x128xi32, #tpu.memory_space<vmem>> -> memref<8x128xi32, #tpu.memory_space<vmem>>
      %dma_start3A_85 = arith.constant 0 : i32
      %dma_start3A_86 = tpu.memref_slice %arg4[%add3A_79, %dma_start3A_85] : memref<1280x128xi32, #tpu.memory_space<hbm>> -> memref<8x128xi32, #tpu.memory_space<hbm>>
      %dma_start3A_87 = arith.constant 0 : i32
      %dma_start3A_88 = arith.constant 0 : i32
      %dma_start3A_89 = tpu.memref_slice %arg11[%dma_start3A_80, %dma_start3A_87, %dma_start3A_88] : memref<3x8x128xi32, #tpu.memory_space<vmem>> -> memref<1x8x128xi32, #tpu.memory_space<vmem>>
      %dma_start3A_90 = tpu.memref_squeeze %dma_start3A_89 : memref<1x8x128xi32, #tpu.memory_space<vmem>> -> memref<8x128xi32, #tpu.memory_space<vmem>>
      %dma_start3A_91 = arith.constant 0 : i32
      %dma_start3A_92 = tpu.memref_slice %arg4[%add3A_79, %dma_start3A_91] : memref<1280x128xi32, #tpu.memory_space<hbm>> -> memref<8x128xi32, #tpu.memory_space<hbm>>
      tpu.enqueue_dma source(%dma_start3A_92 : memref<8x128xi32, #tpu.memory_space<hbm>>) target(%dma_start3A_90 : memref<8x128xi32, #tpu.memory_space<vmem>>) target_semaphore(%arg19 : memref<!tpu.dma_semaphore, #tpu.memory_space<semaphore_mem>>)
      %dma_start3A_93 = arith.constant 0 : i32
      %dma_start3A_94 = arith.constant 0 : i32
      %dma_start3A_95 = arith.constant 0 : i32
      %dma_start3A_96 = arith.constant 0 : i32
      %dma_start3A_97 = tpu.memref_slice %arg12[%dma_start3A_95, %dma_start3A_96] : memref<128x128xf32, #tpu.memory_space<vmem>> -> memref<64x128xf32, #tpu.memory_space<vmem>>
      %dma_start3A_98 = arith.constant 0 : i32
      %dma_start3A_99 = tpu.memref_slice %arg10[%dma_start3A_93, %dma_start3A_94, %dma_start3A_98] : memref<3x8x128xi32, #tpu.memory_space<vmem>> -> memref<1x1x64xi32, #tpu.memory_space<vmem>>
      %dma_start3A_100 = tpu.memref_squeeze %dma_start3A_99 : memref<1x1x64xi32, #tpu.memory_space<vmem>> -> memref<64xi32, #tpu.memory_space<vmem>>
      %dma_start3A_101 = arith.constant 0 : i32
      %dma_start3A_102 = arith.constant 0 : i32
      %dma_start3A_103 = tpu.memref_slice %arg2[%dma_start3A_101, %dma_start3A_102] : memref<10000x128xf32, #tpu.memory_space<hbm>> -> memref<10000x128xf32, #tpu.memory_space<hbm>>
      tpu.enqueue_indirect_dma source(%dma_start3A_103 : memref<10000x128xf32, #tpu.memory_space<hbm>>) target(%dma_start3A_97 : memref<64x128xf32, #tpu.memory_space<vmem>>) offsets(%dma_start3A_100 : memref<64xi32, #tpu.memory_space<vmem>>) semaphore(%arg15 : memref<!tpu.dma_semaphore, #tpu.memory_space<semaphore_mem>>)
      %dma_start3A_104 = arith.constant 0 : i32
      %dma_start3A_105 = arith.constant 0 : i32
      %dma_start3A_106 = arith.constant 64 : i32
      %dma_start3A_107 = arith.constant 0 : i32
      %dma_start3A_108 = tpu.memref_slice %arg12[%dma_start3A_106, %dma_start3A_107] : memref<128x128xf32, #tpu.memory_space<vmem>> -> memref<64x128xf32, #tpu.memory_space<vmem>>
      %dma_start3A_109 = arith.constant 64 : i32
      %dma_start3A_110 = tpu.memref_slice %arg10[%dma_start3A_104, %dma_start3A_105, %dma_start3A_109] : memref<3x8x128xi32, #tpu.memory_space<vmem>> -> memref<1x1x64xi32, #tpu.memory_space<vmem>>
      %dma_start3A_111 = tpu.memref_squeeze %dma_start3A_110 : memref<1x1x64xi32, #tpu.memory_space<vmem>> -> memref<64xi32, #tpu.memory_space<vmem>>
      %dma_start3A_112 = arith.constant 0 : i32
      %dma_start3A_113 = arith.constant 0 : i32
      %dma_start3A_114 = tpu.memref_slice %arg2[%dma_start3A_112, %dma_start3A_113] : memref<10000x128xf32, #tpu.memory_space<hbm>> -> memref<10000x128xf32, #tpu.memory_space<hbm>>
      tpu.enqueue_indirect_dma source(%dma_start3A_114 : memref<10000x128xf32, #tpu.memory_space<hbm>>) target(%dma_start3A_108 : memref<64x128xf32, #tpu.memory_space<vmem>>) offsets(%dma_start3A_111 : memref<64xi32, #tpu.memory_space<vmem>>) semaphore(%arg15 : memref<!tpu.dma_semaphore, #tpu.memory_space<semaphore_mem>>)
      %scan3A = arith.constant 0 : i32
      %scan3A_115 = arith.constant 0 : i32
      %scan3A_116 = arith.constant 80 : i32
      %scan3A_117 = arith.addi %scan3A_115, %scan3A_116 : i32
      %scan3A_118 = arith.constant 1 : i32
      scf.for %scan3A_137 = %scan3A_115 to %scan3A_117 step %scan3A_118  : i32 {
        %add3A_138 = arith.constant 1 : i32
        %add3A_139 = arith.addi %scan3A_137, %add3A_138 : i32
        %jit3A = arith.constant 8 : i32
        %eq3A_140 = arith.constant 0 : i32
        %eq3A_141 = arith.cmpi eq, %jit3A, %eq3A_140 : i32
        %jit3A_142 = arith.constant 1 : i32
        %select_n3A = arith.select %eq3A_141, %jit3A_142, %jit3A : i32
        %rem3A = arith.remsi %add3A_139, %select_n3A : i32
        %ne3A = arith.constant 0 : i32
        %ne3A_143 = arith.cmpi ne, %rem3A, %ne3A : i32
        %lt3A = arith.constant 0 : i32
        %lt3A_144 = arith.cmpi slt, %rem3A, %lt3A : i32
        %lt3A_145 = arith.constant 0 : i32
        %lt3A_146 = arith.cmpi slt, %select_n3A, %lt3A_145 : i32
        %ne3A_147 = arith.xori %lt3A_144, %lt3A_146 : i1
        %and3A = arith.andi %ne3A_147, %ne3A_143 : i1
        %add3A_148 = arith.addi %rem3A, %select_n3A : i32
        %select_n3A_149 = arith.select %and3A, %add3A_148, %rem3A : i32
        %eq3A_150 = arith.constant 0 : i32
        %eq3A_151 = arith.cmpi eq, %select_n3A_149, %eq3A_150 : i32
        %lt3A_152 = arith.constant 80 : i32
        %lt3A_153 = arith.cmpi slt, %add3A_139, %lt3A_152 : i32
        %and3A_154 = arith.andi %eq3A_151, %lt3A_153 : i1
        %convert_element_type3A_155 = arith.extui %and3A_154 : i1 to i32
        %cond3A_156 = arith.constant 0 : i32
        %cond3A_157 = arith.cmpi ne, %convert_element_type3A_155, %cond3A_156 : i32
        scf.if %cond3A_157 {
          %jit3A_249 = arith.constant 8 : i32
          %div3A_250 = arith.divsi %add3A_139, %jit3A_249 : i32
          %sign3A_251 = arith.constant 0 : i32
          %sign3A_252 = arith.cmpi sgt, %add3A_139, %sign3A_251 : i32
          %sign3A_253 = arith.extui %sign3A_252 : i1 to i32
          %sign3A_254 = arith.constant 0 : i32
          %sign3A_255 = arith.cmpi slt, %add3A_139, %sign3A_254 : i32
          %sign3A_256 = arith.extui %sign3A_255 : i1 to i32
          %sign3A_257 = arith.subi %sign3A_253, %sign3A_256 : i32
          %sign3A_258 = arith.constant 0 : i32
          %sign3A_259 = arith.cmpi sgt, %jit3A_249, %sign3A_258 : i32
          %sign3A_260 = arith.extui %sign3A_259 : i1 to i32
          %sign3A_261 = arith.constant 0 : i32
          %sign3A_262 = arith.cmpi slt, %jit3A_249, %sign3A_261 : i32
          %sign3A_263 = arith.extui %sign3A_262 : i1 to i32
          %sign3A_264 = arith.subi %sign3A_260, %sign3A_263 : i32
          %ne3A_265 = arith.cmpi ne, %sign3A_257, %sign3A_264 : i32
          %rem3A_266 = arith.remsi %add3A_139, %jit3A_249 : i32
          %ne3A_267 = arith.constant 0 : i32
          %ne3A_268 = arith.cmpi ne, %rem3A_266, %ne3A_267 : i32
          %and3A_269 = arith.andi %ne3A_265, %ne3A_268 : i1
          %sub3A_270 = arith.constant 1 : i32
          %sub3A_271 = arith.subi %div3A_250, %sub3A_270 : i32
          %select_n3A_272 = arith.select %and3A_269, %sub3A_271, %div3A_250 : i32
          %jit3A_273 = arith.constant 3 : i32
          %eq3A_274 = arith.constant 0 : i32
          %eq3A_275 = arith.cmpi eq, %jit3A_273, %eq3A_274 : i32
          %jit3A_276 = arith.constant 1 : i32
          %select_n3A_277 = arith.select %eq3A_275, %jit3A_276, %jit3A_273 : i32
          %rem3A_278 = arith.remsi %select_n3A_272, %select_n3A_277 : i32
          %ne3A_279 = arith.constant 0 : i32
          %ne3A_280 = arith.cmpi ne, %rem3A_278, %ne3A_279 : i32
          %lt3A_281 = arith.constant 0 : i32
          %lt3A_282 = arith.cmpi slt, %rem3A_278, %lt3A_281 : i32
          %lt3A_283 = arith.constant 0 : i32
          %lt3A_284 = arith.cmpi slt, %select_n3A_277, %lt3A_283 : i32
          %ne3A_285 = arith.xori %lt3A_282, %lt3A_284 : i1
          %and3A_286 = arith.andi %ne3A_285, %ne3A_280 : i1
          %add3A_287 = arith.addi %rem3A_278, %select_n3A_277 : i32
          %select_n3A_288 = arith.select %and3A_286, %add3A_287, %rem3A_278 : i32
          %dma_wait3A_289 = arith.constant 0 : i32
          %dma_wait3A_290 = arith.constant 0 : i32
          %dma_wait3A_291 = tpu.memref_slice %arg10[%select_n3A_288, %dma_wait3A_289, %dma_wait3A_290] : memref<3x8x128xi32, #tpu.memory_space<vmem>> -> memref<1x8x128xi32, #tpu.memory_space<vmem>>
          %dma_wait3A_292 = tpu.memref_squeeze %dma_wait3A_291 : memref<1x8x128xi32, #tpu.memory_space<vmem>> -> memref<8x128xi32, #tpu.memory_space<vmem>>
          %dma_wait3A_293 = arith.constant 0 : i32
          %dma_wait3A_294 = tpu.memref_slice %arg3[%mul3A_9, %dma_wait3A_293] : memref<1280x128xi32, #tpu.memory_space<hbm>> -> memref<8x128xi32, #tpu.memory_space<hbm>>
          %dma_wait3A_295 = arith.constant 0 : i32
          %dma_wait3A_296 = arith.constant 0 : i32
          %dma_wait3A_297 = tpu.memref_slice %arg10[%select_n3A_288, %dma_wait3A_295, %dma_wait3A_296] : memref<3x8x128xi32, #tpu.memory_space<vmem>> -> memref<1x8x128xi32, #tpu.memory_space<vmem>>
          %dma_wait3A_298 = tpu.memref_squeeze %dma_wait3A_297 : memref<1x8x128xi32, #tpu.memory_space<vmem>> -> memref<8x128xi32, #tpu.memory_space<vmem>>
          %dma_wait3A_299 = arith.constant 0 : i32
          %dma_wait3A_300 = tpu.memref_slice %arg3[%mul3A_9, %dma_wait3A_299] : memref<1280x128xi32, #tpu.memory_space<hbm>> -> memref<8x128xi32, #tpu.memory_space<hbm>>
          tpu.wait_dma2 semaphore(%arg19 : memref<!tpu.dma_semaphore, #tpu.memory_space<semaphore_mem>>) src(%dma_wait3A_300 : memref<8x128xi32, #tpu.memory_space<hbm>>) dst(%dma_wait3A_298 : memref<8x128xi32, #tpu.memory_space<vmem>>)
          %jit3A_301 = arith.constant 3 : i32
          %eq3A_302 = arith.constant 0 : i32
          %eq3A_303 = arith.cmpi eq, %jit3A_301, %eq3A_302 : i32
          %jit3A_304 = arith.constant 1 : i32
          %select_n3A_305 = arith.select %eq3A_303, %jit3A_304, %jit3A_301 : i32
          %rem3A_306 = arith.remsi %select_n3A_272, %select_n3A_305 : i32
          %ne3A_307 = arith.constant 0 : i32
          %ne3A_308 = arith.cmpi ne, %rem3A_306, %ne3A_307 : i32
          %lt3A_309 = arith.constant 0 : i32
          %lt3A_310 = arith.cmpi slt, %rem3A_306, %lt3A_309 : i32
          %lt3A_311 = arith.constant 0 : i32
          %lt3A_312 = arith.cmpi slt, %select_n3A_305, %lt3A_311 : i32
          %ne3A_313 = arith.xori %lt3A_310, %lt3A_312 : i1
          %and3A_314 = arith.andi %ne3A_313, %ne3A_308 : i1
          %add3A_315 = arith.addi %rem3A_306, %select_n3A_305 : i32
          %select_n3A_316 = arith.select %and3A_314, %add3A_315, %rem3A_306 : i32
          %dma_wait3A_317 = arith.constant 0 : i32
          %dma_wait3A_318 = arith.constant 0 : i32
          %dma_wait3A_319 = tpu.memref_slice %arg11[%select_n3A_316, %dma_wait3A_317, %dma_wait3A_318] : memref<3x8x128xi32, #tpu.memory_space<vmem>> -> memref<1x8x128xi32, #tpu.memory_space<vmem>>
          %dma_wait3A_320 = tpu.memref_squeeze %dma_wait3A_319 : memref<1x8x128xi32, #tpu.memory_space<vmem>> -> memref<8x128xi32, #tpu.memory_space<vmem>>
          %dma_wait3A_321 = arith.constant 0 : i32
          %dma_wait3A_322 = tpu.memref_slice %arg4[%mul3A_9, %dma_wait3A_321] : memref<1280x128xi32, #tpu.memory_space<hbm>> -> memref<8x128xi32, #tpu.memory_space<hbm>>
          %dma_wait3A_323 = arith.constant 0 : i32
          %dma_wait3A_324 = arith.constant 0 : i32
          %dma_wait3A_325 = tpu.memref_slice %arg11[%select_n3A_316, %dma_wait3A_323, %dma_wait3A_324] : memref<3x8x128xi32, #tpu.memory_space<vmem>> -> memref<1x8x128xi32, #tpu.memory_space<vmem>>
          %dma_wait3A_326 = tpu.memref_squeeze %dma_wait3A_325 : memref<1x8x128xi32, #tpu.memory_space<vmem>> -> memref<8x128xi32, #tpu.memory_space<vmem>>
          %dma_wait3A_327 = arith.constant 0 : i32
          %dma_wait3A_328 = tpu.memref_slice %arg4[%mul3A_9, %dma_wait3A_327] : memref<1280x128xi32, #tpu.memory_space<hbm>> -> memref<8x128xi32, #tpu.memory_space<hbm>>
          tpu.wait_dma2 semaphore(%arg19 : memref<!tpu.dma_semaphore, #tpu.memory_space<semaphore_mem>>) src(%dma_wait3A_328 : memref<8x128xi32, #tpu.memory_space<hbm>>) dst(%dma_wait3A_326 : memref<8x128xi32, #tpu.memory_space<vmem>>)
          %add3A_329 = arith.constant 1 : i32
          %add3A_330 = arith.addi %select_n3A_272, %add3A_329 : i32
          %lt3A_331 = arith.constant 10 : i32
          %lt3A_332 = arith.cmpi slt, %add3A_330, %lt3A_331 : i32
          %convert_element_type3A_333 = arith.extui %lt3A_332 : i1 to i32
          %cond3A_334 = arith.constant 0 : i32
          %cond3A_335 = arith.cmpi ne, %convert_element_type3A_333, %cond3A_334 : i32
          scf.if %cond3A_335 {
            %add3A_336 = arith.constant 1 : i32
            %add3A_337 = arith.addi %select_n3A_272, %add3A_336 : i32
            %mul3A_338 = arith.constant 8 : i32
            %mul3A_339 = arith.muli %add3A_337, %mul3A_338 : i32
            %add3A_340 = arith.addi %mul3A_9, %mul3A_339 : i32
            %jit3A_341 = arith.constant 3 : i32
            %eq3A_342 = arith.constant 0 : i32
            %eq3A_343 = arith.cmpi eq, %jit3A_341, %eq3A_342 : i32
            %jit3A_344 = arith.constant 1 : i32
            %select_n3A_345 = arith.select %eq3A_343, %jit3A_344, %jit3A_341 : i32
            %rem3A_346 = arith.remsi %add3A_337, %select_n3A_345 : i32
            %ne3A_347 = arith.constant 0 : i32
            %ne3A_348 = arith.cmpi ne, %rem3A_346, %ne3A_347 : i32
            %lt3A_349 = arith.constant 0 : i32
            %lt3A_350 = arith.cmpi slt, %rem3A_346, %lt3A_349 : i32
            %lt3A_351 = arith.constant 0 : i32
            %lt3A_352 = arith.cmpi slt, %select_n3A_345, %lt3A_351 : i32
            %ne3A_353 = arith.xori %lt3A_350, %lt3A_352 : i1
            %and3A_354 = arith.andi %ne3A_353, %ne3A_348 : i1
            %add3A_355 = arith.addi %rem3A_346, %select_n3A_345 : i32
            %select_n3A_356 = arith.select %and3A_354, %add3A_355, %rem3A_346 : i32
            %dma_start3A_357 = arith.constant 0 : i32
            %dma_start3A_358 = arith.constant 0 : i32
            %dma_start3A_359 = tpu.memref_slice %arg10[%select_n3A_356, %dma_start3A_357, %dma_start3A_358] : memref<3x8x128xi32, #tpu.memory_space<vmem>> -> memref<1x8x128xi32, #tpu.memory_space<vmem>>
            %dma_start3A_360 = tpu.memref_squeeze %dma_start3A_359 : memref<1x8x128xi32, #tpu.memory_space<vmem>> -> memref<8x128xi32, #tpu.memory_space<vmem>>
            %dma_start3A_361 = arith.constant 0 : i32
            %dma_start3A_362 = tpu.memref_slice %arg3[%add3A_340, %dma_start3A_361] : memref<1280x128xi32, #tpu.memory_space<hbm>> -> memref<8x128xi32, #tpu.memory_space<hbm>>
            %dma_start3A_363 = arith.constant 0 : i32
            %dma_start3A_364 = arith.constant 0 : i32
            %dma_start3A_365 = tpu.memref_slice %arg10[%select_n3A_356, %dma_start3A_363, %dma_start3A_364] : memref<3x8x128xi32, #tpu.memory_space<vmem>> -> memref<1x8x128xi32, #tpu.memory_space<vmem>>
            %dma_start3A_366 = tpu.memref_squeeze %dma_start3A_365 : memref<1x8x128xi32, #tpu.memory_space<vmem>> -> memref<8x128xi32, #tpu.memory_space<vmem>>
            %dma_start3A_367 = arith.constant 0 : i32
            %dma_start3A_368 = tpu.memref_slice %arg3[%add3A_340, %dma_start3A_367] : memref<1280x128xi32, #tpu.memory_space<hbm>> -> memref<8x128xi32, #tpu.memory_space<hbm>>
            tpu.enqueue_dma source(%dma_start3A_368 : memref<8x128xi32, #tpu.memory_space<hbm>>) target(%dma_start3A_366 : memref<8x128xi32, #tpu.memory_space<vmem>>) target_semaphore(%arg19 : memref<!tpu.dma_semaphore, #tpu.memory_space<semaphore_mem>>)
            %mul3A_369 = arith.constant 8 : i32
            %mul3A_370 = arith.muli %add3A_337, %mul3A_369 : i32
            %add3A_371 = arith.addi %mul3A_9, %mul3A_370 : i32
            %jit3A_372 = arith.constant 3 : i32
            %eq3A_373 = arith.constant 0 : i32
            %eq3A_374 = arith.cmpi eq, %jit3A_372, %eq3A_373 : i32
            %jit3A_375 = arith.constant 1 : i32
            %select_n3A_376 = arith.select %eq3A_374, %jit3A_375, %jit3A_372 : i32
            %rem3A_377 = arith.remsi %add3A_337, %select_n3A_376 : i32
            %ne3A_378 = arith.constant 0 : i32
            %ne3A_379 = arith.cmpi ne, %rem3A_377, %ne3A_378 : i32
            %lt3A_380 = arith.constant 0 : i32
            %lt3A_381 = arith.cmpi slt, %rem3A_377, %lt3A_380 : i32
            %lt3A_382 = arith.constant 0 : i32
            %lt3A_383 = arith.cmpi slt, %select_n3A_376, %lt3A_382 : i32
            %ne3A_384 = arith.xori %lt3A_381, %lt3A_383 : i1
            %and3A_385 = arith.andi %ne3A_384, %ne3A_379 : i1
            %add3A_386 = arith.addi %rem3A_377, %select_n3A_376 : i32
            %select_n3A_387 = arith.select %and3A_385, %add3A_386, %rem3A_377 : i32
            %dma_start3A_388 = arith.constant 0 : i32
            %dma_start3A_389 = arith.constant 0 : i32
            %dma_start3A_390 = tpu.memref_slice %arg11[%select_n3A_387, %dma_start3A_388, %dma_start3A_389] : memref<3x8x128xi32, #tpu.memory_space<vmem>> -> memref<1x8x128xi32, #tpu.memory_space<vmem>>
            %dma_start3A_391 = tpu.memref_squeeze %dma_start3A_390 : memref<1x8x128xi32, #tpu.memory_space<vmem>> -> memref<8x128xi32, #tpu.memory_space<vmem>>
            %dma_start3A_392 = arith.constant 0 : i32
            %dma_start3A_393 = tpu.memref_slice %arg4[%add3A_371, %dma_start3A_392] : memref<1280x128xi32, #tpu.memory_space<hbm>> -> memref<8x128xi32, #tpu.memory_space<hbm>>
            %dma_start3A_394 = arith.constant 0 : i32
            %dma_start3A_395 = arith.constant 0 : i32
            %dma_start3A_396 = tpu.memref_slice %arg11[%select_n3A_387, %dma_start3A_394, %dma_start3A_395] : memref<3x8x128xi32, #tpu.memory_space<vmem>> -> memref<1x8x128xi32, #tpu.memory_space<vmem>>
            %dma_start3A_397 = tpu.memref_squeeze %dma_start3A_396 : memref<1x8x128xi32, #tpu.memory_space<vmem>> -> memref<8x128xi32, #tpu.memory_space<vmem>>
            %dma_start3A_398 = arith.constant 0 : i32
            %dma_start3A_399 = tpu.memref_slice %arg4[%add3A_371, %dma_start3A_398] : memref<1280x128xi32, #tpu.memory_space<hbm>> -> memref<8x128xi32, #tpu.memory_space<hbm>>
            tpu.enqueue_dma source(%dma_start3A_399 : memref<8x128xi32, #tpu.memory_space<hbm>>) target(%dma_start3A_397 : memref<8x128xi32, #tpu.memory_space<vmem>>) target_semaphore(%arg19 : memref<!tpu.dma_semaphore, #tpu.memory_space<semaphore_mem>>)
          } else {
          }
        } else {
        }
        %lt3A_158 = arith.constant 80 : i32
        %lt3A_159 = arith.cmpi slt, %add3A_139, %lt3A_158 : i32
        %ge3A = arith.constant 1 : i32
        %ge3A_160 = arith.cmpi sge, %scan3A_137, %ge3A : i32
        %and3A_161 = arith.andi %lt3A_159, %ge3A_160 : i1
        %convert_element_type3A_162 = arith.extui %and3A_161 : i1 to i32
        %cond3A_163 = arith.constant 0 : i32
        %cond3A_164 = arith.cmpi ne, %convert_element_type3A_162, %cond3A_163 : i32
        scf.if %cond3A_164 {
          %jit3A_249 = arith.constant 2 : i32
          %eq3A_250 = arith.constant 0 : i32
          %eq3A_251 = arith.cmpi eq, %jit3A_249, %eq3A_250 : i32
          %jit3A_252 = arith.constant 1 : i32
          %select_n3A_253 = arith.select %eq3A_251, %jit3A_252, %jit3A_249 : i32
          %rem3A_254 = arith.remsi %add3A_139, %select_n3A_253 : i32
          %ne3A_255 = arith.constant 0 : i32
          %ne3A_256 = arith.cmpi ne, %rem3A_254, %ne3A_255 : i32
          %lt3A_257 = arith.constant 0 : i32
          %lt3A_258 = arith.cmpi slt, %rem3A_254, %lt3A_257 : i32
          %lt3A_259 = arith.constant 0 : i32
          %lt3A_260 = arith.cmpi slt, %select_n3A_253, %lt3A_259 : i32
          %ne3A_261 = arith.xori %lt3A_258, %lt3A_260 : i1
          %and3A_262 = arith.andi %ne3A_261, %ne3A_256 : i1
          %add3A_263 = arith.addi %rem3A_254, %select_n3A_253 : i32
          %select_n3A_264 = arith.select %and3A_262, %add3A_263, %rem3A_254 : i32
          %eq3A_265 = arith.constant 0 : i32
          %eq3A_266 = arith.cmpi eq, %select_n3A_264, %eq3A_265 : i32
          %convert_element_type3A_267 = arith.extui %eq3A_266 : i1 to i32
          %cond3A_268 = arith.constant 0 : i32
          %cond3A_269 = arith.cmpi ne, %convert_element_type3A_267, %cond3A_268 : i32
          scf.if %cond3A_269 {
            %dma_wait3A_291 = arith.constant 0 : i32
            %dma_wait3A_292 = arith.constant 0 : i32
            %dma_wait3A_293 = arith.constant 0 : i32
            %dma_wait3A_294 = tpu.memref_slice %arg11[%dma_wait3A_291, %dma_wait3A_292, %dma_wait3A_293] : memref<3x8x128xi32, #tpu.memory_space<vmem>> -> memref<1x1x128xi32, #tpu.memory_space<vmem>>
            %dma_wait3A_295 = tpu.memref_squeeze %dma_wait3A_294 : memref<1x1x128xi32, #tpu.memory_space<vmem>> -> memref<128xi32, #tpu.memory_space<vmem>>
            %dma_wait3A_296 = arith.constant 0 : i32
            %dma_wait3A_297 = arith.constant 0 : i32
            %dma_wait3A_298 = tpu.memref_slice %arg14[%dma_wait3A_296, %dma_wait3A_297] : memref<10112x128xf32, #tpu.memory_space<vmem_shared>> -> memref<10112x128xf32, #tpu.memory_space<vmem_shared>>
            tpu.wait_indirect_dma semaphore(%arg17 : memref<!tpu.dma_semaphore, #tpu.memory_space<semaphore_mem>>) src(%arg12 : memref<128x128xf32, #tpu.memory_space<vmem>>) dst(%dma_wait3A_298 : memref<10112x128xf32, #tpu.memory_space<vmem_shared>>)
          } else {
          }
          %jit3A_270 = arith.constant 2 : i32
          %eq3A_271 = arith.constant 0 : i32
          %eq3A_272 = arith.cmpi eq, %jit3A_270, %eq3A_271 : i32
          %jit3A_273 = arith.constant 1 : i32
          %select_n3A_274 = arith.select %eq3A_272, %jit3A_273, %jit3A_270 : i32
          %rem3A_275 = arith.remsi %add3A_139, %select_n3A_274 : i32
          %ne3A_276 = arith.constant 0 : i32
          %ne3A_277 = arith.cmpi ne, %rem3A_275, %ne3A_276 : i32
          %lt3A_278 = arith.constant 0 : i32
          %lt3A_279 = arith.cmpi slt, %rem3A_275, %lt3A_278 : i32
          %lt3A_280 = arith.constant 0 : i32
          %lt3A_281 = arith.cmpi slt, %select_n3A_274, %lt3A_280 : i32
          %ne3A_282 = arith.xori %lt3A_279, %lt3A_281 : i1
          %and3A_283 = arith.andi %ne3A_282, %ne3A_277 : i1
          %add3A_284 = arith.addi %rem3A_275, %select_n3A_274 : i32
          %select_n3A_285 = arith.select %and3A_283, %add3A_284, %rem3A_275 : i32
          %eq3A_286 = arith.constant 1 : i32
          %eq3A_287 = arith.cmpi eq, %select_n3A_285, %eq3A_286 : i32
          %convert_element_type3A_288 = arith.extui %eq3A_287 : i1 to i32
          %cond3A_289 = arith.constant 0 : i32
          %cond3A_290 = arith.cmpi ne, %convert_element_type3A_288, %cond3A_289 : i32
          scf.if %cond3A_290 {
            %dma_wait3A_291 = arith.constant 0 : i32
            %dma_wait3A_292 = arith.constant 0 : i32
            %dma_wait3A_293 = arith.constant 0 : i32
            %dma_wait3A_294 = tpu.memref_slice %arg11[%dma_wait3A_291, %dma_wait3A_292, %dma_wait3A_293] : memref<3x8x128xi32, #tpu.memory_space<vmem>> -> memref<1x1x128xi32, #tpu.memory_space<vmem>>
            %dma_wait3A_295 = tpu.memref_squeeze %dma_wait3A_294 : memref<1x1x128xi32, #tpu.memory_space<vmem>> -> memref<128xi32, #tpu.memory_space<vmem>>
            %dma_wait3A_296 = arith.constant 0 : i32
            %dma_wait3A_297 = arith.constant 0 : i32
            %dma_wait3A_298 = tpu.memref_slice %arg14[%dma_wait3A_296, %dma_wait3A_297] : memref<10112x128xf32, #tpu.memory_space<vmem_shared>> -> memref<10112x128xf32, #tpu.memory_space<vmem_shared>>
            tpu.wait_indirect_dma semaphore(%arg18 : memref<!tpu.dma_semaphore, #tpu.memory_space<semaphore_mem>>) src(%arg13 : memref<128x128xf32, #tpu.memory_space<vmem>>) dst(%dma_wait3A_298 : memref<10112x128xf32, #tpu.memory_space<vmem_shared>>)
          } else {
          }
        } else {
        }
        %lt3A_165 = arith.constant 80 : i32
        %lt3A_166 = arith.cmpi slt, %add3A_139, %lt3A_165 : i32
        %convert_element_type3A_167 = arith.extui %lt3A_166 : i1 to i32
        %cond3A_168 = arith.constant 0 : i32
        %cond3A_169 = arith.cmpi ne, %convert_element_type3A_167, %cond3A_168 : i32
        scf.if %cond3A_169 {
          %jit3A_249 = arith.constant 8 : i32
          %div3A_250 = arith.divsi %add3A_139, %jit3A_249 : i32
          %sign3A_251 = arith.constant 0 : i32
          %sign3A_252 = arith.cmpi sgt, %add3A_139, %sign3A_251 : i32
          %sign3A_253 = arith.extui %sign3A_252 : i1 to i32
          %sign3A_254 = arith.constant 0 : i32
          %sign3A_255 = arith.cmpi slt, %add3A_139, %sign3A_254 : i32
          %sign3A_256 = arith.extui %sign3A_255 : i1 to i32
          %sign3A_257 = arith.subi %sign3A_253, %sign3A_256 : i32
          %sign3A_258 = arith.constant 0 : i32
          %sign3A_259 = arith.cmpi sgt, %jit3A_249, %sign3A_258 : i32
          %sign3A_260 = arith.extui %sign3A_259 : i1 to i32
          %sign3A_261 = arith.constant 0 : i32
          %sign3A_262 = arith.cmpi slt, %jit3A_249, %sign3A_261 : i32
          %sign3A_263 = arith.extui %sign3A_262 : i1 to i32
          %sign3A_264 = arith.subi %sign3A_260, %sign3A_263 : i32
          %ne3A_265 = arith.cmpi ne, %sign3A_257, %sign3A_264 : i32
          %rem3A_266 = arith.remsi %add3A_139, %jit3A_249 : i32
          %ne3A_267 = arith.constant 0 : i32
          %ne3A_268 = arith.cmpi ne, %rem3A_266, %ne3A_267 : i32
          %and3A_269 = arith.andi %ne3A_265, %ne3A_268 : i1
          %sub3A_270 = arith.constant 1 : i32
          %sub3A_271 = arith.subi %div3A_250, %sub3A_270 : i32
          %select_n3A_272 = arith.select %and3A_269, %sub3A_271, %div3A_250 : i32
          %jit3A_273 = arith.constant 3 : i32
          %eq3A_274 = arith.constant 0 : i32
          %eq3A_275 = arith.cmpi eq, %jit3A_273, %eq3A_274 : i32
          %jit3A_276 = arith.constant 1 : i32
          %select_n3A_277 = arith.select %eq3A_275, %jit3A_276, %jit3A_273 : i32
          %rem3A_278 = arith.remsi %select_n3A_272, %select_n3A_277 : i32
          %ne3A_279 = arith.constant 0 : i32
          %ne3A_280 = arith.cmpi ne, %rem3A_278, %ne3A_279 : i32
          %lt3A_281 = arith.constant 0 : i32
          %lt3A_282 = arith.cmpi slt, %rem3A_278, %lt3A_281 : i32
          %lt3A_283 = arith.constant 0 : i32
          %lt3A_284 = arith.cmpi slt, %select_n3A_277, %lt3A_283 : i32
          %ne3A_285 = arith.xori %lt3A_282, %lt3A_284 : i1
          %and3A_286 = arith.andi %ne3A_285, %ne3A_280 : i1
          %add3A_287 = arith.addi %rem3A_278, %select_n3A_277 : i32
          %select_n3A_288 = arith.select %and3A_286, %add3A_287, %rem3A_278 : i32
          %jit3A_289 = arith.constant 8 : i32
          %eq3A_290 = arith.constant 0 : i32
          %eq3A_291 = arith.cmpi eq, %jit3A_289, %eq3A_290 : i32
          %jit3A_292 = arith.constant 1 : i32
          %select_n3A_293 = arith.select %eq3A_291, %jit3A_292, %jit3A_289 : i32
          %rem3A_294 = arith.remsi %add3A_139, %select_n3A_293 : i32
          %ne3A_295 = arith.constant 0 : i32
          %ne3A_296 = arith.cmpi ne, %rem3A_294, %ne3A_295 : i32
          %lt3A_297 = arith.constant 0 : i32
          %lt3A_298 = arith.cmpi slt, %rem3A_294, %lt3A_297 : i32
          %lt3A_299 = arith.constant 0 : i32
          %lt3A_300 = arith.cmpi slt, %select_n3A_293, %lt3A_299 : i32
          %ne3A_301 = arith.xori %lt3A_298, %lt3A_300 : i1
          %and3A_302 = arith.andi %ne3A_301, %ne3A_296 : i1
          %add3A_303 = arith.addi %rem3A_294, %select_n3A_293 : i32
          %select_n3A_304 = arith.select %and3A_302, %add3A_303, %rem3A_294 : i32
          %jit3A_305 = arith.constant 2 : i32
          %eq3A_306 = arith.constant 0 : i32
          %eq3A_307 = arith.cmpi eq, %jit3A_305, %eq3A_306 : i32
          %jit3A_308 = arith.constant 1 : i32
          %select_n3A_309 = arith.select %eq3A_307, %jit3A_308, %jit3A_305 : i32
          %rem3A_310 = arith.remsi %add3A_139, %select_n3A_309 : i32
          %ne3A_311 = arith.constant 0 : i32
          %ne3A_312 = arith.cmpi ne, %rem3A_310, %ne3A_311 : i32
          %lt3A_313 = arith.constant 0 : i32
          %lt3A_314 = arith.cmpi slt, %rem3A_310, %lt3A_313 : i32
          %lt3A_315 = arith.constant 0 : i32
          %lt3A_316 = arith.cmpi slt, %select_n3A_309, %lt3A_315 : i32
          %ne3A_317 = arith.xori %lt3A_314, %lt3A_316 : i1
          %and3A_318 = arith.andi %ne3A_317, %ne3A_312 : i1
          %add3A_319 = arith.addi %rem3A_310, %select_n3A_309 : i32
          %select_n3A_320 = arith.select %and3A_318, %add3A_319, %rem3A_310 : i32
          %eq3A_321 = arith.constant 0 : i32
          %eq3A_322 = arith.cmpi eq, %select_n3A_320, %eq3A_321 : i32
          %convert_element_type3A_323 = arith.extui %eq3A_322 : i1 to i32
          %cond3A_324 = arith.constant 0 : i32
          %cond3A_325 = arith.cmpi ne, %convert_element_type3A_323, %cond3A_324 : i32
          scf.if %cond3A_325 {
            %dma_start3A_347 = arith.constant 0 : i32
            %dma_start3A_348 = arith.constant 0 : i32
            %dma_start3A_349 = tpu.memref_slice %arg12[%dma_start3A_347, %dma_start3A_348] : memref<128x128xf32, #tpu.memory_space<vmem>> -> memref<64x128xf32, #tpu.memory_space<vmem>>
            %dma_start3A_350 = arith.constant 0 : i32
            %dma_start3A_351 = tpu.memref_slice %arg10[%select_n3A_288, %select_n3A_304, %dma_start3A_350] : memref<3x8x128xi32, #tpu.memory_space<vmem>> -> memref<1x1x64xi32, #tpu.memory_space<vmem>>
            %dma_start3A_352 = tpu.memref_squeeze %dma_start3A_351 : memref<1x1x64xi32, #tpu.memory_space<vmem>> -> memref<64xi32, #tpu.memory_space<vmem>>
            %dma_start3A_353 = arith.constant 0 : i32
            %dma_start3A_354 = arith.constant 0 : i32
            %dma_start3A_355 = tpu.memref_slice %arg2[%dma_start3A_353, %dma_start3A_354] : memref<10000x128xf32, #tpu.memory_space<hbm>> -> memref<10000x128xf32, #tpu.memory_space<hbm>>
            tpu.enqueue_indirect_dma source(%dma_start3A_355 : memref<10000x128xf32, #tpu.memory_space<hbm>>) target(%dma_start3A_349 : memref<64x128xf32, #tpu.memory_space<vmem>>) offsets(%dma_start3A_352 : memref<64xi32, #tpu.memory_space<vmem>>) semaphore(%arg15 : memref<!tpu.dma_semaphore, #tpu.memory_space<semaphore_mem>>)
            %dma_start3A_356 = arith.constant 64 : i32
            %dma_start3A_357 = arith.constant 0 : i32
            %dma_start3A_358 = tpu.memref_slice %arg12[%dma_start3A_356, %dma_start3A_357] : memref<128x128xf32, #tpu.memory_space<vmem>> -> memref<64x128xf32, #tpu.memory_space<vmem>>
            %dma_start3A_359 = arith.constant 64 : i32
            %dma_start3A_360 = tpu.memref_slice %arg10[%select_n3A_288, %select_n3A_304, %dma_start3A_359] : memref<3x8x128xi32, #tpu.memory_space<vmem>> -> memref<1x1x64xi32, #tpu.memory_space<vmem>>
            %dma_start3A_361 = tpu.memref_squeeze %dma_start3A_360 : memref<1x1x64xi32, #tpu.memory_space<vmem>> -> memref<64xi32, #tpu.memory_space<vmem>>
            %dma_start3A_362 = arith.constant 0 : i32
            %dma_start3A_363 = arith.constant 0 : i32
            %dma_start3A_364 = tpu.memref_slice %arg2[%dma_start3A_362, %dma_start3A_363] : memref<10000x128xf32, #tpu.memory_space<hbm>> -> memref<10000x128xf32, #tpu.memory_space<hbm>>
            tpu.enqueue_indirect_dma source(%dma_start3A_364 : memref<10000x128xf32, #tpu.memory_space<hbm>>) target(%dma_start3A_358 : memref<64x128xf32, #tpu.memory_space<vmem>>) offsets(%dma_start3A_361 : memref<64xi32, #tpu.memory_space<vmem>>) semaphore(%arg15 : memref<!tpu.dma_semaphore, #tpu.memory_space<semaphore_mem>>)
          } else {
          }
          %jit3A_326 = arith.constant 2 : i32
          %eq3A_327 = arith.constant 0 : i32
          %eq3A_328 = arith.cmpi eq, %jit3A_326, %eq3A_327 : i32
          %jit3A_329 = arith.constant 1 : i32
          %select_n3A_330 = arith.select %eq3A_328, %jit3A_329, %jit3A_326 : i32
          %rem3A_331 = arith.remsi %add3A_139, %select_n3A_330 : i32
          %ne3A_332 = arith.constant 0 : i32
          %ne3A_333 = arith.cmpi ne, %rem3A_331, %ne3A_332 : i32
          %lt3A_334 = arith.constant 0 : i32
          %lt3A_335 = arith.cmpi slt, %rem3A_331, %lt3A_334 : i32
          %lt3A_336 = arith.constant 0 : i32
          %lt3A_337 = arith.cmpi slt, %select_n3A_330, %lt3A_336 : i32
          %ne3A_338 = arith.xori %lt3A_335, %lt3A_337 : i1
          %and3A_339 = arith.andi %ne3A_338, %ne3A_333 : i1
          %add3A_340 = arith.addi %rem3A_331, %select_n3A_330 : i32
          %select_n3A_341 = arith.select %and3A_339, %add3A_340, %rem3A_331 : i32
          %eq3A_342 = arith.constant 1 : i32
          %eq3A_343 = arith.cmpi eq, %select_n3A_341, %eq3A_342 : i32
          %convert_element_type3A_344 = arith.extui %eq3A_343 : i1 to i32
          %cond3A_345 = arith.constant 0 : i32
          %cond3A_346 = arith.cmpi ne, %convert_element_type3A_344, %cond3A_345 : i32
          scf.if %cond3A_346 {
            %dma_start3A_347 = arith.constant 0 : i32
            %dma_start3A_348 = arith.constant 0 : i32
            %dma_start3A_349 = tpu.memref_slice %arg13[%dma_start3A_347, %dma_start3A_348] : memref<128x128xf32, #tpu.memory_space<vmem>> -> memref<64x128xf32, #tpu.memory_space<vmem>>
            %dma_start3A_350 = arith.constant 0 : i32
            %dma_start3A_351 = tpu.memref_slice %arg10[%select_n3A_288, %select_n3A_304, %dma_start3A_350] : memref<3x8x128xi32, #tpu.memory_space<vmem>> -> memref<1x1x64xi32, #tpu.memory_space<vmem>>
            %dma_start3A_352 = tpu.memref_squeeze %dma_start3A_351 : memref<1x1x64xi32, #tpu.memory_space<vmem>> -> memref<64xi32, #tpu.memory_space<vmem>>
            %dma_start3A_353 = arith.constant 0 : i32
            %dma_start3A_354 = arith.constant 0 : i32
            %dma_start3A_355 = tpu.memref_slice %arg2[%dma_start3A_353, %dma_start3A_354] : memref<10000x128xf32, #tpu.memory_space<hbm>> -> memref<10000x128xf32, #tpu.memory_space<hbm>>
            tpu.enqueue_indirect_dma source(%dma_start3A_355 : memref<10000x128xf32, #tpu.memory_space<hbm>>) target(%dma_start3A_349 : memref<64x128xf32, #tpu.memory_space<vmem>>) offsets(%dma_start3A_352 : memref<64xi32, #tpu.memory_space<vmem>>) semaphore(%arg16 : memref<!tpu.dma_semaphore, #tpu.memory_space<semaphore_mem>>)
            %dma_start3A_356 = arith.constant 64 : i32
            %dma_start3A_357 = arith.constant 0 : i32
            %dma_start3A_358 = tpu.memref_slice %arg13[%dma_start3A_356, %dma_start3A_357] : memref<128x128xf32, #tpu.memory_space<vmem>> -> memref<64x128xf32, #tpu.memory_space<vmem>>
            %dma_start3A_359 = arith.constant 64 : i32
            %dma_start3A_360 = tpu.memref_slice %arg10[%select_n3A_288, %select_n3A_304, %dma_start3A_359] : memref<3x8x128xi32, #tpu.memory_space<vmem>> -> memref<1x1x64xi32, #tpu.memory_space<vmem>>
            %dma_start3A_361 = tpu.memref_squeeze %dma_start3A_360 : memref<1x1x64xi32, #tpu.memory_space<vmem>> -> memref<64xi32, #tpu.memory_space<vmem>>
            %dma_start3A_362 = arith.constant 0 : i32
            %dma_start3A_363 = arith.constant 0 : i32
            %dma_start3A_364 = tpu.memref_slice %arg2[%dma_start3A_362, %dma_start3A_363] : memref<10000x128xf32, #tpu.memory_space<hbm>> -> memref<10000x128xf32, #tpu.memory_space<hbm>>
            tpu.enqueue_indirect_dma source(%dma_start3A_364 : memref<10000x128xf32, #tpu.memory_space<hbm>>) target(%dma_start3A_358 : memref<64x128xf32, #tpu.memory_space<vmem>>) offsets(%dma_start3A_361 : memref<64xi32, #tpu.memory_space<vmem>>) semaphore(%arg16 : memref<!tpu.dma_semaphore, #tpu.memory_space<semaphore_mem>>)
          } else {
          }
        } else {
        }
        %jit3A_170 = arith.constant 8 : i32
        %div3A = arith.divsi %scan3A_137, %jit3A_170 : i32
        %sign3A = arith.constant 0 : i32
        %sign3A_171 = arith.cmpi sgt, %scan3A_137, %sign3A : i32
        %sign3A_172 = arith.extui %sign3A_171 : i1 to i32
        %sign3A_173 = arith.constant 0 : i32
        %sign3A_174 = arith.cmpi slt, %scan3A_137, %sign3A_173 : i32
        %sign3A_175 = arith.extui %sign3A_174 : i1 to i32
        %sign3A_176 = arith.subi %sign3A_172, %sign3A_175 : i32
        %sign3A_177 = arith.constant 0 : i32
        %sign3A_178 = arith.cmpi sgt, %jit3A_170, %sign3A_177 : i32
        %sign3A_179 = arith.extui %sign3A_178 : i1 to i32
        %sign3A_180 = arith.constant 0 : i32
        %sign3A_181 = arith.cmpi slt, %jit3A_170, %sign3A_180 : i32
        %sign3A_182 = arith.extui %sign3A_181 : i1 to i32
        %sign3A_183 = arith.subi %sign3A_179, %sign3A_182 : i32
        %ne3A_184 = arith.cmpi ne, %sign3A_176, %sign3A_183 : i32
        %rem3A_185 = arith.remsi %scan3A_137, %jit3A_170 : i32
        %ne3A_186 = arith.constant 0 : i32
        %ne3A_187 = arith.cmpi ne, %rem3A_185, %ne3A_186 : i32
        %and3A_188 = arith.andi %ne3A_184, %ne3A_187 : i1
        %sub3A = arith.constant 1 : i32
        %sub3A_189 = arith.subi %div3A, %sub3A : i32
        %select_n3A_190 = arith.select %and3A_188, %sub3A_189, %div3A : i32
        %jit3A_191 = arith.constant 3 : i32
        %eq3A_192 = arith.constant 0 : i32
        %eq3A_193 = arith.cmpi eq, %jit3A_191, %eq3A_192 : i32
        %jit3A_194 = arith.constant 1 : i32
        %select_n3A_195 = arith.select %eq3A_193, %jit3A_194, %jit3A_191 : i32
        %rem3A_196 = arith.remsi %select_n3A_190, %select_n3A_195 : i32
        %ne3A_197 = arith.constant 0 : i32
        %ne3A_198 = arith.cmpi ne, %rem3A_196, %ne3A_197 : i32
        %lt3A_199 = arith.constant 0 : i32
        %lt3A_200 = arith.cmpi slt, %rem3A_196, %lt3A_199 : i32
        %lt3A_201 = arith.constant 0 : i32
        %lt3A_202 = arith.cmpi slt, %select_n3A_195, %lt3A_201 : i32
        %ne3A_203 = arith.xori %lt3A_200, %lt3A_202 : i1
        %and3A_204 = arith.andi %ne3A_203, %ne3A_198 : i1
        %add3A_205 = arith.addi %rem3A_196, %select_n3A_195 : i32
        %select_n3A_206 = arith.select %and3A_204, %add3A_205, %rem3A_196 : i32
        %jit3A_207 = arith.constant 2 : i32
        %eq3A_208 = arith.constant 0 : i32
        %eq3A_209 = arith.cmpi eq, %jit3A_207, %eq3A_208 : i32
        %jit3A_210 = arith.constant 1 : i32
        %select_n3A_211 = arith.select %eq3A_209, %jit3A_210, %jit3A_207 : i32
        %rem3A_212 = arith.remsi %scan3A_137, %select_n3A_211 : i32
        %ne3A_213 = arith.constant 0 : i32
        %ne3A_214 = arith.cmpi ne, %rem3A_212, %ne3A_213 : i32
        %lt3A_215 = arith.constant 0 : i32
        %lt3A_216 = arith.cmpi slt, %rem3A_212, %lt3A_215 : i32
        %lt3A_217 = arith.constant 0 : i32
        %lt3A_218 = arith.cmpi slt, %select_n3A_211, %lt3A_217 : i32
        %ne3A_219 = arith.xori %lt3A_216, %lt3A_218 : i1
        %and3A_220 = arith.andi %ne3A_219, %ne3A_214 : i1
        %add3A_221 = arith.addi %rem3A_212, %select_n3A_211 : i32
        %select_n3A_222 = arith.select %and3A_220, %add3A_221, %rem3A_212 : i32
        %eq3A_223 = arith.constant 0 : i32
        %eq3A_224 = arith.cmpi eq, %select_n3A_222, %eq3A_223 : i32
        %convert_element_type3A_225 = arith.extui %eq3A_224 : i1 to i32
        %cond3A_226 = arith.constant 0 : i32
        %cond3A_227 = arith.cmpi ne, %convert_element_type3A_225, %cond3A_226 : i32
        scf.if %cond3A_227 {
          %dma_wait3A_249 = arith.constant 0 : i32
          %dma_wait3A_250 = arith.constant 0 : i32
          %dma_wait3A_251 = arith.constant 0 : i32
          %dma_wait3A_252 = tpu.memref_slice %arg10[%dma_wait3A_249, %dma_wait3A_250, %dma_wait3A_251] : memref<3x8x128xi32, #tpu.memory_space<vmem>> -> memref<1x1x128xi32, #tpu.memory_space<vmem>>
          %dma_wait3A_253 = tpu.memref_squeeze %dma_wait3A_252 : memref<1x1x128xi32, #tpu.memory_space<vmem>> -> memref<128xi32, #tpu.memory_space<vmem>>
          %dma_wait3A_254 = arith.constant 0 : i32
          %dma_wait3A_255 = arith.constant 0 : i32
          %dma_wait3A_256 = tpu.memref_slice %arg2[%dma_wait3A_254, %dma_wait3A_255] : memref<10000x128xf32, #tpu.memory_space<hbm>> -> memref<10000x128xf32, #tpu.memory_space<hbm>>
          tpu.wait_indirect_dma semaphore(%arg15 : memref<!tpu.dma_semaphore, #tpu.memory_space<semaphore_mem>>) src(%dma_wait3A_256 : memref<10000x128xf32, #tpu.memory_space<hbm>>) dst(%arg12 : memref<128x128xf32, #tpu.memory_space<vmem>>)
          %jit3A_257 = arith.constant 8 : i32
          %eq3A_258 = arith.constant 0 : i32
          %eq3A_259 = arith.cmpi eq, %jit3A_257, %eq3A_258 : i32
          %jit3A_260 = arith.constant 1 : i32
          %select_n3A_261 = arith.select %eq3A_259, %jit3A_260, %jit3A_257 : i32
          %rem3A_262 = arith.remsi %scan3A_137, %select_n3A_261 : i32
          %ne3A_263 = arith.constant 0 : i32
          %ne3A_264 = arith.cmpi ne, %rem3A_262, %ne3A_263 : i32
          %lt3A_265 = arith.constant 0 : i32
          %lt3A_266 = arith.cmpi slt, %rem3A_262, %lt3A_265 : i32
          %lt3A_267 = arith.constant 0 : i32
          %lt3A_268 = arith.cmpi slt, %select_n3A_261, %lt3A_267 : i32
          %ne3A_269 = arith.xori %lt3A_266, %lt3A_268 : i1
          %and3A_270 = arith.andi %ne3A_269, %ne3A_264 : i1
          %add3A_271 = arith.addi %rem3A_262, %select_n3A_261 : i32
          %select_n3A_272 = arith.select %and3A_270, %add3A_271, %rem3A_262 : i32
          %dma_start3A_273 = arith.constant 0 : i32
          %dma_start3A_274 = tpu.memref_slice %arg11[%select_n3A_206, %select_n3A_272, %dma_start3A_273] : memref<3x8x128xi32, #tpu.memory_space<vmem>> -> memref<1x1x128xi32, #tpu.memory_space<vmem>>
          %dma_start3A_275 = tpu.memref_squeeze %dma_start3A_274 : memref<1x1x128xi32, #tpu.memory_space<vmem>> -> memref<128xi32, #tpu.memory_space<vmem>>
          %dma_start3A_276 = arith.constant 0 : i32
          %dma_start3A_277 = arith.constant 0 : i32
          %dma_start3A_278 = tpu.memref_slice %arg14[%dma_start3A_276, %dma_start3A_277] : memref<10112x128xf32, #tpu.memory_space<vmem_shared>> -> memref<10112x128xf32, #tpu.memory_space<vmem_shared>>
          tpu.enqueue_indirect_dma source(%arg12 : memref<128x128xf32, #tpu.memory_space<vmem>>) target(%dma_start3A_278 : memref<10112x128xf32, #tpu.memory_space<vmem_shared>>) offsets(%dma_start3A_275 : memref<128xi32, #tpu.memory_space<vmem>>) semaphore(%arg17 : memref<!tpu.dma_semaphore, #tpu.memory_space<semaphore_mem>>) {add = true}
        } else {
        }
        %jit3A_228 = arith.constant 2 : i32
        %eq3A_229 = arith.constant 0 : i32
        %eq3A_230 = arith.cmpi eq, %jit3A_228, %eq3A_229 : i32
        %jit3A_231 = arith.constant 1 : i32
        %select_n3A_232 = arith.select %eq3A_230, %jit3A_231, %jit3A_228 : i32
        %rem3A_233 = arith.remsi %scan3A_137, %select_n3A_232 : i32
        %ne3A_234 = arith.constant 0 : i32
        %ne3A_235 = arith.cmpi ne, %rem3A_233, %ne3A_234 : i32
        %lt3A_236 = arith.constant 0 : i32
        %lt3A_237 = arith.cmpi slt, %rem3A_233, %lt3A_236 : i32
        %lt3A_238 = arith.constant 0 : i32
        %lt3A_239 = arith.cmpi slt, %select_n3A_232, %lt3A_238 : i32
        %ne3A_240 = arith.xori %lt3A_237, %lt3A_239 : i1
        %and3A_241 = arith.andi %ne3A_240, %ne3A_235 : i1
        %add3A_242 = arith.addi %rem3A_233, %select_n3A_232 : i32
        %select_n3A_243 = arith.select %and3A_241, %add3A_242, %rem3A_233 : i32
        %eq3A_244 = arith.constant 1 : i32
        %eq3A_245 = arith.cmpi eq, %select_n3A_243, %eq3A_244 : i32
        %convert_element_type3A_246 = arith.extui %eq3A_245 : i1 to i32
        %cond3A_247 = arith.constant 0 : i32
        %cond3A_248 = arith.cmpi ne, %convert_element_type3A_246, %cond3A_247 : i32
        scf.if %cond3A_248 {
          %dma_wait3A_249 = arith.constant 0 : i32
          %dma_wait3A_250 = arith.constant 0 : i32
          %dma_wait3A_251 = arith.constant 0 : i32
          %dma_wait3A_252 = tpu.memref_slice %arg10[%dma_wait3A_249, %dma_wait3A_250, %dma_wait3A_251] : memref<3x8x128xi32, #tpu.memory_space<vmem>> -> memref<1x1x128xi32, #tpu.memory_space<vmem>>
          %dma_wait3A_253 = tpu.memref_squeeze %dma_wait3A_252 : memref<1x1x128xi32, #tpu.memory_space<vmem>> -> memref<128xi32, #tpu.memory_space<vmem>>
          %dma_wait3A_254 = arith.constant 0 : i32
          %dma_wait3A_255 = arith.constant 0 : i32
          %dma_wait3A_256 = tpu.memref_slice %arg2[%dma_wait3A_254, %dma_wait3A_255] : memref<10000x128xf32, #tpu.memory_space<hbm>> -> memref<10000x128xf32, #tpu.memory_space<hbm>>
          tpu.wait_indirect_dma semaphore(%arg16 : memref<!tpu.dma_semaphore, #tpu.memory_space<semaphore_mem>>) src(%dma_wait3A_256 : memref<10000x128xf32, #tpu.memory_space<hbm>>) dst(%arg13 : memref<128x128xf32, #tpu.memory_space<vmem>>)
          %jit3A_257 = arith.constant 8 : i32
          %eq3A_258 = arith.constant 0 : i32
          %eq3A_259 = arith.cmpi eq, %jit3A_257, %eq3A_258 : i32
          %jit3A_260 = arith.constant 1 : i32
          %select_n3A_261 = arith.select %eq3A_259, %jit3A_260, %jit3A_257 : i32
          %rem3A_262 = arith.remsi %scan3A_137, %select_n3A_261 : i32
          %ne3A_263 = arith.constant 0 : i32
          %ne3A_264 = arith.cmpi ne, %rem3A_262, %ne3A_263 : i32
          %lt3A_265 = arith.constant 0 : i32
          %lt3A_266 = arith.cmpi slt, %rem3A_262, %lt3A_265 : i32
          %lt3A_267 = arith.constant 0 : i32
          %lt3A_268 = arith.cmpi slt, %select_n3A_261, %lt3A_267 : i32
          %ne3A_269 = arith.xori %lt3A_266, %lt3A_268 : i1
          %and3A_270 = arith.andi %ne3A_269, %ne3A_264 : i1
          %add3A_271 = arith.addi %rem3A_262, %select_n3A_261 : i32
          %select_n3A_272 = arith.select %and3A_270, %add3A_271, %rem3A_262 : i32
          %dma_start3A_273 = arith.constant 0 : i32
          %dma_start3A_274 = tpu.memref_slice %arg11[%select_n3A_206, %select_n3A_272, %dma_start3A_273] : memref<3x8x128xi32, #tpu.memory_space<vmem>> -> memref<1x1x128xi32, #tpu.memory_space<vmem>>
          %dma_start3A_275 = tpu.memref_squeeze %dma_start3A_274 : memref<1x1x128xi32, #tpu.memory_space<vmem>> -> memref<128xi32, #tpu.memory_space<vmem>>
          %dma_start3A_276 = arith.constant 0 : i32
          %dma_start3A_277 = arith.constant 0 : i32
          %dma_start3A_278 = tpu.memref_slice %arg14[%dma_start3A_276, %dma_start3A_277] : memref<10112x128xf32, #tpu.memory_space<vmem_shared>> -> memref<10112x128xf32, #tpu.memory_space<vmem_shared>>
          tpu.enqueue_indirect_dma source(%arg13 : memref<128x128xf32, #tpu.memory_space<vmem>>) target(%dma_start3A_278 : memref<10112x128xf32, #tpu.memory_space<vmem_shared>>) offsets(%dma_start3A_275 : memref<128xi32, #tpu.memory_space<vmem>>) semaphore(%arg18 : memref<!tpu.dma_semaphore, #tpu.memory_space<semaphore_mem>>) {add = true}
        } else {
        }
      }
      %scan3A_119 = arith.constant 80 : i32
      %dma_wait3A_120 = arith.constant 0 : i32
      %dma_wait3A_121 = arith.constant 0 : i32
      %dma_wait3A_122 = arith.constant 0 : i32
      %dma_wait3A_123 = tpu.memref_slice %arg11[%dma_wait3A_120, %dma_wait3A_121, %dma_wait3A_122] : memref<3x8x128xi32, #tpu.memory_space<vmem>> -> memref<1x1x128xi32, #tpu.memory_space<vmem>>
      %dma_wait3A_124 = tpu.memref_squeeze %dma_wait3A_123 : memref<1x1x128xi32, #tpu.memory_space<vmem>> -> memref<128xi32, #tpu.memory_space<vmem>>
      %dma_wait3A_125 = arith.constant 0 : i32
      %dma_wait3A_126 = arith.constant 0 : i32
      %dma_wait3A_127 = tpu.memref_slice %arg14[%dma_wait3A_125, %dma_wait3A_126] : memref<10112x128xf32, #tpu.memory_space<vmem_shared>> -> memref<10112x128xf32, #tpu.memory_space<vmem_shared>>
      tpu.wait_indirect_dma semaphore(%arg17 : memref<!tpu.dma_semaphore, #tpu.memory_space<semaphore_mem>>) src(%arg12 : memref<128x128xf32, #tpu.memory_space<vmem>>) dst(%dma_wait3A_127 : memref<10112x128xf32, #tpu.memory_space<vmem_shared>>)
      %dma_wait3A_128 = arith.constant 0 : i32
      %dma_wait3A_129 = arith.constant 0 : i32
      %dma_wait3A_130 = arith.constant 0 : i32
      %dma_wait3A_131 = tpu.memref_slice %arg11[%dma_wait3A_128, %dma_wait3A_129, %dma_wait3A_130] : memref<3x8x128xi32, #tpu.memory_space<vmem>> -> memref<1x1x128xi32, #tpu.memory_space<vmem>>
      %dma_wait3A_132 = tpu.memref_squeeze %dma_wait3A_131 : memref<1x1x128xi32, #tpu.memory_space<vmem>> -> memref<128xi32, #tpu.memory_space<vmem>>
      %dma_wait3A_133 = arith.constant 0 : i32
      %dma_wait3A_134 = arith.constant 0 : i32
      %dma_wait3A_135 = tpu.memref_slice %arg14[%dma_wait3A_133, %dma_wait3A_134] : memref<10112x128xf32, #tpu.memory_space<vmem_shared>> -> memref<10112x128xf32, #tpu.memory_space<vmem_shared>>
      tpu.wait_indirect_dma semaphore(%arg18 : memref<!tpu.dma_semaphore, #tpu.memory_space<semaphore_mem>>) src(%arg13 : memref<128x128xf32, #tpu.memory_space<vmem>>) dst(%dma_wait3A_135 : memref<10112x128xf32, #tpu.memory_space<vmem_shared>>)
      %barrier3A_136 = arith.constant 0 : index
      tpu.barrier barrier_id(%barrier3A_136)
      "tpu.region"() ({
        %run_scoped3A = tpu.sem_alloc : memref<!tpu.dma_semaphore, #tpu.memory_space<semaphore_mem>>
        %dma_start3A_137 = arith.constant 0 : i32
        %dma_start3A_138 = tpu.memref_slice %arg8[%mul3A_0, %dma_start3A_137] : memref<10112x128xf32, #tpu.memory_space<hbm>> -> memref<632x128xf32, #tpu.memory_space<hbm>>
        %dma_start3A_139 = arith.constant 0 : i32
        %dma_start3A_140 = tpu.memref_slice %arg14[%mul3A_0, %dma_start3A_139] : memref<10112x128xf32, #tpu.memory_space<vmem_shared>> -> memref<632x128xf32, #tpu.memory_space<vmem_shared>>
        tpu.enqueue_dma source(%dma_start3A_140 : memref<632x128xf32, #tpu.memory_space<vmem_shared>>) target(%dma_start3A_138 : memref<632x128xf32, #tpu.memory_space<hbm>>) target_semaphore(%run_scoped3A : memref<!tpu.dma_semaphore, #tpu.memory_space<semaphore_mem>>)
        %dma_wait3A_141 = arith.constant 0 : i32
        %dma_wait3A_142 = tpu.memref_slice %arg8[%mul3A_0, %dma_wait3A_141] : memref<10112x128xf32, #tpu.memory_space<hbm>> -> memref<632x128xf32, #tpu.memory_space<hbm>>
        %dma_wait3A_143 = arith.constant 0 : i32
        %dma_wait3A_144 = tpu.memref_slice %arg14[%mul3A_0, %dma_wait3A_143] : memref<10112x128xf32, #tpu.memory_space<vmem_shared>> -> memref<632x128xf32, #tpu.memory_space<vmem_shared>>
        tpu.wait_dma2 semaphore(%run_scoped3A : memref<!tpu.dma_semaphore, #tpu.memory_space<semaphore_mem>>) src(%dma_wait3A_144 : memref<632x128xf32, #tpu.memory_space<vmem_shared>>) dst(%dma_wait3A_142 : memref<632x128xf32, #tpu.memory_space<hbm>>)
        tpu.yield
      }) : () -> ()
    } else {
    }
    %eq3A_3 = arith.constant 1 : i32
    %eq3A_4 = arith.cmpi eq, %arg0, %eq3A_3 : i32
    %convert_element_type3A_5 = arith.extui %eq3A_4 : i1 to i32
    %cond3A_6 = arith.constant 0 : i32
    %cond3A_7 = arith.cmpi ne, %convert_element_type3A_5, %cond3A_6 : i32
    scf.if %cond3A_7 {
      %mul3A_8 = arith.constant 80 : i32
      %mul3A_9 = arith.muli %arg1, %mul3A_8 : i32
      %add3A = arith.constant 0 : i32
      %add3A_10 = arith.addi %mul3A_9, %add3A : i32
      %dma_start3A = arith.constant 0 : i32
      %dma_start3A_11 = arith.constant 0 : i32
      %dma_start3A_12 = arith.constant 0 : i32
      %dma_start3A_13 = tpu.memref_slice %arg10[%dma_start3A, %dma_start3A_11, %dma_start3A_12] : memref<3x8x128xi32, #tpu.memory_space<vmem>> -> memref<1x8x128xi32, #tpu.memory_space<vmem>>
      %dma_start3A_14 = tpu.memref_squeeze %dma_start3A_13 : memref<1x8x128xi32, #tpu.memory_space<vmem>> -> memref<8x128xi32, #tpu.memory_space<vmem>>
      %dma_start3A_15 = arith.constant 0 : i32
      %dma_start3A_16 = tpu.memref_slice %arg5[%add3A_10, %dma_start3A_15] : memref<1280x128xi32, #tpu.memory_space<hbm>> -> memref<8x128xi32, #tpu.memory_space<hbm>>
      %dma_start3A_17 = arith.constant 0 : i32
      %dma_start3A_18 = arith.constant 0 : i32
      %dma_start3A_19 = tpu.memref_slice %arg10[%dma_start3A, %dma_start3A_17, %dma_start3A_18] : memref<3x8x128xi32, #tpu.memory_space<vmem>> -> memref<1x8x128xi32, #tpu.memory_space<vmem>>
      %dma_start3A_20 = tpu.memref_squeeze %dma_start3A_19 : memref<1x8x128xi32, #tpu.memory_space<vmem>> -> memref<8x128xi32, #tpu.memory_space<vmem>>
      %dma_start3A_21 = arith.constant 0 : i32
      %dma_start3A_22 = tpu.memref_slice %arg5[%add3A_10, %dma_start3A_21] : memref<1280x128xi32, #tpu.memory_space<hbm>> -> memref<8x128xi32, #tpu.memory_space<hbm>>
      tpu.enqueue_dma source(%dma_start3A_22 : memref<8x128xi32, #tpu.memory_space<hbm>>) target(%dma_start3A_20 : memref<8x128xi32, #tpu.memory_space<vmem>>) target_semaphore(%arg19 : memref<!tpu.dma_semaphore, #tpu.memory_space<semaphore_mem>>)
      %add3A_23 = arith.constant 0 : i32
      %add3A_24 = arith.addi %mul3A_9, %add3A_23 : i32
      %dma_start3A_25 = arith.constant 0 : i32
      %dma_start3A_26 = arith.constant 0 : i32
      %dma_start3A_27 = arith.constant 0 : i32
      %dma_start3A_28 = tpu.memref_slice %arg11[%dma_start3A_25, %dma_start3A_26, %dma_start3A_27] : memref<3x8x128xi32, #tpu.memory_space<vmem>> -> memref<1x8x128xi32, #tpu.memory_space<vmem>>
      %dma_start3A_29 = tpu.memref_squeeze %dma_start3A_28 : memref<1x8x128xi32, #tpu.memory_space<vmem>> -> memref<8x128xi32, #tpu.memory_space<vmem>>
      %dma_start3A_30 = arith.constant 0 : i32
      %dma_start3A_31 = tpu.memref_slice %arg6[%add3A_24, %dma_start3A_30] : memref<1280x128xi32, #tpu.memory_space<hbm>> -> memref<8x128xi32, #tpu.memory_space<hbm>>
      %dma_start3A_32 = arith.constant 0 : i32
      %dma_start3A_33 = arith.constant 0 : i32
      %dma_start3A_34 = tpu.memref_slice %arg11[%dma_start3A_25, %dma_start3A_32, %dma_start3A_33] : memref<3x8x128xi32, #tpu.memory_space<vmem>> -> memref<1x8x128xi32, #tpu.memory_space<vmem>>
      %dma_start3A_35 = tpu.memref_squeeze %dma_start3A_34 : memref<1x8x128xi32, #tpu.memory_space<vmem>> -> memref<8x128xi32, #tpu.memory_space<vmem>>
      %dma_start3A_36 = arith.constant 0 : i32
      %dma_start3A_37 = tpu.memref_slice %arg6[%add3A_24, %dma_start3A_36] : memref<1280x128xi32, #tpu.memory_space<hbm>> -> memref<8x128xi32, #tpu.memory_space<hbm>>
      tpu.enqueue_dma source(%dma_start3A_37 : memref<8x128xi32, #tpu.memory_space<hbm>>) target(%dma_start3A_35 : memref<8x128xi32, #tpu.memory_space<vmem>>) target_semaphore(%arg19 : memref<!tpu.dma_semaphore, #tpu.memory_space<semaphore_mem>>)
      %dma_wait3A = arith.constant 0 : i32
      %dma_wait3A_38 = arith.constant 0 : i32
      %dma_wait3A_39 = arith.constant 0 : i32
      %dma_wait3A_40 = tpu.memref_slice %arg10[%dma_wait3A, %dma_wait3A_38, %dma_wait3A_39] : memref<3x8x128xi32, #tpu.memory_space<vmem>> -> memref<1x8x128xi32, #tpu.memory_space<vmem>>
      %dma_wait3A_41 = tpu.memref_squeeze %dma_wait3A_40 : memref<1x8x128xi32, #tpu.memory_space<vmem>> -> memref<8x128xi32, #tpu.memory_space<vmem>>
      %dma_wait3A_42 = arith.constant 0 : i32
      %dma_wait3A_43 = tpu.memref_slice %arg5[%mul3A_9, %dma_wait3A_42] : memref<1280x128xi32, #tpu.memory_space<hbm>> -> memref<8x128xi32, #tpu.memory_space<hbm>>
      %dma_wait3A_44 = arith.constant 0 : i32
      %dma_wait3A_45 = arith.constant 0 : i32
      %dma_wait3A_46 = tpu.memref_slice %arg10[%dma_wait3A, %dma_wait3A_44, %dma_wait3A_45] : memref<3x8x128xi32, #tpu.memory_space<vmem>> -> memref<1x8x128xi32, #tpu.memory_space<vmem>>
      %dma_wait3A_47 = tpu.memref_squeeze %dma_wait3A_46 : memref<1x8x128xi32, #tpu.memory_space<vmem>> -> memref<8x128xi32, #tpu.memory_space<vmem>>
      %dma_wait3A_48 = arith.constant 0 : i32
      %dma_wait3A_49 = tpu.memref_slice %arg5[%mul3A_9, %dma_wait3A_48] : memref<1280x128xi32, #tpu.memory_space<hbm>> -> memref<8x128xi32, #tpu.memory_space<hbm>>
      tpu.wait_dma2 semaphore(%arg19 : memref<!tpu.dma_semaphore, #tpu.memory_space<semaphore_mem>>) src(%dma_wait3A_49 : memref<8x128xi32, #tpu.memory_space<hbm>>) dst(%dma_wait3A_47 : memref<8x128xi32, #tpu.memory_space<vmem>>)
      %dma_wait3A_50 = arith.constant 0 : i32
      %dma_wait3A_51 = arith.constant 0 : i32
      %dma_wait3A_52 = arith.constant 0 : i32
      %dma_wait3A_53 = tpu.memref_slice %arg11[%dma_wait3A_50, %dma_wait3A_51, %dma_wait3A_52] : memref<3x8x128xi32, #tpu.memory_space<vmem>> -> memref<1x8x128xi32, #tpu.memory_space<vmem>>
      %dma_wait3A_54 = tpu.memref_squeeze %dma_wait3A_53 : memref<1x8x128xi32, #tpu.memory_space<vmem>> -> memref<8x128xi32, #tpu.memory_space<vmem>>
      %dma_wait3A_55 = arith.constant 0 : i32
      %dma_wait3A_56 = tpu.memref_slice %arg6[%mul3A_9, %dma_wait3A_55] : memref<1280x128xi32, #tpu.memory_space<hbm>> -> memref<8x128xi32, #tpu.memory_space<hbm>>
      %dma_wait3A_57 = arith.constant 0 : i32
      %dma_wait3A_58 = arith.constant 0 : i32
      %dma_wait3A_59 = tpu.memref_slice %arg11[%dma_wait3A_50, %dma_wait3A_57, %dma_wait3A_58] : memref<3x8x128xi32, #tpu.memory_space<vmem>> -> memref<1x8x128xi32, #tpu.memory_space<vmem>>
      %dma_wait3A_60 = tpu.memref_squeeze %dma_wait3A_59 : memref<1x8x128xi32, #tpu.memory_space<vmem>> -> memref<8x128xi32, #tpu.memory_space<vmem>>
      %dma_wait3A_61 = arith.constant 0 : i32
      %dma_wait3A_62 = tpu.memref_slice %arg6[%mul3A_9, %dma_wait3A_61] : memref<1280x128xi32, #tpu.memory_space<hbm>> -> memref<8x128xi32, #tpu.memory_space<hbm>>
      tpu.wait_dma2 semaphore(%arg19 : memref<!tpu.dma_semaphore, #tpu.memory_space<semaphore_mem>>) src(%dma_wait3A_62 : memref<8x128xi32, #tpu.memory_space<hbm>>) dst(%dma_wait3A_60 : memref<8x128xi32, #tpu.memory_space<vmem>>)
      %add3A_63 = arith.constant 8 : i32
      %add3A_64 = arith.addi %mul3A_9, %add3A_63 : i32
      %dma_start3A_65 = arith.constant 1 : i32
      %dma_start3A_66 = arith.constant 0 : i32
      %dma_start3A_67 = arith.constant 0 : i32
      %dma_start3A_68 = tpu.memref_slice %arg10[%dma_start3A_65, %dma_start3A_66, %dma_start3A_67] : memref<3x8x128xi32, #tpu.memory_space<vmem>> -> memref<1x8x128xi32, #tpu.memory_space<vmem>>
      %dma_start3A_69 = tpu.memref_squeeze %dma_start3A_68 : memref<1x8x128xi32, #tpu.memory_space<vmem>> -> memref<8x128xi32, #tpu.memory_space<vmem>>
      %dma_start3A_70 = arith.constant 0 : i32
      %dma_start3A_71 = tpu.memref_slice %arg5[%add3A_64, %dma_start3A_70] : memref<1280x128xi32, #tpu.memory_space<hbm>> -> memref<8x128xi32, #tpu.memory_space<hbm>>
      %dma_start3A_72 = arith.constant 0 : i32
      %dma_start3A_73 = arith.constant 0 : i32
      %dma_start3A_74 = tpu.memref_slice %arg10[%dma_start3A_65, %dma_start3A_72, %dma_start3A_73] : memref<3x8x128xi32, #tpu.memory_space<vmem>> -> memref<1x8x128xi32, #tpu.memory_space<vmem>>
      %dma_start3A_75 = tpu.memref_squeeze %dma_start3A_74 : memref<1x8x128xi32, #tpu.memory_space<vmem>> -> memref<8x128xi32, #tpu.memory_space<vmem>>
      %dma_start3A_76 = arith.constant 0 : i32
      %dma_start3A_77 = tpu.memref_slice %arg5[%add3A_64, %dma_start3A_76] : memref<1280x128xi32, #tpu.memory_space<hbm>> -> memref<8x128xi32, #tpu.memory_space<hbm>>
      tpu.enqueue_dma source(%dma_start3A_77 : memref<8x128xi32, #tpu.memory_space<hbm>>) target(%dma_start3A_75 : memref<8x128xi32, #tpu.memory_space<vmem>>) target_semaphore(%arg19 : memref<!tpu.dma_semaphore, #tpu.memory_space<semaphore_mem>>)
      %add3A_78 = arith.constant 8 : i32
      %add3A_79 = arith.addi %mul3A_9, %add3A_78 : i32
      %dma_start3A_80 = arith.constant 1 : i32
      %dma_start3A_81 = arith.constant 0 : i32
      %dma_start3A_82 = arith.constant 0 : i32
      %dma_start3A_83 = tpu.memref_slice %arg11[%dma_start3A_80, %dma_start3A_81, %dma_start3A_82] : memref<3x8x128xi32, #tpu.memory_space<vmem>> -> memref<1x8x128xi32, #tpu.memory_space<vmem>>
      %dma_start3A_84 = tpu.memref_squeeze %dma_start3A_83 : memref<1x8x128xi32, #tpu.memory_space<vmem>> -> memref<8x128xi32, #tpu.memory_space<vmem>>
      %dma_start3A_85 = arith.constant 0 : i32
      %dma_start3A_86 = tpu.memref_slice %arg6[%add3A_79, %dma_start3A_85] : memref<1280x128xi32, #tpu.memory_space<hbm>> -> memref<8x128xi32, #tpu.memory_space<hbm>>
      %dma_start3A_87 = arith.constant 0 : i32
      %dma_start3A_88 = arith.constant 0 : i32
      %dma_start3A_89 = tpu.memref_slice %arg11[%dma_start3A_80, %dma_start3A_87, %dma_start3A_88] : memref<3x8x128xi32, #tpu.memory_space<vmem>> -> memref<1x8x128xi32, #tpu.memory_space<vmem>>
      %dma_start3A_90 = tpu.memref_squeeze %dma_start3A_89 : memref<1x8x128xi32, #tpu.memory_space<vmem>> -> memref<8x128xi32, #tpu.memory_space<vmem>>
      %dma_start3A_91 = arith.constant 0 : i32
      %dma_start3A_92 = tpu.memref_slice %arg6[%add3A_79, %dma_start3A_91] : memref<1280x128xi32, #tpu.memory_space<hbm>> -> memref<8x128xi32, #tpu.memory_space<hbm>>
      tpu.enqueue_dma source(%dma_start3A_92 : memref<8x128xi32, #tpu.memory_space<hbm>>) target(%dma_start3A_90 : memref<8x128xi32, #tpu.memory_space<vmem>>) target_semaphore(%arg19 : memref<!tpu.dma_semaphore, #tpu.memory_space<semaphore_mem>>)
      %dma_start3A_93 = arith.constant 0 : i32
      %dma_start3A_94 = arith.constant 0 : i32
      %dma_start3A_95 = arith.constant 0 : i32
      %dma_start3A_96 = arith.constant 0 : i32
      %dma_start3A_97 = tpu.memref_slice %arg12[%dma_start3A_95, %dma_start3A_96] : memref<128x128xf32, #tpu.memory_space<vmem>> -> memref<64x128xf32, #tpu.memory_space<vmem>>
      %dma_start3A_98 = arith.constant 0 : i32
      %dma_start3A_99 = tpu.memref_slice %arg10[%dma_start3A_93, %dma_start3A_94, %dma_start3A_98] : memref<3x8x128xi32, #tpu.memory_space<vmem>> -> memref<1x1x64xi32, #tpu.memory_space<vmem>>
      %dma_start3A_100 = tpu.memref_squeeze %dma_start3A_99 : memref<1x1x64xi32, #tpu.memory_space<vmem>> -> memref<64xi32, #tpu.memory_space<vmem>>
      %dma_start3A_101 = arith.constant 0 : i32
      %dma_start3A_102 = arith.constant 0 : i32
      %dma_start3A_103 = tpu.memref_slice %arg2[%dma_start3A_101, %dma_start3A_102] : memref<10000x128xf32, #tpu.memory_space<hbm>> -> memref<10000x128xf32, #tpu.memory_space<hbm>>
      tpu.enqueue_indirect_dma source(%dma_start3A_103 : memref<10000x128xf32, #tpu.memory_space<hbm>>) target(%dma_start3A_97 : memref<64x128xf32, #tpu.memory_space<vmem>>) offsets(%dma_start3A_100 : memref<64xi32, #tpu.memory_space<vmem>>) semaphore(%arg15 : memref<!tpu.dma_semaphore, #tpu.memory_space<semaphore_mem>>)
      %dma_start3A_104 = arith.constant 0 : i32
      %dma_start3A_105 = arith.constant 0 : i32
      %dma_start3A_106 = arith.constant 64 : i32
      %dma_start3A_107 = arith.constant 0 : i32
      %dma_start3A_108 = tpu.memref_slice %arg12[%dma_start3A_106, %dma_start3A_107] : memref<128x128xf32, #tpu.memory_space<vmem>> -> memref<64x128xf32, #tpu.memory_space<vmem>>
      %dma_start3A_109 = arith.constant 64 : i32
      %dma_start3A_110 = tpu.memref_slice %arg10[%dma_start3A_104, %dma_start3A_105, %dma_start3A_109] : memref<3x8x128xi32, #tpu.memory_space<vmem>> -> memref<1x1x64xi32, #tpu.memory_space<vmem>>
      %dma_start3A_111 = tpu.memref_squeeze %dma_start3A_110 : memref<1x1x64xi32, #tpu.memory_space<vmem>> -> memref<64xi32, #tpu.memory_space<vmem>>
      %dma_start3A_112 = arith.constant 0 : i32
      %dma_start3A_113 = arith.constant 0 : i32
      %dma_start3A_114 = tpu.memref_slice %arg2[%dma_start3A_112, %dma_start3A_113] : memref<10000x128xf32, #tpu.memory_space<hbm>> -> memref<10000x128xf32, #tpu.memory_space<hbm>>
      tpu.enqueue_indirect_dma source(%dma_start3A_114 : memref<10000x128xf32, #tpu.memory_space<hbm>>) target(%dma_start3A_108 : memref<64x128xf32, #tpu.memory_space<vmem>>) offsets(%dma_start3A_111 : memref<64xi32, #tpu.memory_space<vmem>>) semaphore(%arg15 : memref<!tpu.dma_semaphore, #tpu.memory_space<semaphore_mem>>)
      %scan3A = arith.constant 0 : i32
      %scan3A_115 = arith.constant 0 : i32
      %scan3A_116 = arith.constant 80 : i32
      %scan3A_117 = arith.addi %scan3A_115, %scan3A_116 : i32
      %scan3A_118 = arith.constant 1 : i32
      scf.for %scan3A_137 = %scan3A_115 to %scan3A_117 step %scan3A_118  : i32 {
        %add3A_138 = arith.constant 1 : i32
        %add3A_139 = arith.addi %scan3A_137, %add3A_138 : i32
        %jit3A = arith.constant 8 : i32
        %eq3A_140 = arith.constant 0 : i32
        %eq3A_141 = arith.cmpi eq, %jit3A, %eq3A_140 : i32
        %jit3A_142 = arith.constant 1 : i32
        %select_n3A = arith.select %eq3A_141, %jit3A_142, %jit3A : i32
        %rem3A = arith.remsi %add3A_139, %select_n3A : i32
        %ne3A = arith.constant 0 : i32
        %ne3A_143 = arith.cmpi ne, %rem3A, %ne3A : i32
        %lt3A = arith.constant 0 : i32
        %lt3A_144 = arith.cmpi slt, %rem3A, %lt3A : i32
        %lt3A_145 = arith.constant 0 : i32
        %lt3A_146 = arith.cmpi slt, %select_n3A, %lt3A_145 : i32
        %ne3A_147 = arith.xori %lt3A_144, %lt3A_146 : i1
        %and3A = arith.andi %ne3A_147, %ne3A_143 : i1
        %add3A_148 = arith.addi %rem3A, %select_n3A : i32
        %select_n3A_149 = arith.select %and3A, %add3A_148, %rem3A : i32
        %eq3A_150 = arith.constant 0 : i32
        %eq3A_151 = arith.cmpi eq, %select_n3A_149, %eq3A_150 : i32
        %lt3A_152 = arith.constant 80 : i32
        %lt3A_153 = arith.cmpi slt, %add3A_139, %lt3A_152 : i32
        %and3A_154 = arith.andi %eq3A_151, %lt3A_153 : i1
        %convert_element_type3A_155 = arith.extui %and3A_154 : i1 to i32
        %cond3A_156 = arith.constant 0 : i32
        %cond3A_157 = arith.cmpi ne, %convert_element_type3A_155, %cond3A_156 : i32
        scf.if %cond3A_157 {
          %jit3A_249 = arith.constant 8 : i32
          %div3A_250 = arith.divsi %add3A_139, %jit3A_249 : i32
          %sign3A_251 = arith.constant 0 : i32
          %sign3A_252 = arith.cmpi sgt, %add3A_139, %sign3A_251 : i32
          %sign3A_253 = arith.extui %sign3A_252 : i1 to i32
          %sign3A_254 = arith.constant 0 : i32
          %sign3A_255 = arith.cmpi slt, %add3A_139, %sign3A_254 : i32
          %sign3A_256 = arith.extui %sign3A_255 : i1 to i32
          %sign3A_257 = arith.subi %sign3A_253, %sign3A_256 : i32
          %sign3A_258 = arith.constant 0 : i32
          %sign3A_259 = arith.cmpi sgt, %jit3A_249, %sign3A_258 : i32
          %sign3A_260 = arith.extui %sign3A_259 : i1 to i32
          %sign3A_261 = arith.constant 0 : i32
          %sign3A_262 = arith.cmpi slt, %jit3A_249, %sign3A_261 : i32
          %sign3A_263 = arith.extui %sign3A_262 : i1 to i32
          %sign3A_264 = arith.subi %sign3A_260, %sign3A_263 : i32
          %ne3A_265 = arith.cmpi ne, %sign3A_257, %sign3A_264 : i32
          %rem3A_266 = arith.remsi %add3A_139, %jit3A_249 : i32
          %ne3A_267 = arith.constant 0 : i32
          %ne3A_268 = arith.cmpi ne, %rem3A_266, %ne3A_267 : i32
          %and3A_269 = arith.andi %ne3A_265, %ne3A_268 : i1
          %sub3A_270 = arith.constant 1 : i32
          %sub3A_271 = arith.subi %div3A_250, %sub3A_270 : i32
          %select_n3A_272 = arith.select %and3A_269, %sub3A_271, %div3A_250 : i32
          %jit3A_273 = arith.constant 3 : i32
          %eq3A_274 = arith.constant 0 : i32
          %eq3A_275 = arith.cmpi eq, %jit3A_273, %eq3A_274 : i32
          %jit3A_276 = arith.constant 1 : i32
          %select_n3A_277 = arith.select %eq3A_275, %jit3A_276, %jit3A_273 : i32
          %rem3A_278 = arith.remsi %select_n3A_272, %select_n3A_277 : i32
          %ne3A_279 = arith.constant 0 : i32
          %ne3A_280 = arith.cmpi ne, %rem3A_278, %ne3A_279 : i32
          %lt3A_281 = arith.constant 0 : i32
          %lt3A_282 = arith.cmpi slt, %rem3A_278, %lt3A_281 : i32
          %lt3A_283 = arith.constant 0 : i32
          %lt3A_284 = arith.cmpi slt, %select_n3A_277, %lt3A_283 : i32
          %ne3A_285 = arith.xori %lt3A_282, %lt3A_284 : i1
          %and3A_286 = arith.andi %ne3A_285, %ne3A_280 : i1
          %add3A_287 = arith.addi %rem3A_278, %select_n3A_277 : i32
          %select_n3A_288 = arith.select %and3A_286, %add3A_287, %rem3A_278 : i32
          %dma_wait3A_289 = arith.constant 0 : i32
          %dma_wait3A_290 = arith.constant 0 : i32
          %dma_wait3A_291 = tpu.memref_slice %arg10[%select_n3A_288, %dma_wait3A_289, %dma_wait3A_290] : memref<3x8x128xi32, #tpu.memory_space<vmem>> -> memref<1x8x128xi32, #tpu.memory_space<vmem>>
          %dma_wait3A_292 = tpu.memref_squeeze %dma_wait3A_291 : memref<1x8x128xi32, #tpu.memory_space<vmem>> -> memref<8x128xi32, #tpu.memory_space<vmem>>
          %dma_wait3A_293 = arith.constant 0 : i32
          %dma_wait3A_294 = tpu.memref_slice %arg5[%mul3A_9, %dma_wait3A_293] : memref<1280x128xi32, #tpu.memory_space<hbm>> -> memref<8x128xi32, #tpu.memory_space<hbm>>
          %dma_wait3A_295 = arith.constant 0 : i32
          %dma_wait3A_296 = arith.constant 0 : i32
          %dma_wait3A_297 = tpu.memref_slice %arg10[%select_n3A_288, %dma_wait3A_295, %dma_wait3A_296] : memref<3x8x128xi32, #tpu.memory_space<vmem>> -> memref<1x8x128xi32, #tpu.memory_space<vmem>>
          %dma_wait3A_298 = tpu.memref_squeeze %dma_wait3A_297 : memref<1x8x128xi32, #tpu.memory_space<vmem>> -> memref<8x128xi32, #tpu.memory_space<vmem>>
          %dma_wait3A_299 = arith.constant 0 : i32
          %dma_wait3A_300 = tpu.memref_slice %arg5[%mul3A_9, %dma_wait3A_299] : memref<1280x128xi32, #tpu.memory_space<hbm>> -> memref<8x128xi32, #tpu.memory_space<hbm>>
          tpu.wait_dma2 semaphore(%arg19 : memref<!tpu.dma_semaphore, #tpu.memory_space<semaphore_mem>>) src(%dma_wait3A_300 : memref<8x128xi32, #tpu.memory_space<hbm>>) dst(%dma_wait3A_298 : memref<8x128xi32, #tpu.memory_space<vmem>>)
          %jit3A_301 = arith.constant 3 : i32
          %eq3A_302 = arith.constant 0 : i32
          %eq3A_303 = arith.cmpi eq, %jit3A_301, %eq3A_302 : i32
          %jit3A_304 = arith.constant 1 : i32
          %select_n3A_305 = arith.select %eq3A_303, %jit3A_304, %jit3A_301 : i32
          %rem3A_306 = arith.remsi %select_n3A_272, %select_n3A_305 : i32
          %ne3A_307 = arith.constant 0 : i32
          %ne3A_308 = arith.cmpi ne, %rem3A_306, %ne3A_307 : i32
          %lt3A_309 = arith.constant 0 : i32
          %lt3A_310 = arith.cmpi slt, %rem3A_306, %lt3A_309 : i32
          %lt3A_311 = arith.constant 0 : i32
          %lt3A_312 = arith.cmpi slt, %select_n3A_305, %lt3A_311 : i32
          %ne3A_313 = arith.xori %lt3A_310, %lt3A_312 : i1
          %and3A_314 = arith.andi %ne3A_313, %ne3A_308 : i1
          %add3A_315 = arith.addi %rem3A_306, %select_n3A_305 : i32
          %select_n3A_316 = arith.select %and3A_314, %add3A_315, %rem3A_306 : i32
          %dma_wait3A_317 = arith.constant 0 : i32
          %dma_wait3A_318 = arith.constant 0 : i32
          %dma_wait3A_319 = tpu.memref_slice %arg11[%select_n3A_316, %dma_wait3A_317, %dma_wait3A_318] : memref<3x8x128xi32, #tpu.memory_space<vmem>> -> memref<1x8x128xi32, #tpu.memory_space<vmem>>
          %dma_wait3A_320 = tpu.memref_squeeze %dma_wait3A_319 : memref<1x8x128xi32, #tpu.memory_space<vmem>> -> memref<8x128xi32, #tpu.memory_space<vmem>>
          %dma_wait3A_321 = arith.constant 0 : i32
          %dma_wait3A_322 = tpu.memref_slice %arg6[%mul3A_9, %dma_wait3A_321] : memref<1280x128xi32, #tpu.memory_space<hbm>> -> memref<8x128xi32, #tpu.memory_space<hbm>>
          %dma_wait3A_323 = arith.constant 0 : i32
          %dma_wait3A_324 = arith.constant 0 : i32
          %dma_wait3A_325 = tpu.memref_slice %arg11[%select_n3A_316, %dma_wait3A_323, %dma_wait3A_324] : memref<3x8x128xi32, #tpu.memory_space<vmem>> -> memref<1x8x128xi32, #tpu.memory_space<vmem>>
          %dma_wait3A_326 = tpu.memref_squeeze %dma_wait3A_325 : memref<1x8x128xi32, #tpu.memory_space<vmem>> -> memref<8x128xi32, #tpu.memory_space<vmem>>
          %dma_wait3A_327 = arith.constant 0 : i32
          %dma_wait3A_328 = tpu.memref_slice %arg6[%mul3A_9, %dma_wait3A_327] : memref<1280x128xi32, #tpu.memory_space<hbm>> -> memref<8x128xi32, #tpu.memory_space<hbm>>
          tpu.wait_dma2 semaphore(%arg19 : memref<!tpu.dma_semaphore, #tpu.memory_space<semaphore_mem>>) src(%dma_wait3A_328 : memref<8x128xi32, #tpu.memory_space<hbm>>) dst(%dma_wait3A_326 : memref<8x128xi32, #tpu.memory_space<vmem>>)
          %add3A_329 = arith.constant 1 : i32
          %add3A_330 = arith.addi %select_n3A_272, %add3A_329 : i32
          %lt3A_331 = arith.constant 10 : i32
          %lt3A_332 = arith.cmpi slt, %add3A_330, %lt3A_331 : i32
          %convert_element_type3A_333 = arith.extui %lt3A_332 : i1 to i32
          %cond3A_334 = arith.constant 0 : i32
          %cond3A_335 = arith.cmpi ne, %convert_element_type3A_333, %cond3A_334 : i32
          scf.if %cond3A_335 {
            %add3A_336 = arith.constant 1 : i32
            %add3A_337 = arith.addi %select_n3A_272, %add3A_336 : i32
            %mul3A_338 = arith.constant 8 : i32
            %mul3A_339 = arith.muli %add3A_337, %mul3A_338 : i32
            %add3A_340 = arith.addi %mul3A_9, %mul3A_339 : i32
            %jit3A_341 = arith.constant 3 : i32
            %eq3A_342 = arith.constant 0 : i32
            %eq3A_343 = arith.cmpi eq, %jit3A_341, %eq3A_342 : i32
            %jit3A_344 = arith.constant 1 : i32
            %select_n3A_345 = arith.select %eq3A_343, %jit3A_344, %jit3A_341 : i32
            %rem3A_346 = arith.remsi %add3A_337, %select_n3A_345 : i32
            %ne3A_347 = arith.constant 0 : i32
            %ne3A_348 = arith.cmpi ne, %rem3A_346, %ne3A_347 : i32
            %lt3A_349 = arith.constant 0 : i32
            %lt3A_350 = arith.cmpi slt, %rem3A_346, %lt3A_349 : i32
            %lt3A_351 = arith.constant 0 : i32
            %lt3A_352 = arith.cmpi slt, %select_n3A_345, %lt3A_351 : i32
            %ne3A_353 = arith.xori %lt3A_350, %lt3A_352 : i1
            %and3A_354 = arith.andi %ne3A_353, %ne3A_348 : i1
            %add3A_355 = arith.addi %rem3A_346, %select_n3A_345 : i32
            %select_n3A_356 = arith.select %and3A_354, %add3A_355, %rem3A_346 : i32
            %dma_start3A_357 = arith.constant 0 : i32
            %dma_start3A_358 = arith.constant 0 : i32
            %dma_start3A_359 = tpu.memref_slice %arg10[%select_n3A_356, %dma_start3A_357, %dma_start3A_358] : memref<3x8x128xi32, #tpu.memory_space<vmem>> -> memref<1x8x128xi32, #tpu.memory_space<vmem>>
            %dma_start3A_360 = tpu.memref_squeeze %dma_start3A_359 : memref<1x8x128xi32, #tpu.memory_space<vmem>> -> memref<8x128xi32, #tpu.memory_space<vmem>>
            %dma_start3A_361 = arith.constant 0 : i32
            %dma_start3A_362 = tpu.memref_slice %arg5[%add3A_340, %dma_start3A_361] : memref<1280x128xi32, #tpu.memory_space<hbm>> -> memref<8x128xi32, #tpu.memory_space<hbm>>
            %dma_start3A_363 = arith.constant 0 : i32
            %dma_start3A_364 = arith.constant 0 : i32
            %dma_start3A_365 = tpu.memref_slice %arg10[%select_n3A_356, %dma_start3A_363, %dma_start3A_364] : memref<3x8x128xi32, #tpu.memory_space<vmem>> -> memref<1x8x128xi32, #tpu.memory_space<vmem>>
            %dma_start3A_366 = tpu.memref_squeeze %dma_start3A_365 : memref<1x8x128xi32, #tpu.memory_space<vmem>> -> memref<8x128xi32, #tpu.memory_space<vmem>>
            %dma_start3A_367 = arith.constant 0 : i32
            %dma_start3A_368 = tpu.memref_slice %arg5[%add3A_340, %dma_start3A_367] : memref<1280x128xi32, #tpu.memory_space<hbm>> -> memref<8x128xi32, #tpu.memory_space<hbm>>
            tpu.enqueue_dma source(%dma_start3A_368 : memref<8x128xi32, #tpu.memory_space<hbm>>) target(%dma_start3A_366 : memref<8x128xi32, #tpu.memory_space<vmem>>) target_semaphore(%arg19 : memref<!tpu.dma_semaphore, #tpu.memory_space<semaphore_mem>>)
            %mul3A_369 = arith.constant 8 : i32
            %mul3A_370 = arith.muli %add3A_337, %mul3A_369 : i32
            %add3A_371 = arith.addi %mul3A_9, %mul3A_370 : i32
            %jit3A_372 = arith.constant 3 : i32
            %eq3A_373 = arith.constant 0 : i32
            %eq3A_374 = arith.cmpi eq, %jit3A_372, %eq3A_373 : i32
            %jit3A_375 = arith.constant 1 : i32
            %select_n3A_376 = arith.select %eq3A_374, %jit3A_375, %jit3A_372 : i32
            %rem3A_377 = arith.remsi %add3A_337, %select_n3A_376 : i32
            %ne3A_378 = arith.constant 0 : i32
            %ne3A_379 = arith.cmpi ne, %rem3A_377, %ne3A_378 : i32
            %lt3A_380 = arith.constant 0 : i32
            %lt3A_381 = arith.cmpi slt, %rem3A_377, %lt3A_380 : i32
            %lt3A_382 = arith.constant 0 : i32
            %lt3A_383 = arith.cmpi slt, %select_n3A_376, %lt3A_382 : i32
            %ne3A_384 = arith.xori %lt3A_381, %lt3A_383 : i1
            %and3A_385 = arith.andi %ne3A_384, %ne3A_379 : i1
            %add3A_386 = arith.addi %rem3A_377, %select_n3A_376 : i32
            %select_n3A_387 = arith.select %and3A_385, %add3A_386, %rem3A_377 : i32
            %dma_start3A_388 = arith.constant 0 : i32
            %dma_start3A_389 = arith.constant 0 : i32
            %dma_start3A_390 = tpu.memref_slice %arg11[%select_n3A_387, %dma_start3A_388, %dma_start3A_389] : memref<3x8x128xi32, #tpu.memory_space<vmem>> -> memref<1x8x128xi32, #tpu.memory_space<vmem>>
            %dma_start3A_391 = tpu.memref_squeeze %dma_start3A_390 : memref<1x8x128xi32, #tpu.memory_space<vmem>> -> memref<8x128xi32, #tpu.memory_space<vmem>>
            %dma_start3A_392 = arith.constant 0 : i32
            %dma_start3A_393 = tpu.memref_slice %arg6[%add3A_371, %dma_start3A_392] : memref<1280x128xi32, #tpu.memory_space<hbm>> -> memref<8x128xi32, #tpu.memory_space<hbm>>
            %dma_start3A_394 = arith.constant 0 : i32
            %dma_start3A_395 = arith.constant 0 : i32
            %dma_start3A_396 = tpu.memref_slice %arg11[%select_n3A_387, %dma_start3A_394, %dma_start3A_395] : memref<3x8x128xi32, #tpu.memory_space<vmem>> -> memref<1x8x128xi32, #tpu.memory_space<vmem>>
            %dma_start3A_397 = tpu.memref_squeeze %dma_start3A_396 : memref<1x8x128xi32, #tpu.memory_space<vmem>> -> memref<8x128xi32, #tpu.memory_space<vmem>>
            %dma_start3A_398 = arith.constant 0 : i32
            %dma_start3A_399 = tpu.memref_slice %arg6[%add3A_371, %dma_start3A_398] : memref<1280x128xi32, #tpu.memory_space<hbm>> -> memref<8x128xi32, #tpu.memory_space<hbm>>
            tpu.enqueue_dma source(%dma_start3A_399 : memref<8x128xi32, #tpu.memory_space<hbm>>) target(%dma_start3A_397 : memref<8x128xi32, #tpu.memory_space<vmem>>) target_semaphore(%arg19 : memref<!tpu.dma_semaphore, #tpu.memory_space<semaphore_mem>>)
          } else {
          }
        } else {
        }
        %lt3A_158 = arith.constant 80 : i32
        %lt3A_159 = arith.cmpi slt, %add3A_139, %lt3A_158 : i32
        %ge3A = arith.constant 1 : i32
        %ge3A_160 = arith.cmpi sge, %scan3A_137, %ge3A : i32
        %and3A_161 = arith.andi %lt3A_159, %ge3A_160 : i1
        %convert_element_type3A_162 = arith.extui %and3A_161 : i1 to i32
        %cond3A_163 = arith.constant 0 : i32
        %cond3A_164 = arith.cmpi ne, %convert_element_type3A_162, %cond3A_163 : i32
        scf.if %cond3A_164 {
          %jit3A_249 = arith.constant 2 : i32
          %eq3A_250 = arith.constant 0 : i32
          %eq3A_251 = arith.cmpi eq, %jit3A_249, %eq3A_250 : i32
          %jit3A_252 = arith.constant 1 : i32
          %select_n3A_253 = arith.select %eq3A_251, %jit3A_252, %jit3A_249 : i32
          %rem3A_254 = arith.remsi %add3A_139, %select_n3A_253 : i32
          %ne3A_255 = arith.constant 0 : i32
          %ne3A_256 = arith.cmpi ne, %rem3A_254, %ne3A_255 : i32
          %lt3A_257 = arith.constant 0 : i32
          %lt3A_258 = arith.cmpi slt, %rem3A_254, %lt3A_257 : i32
          %lt3A_259 = arith.constant 0 : i32
          %lt3A_260 = arith.cmpi slt, %select_n3A_253, %lt3A_259 : i32
          %ne3A_261 = arith.xori %lt3A_258, %lt3A_260 : i1
          %and3A_262 = arith.andi %ne3A_261, %ne3A_256 : i1
          %add3A_263 = arith.addi %rem3A_254, %select_n3A_253 : i32
          %select_n3A_264 = arith.select %and3A_262, %add3A_263, %rem3A_254 : i32
          %eq3A_265 = arith.constant 0 : i32
          %eq3A_266 = arith.cmpi eq, %select_n3A_264, %eq3A_265 : i32
          %convert_element_type3A_267 = arith.extui %eq3A_266 : i1 to i32
          %cond3A_268 = arith.constant 0 : i32
          %cond3A_269 = arith.cmpi ne, %convert_element_type3A_267, %cond3A_268 : i32
          scf.if %cond3A_269 {
            %dma_wait3A_291 = arith.constant 0 : i32
            %dma_wait3A_292 = arith.constant 0 : i32
            %dma_wait3A_293 = arith.constant 0 : i32
            %dma_wait3A_294 = tpu.memref_slice %arg11[%dma_wait3A_291, %dma_wait3A_292, %dma_wait3A_293] : memref<3x8x128xi32, #tpu.memory_space<vmem>> -> memref<1x1x128xi32, #tpu.memory_space<vmem>>
            %dma_wait3A_295 = tpu.memref_squeeze %dma_wait3A_294 : memref<1x1x128xi32, #tpu.memory_space<vmem>> -> memref<128xi32, #tpu.memory_space<vmem>>
            %dma_wait3A_296 = arith.constant 0 : i32
            %dma_wait3A_297 = arith.constant 0 : i32
            %dma_wait3A_298 = tpu.memref_slice %arg14[%dma_wait3A_296, %dma_wait3A_297] : memref<10112x128xf32, #tpu.memory_space<vmem_shared>> -> memref<10112x128xf32, #tpu.memory_space<vmem_shared>>
            tpu.wait_indirect_dma semaphore(%arg17 : memref<!tpu.dma_semaphore, #tpu.memory_space<semaphore_mem>>) src(%arg12 : memref<128x128xf32, #tpu.memory_space<vmem>>) dst(%dma_wait3A_298 : memref<10112x128xf32, #tpu.memory_space<vmem_shared>>)
          } else {
          }
          %jit3A_270 = arith.constant 2 : i32
          %eq3A_271 = arith.constant 0 : i32
          %eq3A_272 = arith.cmpi eq, %jit3A_270, %eq3A_271 : i32
          %jit3A_273 = arith.constant 1 : i32
          %select_n3A_274 = arith.select %eq3A_272, %jit3A_273, %jit3A_270 : i32
          %rem3A_275 = arith.remsi %add3A_139, %select_n3A_274 : i32
          %ne3A_276 = arith.constant 0 : i32
          %ne3A_277 = arith.cmpi ne, %rem3A_275, %ne3A_276 : i32
          %lt3A_278 = arith.constant 0 : i32
          %lt3A_279 = arith.cmpi slt, %rem3A_275, %lt3A_278 : i32
          %lt3A_280 = arith.constant 0 : i32
          %lt3A_281 = arith.cmpi slt, %select_n3A_274, %lt3A_280 : i32
          %ne3A_282 = arith.xori %lt3A_279, %lt3A_281 : i1
          %and3A_283 = arith.andi %ne3A_282, %ne3A_277 : i1
          %add3A_284 = arith.addi %rem3A_275, %select_n3A_274 : i32
          %select_n3A_285 = arith.select %and3A_283, %add3A_284, %rem3A_275 : i32
          %eq3A_286 = arith.constant 1 : i32
          %eq3A_287 = arith.cmpi eq, %select_n3A_285, %eq3A_286 : i32
          %convert_element_type3A_288 = arith.extui %eq3A_287 : i1 to i32
          %cond3A_289 = arith.constant 0 : i32
          %cond3A_290 = arith.cmpi ne, %convert_element_type3A_288, %cond3A_289 : i32
          scf.if %cond3A_290 {
            %dma_wait3A_291 = arith.constant 0 : i32
            %dma_wait3A_292 = arith.constant 0 : i32
            %dma_wait3A_293 = arith.constant 0 : i32
            %dma_wait3A_294 = tpu.memref_slice %arg11[%dma_wait3A_291, %dma_wait3A_292, %dma_wait3A_293] : memref<3x8x128xi32, #tpu.memory_space<vmem>> -> memref<1x1x128xi32, #tpu.memory_space<vmem>>
            %dma_wait3A_295 = tpu.memref_squeeze %dma_wait3A_294 : memref<1x1x128xi32, #tpu.memory_space<vmem>> -> memref<128xi32, #tpu.memory_space<vmem>>
            %dma_wait3A_296 = arith.constant 0 : i32
            %dma_wait3A_297 = arith.constant 0 : i32
            %dma_wait3A_298 = tpu.memref_slice %arg14[%dma_wait3A_296, %dma_wait3A_297] : memref<10112x128xf32, #tpu.memory_space<vmem_shared>> -> memref<10112x128xf32, #tpu.memory_space<vmem_shared>>
            tpu.wait_indirect_dma semaphore(%arg18 : memref<!tpu.dma_semaphore, #tpu.memory_space<semaphore_mem>>) src(%arg13 : memref<128x128xf32, #tpu.memory_space<vmem>>) dst(%dma_wait3A_298 : memref<10112x128xf32, #tpu.memory_space<vmem_shared>>)
          } else {
          }
        } else {
        }
        %lt3A_165 = arith.constant 80 : i32
        %lt3A_166 = arith.cmpi slt, %add3A_139, %lt3A_165 : i32
        %convert_element_type3A_167 = arith.extui %lt3A_166 : i1 to i32
        %cond3A_168 = arith.constant 0 : i32
        %cond3A_169 = arith.cmpi ne, %convert_element_type3A_167, %cond3A_168 : i32
        scf.if %cond3A_169 {
          %jit3A_249 = arith.constant 8 : i32
          %div3A_250 = arith.divsi %add3A_139, %jit3A_249 : i32
          %sign3A_251 = arith.constant 0 : i32
          %sign3A_252 = arith.cmpi sgt, %add3A_139, %sign3A_251 : i32
          %sign3A_253 = arith.extui %sign3A_252 : i1 to i32
          %sign3A_254 = arith.constant 0 : i32
          %sign3A_255 = arith.cmpi slt, %add3A_139, %sign3A_254 : i32
          %sign3A_256 = arith.extui %sign3A_255 : i1 to i32
          %sign3A_257 = arith.subi %sign3A_253, %sign3A_256 : i32
          %sign3A_258 = arith.constant 0 : i32
          %sign3A_259 = arith.cmpi sgt, %jit3A_249, %sign3A_258 : i32
          %sign3A_260 = arith.extui %sign3A_259 : i1 to i32
          %sign3A_261 = arith.constant 0 : i32
          %sign3A_262 = arith.cmpi slt, %jit3A_249, %sign3A_261 : i32
          %sign3A_263 = arith.extui %sign3A_262 : i1 to i32
          %sign3A_264 = arith.subi %sign3A_260, %sign3A_263 : i32
          %ne3A_265 = arith.cmpi ne, %sign3A_257, %sign3A_264 : i32
          %rem3A_266 = arith.remsi %add3A_139, %jit3A_249 : i32
          %ne3A_267 = arith.constant 0 : i32
          %ne3A_268 = arith.cmpi ne, %rem3A_266, %ne3A_267 : i32
          %and3A_269 = arith.andi %ne3A_265, %ne3A_268 : i1
          %sub3A_270 = arith.constant 1 : i32
          %sub3A_271 = arith.subi %div3A_250, %sub3A_270 : i32
          %select_n3A_272 = arith.select %and3A_269, %sub3A_271, %div3A_250 : i32
          %jit3A_273 = arith.constant 3 : i32
          %eq3A_274 = arith.constant 0 : i32
          %eq3A_275 = arith.cmpi eq, %jit3A_273, %eq3A_274 : i32
          %jit3A_276 = arith.constant 1 : i32
          %select_n3A_277 = arith.select %eq3A_275, %jit3A_276, %jit3A_273 : i32
          %rem3A_278 = arith.remsi %select_n3A_272, %select_n3A_277 : i32
          %ne3A_279 = arith.constant 0 : i32
          %ne3A_280 = arith.cmpi ne, %rem3A_278, %ne3A_279 : i32
          %lt3A_281 = arith.constant 0 : i32
          %lt3A_282 = arith.cmpi slt, %rem3A_278, %lt3A_281 : i32
          %lt3A_283 = arith.constant 0 : i32
          %lt3A_284 = arith.cmpi slt, %select_n3A_277, %lt3A_283 : i32
          %ne3A_285 = arith.xori %lt3A_282, %lt3A_284 : i1
          %and3A_286 = arith.andi %ne3A_285, %ne3A_280 : i1
          %add3A_287 = arith.addi %rem3A_278, %select_n3A_277 : i32
          %select_n3A_288 = arith.select %and3A_286, %add3A_287, %rem3A_278 : i32
          %jit3A_289 = arith.constant 8 : i32
          %eq3A_290 = arith.constant 0 : i32
          %eq3A_291 = arith.cmpi eq, %jit3A_289, %eq3A_290 : i32
          %jit3A_292 = arith.constant 1 : i32
          %select_n3A_293 = arith.select %eq3A_291, %jit3A_292, %jit3A_289 : i32
          %rem3A_294 = arith.remsi %add3A_139, %select_n3A_293 : i32
          %ne3A_295 = arith.constant 0 : i32
          %ne3A_296 = arith.cmpi ne, %rem3A_294, %ne3A_295 : i32
          %lt3A_297 = arith.constant 0 : i32
          %lt3A_298 = arith.cmpi slt, %rem3A_294, %lt3A_297 : i32
          %lt3A_299 = arith.constant 0 : i32
          %lt3A_300 = arith.cmpi slt, %select_n3A_293, %lt3A_299 : i32
          %ne3A_301 = arith.xori %lt3A_298, %lt3A_300 : i1
          %and3A_302 = arith.andi %ne3A_301, %ne3A_296 : i1
          %add3A_303 = arith.addi %rem3A_294, %select_n3A_293 : i32
          %select_n3A_304 = arith.select %and3A_302, %add3A_303, %rem3A_294 : i32
          %jit3A_305 = arith.constant 2 : i32
          %eq3A_306 = arith.constant 0 : i32
          %eq3A_307 = arith.cmpi eq, %jit3A_305, %eq3A_306 : i32
          %jit3A_308 = arith.constant 1 : i32
          %select_n3A_309 = arith.select %eq3A_307, %jit3A_308, %jit3A_305 : i32
          %rem3A_310 = arith.remsi %add3A_139, %select_n3A_309 : i32
          %ne3A_311 = arith.constant 0 : i32
          %ne3A_312 = arith.cmpi ne, %rem3A_310, %ne3A_311 : i32
          %lt3A_313 = arith.constant 0 : i32
          %lt3A_314 = arith.cmpi slt, %rem3A_310, %lt3A_313 : i32
          %lt3A_315 = arith.constant 0 : i32
          %lt3A_316 = arith.cmpi slt, %select_n3A_309, %lt3A_315 : i32
          %ne3A_317 = arith.xori %lt3A_314, %lt3A_316 : i1
          %and3A_318 = arith.andi %ne3A_317, %ne3A_312 : i1
          %add3A_319 = arith.addi %rem3A_310, %select_n3A_309 : i32
          %select_n3A_320 = arith.select %and3A_318, %add3A_319, %rem3A_310 : i32
          %eq3A_321 = arith.constant 0 : i32
          %eq3A_322 = arith.cmpi eq, %select_n3A_320, %eq3A_321 : i32
          %convert_element_type3A_323 = arith.extui %eq3A_322 : i1 to i32
          %cond3A_324 = arith.constant 0 : i32
          %cond3A_325 = arith.cmpi ne, %convert_element_type3A_323, %cond3A_324 : i32
          scf.if %cond3A_325 {
            %dma_start3A_347 = arith.constant 0 : i32
            %dma_start3A_348 = arith.constant 0 : i32
            %dma_start3A_349 = tpu.memref_slice %arg12[%dma_start3A_347, %dma_start3A_348] : memref<128x128xf32, #tpu.memory_space<vmem>> -> memref<64x128xf32, #tpu.memory_space<vmem>>
            %dma_start3A_350 = arith.constant 0 : i32
            %dma_start3A_351 = tpu.memref_slice %arg10[%select_n3A_288, %select_n3A_304, %dma_start3A_350] : memref<3x8x128xi32, #tpu.memory_space<vmem>> -> memref<1x1x64xi32, #tpu.memory_space<vmem>>
            %dma_start3A_352 = tpu.memref_squeeze %dma_start3A_351 : memref<1x1x64xi32, #tpu.memory_space<vmem>> -> memref<64xi32, #tpu.memory_space<vmem>>
            %dma_start3A_353 = arith.constant 0 : i32
            %dma_start3A_354 = arith.constant 0 : i32
            %dma_start3A_355 = tpu.memref_slice %arg2[%dma_start3A_353, %dma_start3A_354] : memref<10000x128xf32, #tpu.memory_space<hbm>> -> memref<10000x128xf32, #tpu.memory_space<hbm>>
            tpu.enqueue_indirect_dma source(%dma_start3A_355 : memref<10000x128xf32, #tpu.memory_space<hbm>>) target(%dma_start3A_349 : memref<64x128xf32, #tpu.memory_space<vmem>>) offsets(%dma_start3A_352 : memref<64xi32, #tpu.memory_space<vmem>>) semaphore(%arg15 : memref<!tpu.dma_semaphore, #tpu.memory_space<semaphore_mem>>)
            %dma_start3A_356 = arith.constant 64 : i32
            %dma_start3A_357 = arith.constant 0 : i32
            %dma_start3A_358 = tpu.memref_slice %arg12[%dma_start3A_356, %dma_start3A_357] : memref<128x128xf32, #tpu.memory_space<vmem>> -> memref<64x128xf32, #tpu.memory_space<vmem>>
            %dma_start3A_359 = arith.constant 64 : i32
            %dma_start3A_360 = tpu.memref_slice %arg10[%select_n3A_288, %select_n3A_304, %dma_start3A_359] : memref<3x8x128xi32, #tpu.memory_space<vmem>> -> memref<1x1x64xi32, #tpu.memory_space<vmem>>
            %dma_start3A_361 = tpu.memref_squeeze %dma_start3A_360 : memref<1x1x64xi32, #tpu.memory_space<vmem>> -> memref<64xi32, #tpu.memory_space<vmem>>
            %dma_start3A_362 = arith.constant 0 : i32
            %dma_start3A_363 = arith.constant 0 : i32
            %dma_start3A_364 = tpu.memref_slice %arg2[%dma_start3A_362, %dma_start3A_363] : memref<10000x128xf32, #tpu.memory_space<hbm>> -> memref<10000x128xf32, #tpu.memory_space<hbm>>
            tpu.enqueue_indirect_dma source(%dma_start3A_364 : memref<10000x128xf32, #tpu.memory_space<hbm>>) target(%dma_start3A_358 : memref<64x128xf32, #tpu.memory_space<vmem>>) offsets(%dma_start3A_361 : memref<64xi32, #tpu.memory_space<vmem>>) semaphore(%arg15 : memref<!tpu.dma_semaphore, #tpu.memory_space<semaphore_mem>>)
          } else {
          }
          %jit3A_326 = arith.constant 2 : i32
          %eq3A_327 = arith.constant 0 : i32
          %eq3A_328 = arith.cmpi eq, %jit3A_326, %eq3A_327 : i32
          %jit3A_329 = arith.constant 1 : i32
          %select_n3A_330 = arith.select %eq3A_328, %jit3A_329, %jit3A_326 : i32
          %rem3A_331 = arith.remsi %add3A_139, %select_n3A_330 : i32
          %ne3A_332 = arith.constant 0 : i32
          %ne3A_333 = arith.cmpi ne, %rem3A_331, %ne3A_332 : i32
          %lt3A_334 = arith.constant 0 : i32
          %lt3A_335 = arith.cmpi slt, %rem3A_331, %lt3A_334 : i32
          %lt3A_336 = arith.constant 0 : i32
          %lt3A_337 = arith.cmpi slt, %select_n3A_330, %lt3A_336 : i32
          %ne3A_338 = arith.xori %lt3A_335, %lt3A_337 : i1
          %and3A_339 = arith.andi %ne3A_338, %ne3A_333 : i1
          %add3A_340 = arith.addi %rem3A_331, %select_n3A_330 : i32
          %select_n3A_341 = arith.select %and3A_339, %add3A_340, %rem3A_331 : i32
          %eq3A_342 = arith.constant 1 : i32
          %eq3A_343 = arith.cmpi eq, %select_n3A_341, %eq3A_342 : i32
          %convert_element_type3A_344 = arith.extui %eq3A_343 : i1 to i32
          %cond3A_345 = arith.constant 0 : i32
          %cond3A_346 = arith.cmpi ne, %convert_element_type3A_344, %cond3A_345 : i32
          scf.if %cond3A_346 {
            %dma_start3A_347 = arith.constant 0 : i32
            %dma_start3A_348 = arith.constant 0 : i32
            %dma_start3A_349 = tpu.memref_slice %arg13[%dma_start3A_347, %dma_start3A_348] : memref<128x128xf32, #tpu.memory_space<vmem>> -> memref<64x128xf32, #tpu.memory_space<vmem>>
            %dma_start3A_350 = arith.constant 0 : i32
            %dma_start3A_351 = tpu.memref_slice %arg10[%select_n3A_288, %select_n3A_304, %dma_start3A_350] : memref<3x8x128xi32, #tpu.memory_space<vmem>> -> memref<1x1x64xi32, #tpu.memory_space<vmem>>
            %dma_start3A_352 = tpu.memref_squeeze %dma_start3A_351 : memref<1x1x64xi32, #tpu.memory_space<vmem>> -> memref<64xi32, #tpu.memory_space<vmem>>
            %dma_start3A_353 = arith.constant 0 : i32
            %dma_start3A_354 = arith.constant 0 : i32
            %dma_start3A_355 = tpu.memref_slice %arg2[%dma_start3A_353, %dma_start3A_354] : memref<10000x128xf32, #tpu.memory_space<hbm>> -> memref<10000x128xf32, #tpu.memory_space<hbm>>
            tpu.enqueue_indirect_dma source(%dma_start3A_355 : memref<10000x128xf32, #tpu.memory_space<hbm>>) target(%dma_start3A_349 : memref<64x128xf32, #tpu.memory_space<vmem>>) offsets(%dma_start3A_352 : memref<64xi32, #tpu.memory_space<vmem>>) semaphore(%arg16 : memref<!tpu.dma_semaphore, #tpu.memory_space<semaphore_mem>>)
            %dma_start3A_356 = arith.constant 64 : i32
            %dma_start3A_357 = arith.constant 0 : i32
            %dma_start3A_358 = tpu.memref_slice %arg13[%dma_start3A_356, %dma_start3A_357] : memref<128x128xf32, #tpu.memory_space<vmem>> -> memref<64x128xf32, #tpu.memory_space<vmem>>
            %dma_start3A_359 = arith.constant 64 : i32
            %dma_start3A_360 = tpu.memref_slice %arg10[%select_n3A_288, %select_n3A_304, %dma_start3A_359] : memref<3x8x128xi32, #tpu.memory_space<vmem>> -> memref<1x1x64xi32, #tpu.memory_space<vmem>>
            %dma_start3A_361 = tpu.memref_squeeze %dma_start3A_360 : memref<1x1x64xi32, #tpu.memory_space<vmem>> -> memref<64xi32, #tpu.memory_space<vmem>>
            %dma_start3A_362 = arith.constant 0 : i32
            %dma_start3A_363 = arith.constant 0 : i32
            %dma_start3A_364 = tpu.memref_slice %arg2[%dma_start3A_362, %dma_start3A_363] : memref<10000x128xf32, #tpu.memory_space<hbm>> -> memref<10000x128xf32, #tpu.memory_space<hbm>>
            tpu.enqueue_indirect_dma source(%dma_start3A_364 : memref<10000x128xf32, #tpu.memory_space<hbm>>) target(%dma_start3A_358 : memref<64x128xf32, #tpu.memory_space<vmem>>) offsets(%dma_start3A_361 : memref<64xi32, #tpu.memory_space<vmem>>) semaphore(%arg16 : memref<!tpu.dma_semaphore, #tpu.memory_space<semaphore_mem>>)
          } else {
          }
        } else {
        }
        %jit3A_170 = arith.constant 8 : i32
        %div3A = arith.divsi %scan3A_137, %jit3A_170 : i32
        %sign3A = arith.constant 0 : i32
        %sign3A_171 = arith.cmpi sgt, %scan3A_137, %sign3A : i32
        %sign3A_172 = arith.extui %sign3A_171 : i1 to i32
        %sign3A_173 = arith.constant 0 : i32
        %sign3A_174 = arith.cmpi slt, %scan3A_137, %sign3A_173 : i32
        %sign3A_175 = arith.extui %sign3A_174 : i1 to i32
        %sign3A_176 = arith.subi %sign3A_172, %sign3A_175 : i32
        %sign3A_177 = arith.constant 0 : i32
        %sign3A_178 = arith.cmpi sgt, %jit3A_170, %sign3A_177 : i32
        %sign3A_179 = arith.extui %sign3A_178 : i1 to i32
        %sign3A_180 = arith.constant 0 : i32
        %sign3A_181 = arith.cmpi slt, %jit3A_170, %sign3A_180 : i32
        %sign3A_182 = arith.extui %sign3A_181 : i1 to i32
        %sign3A_183 = arith.subi %sign3A_179, %sign3A_182 : i32
        %ne3A_184 = arith.cmpi ne, %sign3A_176, %sign3A_183 : i32
        %rem3A_185 = arith.remsi %scan3A_137, %jit3A_170 : i32
        %ne3A_186 = arith.constant 0 : i32
        %ne3A_187 = arith.cmpi ne, %rem3A_185, %ne3A_186 : i32
        %and3A_188 = arith.andi %ne3A_184, %ne3A_187 : i1
        %sub3A = arith.constant 1 : i32
        %sub3A_189 = arith.subi %div3A, %sub3A : i32
        %select_n3A_190 = arith.select %and3A_188, %sub3A_189, %div3A : i32
        %jit3A_191 = arith.constant 3 : i32
        %eq3A_192 = arith.constant 0 : i32
        %eq3A_193 = arith.cmpi eq, %jit3A_191, %eq3A_192 : i32
        %jit3A_194 = arith.constant 1 : i32
        %select_n3A_195 = arith.select %eq3A_193, %jit3A_194, %jit3A_191 : i32
        %rem3A_196 = arith.remsi %select_n3A_190, %select_n3A_195 : i32
        %ne3A_197 = arith.constant 0 : i32
        %ne3A_198 = arith.cmpi ne, %rem3A_196, %ne3A_197 : i32
        %lt3A_199 = arith.constant 0 : i32
        %lt3A_200 = arith.cmpi slt, %rem3A_196, %lt3A_199 : i32
        %lt3A_201 = arith.constant 0 : i32
        %lt3A_202 = arith.cmpi slt, %select_n3A_195, %lt3A_201 : i32
        %ne3A_203 = arith.xori %lt3A_200, %lt3A_202 : i1
        %and3A_204 = arith.andi %ne3A_203, %ne3A_198 : i1
        %add3A_205 = arith.addi %rem3A_196, %select_n3A_195 : i32
        %select_n3A_206 = arith.select %and3A_204, %add3A_205, %rem3A_196 : i32
        %jit3A_207 = arith.constant 2 : i32
        %eq3A_208 = arith.constant 0 : i32
        %eq3A_209 = arith.cmpi eq, %jit3A_207, %eq3A_208 : i32
        %jit3A_210 = arith.constant 1 : i32
        %select_n3A_211 = arith.select %eq3A_209, %jit3A_210, %jit3A_207 : i32
        %rem3A_212 = arith.remsi %scan3A_137, %select_n3A_211 : i32
        %ne3A_213 = arith.constant 0 : i32
        %ne3A_214 = arith.cmpi ne, %rem3A_212, %ne3A_213 : i32
        %lt3A_215 = arith.constant 0 : i32
        %lt3A_216 = arith.cmpi slt, %rem3A_212, %lt3A_215 : i32
        %lt3A_217 = arith.constant 0 : i32
        %lt3A_218 = arith.cmpi slt, %select_n3A_211, %lt3A_217 : i32
        %ne3A_219 = arith.xori %lt3A_216, %lt3A_218 : i1
        %and3A_220 = arith.andi %ne3A_219, %ne3A_214 : i1
        %add3A_221 = arith.addi %rem3A_212, %select_n3A_211 : i32
        %select_n3A_222 = arith.select %and3A_220, %add3A_221, %rem3A_212 : i32
        %eq3A_223 = arith.constant 0 : i32
        %eq3A_224 = arith.cmpi eq, %select_n3A_222, %eq3A_223 : i32
        %convert_element_type3A_225 = arith.extui %eq3A_224 : i1 to i32
        %cond3A_226 = arith.constant 0 : i32
        %cond3A_227 = arith.cmpi ne, %convert_element_type3A_225, %cond3A_226 : i32
        scf.if %cond3A_227 {
          %dma_wait3A_249 = arith.constant 0 : i32
          %dma_wait3A_250 = arith.constant 0 : i32
          %dma_wait3A_251 = arith.constant 0 : i32
          %dma_wait3A_252 = tpu.memref_slice %arg10[%dma_wait3A_249, %dma_wait3A_250, %dma_wait3A_251] : memref<3x8x128xi32, #tpu.memory_space<vmem>> -> memref<1x1x128xi32, #tpu.memory_space<vmem>>
          %dma_wait3A_253 = tpu.memref_squeeze %dma_wait3A_252 : memref<1x1x128xi32, #tpu.memory_space<vmem>> -> memref<128xi32, #tpu.memory_space<vmem>>
          %dma_wait3A_254 = arith.constant 0 : i32
          %dma_wait3A_255 = arith.constant 0 : i32
          %dma_wait3A_256 = tpu.memref_slice %arg2[%dma_wait3A_254, %dma_wait3A_255] : memref<10000x128xf32, #tpu.memory_space<hbm>> -> memref<10000x128xf32, #tpu.memory_space<hbm>>
          tpu.wait_indirect_dma semaphore(%arg15 : memref<!tpu.dma_semaphore, #tpu.memory_space<semaphore_mem>>) src(%dma_wait3A_256 : memref<10000x128xf32, #tpu.memory_space<hbm>>) dst(%arg12 : memref<128x128xf32, #tpu.memory_space<vmem>>)
          %jit3A_257 = arith.constant 8 : i32
          %eq3A_258 = arith.constant 0 : i32
          %eq3A_259 = arith.cmpi eq, %jit3A_257, %eq3A_258 : i32
          %jit3A_260 = arith.constant 1 : i32
          %select_n3A_261 = arith.select %eq3A_259, %jit3A_260, %jit3A_257 : i32
          %rem3A_262 = arith.remsi %scan3A_137, %select_n3A_261 : i32
          %ne3A_263 = arith.constant 0 : i32
          %ne3A_264 = arith.cmpi ne, %rem3A_262, %ne3A_263 : i32
          %lt3A_265 = arith.constant 0 : i32
          %lt3A_266 = arith.cmpi slt, %rem3A_262, %lt3A_265 : i32
          %lt3A_267 = arith.constant 0 : i32
          %lt3A_268 = arith.cmpi slt, %select_n3A_261, %lt3A_267 : i32
          %ne3A_269 = arith.xori %lt3A_266, %lt3A_268 : i1
          %and3A_270 = arith.andi %ne3A_269, %ne3A_264 : i1
          %add3A_271 = arith.addi %rem3A_262, %select_n3A_261 : i32
          %select_n3A_272 = arith.select %and3A_270, %add3A_271, %rem3A_262 : i32
          %dma_start3A_273 = arith.constant 0 : i32
          %dma_start3A_274 = tpu.memref_slice %arg11[%select_n3A_206, %select_n3A_272, %dma_start3A_273] : memref<3x8x128xi32, #tpu.memory_space<vmem>> -> memref<1x1x128xi32, #tpu.memory_space<vmem>>
          %dma_start3A_275 = tpu.memref_squeeze %dma_start3A_274 : memref<1x1x128xi32, #tpu.memory_space<vmem>> -> memref<128xi32, #tpu.memory_space<vmem>>
          %dma_start3A_276 = arith.constant 0 : i32
          %dma_start3A_277 = arith.constant 0 : i32
          %dma_start3A_278 = tpu.memref_slice %arg14[%dma_start3A_276, %dma_start3A_277] : memref<10112x128xf32, #tpu.memory_space<vmem_shared>> -> memref<10112x128xf32, #tpu.memory_space<vmem_shared>>
          tpu.enqueue_indirect_dma source(%arg12 : memref<128x128xf32, #tpu.memory_space<vmem>>) target(%dma_start3A_278 : memref<10112x128xf32, #tpu.memory_space<vmem_shared>>) offsets(%dma_start3A_275 : memref<128xi32, #tpu.memory_space<vmem>>) semaphore(%arg17 : memref<!tpu.dma_semaphore, #tpu.memory_space<semaphore_mem>>) {add = true}
        } else {
        }
        %jit3A_228 = arith.constant 2 : i32
        %eq3A_229 = arith.constant 0 : i32
        %eq3A_230 = arith.cmpi eq, %jit3A_228, %eq3A_229 : i32
        %jit3A_231 = arith.constant 1 : i32
        %select_n3A_232 = arith.select %eq3A_230, %jit3A_231, %jit3A_228 : i32
        %rem3A_233 = arith.remsi %scan3A_137, %select_n3A_232 : i32
        %ne3A_234 = arith.constant 0 : i32
        %ne3A_235 = arith.cmpi ne, %rem3A_233, %ne3A_234 : i32
        %lt3A_236 = arith.constant 0 : i32
        %lt3A_237 = arith.cmpi slt, %rem3A_233, %lt3A_236 : i32
        %lt3A_238 = arith.constant 0 : i32
        %lt3A_239 = arith.cmpi slt, %select_n3A_232, %lt3A_238 : i32
        %ne3A_240 = arith.xori %lt3A_237, %lt3A_239 : i1
        %and3A_241 = arith.andi %ne3A_240, %ne3A_235 : i1
        %add3A_242 = arith.addi %rem3A_233, %select_n3A_232 : i32
        %select_n3A_243 = arith.select %and3A_241, %add3A_242, %rem3A_233 : i32
        %eq3A_244 = arith.constant 1 : i32
        %eq3A_245 = arith.cmpi eq, %select_n3A_243, %eq3A_244 : i32
        %convert_element_type3A_246 = arith.extui %eq3A_245 : i1 to i32
        %cond3A_247 = arith.constant 0 : i32
        %cond3A_248 = arith.cmpi ne, %convert_element_type3A_246, %cond3A_247 : i32
        scf.if %cond3A_248 {
          %dma_wait3A_249 = arith.constant 0 : i32
          %dma_wait3A_250 = arith.constant 0 : i32
          %dma_wait3A_251 = arith.constant 0 : i32
          %dma_wait3A_252 = tpu.memref_slice %arg10[%dma_wait3A_249, %dma_wait3A_250, %dma_wait3A_251] : memref<3x8x128xi32, #tpu.memory_space<vmem>> -> memref<1x1x128xi32, #tpu.memory_space<vmem>>
          %dma_wait3A_253 = tpu.memref_squeeze %dma_wait3A_252 : memref<1x1x128xi32, #tpu.memory_space<vmem>> -> memref<128xi32, #tpu.memory_space<vmem>>
          %dma_wait3A_254 = arith.constant 0 : i32
          %dma_wait3A_255 = arith.constant 0 : i32
          %dma_wait3A_256 = tpu.memref_slice %arg2[%dma_wait3A_254, %dma_wait3A_255] : memref<10000x128xf32, #tpu.memory_space<hbm>> -> memref<10000x128xf32, #tpu.memory_space<hbm>>
          tpu.wait_indirect_dma semaphore(%arg16 : memref<!tpu.dma_semaphore, #tpu.memory_space<semaphore_mem>>) src(%dma_wait3A_256 : memref<10000x128xf32, #tpu.memory_space<hbm>>) dst(%arg13 : memref<128x128xf32, #tpu.memory_space<vmem>>)
          %jit3A_257 = arith.constant 8 : i32
          %eq3A_258 = arith.constant 0 : i32
          %eq3A_259 = arith.cmpi eq, %jit3A_257, %eq3A_258 : i32
          %jit3A_260 = arith.constant 1 : i32
          %select_n3A_261 = arith.select %eq3A_259, %jit3A_260, %jit3A_257 : i32
          %rem3A_262 = arith.remsi %scan3A_137, %select_n3A_261 : i32
          %ne3A_263 = arith.constant 0 : i32
          %ne3A_264 = arith.cmpi ne, %rem3A_262, %ne3A_263 : i32
          %lt3A_265 = arith.constant 0 : i32
          %lt3A_266 = arith.cmpi slt, %rem3A_262, %lt3A_265 : i32
          %lt3A_267 = arith.constant 0 : i32
          %lt3A_268 = arith.cmpi slt, %select_n3A_261, %lt3A_267 : i32
          %ne3A_269 = arith.xori %lt3A_266, %lt3A_268 : i1
          %and3A_270 = arith.andi %ne3A_269, %ne3A_264 : i1
          %add3A_271 = arith.addi %rem3A_262, %select_n3A_261 : i32
          %select_n3A_272 = arith.select %and3A_270, %add3A_271, %rem3A_262 : i32
          %dma_start3A_273 = arith.constant 0 : i32
          %dma_start3A_274 = tpu.memref_slice %arg11[%select_n3A_206, %select_n3A_272, %dma_start3A_273] : memref<3x8x128xi32, #tpu.memory_space<vmem>> -> memref<1x1x128xi32, #tpu.memory_space<vmem>>
          %dma_start3A_275 = tpu.memref_squeeze %dma_start3A_274 : memref<1x1x128xi32, #tpu.memory_space<vmem>> -> memref<128xi32, #tpu.memory_space<vmem>>
          %dma_start3A_276 = arith.constant 0 : i32
          %dma_start3A_277 = arith.constant 0 : i32
          %dma_start3A_278 = tpu.memref_slice %arg14[%dma_start3A_276, %dma_start3A_277] : memref<10112x128xf32, #tpu.memory_space<vmem_shared>> -> memref<10112x128xf32, #tpu.memory_space<vmem_shared>>
          tpu.enqueue_indirect_dma source(%arg13 : memref<128x128xf32, #tpu.memory_space<vmem>>) target(%dma_start3A_278 : memref<10112x128xf32, #tpu.memory_space<vmem_shared>>) offsets(%dma_start3A_275 : memref<128xi32, #tpu.memory_space<vmem>>) semaphore(%arg18 : memref<!tpu.dma_semaphore, #tpu.memory_space<semaphore_mem>>) {add = true}
        } else {
        }
      }
      %scan3A_119 = arith.constant 80 : i32
      %dma_wait3A_120 = arith.constant 0 : i32
      %dma_wait3A_121 = arith.constant 0 : i32
      %dma_wait3A_122 = arith.constant 0 : i32
      %dma_wait3A_123 = tpu.memref_slice %arg11[%dma_wait3A_120, %dma_wait3A_121, %dma_wait3A_122] : memref<3x8x128xi32, #tpu.memory_space<vmem>> -> memref<1x1x128xi32, #tpu.memory_space<vmem>>
      %dma_wait3A_124 = tpu.memref_squeeze %dma_wait3A_123 : memref<1x1x128xi32, #tpu.memory_space<vmem>> -> memref<128xi32, #tpu.memory_space<vmem>>
      %dma_wait3A_125 = arith.constant 0 : i32
      %dma_wait3A_126 = arith.constant 0 : i32
      %dma_wait3A_127 = tpu.memref_slice %arg14[%dma_wait3A_125, %dma_wait3A_126] : memref<10112x128xf32, #tpu.memory_space<vmem_shared>> -> memref<10112x128xf32, #tpu.memory_space<vmem_shared>>
      tpu.wait_indirect_dma semaphore(%arg17 : memref<!tpu.dma_semaphore, #tpu.memory_space<semaphore_mem>>) src(%arg12 : memref<128x128xf32, #tpu.memory_space<vmem>>) dst(%dma_wait3A_127 : memref<10112x128xf32, #tpu.memory_space<vmem_shared>>)
      %dma_wait3A_128 = arith.constant 0 : i32
      %dma_wait3A_129 = arith.constant 0 : i32
      %dma_wait3A_130 = arith.constant 0 : i32
      %dma_wait3A_131 = tpu.memref_slice %arg11[%dma_wait3A_128, %dma_wait3A_129, %dma_wait3A_130] : memref<3x8x128xi32, #tpu.memory_space<vmem>> -> memref<1x1x128xi32, #tpu.memory_space<vmem>>
      %dma_wait3A_132 = tpu.memref_squeeze %dma_wait3A_131 : memref<1x1x128xi32, #tpu.memory_space<vmem>> -> memref<128xi32, #tpu.memory_space<vmem>>
      %dma_wait3A_133 = arith.constant 0 : i32
      %dma_wait3A_134 = arith.constant 0 : i32
      %dma_wait3A_135 = tpu.memref_slice %arg14[%dma_wait3A_133, %dma_wait3A_134] : memref<10112x128xf32, #tpu.memory_space<vmem_shared>> -> memref<10112x128xf32, #tpu.memory_space<vmem_shared>>
      tpu.wait_indirect_dma semaphore(%arg18 : memref<!tpu.dma_semaphore, #tpu.memory_space<semaphore_mem>>) src(%arg13 : memref<128x128xf32, #tpu.memory_space<vmem>>) dst(%dma_wait3A_135 : memref<10112x128xf32, #tpu.memory_space<vmem_shared>>)
      %barrier3A_136 = arith.constant 0 : index
      tpu.barrier barrier_id(%barrier3A_136)
      "tpu.region"() ({
        %run_scoped3A = tpu.sem_alloc : memref<!tpu.dma_semaphore, #tpu.memory_space<semaphore_mem>>
        %dma_start3A_137 = arith.constant 0 : i32
        %dma_start3A_138 = tpu.memref_slice %arg9[%mul3A_0, %dma_start3A_137] : memref<10112x128xf32, #tpu.memory_space<hbm>> -> memref<632x128xf32, #tpu.memory_space<hbm>>
        %dma_start3A_139 = arith.constant 0 : i32
        %dma_start3A_140 = tpu.memref_slice %arg14[%mul3A_0, %dma_start3A_139] : memref<10112x128xf32, #tpu.memory_space<vmem_shared>> -> memref<632x128xf32, #tpu.memory_space<vmem_shared>>
        tpu.enqueue_dma source(%dma_start3A_140 : memref<632x128xf32, #tpu.memory_space<vmem_shared>>) target(%dma_start3A_138 : memref<632x128xf32, #tpu.memory_space<hbm>>) target_semaphore(%run_scoped3A : memref<!tpu.dma_semaphore, #tpu.memory_space<semaphore_mem>>)
        %dma_wait3A_141 = arith.constant 0 : i32
        %dma_wait3A_142 = tpu.memref_slice %arg9[%mul3A_0, %dma_wait3A_141] : memref<10112x128xf32, #tpu.memory_space<hbm>> -> memref<632x128xf32, #tpu.memory_space<hbm>>
        %dma_wait3A_143 = arith.constant 0 : i32
        %dma_wait3A_144 = tpu.memref_slice %arg14[%mul3A_0, %dma_wait3A_143] : memref<10112x128xf32, #tpu.memory_space<vmem_shared>> -> memref<632x128xf32, #tpu.memory_space<vmem_shared>>
        tpu.wait_dma2 semaphore(%run_scoped3A : memref<!tpu.dma_semaphore, #tpu.memory_space<semaphore_mem>>) src(%dma_wait3A_144 : memref<632x128xf32, #tpu.memory_space<vmem_shared>>) dst(%dma_wait3A_142 : memref<632x128xf32, #tpu.memory_space<hbm>>)
        tpu.yield
      }) : () -> ()
    } else {
    }
    return
  }
}

module attributes {stable_mosaic.version = 14 : i64} {
  func.func @_tc1_body(%arg0: i32, %arg1: memref<2000x128xf32, #tpu.memory_space<vmem>>, %arg2: memref<128x128xf32, #tpu.memory_space<vmem>>, %arg3: memref<1x128xf32, #tpu.memory_space<vmem>>, %arg4: memref<128x64xf32, #tpu.memory_space<vmem>>, %arg5: memref<1x64xf32, #tpu.memory_space<vmem>>, %arg6: memref<2000x128xf32, #tpu.memory_space<vmem>>, %arg7: memref<2000x64xf32, #tpu.memory_space<vmem>>) attributes {dimension_semantics = [#tpu.dimension_semantics<arbitrary>], iteration_bounds = array<i64: 5>, scalar_prefetch = 0 : i64, scratch_operands = 0 : i64, tpu.core_type = #tpu.core_type<tc>, window_params = [{transform_indices = @transform_0, window_bounds = array<i64: 2000, 128>}, {pipeline_mode = #tpu.pipeline_mode<synchronous>, transform_indices = @transform_1, window_bounds = array<i64: 128, 128>}, {pipeline_mode = #tpu.pipeline_mode<synchronous>, transform_indices = @transform_2, window_bounds = array<i64: 1, 128>}, {pipeline_mode = #tpu.pipeline_mode<synchronous>, transform_indices = @transform_3, window_bounds = array<i64: 128, 64>}, {pipeline_mode = #tpu.pipeline_mode<synchronous>, transform_indices = @transform_4, window_bounds = array<i64: 1, 64>}, {transform_indices = @transform_5, window_bounds = array<i64: 2000, 128>}, {transform_indices = @transform_6, window_bounds = array<i64: 2000, 64>}]} {
    %get3A = arith.constant 0 : index
    %get3A_0 = arith.constant 0 : index
    %get3A_1 = vector.load %arg1[%get3A, %get3A_0] : memref<2000x128xf32, #tpu.memory_space<vmem>>, vector<2000x128xf32>
    %get3A_2 = arith.constant 0 : index
    %get3A_3 = arith.constant 0 : index
    %get3A_4 = vector.load %arg2[%get3A_2, %get3A_3] : memref<128x128xf32, #tpu.memory_space<vmem>>, vector<128x128xf32>
    %dot_general3A = arith.constant dense<0.000000e+00> : vector<2000x128xf32>
    %dot_general3A_5 = tpu.matmul %get3A_1, %get3A_4, %dot_general3A {dimension_numbers = #tpu.dot_dimension_numbers<[1], [0], [0], [1], [0, 0, 1, 1], [], []>, transpose_lhs_hint = false} : vector<2000x128xf32>, vector<128x128xf32>, vector<2000x128xf32> -> vector<2000x128xf32>
    %get3A_6 = arith.constant 0 : index
    %get3A_7 = arith.constant 0 : index
    %get3A_8 = vector.load %arg3[%get3A_6, %get3A_7] : memref<1x128xf32, #tpu.memory_space<vmem>>, vector<1x128xf32>
    %add3A = vector.broadcast %get3A_8 : vector<1x128xf32> to vector<2000x128xf32>
    %add3A_9 = arith.addf %dot_general3A_5, %add3A : vector<2000x128xf32>
    %swap3A = arith.constant 0 : index
    %swap3A_10 = arith.constant 0 : index
    %swap3A_11 = vector.load %arg6[%swap3A, %swap3A_10] : memref<2000x128xf32, #tpu.memory_space<vmem>>, vector<2000x128xf32>
    tpu.vector_store %arg6[%swap3A, %swap3A_10], %add3A_9 {strides = array<i32>} : memref<2000x128xf32, #tpu.memory_space<vmem>>, vector<2000x128xf32>,
    %get3A_12 = arith.constant 0 : index
    %get3A_13 = arith.constant 0 : index
    %get3A_14 = vector.load %arg4[%get3A_12, %get3A_13] : memref<128x64xf32, #tpu.memory_space<vmem>>, vector<128x64xf32>
    %dot_general3A_15 = arith.constant dense<0.000000e+00> : vector<2000x64xf32>
    %dot_general3A_16 = tpu.matmul %get3A_1, %get3A_14, %dot_general3A_15 {dimension_numbers = #tpu.dot_dimension_numbers<[1], [0], [0], [1], [0, 0, 1, 1], [], []>, transpose_lhs_hint = false} : vector<2000x128xf32>, vector<128x64xf32>, vector<2000x64xf32> -> vector<2000x64xf32>
    %get3A_17 = arith.constant 0 : index
    %get3A_18 = arith.constant 0 : index
    %get3A_19 = vector.load %arg5[%get3A_17, %get3A_18] : memref<1x64xf32, #tpu.memory_space<vmem>>, vector<1x64xf32>
    %add3A_20 = vector.broadcast %get3A_19 : vector<1x64xf32> to vector<2000x64xf32>
    %add3A_21 = arith.addf %dot_general3A_16, %add3A_20 : vector<2000x64xf32>
    %swap3A_22 = arith.constant 0 : index
    %swap3A_23 = arith.constant 0 : index
    %swap3A_24 = vector.load %arg7[%swap3A_22, %swap3A_23] : memref<2000x64xf32, #tpu.memory_space<vmem>>, vector<2000x64xf32>
    tpu.vector_store %arg7[%swap3A_22, %swap3A_23], %add3A_21 {strides = array<i32>} : memref<2000x64xf32, #tpu.memory_space<vmem>>, vector<2000x64xf32>,
    return
  }
  func.func @transform_0(%arg0: i32) -> (i32, i32) {
    %c0_i32 = arith.constant 0 : i32
    %c0_i32_0 = arith.constant 0 : i32
    return %arg0, %c0_i32 : i32, i32
  }
  func.func @transform_1(%arg0: i32) -> (i32, i32) {
    %c0_i32 = arith.constant 0 : i32
    %c0_i32_0 = arith.constant 0 : i32
    %c0_i32_1 = arith.constant 0 : i32
    return %c0_i32, %c0_i32_0 : i32, i32
  }
  func.func @transform_2(%arg0: i32) -> (i32, i32) {
    %c0_i32 = arith.constant 0 : i32
    %c0_i32_0 = arith.constant 0 : i32
    %c0_i32_1 = arith.constant 0 : i32
    return %c0_i32, %c0_i32_0 : i32, i32
  }
  func.func @transform_3(%arg0: i32) -> (i32, i32) {
    %c0_i32 = arith.constant 0 : i32
    %c0_i32_0 = arith.constant 0 : i32
    %c0_i32_1 = arith.constant 0 : i32
    return %c0_i32, %c0_i32_0 : i32, i32
  }
  func.func @transform_4(%arg0: i32) -> (i32, i32) {
    %c0_i32 = arith.constant 0 : i32
    %c0_i32_0 = arith.constant 0 : i32
    %c0_i32_1 = arith.constant 0 : i32
    return %c0_i32, %c0_i32_0 : i32, i32
  }
  func.func @transform_5(%arg0: i32) -> (i32, i32) {
    %c0_i32 = arith.constant 0 : i32
    %c0_i32_0 = arith.constant 0 : i32
    return %arg0, %c0_i32 : i32, i32
  }
  func.func @transform_6(%arg0: i32) -> (i32, i32) {
    %c0_i32 = arith.constant 0 : i32
    %c0_i32_0 = arith.constant 0 : i32
    return %arg0, %c0_i32 : i32, i32
  }
}

module attributes {stable_mosaic.version = 14 : i64} {
  func.func @_tc2_body(%arg0: i32, %arg1: memref<2000x128xf32, #tpu.memory_space<vmem>>, %arg2: memref<2000x128xf32, #tpu.memory_space<vmem>>, %arg3: memref<2000x64xf32, #tpu.memory_space<vmem>>, %arg4: memref<2000x128xf32, #tpu.memory_space<vmem>>, %arg5: memref<2000x8xf32, #tpu.memory_space<vmem>>) attributes {dimension_semantics = [#tpu.dimension_semantics<arbitrary>], iteration_bounds = array<i64: 5>, scalar_prefetch = 0 : i64, scratch_operands = 0 : i64, tpu.core_type = #tpu.core_type<tc>, window_params = [{transform_indices = @transform_0, window_bounds = array<i64: 2000, 128>}, {transform_indices = @transform_1, window_bounds = array<i64: 2000, 128>}, {transform_indices = @transform_2, window_bounds = array<i64: 2000, 64>}, {transform_indices = @transform_3, window_bounds = array<i64: 2000, 128>}, {transform_indices = @transform_4, window_bounds = array<i64: 2000, 8>}]} {
    %get3A = arith.constant 0 : index
    %get3A_0 = arith.constant 0 : index
    %get3A_1 = vector.load %arg1[%get3A, %get3A_0] : memref<2000x128xf32, #tpu.memory_space<vmem>>, vector<2000x128xf32>
    %get3A_2 = arith.constant 0 : index
    %get3A_3 = arith.constant 0 : index
    %get3A_4 = vector.load %arg2[%get3A_2, %get3A_3] : memref<2000x128xf32, #tpu.memory_space<vmem>>, vector<2000x128xf32>
    %slice3A = vector.extract_strided_slice %get3A_1 {offsets = [0, 32], sizes = [2000, 1], strides = [1, 1]} : vector<2000x128xf32> to vector<2000x1xf32>
    %max3A = arith.constant 1.000000e+00 : f32
    %max3A_5 = vector.broadcast %max3A : f32 to vector<2000x1xf32>
    %max3A_6 = arith.maximumf %slice3A, %max3A_5 : vector<2000x1xf32>
    %div3A = arith.constant 1.000000e+00 : f32
    %div3A_7 = vector.broadcast %div3A : f32 to vector<2000x1xf32>
    %div3A_8 = arith.divf %div3A_7, %max3A_6 : vector<2000x1xf32>
    %slice3A_9 = vector.extract_strided_slice %get3A_4 {offsets = [0, 72], sizes = [2000, 1], strides = [1, 1]} : vector<2000x128xf32> to vector<2000x1xf32>
    %max3A_10 = arith.constant 1.000000e+00 : f32
    %max3A_11 = vector.broadcast %max3A_10 : f32 to vector<2000x1xf32>
    %max3A_12 = arith.maximumf %slice3A_9, %max3A_11 : vector<2000x1xf32>
    %div3A_13 = arith.constant 1.000000e+00 : f32
    %div3A_14 = vector.broadcast %div3A_13 : f32 to vector<2000x1xf32>
    %div3A_15 = arith.divf %div3A_14, %max3A_12 : vector<2000x1xf32>
    %slice3A_16 = vector.extract_strided_slice %get3A_1 {offsets = [0, 0], sizes = [2000, 32], strides = [1, 1]} : vector<2000x128xf32> to vector<2000x32xf32>
    %mul3A = vector.broadcast %div3A_8 : vector<2000x1xf32> to vector<2000x32xf32>
    %mul3A_17 = arith.mulf %slice3A_16, %mul3A : vector<2000x32xf32>
    %get3A_18 = arith.constant 0 : index
    %get3A_19 = arith.constant 0 : index
    %get3A_20 = vector.load %arg3[%get3A_18, %get3A_19] : memref<2000x64xf32, #tpu.memory_space<vmem>>, vector<2000x32xf32>
    %add3A = arith.addf %mul3A_17, %get3A_20 : vector<2000x32xf32>
    %slice3A_21 = vector.extract_strided_slice %get3A_4 {offsets = [0, 40], sizes = [2000, 32], strides = [1, 1]} : vector<2000x128xf32> to vector<2000x32xf32>
    %mul3A_22 = vector.broadcast %div3A_15 : vector<2000x1xf32> to vector<2000x32xf32>
    %mul3A_23 = arith.mulf %slice3A_21, %mul3A_22 : vector<2000x32xf32>
    %get3A_24 = arith.constant 0 : index
    %get3A_25 = arith.constant 32 : index
    %get3A_26 = vector.load %arg3[%get3A_24, %get3A_25] : memref<2000x64xf32, #tpu.memory_space<vmem>>, vector<2000x32xf32>
    %add3A_27 = arith.addf %mul3A_23, %get3A_26 : vector<2000x32xf32>
    %broadcast_in_dim3A = arith.constant 0.000000e+00 : f32
    %broadcast_in_dim3A_28 = vector.broadcast %broadcast_in_dim3A : f32 to vector<2000x64xf32>
    %concatenate3A = tpu.concatenate %add3A, %add3A_27, %broadcast_in_dim3A_28 in 1 : vector<2000x32xf32>, vector<2000x32xf32>, vector<2000x64xf32> -> vector<2000x128xf32>
    %swap3A = arith.constant 0 : index
    %swap3A_29 = arith.constant 0 : index
    %swap3A_30 = vector.load %arg4[%swap3A, %swap3A_29] : memref<2000x128xf32, #tpu.memory_space<vmem>>, vector<2000x128xf32>
    tpu.vector_store %arg4[%swap3A, %swap3A_29], %concatenate3A {strides = array<i32>} : memref<2000x128xf32, #tpu.memory_space<vmem>>, vector<2000x128xf32>,
    %broadcast_in_dim3A_31 = arith.constant 0.000000e+00 : f32
    %broadcast_in_dim3A_32 = vector.broadcast %broadcast_in_dim3A_31 : f32 to vector<2000x6xf32>
    %concatenate3A_33 = tpu.concatenate %div3A_8, %div3A_15, %broadcast_in_dim3A_32 in 1 : vector<2000x1xf32>, vector<2000x1xf32>, vector<2000x6xf32> -> vector<2000x8xf32>
    %swap3A_34 = arith.constant 0 : index
    %swap3A_35 = arith.constant 0 : index
    %swap3A_36 = vector.load %arg5[%swap3A_34, %swap3A_35] : memref<2000x8xf32, #tpu.memory_space<vmem>>, vector<2000x8xf32>
    tpu.vector_store %arg5[%swap3A_34, %swap3A_35], %concatenate3A_33 {strides = array<i32>} : memref<2000x8xf32, #tpu.memory_space<vmem>>, vector<2000x8xf32>,
    return
  }
  func.func @transform_0(%arg0: i32) -> (i32, i32) {
    %c0_i32 = arith.constant 0 : i32
    %c0_i32_0 = arith.constant 0 : i32
    return %arg0, %c0_i32 : i32, i32
  }
  func.func @transform_1(%arg0: i32) -> (i32, i32) {
    %c0_i32 = arith.constant 0 : i32
    %c0_i32_0 = arith.constant 0 : i32
    return %arg0, %c0_i32 : i32, i32
  }
  func.func @transform_2(%arg0: i32) -> (i32, i32) {
    %c0_i32 = arith.constant 0 : i32
    %c0_i32_0 = arith.constant 0 : i32
    return %arg0, %c0_i32 : i32, i32
  }
  func.func @transform_3(%arg0: i32) -> (i32, i32) {
    %c0_i32 = arith.constant 0 : i32
    %c0_i32_0 = arith.constant 0 : i32
    return %arg0, %c0_i32 : i32, i32
  }
  func.func @transform_4(%arg0: i32) -> (i32, i32) {
    %c0_i32 = arith.constant 0 : i32
    %c0_i32_0 = arith.constant 0 : i32
    return %arg0, %c0_i32 : i32, i32
  }
}

module attributes {stable_mosaic.version = 14 : i64} {
  func.func @_tc3_body(%arg0: i32, %arg1: memref<2000x128xf32, #tpu.memory_space<vmem>>, %arg2: memref<2000x128xf32, #tpu.memory_space<vmem>>, %arg3: memref<2000x128xf32, #tpu.memory_space<vmem>>, %arg4: memref<2000x8xf32, #tpu.memory_space<vmem>>, %arg5: memref<128x64xf32, #tpu.memory_space<vmem>>, %arg6: memref<128x64xf32, #tpu.memory_space<vmem>>, %arg7: memref<128x64xf32, #tpu.memory_space<vmem>>, %arg8: memref<1x64xf32, #tpu.memory_space<vmem>>, %arg9: memref<2000x64xf32, #tpu.memory_space<vmem>>) attributes {dimension_semantics = [#tpu.dimension_semantics<arbitrary>], iteration_bounds = array<i64: 5>, scalar_prefetch = 0 : i64, scratch_operands = 0 : i64, tpu.core_type = #tpu.core_type<tc>, window_params = [{transform_indices = @transform_0, window_bounds = array<i64: 2000, 128>}, {transform_indices = @transform_1, window_bounds = array<i64: 2000, 128>}, {transform_indices = @transform_2, window_bounds = array<i64: 2000, 128>}, {transform_indices = @transform_3, window_bounds = array<i64: 2000, 8>}, {pipeline_mode = #tpu.pipeline_mode<synchronous>, transform_indices = @transform_4, window_bounds = array<i64: 128, 64>}, {pipeline_mode = #tpu.pipeline_mode<synchronous>, transform_indices = @transform_5, window_bounds = array<i64: 128, 64>}, {pipeline_mode = #tpu.pipeline_mode<synchronous>, transform_indices = @transform_6, window_bounds = array<i64: 128, 64>}, {pipeline_mode = #tpu.pipeline_mode<synchronous>, transform_indices = @transform_7, window_bounds = array<i64: 1, 64>}, {transform_indices = @transform_8, window_bounds = array<i64: 2000, 64>}]} {
    %get3A = arith.constant 0 : index
    %get3A_0 = arith.constant 0 : index
    %get3A_1 = vector.load %arg4[%get3A, %get3A_0] : memref<2000x8xf32, #tpu.memory_space<vmem>>, vector<2000x1xf32>
    %get3A_2 = arith.constant 0 : index
    %get3A_3 = arith.constant 1 : index
    %get3A_4 = vector.load %arg4[%get3A_2, %get3A_3] : memref<2000x8xf32, #tpu.memory_space<vmem>>, vector<2000x1xf32>
    %get3A_5 = arith.constant 0 : index
    %get3A_6 = arith.constant 0 : index
    %get3A_7 = vector.load %arg1[%get3A_5, %get3A_6] : memref<2000x128xf32, #tpu.memory_space<vmem>>, vector<2000x128xf32>
    %mul3A = vector.broadcast %get3A_1 : vector<2000x1xf32> to vector<2000x128xf32>
    %mul3A_8 = arith.mulf %get3A_7, %mul3A : vector<2000x128xf32>
    %get3A_9 = arith.constant 0 : index
    %get3A_10 = arith.constant 0 : index
    %get3A_11 = vector.load %arg2[%get3A_9, %get3A_10] : memref<2000x128xf32, #tpu.memory_space<vmem>>, vector<2000x128xf32>
    %mul3A_12 = vector.broadcast %get3A_4 : vector<2000x1xf32> to vector<2000x128xf32>
    %mul3A_13 = arith.mulf %get3A_11, %mul3A_12 : vector<2000x128xf32>
    %get3A_14 = arith.constant 0 : index
    %get3A_15 = arith.constant 0 : index
    %get3A_16 = vector.load %arg5[%get3A_14, %get3A_15] : memref<128x64xf32, #tpu.memory_space<vmem>>, vector<128x64xf32>
    %dot_general3A = arith.constant dense<0.000000e+00> : vector<2000x64xf32>
    %dot_general3A_17 = tpu.matmul %mul3A_8, %get3A_16, %dot_general3A {dimension_numbers = #tpu.dot_dimension_numbers<[1], [0], [0], [1], [0, 0, 1, 1], [], []>, transpose_lhs_hint = false} : vector<2000x128xf32>, vector<128x64xf32>, vector<2000x64xf32> -> vector<2000x64xf32>
    %get3A_18 = arith.constant 0 : index
    %get3A_19 = arith.constant 0 : index
    %get3A_20 = vector.load %arg6[%get3A_18, %get3A_19] : memref<128x64xf32, #tpu.memory_space<vmem>>, vector<128x64xf32>
    %dot_general3A_21 = arith.constant dense<0.000000e+00> : vector<2000x64xf32>
    %dot_general3A_22 = tpu.matmul %mul3A_13, %get3A_20, %dot_general3A_21 {dimension_numbers = #tpu.dot_dimension_numbers<[1], [0], [0], [1], [0, 0, 1, 1], [], []>, transpose_lhs_hint = false} : vector<2000x128xf32>, vector<128x64xf32>, vector<2000x64xf32> -> vector<2000x64xf32>
    %add3A = arith.addf %dot_general3A_17, %dot_general3A_22 : vector<2000x64xf32>
    %get3A_23 = arith.constant 0 : index
    %get3A_24 = arith.constant 0 : index
    %get3A_25 = vector.load %arg3[%get3A_23, %get3A_24] : memref<2000x128xf32, #tpu.memory_space<vmem>>, vector<2000x128xf32>
    %get3A_26 = arith.constant 0 : index
    %get3A_27 = arith.constant 0 : index
    %get3A_28 = vector.load %arg7[%get3A_26, %get3A_27] : memref<128x64xf32, #tpu.memory_space<vmem>>, vector<128x64xf32>
    %dot_general3A_29 = arith.constant dense<0.000000e+00> : vector<2000x64xf32>
    %dot_general3A_30 = tpu.matmul %get3A_25, %get3A_28, %dot_general3A_29 {dimension_numbers = #tpu.dot_dimension_numbers<[1], [0], [0], [1], [0, 0, 1, 1], [], []>, transpose_lhs_hint = false} : vector<2000x128xf32>, vector<128x64xf32>, vector<2000x64xf32> -> vector<2000x64xf32>
    %add3A_31 = arith.addf %add3A, %dot_general3A_30 : vector<2000x64xf32>
    %get3A_32 = arith.constant 0 : index
    %get3A_33 = arith.constant 0 : index
    %get3A_34 = vector.load %arg8[%get3A_32, %get3A_33] : memref<1x64xf32, #tpu.memory_space<vmem>>, vector<1x64xf32>
    %add3A_35 = vector.broadcast %get3A_34 : vector<1x64xf32> to vector<2000x64xf32>
    %add3A_36 = arith.addf %add3A_31, %add3A_35 : vector<2000x64xf32>
    %swap3A = arith.constant 0 : index
    %swap3A_37 = arith.constant 0 : index
    %swap3A_38 = vector.load %arg9[%swap3A, %swap3A_37] : memref<2000x64xf32, #tpu.memory_space<vmem>>, vector<2000x64xf32>
    tpu.vector_store %arg9[%swap3A, %swap3A_37], %add3A_36 {strides = array<i32>} : memref<2000x64xf32, #tpu.memory_space<vmem>>, vector<2000x64xf32>,
    return
  }
  func.func @transform_0(%arg0: i32) -> (i32, i32) {
    %c0_i32 = arith.constant 0 : i32
    %c0_i32_0 = arith.constant 0 : i32
    return %arg0, %c0_i32 : i32, i32
  }
  func.func @transform_1(%arg0: i32) -> (i32, i32) {
    %c0_i32 = arith.constant 0 : i32
    %c0_i32_0 = arith.constant 0 : i32
    return %arg0, %c0_i32 : i32, i32
  }
  func.func @transform_2(%arg0: i32) -> (i32, i32) {
    %c0_i32 = arith.constant 0 : i32
    %c0_i32_0 = arith.constant 0 : i32
    return %arg0, %c0_i32 : i32, i32
  }
  func.func @transform_3(%arg0: i32) -> (i32, i32) {
    %c0_i32 = arith.constant 0 : i32
    %c0_i32_0 = arith.constant 0 : i32
    return %arg0, %c0_i32 : i32, i32
  }
  func.func @transform_4(%arg0: i32) -> (i32, i32) {
    %c0_i32 = arith.constant 0 : i32
    %c0_i32_0 = arith.constant 0 : i32
    %c0_i32_1 = arith.constant 0 : i32
    return %c0_i32, %c0_i32_0 : i32, i32
  }
  func.func @transform_5(%arg0: i32) -> (i32, i32) {
    %c0_i32 = arith.constant 0 : i32
    %c0_i32_0 = arith.constant 0 : i32
    %c0_i32_1 = arith.constant 0 : i32
    return %c0_i32, %c0_i32_0 : i32, i32
  }
  func.func @transform_6(%arg0: i32) -> (i32, i32) {
    %c0_i32 = arith.constant 0 : i32
    %c0_i32_0 = arith.constant 0 : i32
    %c0_i32_1 = arith.constant 0 : i32
    return %c0_i32, %c0_i32_0 : i32, i32
  }
  func.func @transform_7(%arg0: i32) -> (i32, i32) {
    %c0_i32 = arith.constant 0 : i32
    %c0_i32_0 = arith.constant 0 : i32
    %c0_i32_1 = arith.constant 0 : i32
    return %c0_i32, %c0_i32_0 : i32, i32
  }
  func.func @transform_8(%arg0: i32) -> (i32, i32) {
    %c0_i32 = arith.constant 0 : i32
    %c0_i32_0 = arith.constant 0 : i32
    return %arg0, %c0_i32 : i32, i32
  }
}

</mosaic_0001>

<sc_bundles>
// kernel: kernel.10.cloned.1.call-start
scs
__scs_entry_jumppad:
0x0: {  	(pc) =	sbr.rel $0x88, $3  }
0x1: {  	(tag) =	ssettag $0x0;
	lr =	simm.s32 $0x1  }
0x2: {  	[smem:$0x3F96] =	sst lr;
	_ =	strace $0xD0000000  }
0x3: {  	_ = 	snop  }
0x4: {  	_ = 	snop  }
0x5: {  	_ = 	snop  }
0x6: {  	_ = 	snop  }
0x7: {  	_ = 	snop  }
__scs_overlays_trampoline_lowered:
0x8: {  	[smem:$0x3FA5] =	sst s0  }
0x9: {  	[smem:$0x3FA6] =	sst s1  }
0xa: {  	[smem:$0x3FA7] =	sst s2  }
0xb: {  	[smem:$0x3FA8] =	sst s3  }
0xc: {  	[smem:$0x3FA9] =	sst s4  }
0xd: {  	[smem:$0x3FAA] =	sst s5  }
0xe: {  	[smem:$0x3FAB] =	sst s6  }
0xf: {  	[smem:$0x3FAC] =	sst s7  }
0x10: {  	[smem:$0x3FAD] =	sst s8  }
0x11: {  	[smem:$0x3FAE] =	sst s9;
	s0 =	simm.s32 @!p0 $0x0  }
0x12: {  	s1 =	sld [smem:$0x3F94];
	s0 =	simm.s32 @p0 $0x1  }
0x13: {  	[smem:$0x3FAF] =	sst s0;
	s0 =	simm.s32 @!p1 $0x0  }
0x14: {  	s2 =	sld [smem:$0x3F93];
	s0 =	simm.s32 @p1 $0x1  }
0x15: {  	[smem:$0x3FB0] =	sst s0;
	s0 =	simm.s32 @!p2 $0x0  }
0x16: {  	s3 =	sld [smem:$0x3FDB];
	s0 =	simm.s32 @p2 $0x1  }
0x17: {  	s4 =	simm.s32 $0x1BF5;
	[smem:$0x3FB2] =	sst s0  }
0x18: {  	s0 =	sld [smem:$0x3F95];
	_ =	swait.ge [sflag:s4], $0x0  }
0x19: {  	s7 =	sld [smem:$0x3F96]  }
0x1a: {  	s8 =	sadd.s32 $0xFFFFE003, lr  }
0x1b: {  	s9 =	sadd.s32 $0xFFFFFEF7, lr;
	s5 =	simm.s32 $0xFFFFFFFF;
	p2 =	slt.u32 s8, $0xFFFFF086  }
0x1c: {  	p1 =	slt.u32 s9, $0xF7A;
	s5 =	simm.s32 @!p2 $0x0  }
0x1d: {  	s5 =	simm.s32 @p1 $0x1;
	p0 =	seq.s32 s7, s2  }
0x1e: {  	s7 =	smul.u32 @!p0 $0xF7A, s2;
	p2 =	seq.s32 @!p0 s5, $0x0  }
0x1f: {  	s9 =	smul.u32 $0xF7A, s1;
	s8 =	simm.s32 @!p0 $0x1BF5;
	p2 =	por !p2, p0  }
0x20: {  	[sflag:s8] =	ssyncset.s32 @!p0 $0xFFFFF086;
	s6 =	sadd.s32 @!p0 s3, s7;
	s7 =	simm.s32 @!p0 $0x108  }
0x21: {  	s3 =	sadd.s32 s3, s9;
	s6 =	sadd.s32 @!p0 $0x88, s6;
	s7 =	simm.s32 @p2 $0x1082  }
0x22: {  	[simem:s7], [sflag:s8] =	dma.local @!p0 [hbm:s6], $0xF7A  }
0x23: {  	s9 =	sor.u32 $0xD0000000, s2;
	s6 =	simm.s32 $0x108;
	_ =	swait.ge @!p0 [sflag:s8], $0x0  }
0x24: {  	s3 =	sadd.s32 $0x88, s3;
	s6 =	simm.s32 @!p1 $0x1082;
	[sflag:s4] =	ssyncset.s32 $0xFFFFF086  }
0x25: {  	[simem:s6], [sflag:s4] =	dma.local [hbm:s3], $0xF7A  }
0x26: {  	[smem:$0x3F96] =	sst s1;
	(tag) =	ssettag s2;
	_ =	strace s9  }
0x27: {  	s1 =	sld [smem:$0x3FA6]  }
0x28: {  	s2 =	sld [smem:$0x3FA7]  }
0x29: {  	s4 =	sld [smem:$0x3FA9]  }
0x2a: {  	p0 =	seq.s32 s5, $0x0;
	s5 =	sld [smem:$0x3FAA]  }
0x2b: {  	s6 =	sld [smem:$0x3FAB]  }
0x2c: {  	s7 =	sld [smem:$0x3FAC]  }
0x2d: {  	s3 =	simm.s32 $0x108;
	s8 =	sld [smem:$0x3FAD]  }
0x2e: {  	s3 =	simm.s32 @!p0 $0x1082;
	s9 =	sld [smem:$0x3FAE]  }
0x2f: {  	lr =	sadd.s32 s0, s3;
	s0 =	sld [smem:$0x3FA5]  }
0x30: {  	s3 =	sld [smem:$0x3FA8]  }
0x31: {  	[smem:$0x3FB1] =	sst s10  }
0x32: {  	s10 =	sld [smem:$0x3FAF];
	_ =	sdelay $0x3  }
0x33: {  	p0 =	seq.s32 s10, $0x1;
	s10 =	sld [smem:$0x3FB1];
	_ =	sdelay $0x3  }
0x34: {  	[smem:$0x3FB1] =	sst s10  }
0x35: {  	s10 =	sld [smem:$0x3FB0];
	_ =	sdelay $0x3  }
0x36: {  	p1 =	seq.s32 s10, $0x1;
	s10 =	sld [smem:$0x3FB1];
	_ =	sdelay $0x3  }
0x37: {  	[smem:$0x3FB1] =	sst s10  }
0x38: {  	s10 =	sld [smem:$0x3FB2]  }
0x39: {  	_ = 	snop;
	(pc) =	sbr.ind lr, $3  }
0x3a: {  	_ = 	snop  }
0x3b: {  	_ = 	snop  }
0x3c: {  	p2 =	seq.s32 s10, $0x1;
	s10 =	sld [smem:$0x3FB1]  }
0x3d: {  	_ =	shalt  }
0x3e: {  	_ =	shalt  }
0x3f: {  	_ =	shalt  }
0x40: {  	_ =	shalt  }
0x41: {  	_ =	shalt  }
0x42: {  	_ =	shalt  }
0x43: {  	_ =	shalt  }
0x44: {  	_ =	shalt  }
0x45: {  	_ =	shalt  }
0x46: {  	_ =	shalt  }
0x47: {  	_ =	shalt  }
0x48: {  	_ =	shalt  }
0x49: {  	_ =	shalt  }
0x4a: {  	_ =	shalt  }
0x4b: {  	_ =	shalt  }
0x4c: {  	_ =	shalt  }
0x4d: {  	_ =	shalt  }
0x4e: {  	_ =	shalt  }
0x4f: {  	_ =	shalt  }
0x50: {  	_ =	shalt  }
0x51: {  	_ =	shalt  }
0x52: {  	_ =	shalt  }
0x53: {  	_ =	shalt  }
0x54: {  	_ =	shalt  }
0x55: {  	_ =	shalt  }
0x56: {  	_ =	shalt  }
0x57: {  	_ =	shalt  }
0x58: {  	_ =	shalt  }
0x59: {  	_ =	shalt  }
0x5a: {  	_ =	shalt  }
0x5b: {  	_ =	shalt  }
0x5c: {  	_ =	shalt  }
0x5d: {  	_ =	shalt  }
0x5e: {  	_ =	shalt  }
0x5f: {  	_ =	shalt  }
0x60: {  	_ =	shalt  }
0x61: {  	_ =	shalt  }
0x62: {  	_ =	shalt  }
0x63: {  	_ =	shalt  }
0x64: {  	_ =	shalt  }
0x65: {  	_ =	shalt  }
0x66: {  	_ =	shalt  }
0x67: {  	_ =	shalt  }
0x68: {  	_ =	shalt  }
0x69: {  	_ =	shalt  }
0x6a: {  	_ =	shalt  }
0x6b: {  	_ =	shalt  }
0x6c: {  	_ =	shalt  }
0x6d: {  	_ =	shalt  }
0x6e: {  	_ =	shalt  }
0x6f: {  	_ =	shalt  }
0x70: {  	_ =	shalt  }
0x71: {  	_ =	shalt  }
0x72: {  	_ =	shalt  }
0x73: {  	_ =	shalt  }
0x74: {  	_ =	shalt  }
0x75: {  	_ =	shalt  }
0x76: {  	_ =	shalt  }
0x77: {  	_ =	shalt  }
0x78: {  	_ =	shalt  }
0x79: {  	_ =	shalt  }
0x7a: {  	_ =	shalt  }
0x7b: {  	_ =	shalt  }
0x7c: {  	_ =	shalt  }
0x7d: {  	_ =	shalt  }
0x7e: {  	_ =	shalt  }
0x7f: {  	_ =	shalt  }
0x80: {  	_ =	shalt  }
0x81: {  	_ =	shalt  }
0x82: {  	_ =	shalt  }
0x83: {  	_ =	shalt  }
0x84: {  	_ =	shalt  }
0x85: {  	_ =	shalt  }
0x86: {  	_ =	shalt  }
0x87: {  	_ =	shalt  }
.Lfunc_end0:
.L_simem_size_0:
called_computation.1_lowered:
.L_overlay_start_0:
0x88: {  	s2 =	sld [smem:$0x3FD9]  }
0x89: {  	s3 =	sld [smem:$0x3FFE];
	_ =	sdelay $0x1  }
0x8a: {  	s1 =	srdreg.scid  }
0x8b: {  	s0 =	sand.u32 $0x1, s1  }
0x8c: {  	s17 =	sshll.u32 s0, $0xA;
	s2 =	sadd.s32 s3, s2  }
0x8d: {  	s2 =	sadd.s32 s2, s17  }
0x8e: {  	[smem:$0x3FBD] =	sst s2  }
0x8f: {  	_ = 	snop  }
0x90: {  	s2 =	sld [smem:$0x3FD0];
	(tm) =	ssettm $0x1  }
0x91: {  	s18 =	sld [smem:$0x3FFB];
	_ =	sdelay $0x3  }
0x92: {  	_ =	strace s18  }
0x93: {  	s3 =	sld [smem:$0x3FFC];
	_ =	sdelay $0x3  }
0x94: {  	_ =	strace s3  }
0x95: {  	s3 =	sld [smem:$0x3FFD];
	_ =	sdelay $0x3  }
0x96: {  	_ =	strace s3  }
0x97: {  	_ =	strace $0x8FFFFFFF  }
0x98: {  	s19 =	sld [smem:$0x3FDB];
	_ =	sdelay $0x1  }
0x99: {  	s4 =	simm.s32 $_scs_section_size  }
0x9a: {  	s5 =	simm.s32 $_size__tile_overlayer_lowered;
	s6 =	simm.s32 $_tile_overlayer_lowered  }
0x9b: {  	s22 =	simm.s32 $0x1BFF;
	s21 =	sshll.u32 s6, $0x1;
	s3 =	sadd.s32 s4, s19  }
0x9c: {  	s7 =	simm.s32 $0x0;
	s20 =	sshll.u32 s5, $0x1;
	s5 =	sadd.s32 s21, s3  }
0x9d: {  	[timem:s7], [sflag:s22] =	dma.local [hbm:s5], s20  }
0x9e: {  	_ =	swait.ge [sflag:s22], s20  }
0x9f: {  	s4 =	ssub.s32 $0x0, s20;
	[sflag:s22] =	ssyncset.done $0x0  }
0xa0: {  	[sflag:s22] =	ssyncadd.s32 s4;
	_ =	sdelay $0x1  }
0xa1: {  	s23 =	simm.s32 $0x1B8B  }
0xa2: {  	_ =	swait.ge [sflag:s23], $0x1  }
0xa3: {  	[sflag:s23] =	ssyncset.done $0x0  }
0xa4: {  	s25 =	simm.s32 $0x1B8E;
	s24 =	sld [smem:$0x3FFE];
	[sflag:s23] =	ssyncadd.s32 $0xFFFFFFFF  }
0xa5: {  	s26 =	simm.s32 $execute0_lowered;
	[smem:$0x3FD2] =	sst s25  }
0xa6: {  	s5 =	sshll.u32 s26, $0x1;
	_ =	strace $0x80000049;
	[dreg:$0x1] =	wrdreg $0xFFFFFFFF  }
0xa7: {  	s28 =	simm.s32 $_size_execute0_lowered;
	s3 =	sadd.s32 s3, s5;
	[dreg:$0x0] =	wrdreg $0x0  }
0xa8: {  	s5 =	sshll.u32 s28, $0x1;
	[dreg:$0x2] =	wrdreg s3  }
0xa9: {  	[dreg:$0x3] =	wrdreg s5  }
0xaa: {  	[dreg:$0x4] =	wrdreg $0xC0  }
0xab: {  	_ =	task [dreg:s7], $0x5FFFF  }
0xac: {  	[dreg:$0x1] =	wrdreg $0xFFFFFFFF  }
0xad: {  	[dreg:$0x0] =	wrdreg $0x60  }
0xae: {  	[dreg:$0x2] =	wrdreg s24  }
0xaf: {  	[dreg:$0x3] =	wrdreg s2  }
0xb0: {  	[dreg:$0x4] =	wrdreg $0x98000  }
0xb1: {  	[dreg:$0x5] =	wrdreg $0x9  }
0xb2: {  	_ =	task.clear_ibuf [dreg:s7], $0x6FFFF;
	_ =	strace $0x90000049  }
0xb3: {  	s29 =	simm.s32 $0x9;
	_ =	strace $0x8000004B  }
0xb4: {  	_ =	swait.ge [sflag:s29], $0x1  }
0xb5: {  	[sflag:s29] =	ssyncadd.s32 $0xFFFFFFFF  }
0xb6: {  	_ =	strace $0x9000004B  }
0xb7: {  	_ =	sfence  }
0xb8: {  	s30 =	sld [smem:$0x0];
	_ =	sdelay $0x2  }
0xb9: {  	s31 =	sshll.u32 s1, $0xD;
	s1 =	sshrl.u32 s1, $0x2  }
0xba: {  	s3 =	sand.u32 $0x4000, s31;
	s1 =	sadd.s32 s1, s30  }
0xbb: {  	s0 =	sor.u32 s3, s0;
	s1 =	sshll.u32 s1, $0x11  }
0xbc: {  	s0 =	sor.u32 s1, s0  }
0xbd: {  	s0 =	sadd.s32 $0x8F2B, s0  }
0xbe: {  	[sflag:s0] =	ssyncadd.remote.s32 $0x1  }
0xbf: {  	_ =	sfence.sel $0xFFFF  }
0xc0: {  	[dreg:$0x0] =	wrdreg $0xFFFFFFFF;
	(pc) =	sbr.abs _section_cstart, $3  }
0xc1: {  	[dreg:$0x1] =	wrdreg $0xFFFFFFFF  }
0xc2: {  	_ =	task.clear_ibuf [dreg:s7], $0x2FFFF;
	_ =	strace $0x9FFFFFFF  }
0xc3: {  	(tm) =	ssettm $0x7FFFFFFF  }
tec
execute0_lowered:
.L_overlay_start_1:
0x0: {  	(tag) =	ssettag $0x1  }
0x1: {  	s0 =	rddreg [dreg:$0x0]  }
0x2: {  	s1 =	rddreg [dreg:$0x1]  }
0x3: {  	s2 =	rddreg [dreg:$0x2];
	s4 =	simm.s32 $0x0  }
0x4: {  	s15 =	stileid.u32;
	s3 =	srdreg.scid;
	s28 =	simm.s32 $0x5  }
0x5: {  	s31 =	simm.s32 $0x40;
	s16 =	simm.s32 $0x4;
	[smem:$0x7FF] =	sst s4  }
0x6: {  	s5 =	sadd.s32 $0x10C00, s0;
	s6 =	sadd.s32 $0x1C00, s0;
	s7 =	smul.u32 $0x2780, s15  }
0x7: {  	s3 =	sand.u32 $0x1, s3;
	s8 =	sadd.s32 $0xBC00, s0;
	s9 =	sadd.s32 $0x6C00, s0  }
0x8: {  	s13 =	smul.u32 $0x4F000, s15;
	s14 =	sadd.s32 $0x5F600, s0;
	s19 =	sshll.u32 s15, $0x6  }
0x9: {  	s20 =	smul.u32 $0x500, s15;
	_ =	strace $0x8000004A;
	s10 =	ssub.s32 $0x2, s3  }
0xa: {  	[dreg:$0x4] =	wrdreg s14;
	p0 =	seq.s32 s3, $0x1;
	s14 =	simm.s32 $0x2  }
0xb: {  	s11 =	sadd.s32 s7, s0;
	s12 =	sshrl.u32 s10, $0x1;
	s0 =	sadd.s32 $0x86E00, s0  }
0xc: {  	s18 =	sshrl.u32 s13, $0x2;
	s13 =	sor.u32 $0x1C06, s19;
	s21 =	sadd.s32 s6, s20  }
0xd: {  	s22 =	sor.u32 $0x80, s20;
	s23 =	sadd.s32 s1, s20;
	[dreg:$0x5] =	wrdreg s0  }
0xe: {  	s26 =	sadd.s32 s8, s20;
	s29 =	sadd.s32 s9, s20;
	[dreg:$0x6] =	wrdreg s21  }
0xf: {  	s17 =	ssub.s32 s10, s12;
	s10 =	sadd.s32 s18, s2;
	[dreg:$0x7] =	wrdreg s23  }
0x10: {  	s12 =	sadd.s32 $0x37E00, s11;
	s24 =	sadd.s32 s6, s22;
	[dreg:$0xa] =	wrdreg s26  }
0x11: {  	s25 =	sadd.s32 s1, s22;
	s18 =	smul.u32 $0xA, s15;
	[dreg:$0xb] =	wrdreg s29  }
.Ltmp0:
0x12: {  	s30 =	sadd.s32 s8, s22;
	[dreg:$0x8] =	wrdreg s24;
	(pc) =	sbr.rel .LBB2_1-.Ltmp0, $4  }
0x13: {  	s3 =	sadd.s32 s9, s22;
	s0 =	simm.s32 $0x1800;
	[dreg:$0x9] =	wrdreg s25  }
0x14: {  	s11 =	simm.s32 $0x80;
	s15 =	simm.s32 $0x5800;
	[dreg:$0xc] =	wrdreg s30  }
0x15: {  	s26 =	simm.s32 $0x3;
	[dreg:$0xd] =	wrdreg s3;
	s23 =	smax.u32 s17, $0x1  }
0x16: {  	s24 =	sshrl.u32 s10, $0x3;
	s25 =	simm.s32 $0x6;
	s10 =	simm.s32 $0x1  }
.LBB2_19:
0x17: {  	s17 =	rddreg [dreg:$0x5]  }
.LBB2_20:
0x18: {  	_ =	swait.ge [sflag:s26], $0x4000  }
0x19: {  	[sflag:s26] =	ssyncset.done $0x0  }
0x1a: {  	[sflag:s26] =	ssyncadd.s32 $0xFFFFC000  }
0x1b: {  	_ =	swait.ge [sflag:s16], $0x4000  }
0x1c: {  	s4 =	sadd.s32 $0x1, s4;
	[sflag:s16] =	ssyncset.done $0x0  }
0x1d: {  	p1 =	sne.s32 s4, s23;
	[sflag:s16] =	ssyncadd.s32 $0xFFFFC000  }
.Ltmp1:
0x1e: {  	s3 =	sadd.s32 s17, s7;
	[bflag:$0x0] =	sbarrier.arrive $0xFFFF;
	(pc) =	sbr.rel @!p1 .LBB2_21-.Ltmp1, $4  }
0x1f: {  	[hbm:s3], [sflag:s13] =	dma.local [spmem:s24], $0x2780  }
0x20: {  	_ =	swait.ge [sflag:s25], $0x2780  }
0x21: {  	[sflag:s25] =	ssyncset.done $0x0  }
0x22: {  	[sflag:s25] =	ssyncadd.s32 $0xFFFFD880  }
.LBB2_1:
0x23: {  	[spmem:s24], [sflag:s13] =	dma.local [hbm:s12], $0x2780  }
.Ltmp2:
0x24: {  	_ =	swait.ge [sflag:s25], $0x2780;
	(pc) =	sbr.rel @!p0 .LBB2_2-.Ltmp2, $3  }
0x25: {  	[sflag:s25] =	ssyncset.done $0x0  }
0x26: {  	[sflag:s25] =	ssyncadd.s32 $0xFFFFD880  }
0x27: {  	[bflag:$0x0] =	sbarrier.arrive $0xFFFF;
	_ =	sdelay $0x1  }
0x28: {  	s19 =	simm.s32 $0x0;
	s3 =	rddreg [dreg:$0xa]  }
0x29: {  	[tilespmem:s19], [sflag:$0x5] =	stream.linear.gather [hbm4b:s3+s19], $0x400, $0x38;
	[tilespmem:$0x1D400] =	vst v63  }
0x2a: {  	s30 =	rddreg [dreg:$0xb];
	s17 =	simm.s32 $0xC00  }
0x2b: {  	[tilespmem:s17], [sflag:$0x5] =	stream.linear.gather [hbm4b:s30+s19], $0x400, $0x38;
	[tilespmem:$0x1D400] =	vst v63  }
0x2c: {  	_ =	swait.ge [sflag:s28], $0x400  }
0x2d: {  	[sflag:s28] =	ssyncset.done $0x0  }
0x2e: {  	[sflag:s28] =	ssyncadd.s32 $0xFFFFFC00  }
0x2f: {  	_ =	swait.ge [sflag:s28], $0x400  }
0x30: {  	[sflag:s28] =	ssyncset.done $0x0  }
0x31: {  	s21 =	simm.s32 $0x400;
	s20 =	rddreg [dreg:$0xc];
	[sflag:s28] =	ssyncadd.s32 $0xFFFFFC00  }
0x32: {  	[tilespmem:s21], [sflag:$0x5] =	stream.linear.gather [hbm4b:s20+s19], $0x400, $0x38;
	[tilespmem:$0x1D400] =	vst v63  }
0x33: {  	s29 =	simm.s32 $0x1000;
	s22 =	rddreg [dreg:$0xd]  }
0x34: {  	[tilespmem:s29], [sflag:$0x5] =	stream.linear.gather [hbm4b:s22+s19], $0x400, $0x38;
	[tilespmem:$0x1D400] =	vst v63  }
.Ltmp3:
0x35: {  	_ = 	snop;
	(pc) =	sbr.rel .LBB2_12-.Ltmp3, $4  }
0x36: {  	_ = 	snop  }
0x37: {  	[tilespmem:s0], [sflag:$0x1] =	stream.indirect.gather [hbm4b:s5+s31], $0x80, s19, s31, $0xb8;
	[tilespmem:$0x1D400] =	vst v63  }
0x38: {  	s30 =	simm.s32 $0x3800;
	s17 =	simm.s32 $0x0  }
0x39: {  	[tilespmem:s30], [sflag:$0x1] =	stream.indirect.gather [hbm4b:s5+s31], $0x80, s31, s31, $0xb8;
	[tilespmem:$0x1D400] =	vst v63  }
.LBB2_17:
0x3a: {  	_ =	swait.ge [sflag:s14], $0x4000;
	s3 =	sand.u32 $0x380, s17;
	s19 =	sshll.u32 s20, $0xA  }
0x3b: {  	[sflag:s14] =	ssyncset.done $0x0;
	s3 =	sor.u32 s3, s19  }
0x3c: {  	[sflag:s14] =	ssyncadd.s32 $0xFFFFC000;
	s3 =	sadd.s32 $0xC00, s3  }
0x3d: {  	[spmem:s2] =	stream.indirect.scatter.add.f32 [tilespmem:s15], [sflag:$0x4], $0x80, s3, s11, $0xb8;
	[tilespmem:$0x1D400] =	vst v63  }
.LBB2_18:
0x3e: {  	p1 =	sne.s32 s29, $0x50  }
.Ltmp4:
0x3f: {  	_ = 	snop;
	(pc) =	sbr.rel @!p1 .LBB2_19-.Ltmp4, $2  }
0x40: {  	_ =	sdelay $0x2  }
0x41: {  	s17 =	sadd.s32 $0x80, s17;
	s19 =	smov.u32 s29  }
.LBB2_12:
0x42: {  	s29 =	sadd.s32 $0x1, s19  }
0x43: {  	p1 =	seq.s32 s19, $0x4F;
	s30 =	sand.u32 $0x7, s29  }
0x44: {  	p2 =	sne.s32 @!p1 s30, $0x0  }
0x45: {  	p3 =	por p2, p1  }
0x46: {  	p4 =	sgt.u32 @!p3 s19, $0x46  }
0x47: {  	p2 =	por @!p1 p4, p2  }
0x48: {  	p2 =	por p2, p1  }
0x49: {  	s3 =	sshrl.u32 @!p2 s29, $0x3  }
0x4a: {  	s3 =	sadd.s32 @!p2 $0x1, s3  }
0x4b: {  	s20 =	smul.u32 @!p2 $0xAB, s3  }
0x4c: {  	s21 =	simm.s32 @!p3 $0x5  }
0x4d: {  	_ =	swait.ge @!p3 [sflag:s21], $0x400;
	s20 =	sshrl.u32 @!p2 s20, $0x9  }
0x4e: {  	[sflag:s21] =	ssyncset.done @!p3 $0x0;
	s20 =	sand.u32 @!p2 $0x7F, s20  }
0x4f: {  	[sflag:s21] =	ssyncadd.s32 @!p3 $0xFFFFFC00;
	s20 =	smul.u32 @!p2 $0x3, s20  }
0x50: {  	_ =	swait.ge @!p3 [sflag:s21], $0x400;
	s22 =	sadd.s32 @!p2 s18, s3  }
0x51: {  	[sflag:s21] =	ssyncset.done @!p3 $0x0;
	s3 =	ssub.s32 @!p2 s3, s20;
	s20 =	sshll.u32 @!p2 s22, $0x7  }
0x52: {  	[sflag:s21] =	ssyncadd.s32 @!p3 $0xFFFFFC00;
	s3 =	sand.u32 @!p2 $0xFF, s3;
	s20 =	sand.u32 @!p2 $0x1FFFFF80, s20  }
0x53: {  	s22 =	simm.s32 @!p2 $0x0;
	s3 =	sshll.u32 @!p2 s3, $0xA;
	s21 =	sadd.s32 @!p2 s8, s20  }
0x54: {  	[tilespmem:s3], [sflag:$0x5] =	stream.linear.gather @!p2 [hbm4b:s21+s22], $0x400, $0x38;
	[tilespmem:$0x1D400] =	vst v63  }
0x55: {  	s20 =	sadd.s32 @!p2 s9, s20;
	s3 =	sadd.s32 @!p2 $0xC00, s3  }
0x56: {  	[tilespmem:s3], [sflag:$0x5] =	stream.linear.gather @!p2 [hbm4b:s20+s22], $0x400, $0x38;
	[tilespmem:$0x1D400] =	vst v63  }
0x57: {  	p2 =	seq.s32 s19, $0x0  }
.Ltmp5:
0x58: {  	_ = 	snop;
	(pc) =	sbr.rel @p2 .LBB2_15-.Ltmp5, $1  }
0x59: {  	_ =	sdelay $0x3  }
.Ltmp6:
0x5a: {  	(pc) =	sbr.rel @p1 .LBB2_17-.Ltmp6, $2  }
0x5b: {  	_ =	sdelay $0x2  }
0x5c: {  	s20 =	simm.s32 $0x0  }
0x5d: {  	s3 =	sand.u32 $0x1, s29  }
0x5e: {  	p1 =	seq.s32 s3, $0x1;
	s3 =	simm.s32 $0x4  }
0x5f: {  	s3 =	simm.s32 @!p1 $0x3  }
0x60: {  	_ =	swait.ge [sflag:s3], $0x4000  }
0x61: {  	[sflag:s3] =	ssyncset.done $0x0  }
0x62: {  	[sflag:s3] =	ssyncadd.s32 $0xFFFFC000  }
.LBB2_15:
0x63: {  	s3 =	sshrl.u32 s29, $0x3  }
0x64: {  	s20 =	smul.u32 $0xAB, s3;
	_ =	sdelay $0x1  }
0x65: {  	s20 =	sshrl.u32 s20, $0x9  }
0x66: {  	s20 =	sand.u32 $0x7F, s20  }
0x67: {  	s20 =	smul.u32 $0x3, s20;
	_ =	sdelay $0x1  }
0x68: {  	s3 =	ssub.s32 s3, s20  }
0x69: {  	s22 =	sand.u32 $0x1, s29;
	s3 =	sand.u32 $0xFF, s3  }
0x6a: {  	s21 =	sshll.u32 s30, $0x7;
	p1 =	seq.s32 s22, $0x1;
	s3 =	sshll.u32 s3, $0xA  }
0x6b: {  	s20 =	simm.s32 @p1 $0x40;
	s3 =	sor.u32 s21, s3;
	s21 =	simm.s32 @p1 $0x5800  }
0x6c: {  	[tilespmem:s21], [sflag:$0x2] =	stream.indirect.gather @p1 [hbm4b:s5+s20], $0x80, s3, s20, $0xb8;
	[tilespmem:$0x1D400] =	vst v63  }
0x6d: {  	s22 =	simm.s32 @p1 $0x7800;
	s21 =	sor.u32 $0x40, s3  }
0x6e: {  	[tilespmem:s22], [sflag:$0x2] =	stream.indirect.gather @p1 [hbm4b:s5+s20], $0x80, s21, s20, $0xb8;
	[tilespmem:$0x1D400] =	vst v63  }
0x6f: {  	s20 =	simm.s32 @!p1 $0x40;
	s22 =	simm.s32 @!p1 $0x1800  }
0x70: {  	[tilespmem:s22], [sflag:$0x1] =	stream.indirect.gather @!p1 [hbm4b:s5+s20], $0x80, s3, s20, $0xb8;
	[tilespmem:$0x1D400] =	vst v63  }
0x71: {  	s3 =	sshrl.u32 s19, $0x3  }
0x72: {  	s22 =	simm.s32 @!p1 $0x3800;
	s30 =	smul.u32 $0xAB, s3  }
0x73: {  	[tilespmem:s22], [sflag:$0x1] =	stream.indirect.gather @!p1 [hbm4b:s5+s20], $0x80, s21, s20, $0xb8;
	[tilespmem:$0x1D400] =	vst v63  }
0x74: {  	s22 =	sshrl.u32 s30, $0x9;
	s30 =	sand.u32 $0x1, s19  }
0x75: {  	p1 =	seq.s32 s30, $0x1  }
.Ltmp7:
0x76: {  	s20 =	sand.u32 $0x7F, s22;
	(pc) =	sbr.rel @p1 .LBB2_17-.Ltmp7, $3  }
0x77: {  	s20 =	smul.u32 $0x3, s20;
	_ =	sdelay $0x1  }
0x78: {  	s3 =	ssub.s32 s3, s20  }
0x79: {  	s20 =	sand.u32 $0xFF, s3  }
.Ltmp8:
0x7a: {  	(pc) =	sbr.rel .LBB2_18-.Ltmp8, $4  }
0x7b: {  	_ =	swait.ge [sflag:s10], $0x4000;
	s3 =	sand.u32 $0x300, s17;
	s19 =	sshll.u32 s20, $0xA  }
0x7c: {  	[sflag:s10] =	ssyncset.done $0x0;
	s3 =	sor.u32 s3, s19  }
0x7d: {  	[sflag:s10] =	ssyncadd.s32 $0xFFFFC000;
	s3 =	sadd.s32 $0xC00, s3  }
0x7e: {  	[spmem:s2] =	stream.indirect.scatter.add.f32 [tilespmem:s0], [sflag:$0x3], $0x80, s3, s11, $0xb8;
	[tilespmem:$0x1D400] =	vst v63  }
.LBB2_2:
0x7f: {  	s29 =	simm.s32 $0x0;
	s3 =	rddreg [dreg:$0x6]  }
0x80: {  	[tilespmem:s29], [sflag:$0x5] =	stream.linear.gather [hbm4b:s3+s29], $0x400, $0x38;
	[tilespmem:$0x1D400] =	vst v63  }
0x81: {  	s30 =	rddreg [dreg:$0x7];
	s17 =	simm.s32 $0xC00  }
0x82: {  	[tilespmem:s17], [sflag:$0x5] =	stream.linear.gather [hbm4b:s30+s29], $0x400, $0x38;
	[tilespmem:$0x1D400] =	vst v63  }
0x83: {  	_ =	swait.ge [sflag:s28], $0x400  }
0x84: {  	[sflag:s28] =	ssyncset.done $0x0  }
0x85: {  	[sflag:s28] =	ssyncadd.s32 $0xFFFFFC00  }
0x86: {  	_ =	swait.ge [sflag:s28], $0x400  }
0x87: {  	[sflag:s28] =	ssyncset.done $0x0  }
0x88: {  	s20 =	simm.s32 $0x400;
	s19 =	rddreg [dreg:$0x8];
	[sflag:s28] =	ssyncadd.s32 $0xFFFFFC00  }
0x89: {  	[tilespmem:s20], [sflag:$0x5] =	stream.linear.gather [hbm4b:s19+s29], $0x400, $0x38;
	[tilespmem:$0x1D400] =	vst v63  }
0x8a: {  	s22 =	simm.s32 $0x1000;
	s21 =	rddreg [dreg:$0x9]  }
0x8b: {  	[tilespmem:s22], [sflag:$0x5] =	stream.linear.gather [hbm4b:s21+s29], $0x400, $0x38;
	[tilespmem:$0x1D400] =	vst v63  }
.Ltmp9:
0x8c: {  	_ = 	snop;
	(pc) =	sbr.rel .LBB2_3-.Ltmp9, $4  }
0x8d: {  	_ = 	snop  }
0x8e: {  	[tilespmem:s0], [sflag:$0x1] =	stream.indirect.gather [hbm4b:s5+s31], $0x80, s29, s31, $0xb8;
	[tilespmem:$0x1D400] =	vst v63  }
0x8f: {  	s30 =	simm.s32 $0x3800;
	s17 =	simm.s32 $0x0  }
0x90: {  	[tilespmem:s30], [sflag:$0x1] =	stream.indirect.gather [hbm4b:s5+s31], $0x80, s31, s31, $0xb8;
	[tilespmem:$0x1D400] =	vst v63  }
.LBB2_8:
0x91: {  	_ =	swait.ge [sflag:s14], $0x4000;
	s3 =	sand.u32 $0x380, s17;
	s20 =	sshll.u32 s20, $0xA  }
0x92: {  	[sflag:s14] =	ssyncset.done $0x0;
	s3 =	sor.u32 s3, s20  }
0x93: {  	[sflag:s14] =	ssyncadd.s32 $0xFFFFC000;
	s3 =	sadd.s32 $0xC00, s3  }
0x94: {  	[spmem:s2] =	stream.indirect.scatter.add.f32 [tilespmem:s15], [sflag:$0x4], $0x80, s3, s11, $0xb8;
	[tilespmem:$0x1D400] =	vst v63  }
.LBB2_9:
0x95: {  	p1 =	seq.s32 s19, $0x50  }
.Ltmp10:
0x96: {  	_ = 	snop;
	(pc) =	sbr.rel @p1 .LBB2_10-.Ltmp10, $2  }
0x97: {  	_ =	sdelay $0x2  }
0x98: {  	s17 =	sadd.s32 $0x80, s17;
	s29 =	smov.u32 s19  }
.LBB2_3:
0x99: {  	s19 =	sadd.s32 $0x1, s29  }
0x9a: {  	p1 =	seq.s32 s29, $0x4F;
	s30 =	sand.u32 $0x7, s19  }
0x9b: {  	p2 =	sne.s32 @!p1 s30, $0x0  }
0x9c: {  	p3 =	por p2, p1  }
0x9d: {  	p4 =	sgt.u32 @!p3 s29, $0x46  }
0x9e: {  	p2 =	por @!p1 p4, p2  }
0x9f: {  	p2 =	por p2, p1  }
0xa0: {  	s20 =	sshrl.u32 @!p2 s19, $0x3  }
0xa1: {  	s20 =	sadd.s32 @!p2 $0x1, s20  }
0xa2: {  	s21 =	smul.u32 @!p2 $0xAB, s20  }
0xa3: {  	s22 =	simm.s32 @!p3 $0x5  }
0xa4: {  	_ =	swait.ge @!p3 [sflag:s22], $0x400;
	s21 =	sshrl.u32 @!p2 s21, $0x9  }
0xa5: {  	[sflag:s22] =	ssyncset.done @!p3 $0x0;
	s21 =	sand.u32 @!p2 $0x7F, s21  }
0xa6: {  	[sflag:s22] =	ssyncadd.s32 @!p3 $0xFFFFFC00;
	s21 =	smul.u32 @!p2 $0x3, s21  }
0xa7: {  	_ =	swait.ge @!p3 [sflag:s22], $0x400;
	s3 =	sadd.s32 @!p2 s18, s20  }
0xa8: {  	[sflag:s22] =	ssyncset.done @!p3 $0x0;
	s3 =	sshll.u32 @!p2 s3, $0x7;
	s20 =	ssub.s32 @!p2 s20, s21  }
0xa9: {  	[sflag:s22] =	ssyncadd.s32 @!p3 $0xFFFFFC00;
	s3 =	sand.u32 @!p2 $0x1FFFFF80, s3;
	s20 =	sand.u32 @!p2 $0xFF, s20  }
0xaa: {  	s22 =	simm.s32 @!p2 $0x0;
	s21 =	sadd.s32 @!p2 s6, s3;
	s20 =	sshll.u32 @!p2 s20, $0xA  }
0xab: {  	[tilespmem:s20], [sflag:$0x5] =	stream.linear.gather @!p2 [hbm4b:s21+s22], $0x400, $0x38;
	[tilespmem:$0x1D400] =	vst v63  }
0xac: {  	s3 =	sadd.s32 @!p2 s1, s3;
	s20 =	sadd.s32 @!p2 $0xC00, s20  }
0xad: {  	[tilespmem:s20], [sflag:$0x5] =	stream.linear.gather @!p2 [hbm4b:s3+s22], $0x400, $0x38;
	[tilespmem:$0x1D400] =	vst v63  }
0xae: {  	p2 =	seq.s32 s29, $0x0  }
.Ltmp11:
0xaf: {  	_ = 	snop;
	(pc) =	sbr.rel @p2 .LBB2_6-.Ltmp11, $1  }
0xb0: {  	_ =	sdelay $0x3  }
.Ltmp12:
0xb1: {  	(pc) =	sbr.rel @p1 .LBB2_8-.Ltmp12, $2  }
0xb2: {  	_ =	sdelay $0x2  }
0xb3: {  	s20 =	simm.s32 $0x0  }
0xb4: {  	s3 =	sand.u32 $0x1, s19  }
0xb5: {  	p1 =	seq.s32 s3, $0x1;
	s3 =	simm.s32 $0x4  }
0xb6: {  	s3 =	simm.s32 @!p1 $0x3  }
0xb7: {  	_ =	swait.ge [sflag:s3], $0x4000  }
0xb8: {  	[sflag:s3] =	ssyncset.done $0x0  }
0xb9: {  	[sflag:s3] =	ssyncadd.s32 $0xFFFFC000  }
.LBB2_6:
0xba: {  	s3 =	sshrl.u32 s19, $0x3  }
0xbb: {  	s20 =	smul.u32 $0xAB, s3;
	_ =	sdelay $0x1  }
0xbc: {  	s20 =	sshrl.u32 s20, $0x9  }
0xbd: {  	s20 =	sand.u32 $0x7F, s20  }
0xbe: {  	s20 =	smul.u32 $0x3, s20;
	_ =	sdelay $0x1  }
0xbf: {  	s3 =	ssub.s32 s3, s20  }
0xc0: {  	s22 =	sand.u32 $0x1, s19;
	s3 =	sand.u32 $0xFF, s3  }
0xc1: {  	s21 =	sshll.u32 s30, $0x7;
	p1 =	seq.s32 s22, $0x1;
	s3 =	sshll.u32 s3, $0xA  }
0xc2: {  	s20 =	simm.s32 @p1 $0x40;
	s3 =	sor.u32 s21, s3;
	s21 =	simm.s32 @p1 $0x5800  }
0xc3: {  	[tilespmem:s21], [sflag:$0x2] =	stream.indirect.gather @p1 [hbm4b:s5+s20], $0x80, s3, s20, $0xb8;
	[tilespmem:$0x1D400] =	vst v63  }
0xc4: {  	s22 =	simm.s32 @p1 $0x7800;
	s21 =	sor.u32 $0x40, s3  }
0xc5: {  	[tilespmem:s22], [sflag:$0x2] =	stream.indirect.gather @p1 [hbm4b:s5+s20], $0x80, s21, s20, $0xb8;
	[tilespmem:$0x1D400] =	vst v63  }
0xc6: {  	s20 =	simm.s32 @!p1 $0x40;
	s22 =	simm.s32 @!p1 $0x1800  }
0xc7: {  	[tilespmem:s22], [sflag:$0x1] =	stream.indirect.gather @!p1 [hbm4b:s5+s20], $0x80, s3, s20, $0xb8;
	[tilespmem:$0x1D400] =	vst v63  }
0xc8: {  	s3 =	sshrl.u32 s29, $0x3  }
0xc9: {  	s22 =	simm.s32 @!p1 $0x3800;
	s30 =	smul.u32 $0xAB, s3  }
0xca: {  	[tilespmem:s22], [sflag:$0x1] =	stream.indirect.gather @!p1 [hbm4b:s5+s20], $0x80, s21, s20, $0xb8;
	[tilespmem:$0x1D400] =	vst v63  }
0xcb: {  	s22 =	sshrl.u32 s30, $0x9;
	s30 =	sand.u32 $0x1, s29  }
0xcc: {  	p1 =	seq.s32 s30, $0x1  }
.Ltmp13:
0xcd: {  	s20 =	sand.u32 $0x7F, s22;
	(pc) =	sbr.rel @p1 .LBB2_8-.Ltmp13, $3  }
0xce: {  	s20 =	smul.u32 $0x3, s20;
	_ =	sdelay $0x1  }
0xcf: {  	s3 =	ssub.s32 s3, s20  }
0xd0: {  	s20 =	sand.u32 $0xFF, s3  }
.Ltmp14:
0xd1: {  	(pc) =	sbr.rel .LBB2_9-.Ltmp14, $4  }
0xd2: {  	_ =	swait.ge [sflag:s10], $0x4000;
	s3 =	sand.u32 $0x300, s17;
	s20 =	sshll.u32 s20, $0xA  }
0xd3: {  	[sflag:s10] =	ssyncset.done $0x0;
	s3 =	sor.u32 s3, s20  }
0xd4: {  	[sflag:s10] =	ssyncadd.s32 $0xFFFFC000;
	s3 =	sadd.s32 $0xC00, s3  }
0xd5: {  	[spmem:s2] =	stream.indirect.scatter.add.f32 [tilespmem:s0], [sflag:$0x3], $0x80, s3, s11, $0xb8;
	[tilespmem:$0x1D400] =	vst v63  }
.LBB2_10:
.Ltmp15:
0xd6: {  	(pc) =	sbr.rel .LBB2_20-.Ltmp15, $2  }
0xd7: {  	_ =	sdelay $0x2  }
0xd8: {  	s17 =	rddreg [dreg:$0x4]  }
.LBB2_21:
0xd9: {  	_ =	sfence.sel $0x180000  }
0xda: {  	[bflag:$0x0] =	sbarrier.arrive $0xFFFF  }
0xdb: {  	_ =	strace $0x9000004A  }
0xdc: {  	s0 =	stileid.u32;
	[bflag:$0x2] =	sbarrier.arrive $0xFFFF  }
0xdd: {  	p0 =	sne.s32 s0, $0x0;
	s0 =	rddreg [dreg:$0x3]  }
0xde: {  	s0 =	sadd.s32 @!p0 $0x100000, s0  }
0xdf: {  	[sflag:s0] =	ssyncadd.tile.s32 @!p0 $0x1;
	_ =	shalt  }
.Lfunc_end2:
_tile_overlayer_lowered:
.L_overlay_start_2:
0xe0: {  	(tag) =	ssettag $0x2  }
0xe1: {  	s0 =	rddreg [dreg:$0x0];
	s2 =	stileid.u32  }
0xe2: {  	s1 =	rddreg [dreg:$0x1];
	p0 =	sne.s32 s2, $0x0  }
0xe3: {  	s3 =	rddreg [dreg:$0x2];
	[bflag:$0x3] =	sbarrier.arrive $0xFFFF;
	s2 =	simm.s32 @!p0 $0x1C06  }
0xe4: {  	[timem:s3], [sflag:s2] =	dma.local @!p0 [hbm:s0], s1  }
0xe5: {  	s0 =	simm.s32 @!p0 $0x6  }
0xe6: {  	_ =	swait.ge @!p0 [sflag:s0], s1  }
0xe7: {  	s1 =	ssub.s32 @!p0 $0x0, s1;
	[sflag:s0] =	ssyncset.done @!p0 $0x0  }
0xe8: {  	[sflag:s0] =	ssyncadd.s32 @!p0 s1  }
0xe9: {  	[bflag:$0x3] =	sbarrier.arrive $0xFFFF  }
0xea: {  	_ =	shalt  }

// kernel: kernel.7.cloned.1.call-start
scs
__scs_entry_jumppad:
0x0: {  	(pc) =	sbr.rel $0x88, $3  }
0x1: {  	(tag) =	ssettag $0x0;
	lr =	simm.s32 $0x1  }
0x2: {  	[smem:$0x3F96] =	sst lr;
	_ =	strace $0xD0000000  }
0x3: {  	_ = 	snop  }
0x4: {  	_ = 	snop  }
0x5: {  	_ = 	snop  }
0x6: {  	_ = 	snop  }
0x7: {  	_ = 	snop  }
__scs_overlays_trampoline_lowered:
0x8: {  	[smem:$0x3FA5] =	sst s0  }
0x9: {  	[smem:$0x3FA6] =	sst s1  }
0xa: {  	[smem:$0x3FA7] =	sst s2  }
0xb: {  	[smem:$0x3FA8] =	sst s3  }
0xc: {  	[smem:$0x3FA9] =	sst s4  }
0xd: {  	[smem:$0x3FAA] =	sst s5  }
0xe: {  	[smem:$0x3FAB] =	sst s6  }
0xf: {  	[smem:$0x3FAC] =	sst s7  }
0x10: {  	[smem:$0x3FAD] =	sst s8  }
0x11: {  	[smem:$0x3FAE] =	sst s9;
	s0 =	simm.s32 @!p0 $0x0  }
0x12: {  	s1 =	sld [smem:$0x3F94];
	s0 =	simm.s32 @p0 $0x1  }
0x13: {  	[smem:$0x3FAF] =	sst s0;
	s0 =	simm.s32 @!p1 $0x0  }
0x14: {  	s2 =	sld [smem:$0x3F93];
	s0 =	simm.s32 @p1 $0x1  }
0x15: {  	[smem:$0x3FB0] =	sst s0;
	s0 =	simm.s32 @!p2 $0x0  }
0x16: {  	s3 =	sld [smem:$0x3FDB];
	s0 =	simm.s32 @p2 $0x1  }
0x17: {  	s4 =	simm.s32 $0x1BF5;
	[smem:$0x3FB2] =	sst s0  }
0x18: {  	s0 =	sld [smem:$0x3F95];
	_ =	swait.ge [sflag:s4], $0x0  }
0x19: {  	s7 =	sld [smem:$0x3F96]  }
0x1a: {  	s8 =	sadd.s32 $0xFFFFE003, lr  }
0x1b: {  	s9 =	sadd.s32 $0xFFFFFEF7, lr;
	s5 =	simm.s32 $0xFFFFFFFF;
	p2 =	slt.u32 s8, $0xFFFFF086  }
0x1c: {  	p1 =	slt.u32 s9, $0xF7A;
	s5 =	simm.s32 @!p2 $0x0  }
0x1d: {  	s5 =	simm.s32 @p1 $0x1;
	p0 =	seq.s32 s7, s2  }
0x1e: {  	s7 =	smul.u32 @!p0 $0xF7A, s2;
	p2 =	seq.s32 @!p0 s5, $0x0  }
0x1f: {  	s9 =	smul.u32 $0xF7A, s1;
	s8 =	simm.s32 @!p0 $0x1BF5;
	p2 =	por !p2, p0  }
0x20: {  	[sflag:s8] =	ssyncset.s32 @!p0 $0xFFFFF086;
	s6 =	sadd.s32 @!p0 s3, s7;
	s7 =	simm.s32 @!p0 $0x108  }
0x21: {  	s3 =	sadd.s32 s3, s9;
	s6 =	sadd.s32 @!p0 $0x88, s6;
	s7 =	simm.s32 @p2 $0x1082  }
0x22: {  	[simem:s7], [sflag:s8] =	dma.local @!p0 [hbm:s6], $0xF7A  }
0x23: {  	s9 =	sor.u32 $0xD0000000, s2;
	s6 =	simm.s32 $0x108;
	_ =	swait.ge @!p0 [sflag:s8], $0x0  }
0x24: {  	s3 =	sadd.s32 $0x88, s3;
	s6 =	simm.s32 @!p1 $0x1082;
	[sflag:s4] =	ssyncset.s32 $0xFFFFF086  }
0x25: {  	[simem:s6], [sflag:s4] =	dma.local [hbm:s3], $0xF7A  }
0x26: {  	[smem:$0x3F96] =	sst s1;
	(tag) =	ssettag s2;
	_ =	strace s9  }
0x27: {  	s1 =	sld [smem:$0x3FA6]  }
0x28: {  	s2 =	sld [smem:$0x3FA7]  }
0x29: {  	s4 =	sld [smem:$0x3FA9]  }
0x2a: {  	p0 =	seq.s32 s5, $0x0;
	s5 =	sld [smem:$0x3FAA]  }
0x2b: {  	s6 =	sld [smem:$0x3FAB]  }
0x2c: {  	s7 =	sld [smem:$0x3FAC]  }
0x2d: {  	s3 =	simm.s32 $0x108;
	s8 =	sld [smem:$0x3FAD]  }
0x2e: {  	s3 =	simm.s32 @!p0 $0x1082;
	s9 =	sld [smem:$0x3FAE]  }
0x2f: {  	lr =	sadd.s32 s0, s3;
	s0 =	sld [smem:$0x3FA5]  }
0x30: {  	s3 =	sld [smem:$0x3FA8]  }
0x31: {  	[smem:$0x3FB1] =	sst s10  }
0x32: {  	s10 =	sld [smem:$0x3FAF];
	_ =	sdelay $0x3  }
0x33: {  	p0 =	seq.s32 s10, $0x1;
	s10 =	sld [smem:$0x3FB1];
	_ =	sdelay $0x3  }
0x34: {  	[smem:$0x3FB1] =	sst s10  }
0x35: {  	s10 =	sld [smem:$0x3FB0];
	_ =	sdelay $0x3  }
0x36: {  	p1 =	seq.s32 s10, $0x1;
	s10 =	sld [smem:$0x3FB1];
	_ =	sdelay $0x3  }
0x37: {  	[smem:$0x3FB1] =	sst s10  }
0x38: {  	s10 =	sld [smem:$0x3FB2]  }
0x39: {  	_ = 	snop;
	(pc) =	sbr.ind lr, $3  }
0x3a: {  	_ = 	snop  }
0x3b: {  	_ = 	snop  }
0x3c: {  	p2 =	seq.s32 s10, $0x1;
	s10 =	sld [smem:$0x3FB1]  }
0x3d: {  	_ =	shalt  }
0x3e: {  	_ =	shalt  }
0x3f: {  	_ =	shalt  }
0x40: {  	_ =	shalt  }
0x41: {  	_ =	shalt  }
0x42: {  	_ =	shalt  }
0x43: {  	_ =	shalt  }
0x44: {  	_ =	shalt  }
0x45: {  	_ =	shalt  }
0x46: {  	_ =	shalt  }
0x47: {  	_ =	shalt  }
0x48: {  	_ =	shalt  }
0x49: {  	_ =	shalt  }
0x4a: {  	_ =	shalt  }
0x4b: {  	_ =	shalt  }
0x4c: {  	_ =	shalt  }
0x4d: {  	_ =	shalt  }
0x4e: {  	_ =	shalt  }
0x4f: {  	_ =	shalt  }
0x50: {  	_ =	shalt  }
0x51: {  	_ =	shalt  }
0x52: {  	_ =	shalt  }
0x53: {  	_ =	shalt  }
0x54: {  	_ =	shalt  }
0x55: {  	_ =	shalt  }
0x56: {  	_ =	shalt  }
0x57: {  	_ =	shalt  }
0x58: {  	_ =	shalt  }
0x59: {  	_ =	shalt  }
0x5a: {  	_ =	shalt  }
0x5b: {  	_ =	shalt  }
0x5c: {  	_ =	shalt  }
0x5d: {  	_ =	shalt  }
0x5e: {  	_ =	shalt  }
0x5f: {  	_ =	shalt  }
0x60: {  	_ =	shalt  }
0x61: {  	_ =	shalt  }
0x62: {  	_ =	shalt  }
0x63: {  	_ =	shalt  }
0x64: {  	_ =	shalt  }
0x65: {  	_ =	shalt  }
0x66: {  	_ =	shalt  }
0x67: {  	_ =	shalt  }
0x68: {  	_ =	shalt  }
0x69: {  	_ =	shalt  }
0x6a: {  	_ =	shalt  }
0x6b: {  	_ =	shalt  }
0x6c: {  	_ =	shalt  }
0x6d: {  	_ =	shalt  }
0x6e: {  	_ =	shalt  }
0x6f: {  	_ =	shalt  }
0x70: {  	_ =	shalt  }
0x71: {  	_ =	shalt  }
0x72: {  	_ =	shalt  }
0x73: {  	_ =	shalt  }
0x74: {  	_ =	shalt  }
0x75: {  	_ =	shalt  }
0x76: {  	_ =	shalt  }
0x77: {  	_ =	shalt  }
0x78: {  	_ =	shalt  }
0x79: {  	_ =	shalt  }
0x7a: {  	_ =	shalt  }
0x7b: {  	_ =	shalt  }
0x7c: {  	_ =	shalt  }
0x7d: {  	_ =	shalt  }
0x7e: {  	_ =	shalt  }
0x7f: {  	_ =	shalt  }
0x80: {  	_ =	shalt  }
0x81: {  	_ =	shalt  }
0x82: {  	_ =	shalt  }
0x83: {  	_ =	shalt  }
0x84: {  	_ =	shalt  }
0x85: {  	_ =	shalt  }
0x86: {  	_ =	shalt  }
0x87: {  	_ =	shalt  }
.Lfunc_end0:
.L_simem_size_0:
called_computation_lowered:
.L_overlay_start_0:
0x88: {  	s2 =	sld [smem:$0x3FD9]  }
0x89: {  	s3 =	sld [smem:$0x3FFE];
	_ =	sdelay $0x1  }
0x8a: {  	s1 =	srdreg.scid  }
0x8b: {  	s0 =	sand.u32 $0x1, s1  }
0x8c: {  	s17 =	sshll.u32 s0, $0xA;
	s2 =	sadd.s32 s3, s2  }
0x8d: {  	s2 =	sadd.s32 s2, s17  }
0x8e: {  	[smem:$0x3FBD] =	sst s2  }
0x8f: {  	_ = 	snop  }
0x90: {  	s2 =	sld [smem:$0x3FD0];
	(tm) =	ssettm $0x1  }
0x91: {  	s18 =	sld [smem:$0x3FFB];
	_ =	sdelay $0x3  }
0x92: {  	_ =	strace s18  }
0x93: {  	s3 =	sld [smem:$0x3FFC];
	_ =	sdelay $0x3  }
0x94: {  	_ =	strace s3  }
0x95: {  	s3 =	sld [smem:$0x3FFD];
	_ =	sdelay $0x3  }
0x96: {  	_ =	strace s3  }
0x97: {  	_ =	strace $0x8FFFFFFF  }
0x98: {  	s19 =	sld [smem:$0x3FDB];
	_ =	sdelay $0x1  }
0x99: {  	s4 =	simm.s32 $_scs_section_size  }
0x9a: {  	s5 =	simm.s32 $_size__tile_overlayer_lowered;
	s6 =	simm.s32 $_tile_overlayer_lowered  }
0x9b: {  	s22 =	simm.s32 $0x1BFF;
	s21 =	sshll.u32 s6, $0x1;
	s3 =	sadd.s32 s4, s19  }
0x9c: {  	s7 =	simm.s32 $0x0;
	s20 =	sshll.u32 s5, $0x1;
	s5 =	sadd.s32 s21, s3  }
0x9d: {  	[timem:s7], [sflag:s22] =	dma.local [hbm:s5], s20  }
0x9e: {  	_ =	swait.ge [sflag:s22], s20  }
0x9f: {  	s4 =	ssub.s32 $0x0, s20;
	[sflag:s22] =	ssyncset.done $0x0  }
0xa0: {  	[sflag:s22] =	ssyncadd.s32 s4;
	_ =	sdelay $0x1  }
0xa1: {  	s23 =	simm.s32 $0x1B8B  }
0xa2: {  	_ =	swait.ge [sflag:s23], $0x1  }
0xa3: {  	[sflag:s23] =	ssyncset.done $0x0  }
0xa4: {  	s25 =	simm.s32 $0x1B8E;
	s24 =	sld [smem:$0x3FFE];
	[sflag:s23] =	ssyncadd.s32 $0xFFFFFFFF  }
0xa5: {  	s26 =	simm.s32 $execute0_lowered;
	[smem:$0x3FD2] =	sst s25  }
0xa6: {  	s5 =	sshll.u32 s26, $0x1;
	_ =	strace $0x80000046;
	[dreg:$0x1] =	wrdreg $0xFFFFFFFF  }
0xa7: {  	s28 =	simm.s32 $_size_execute0_lowered;
	s3 =	sadd.s32 s3, s5;
	[dreg:$0x0] =	wrdreg $0x0  }
0xa8: {  	s5 =	sshll.u32 s28, $0x1;
	[dreg:$0x2] =	wrdreg s3  }
0xa9: {  	[dreg:$0x3] =	wrdreg s5  }
0xaa: {  	[dreg:$0x4] =	wrdreg $0xC0  }
0xab: {  	_ =	task [dreg:s7], $0x5FFFF  }
0xac: {  	[dreg:$0x1] =	wrdreg $0xFFFFFFFF  }
0xad: {  	[dreg:$0x0] =	wrdreg $0x60  }
0xae: {  	[dreg:$0x2] =	wrdreg s24  }
0xaf: {  	[dreg:$0x3] =	wrdreg s2  }
0xb0: {  	[dreg:$0x4] =	wrdreg $0x98000  }
0xb1: {  	[dreg:$0x5] =	wrdreg $0x9  }
0xb2: {  	_ =	task.clear_ibuf [dreg:s7], $0x6FFFF;
	_ =	strace $0x90000046  }
0xb3: {  	s29 =	simm.s32 $0x9;
	_ =	strace $0x80000048  }
0xb4: {  	_ =	swait.ge [sflag:s29], $0x1  }
0xb5: {  	[sflag:s29] =	ssyncadd.s32 $0xFFFFFFFF  }
0xb6: {  	_ =	strace $0x90000048  }
0xb7: {  	_ =	sfence  }
0xb8: {  	s30 =	sld [smem:$0x0];
	_ =	sdelay $0x2  }
0xb9: {  	s31 =	sshll.u32 s1, $0xD;
	s1 =	sshrl.u32 s1, $0x2  }
0xba: {  	s3 =	sand.u32 $0x4000, s31;
	s1 =	sadd.s32 s1, s30  }
0xbb: {  	s0 =	sor.u32 s3, s0;
	s1 =	sshll.u32 s1, $0x11  }
0xbc: {  	s0 =	sor.u32 s1, s0  }
0xbd: {  	s0 =	sadd.s32 $0x8F2B, s0  }
0xbe: {  	[sflag:s0] =	ssyncadd.remote.s32 $0x1  }
0xbf: {  	_ =	sfence.sel $0xFFFF  }
0xc0: {  	[dreg:$0x0] =	wrdreg $0xFFFFFFFF;
	(pc) =	sbr.abs _section_cstart, $3  }
0xc1: {  	[dreg:$0x1] =	wrdreg $0xFFFFFFFF  }
0xc2: {  	_ =	task.clear_ibuf [dreg:s7], $0x2FFFF;
	_ =	strace $0x9FFFFFFF  }
0xc3: {  	(tm) =	ssettm $0x7FFFFFFF  }
tec
execute0_lowered:
.L_overlay_start_1:
0x0: {  	(tag) =	ssettag $0x1  }
0x1: {  	s0 =	rddreg [dreg:$0x0]  }
0x2: {  	s1 =	rddreg [dreg:$0x1]  }
0x3: {  	s2 =	rddreg [dreg:$0x2];
	s4 =	simm.s32 $0x0  }
0x4: {  	s15 =	stileid.u32;
	s3 =	srdreg.scid;
	s28 =	simm.s32 $0x5  }
0x5: {  	s31 =	simm.s32 $0x40;
	s16 =	simm.s32 $0x4;
	[smem:$0x7FF] =	sst s4  }
0x6: {  	s5 =	sadd.s32 $0x10C00, s0;
	s6 =	sadd.s32 $0x1C00, s0;
	s7 =	smul.u32 $0x2780, s15  }
0x7: {  	s3 =	sand.u32 $0x1, s3;
	s8 =	sadd.s32 $0xBC00, s0;
	s9 =	sadd.s32 $0x6C00, s0  }
0x8: {  	s13 =	smul.u32 $0x4F000, s15;
	s14 =	sadd.s32 $0x5F600, s0;
	s19 =	sshll.u32 s15, $0x6  }
0x9: {  	s20 =	smul.u32 $0x500, s15;
	_ =	strace $0x80000047;
	s10 =	ssub.s32 $0x2, s3  }
0xa: {  	[dreg:$0x4] =	wrdreg s14;
	p0 =	seq.s32 s3, $0x1;
	s14 =	simm.s32 $0x2  }
0xb: {  	s11 =	sadd.s32 s7, s0;
	s12 =	sshrl.u32 s10, $0x1;
	s0 =	sadd.s32 $0x86E00, s0  }
0xc: {  	s18 =	sshrl.u32 s13, $0x2;
	s13 =	sor.u32 $0x1C06, s19;
	s21 =	sadd.s32 s6, s20  }
0xd: {  	s22 =	sor.u32 $0x80, s20;
	s23 =	sadd.s32 s1, s20;
	[dreg:$0x5] =	wrdreg s0  }
0xe: {  	s26 =	sadd.s32 s8, s20;
	s29 =	sadd.s32 s9, s20;
	[dreg:$0x6] =	wrdreg s21  }
0xf: {  	s17 =	ssub.s32 s10, s12;
	s10 =	sadd.s32 s18, s2;
	[dreg:$0x7] =	wrdreg s23  }
0x10: {  	s12 =	sadd.s32 $0x37E00, s11;
	s24 =	sadd.s32 s6, s22;
	[dreg:$0xa] =	wrdreg s26  }
0x11: {  	s25 =	sadd.s32 s1, s22;
	s18 =	smul.u32 $0xA, s15;
	[dreg:$0xb] =	wrdreg s29  }
.Ltmp0:
0x12: {  	s30 =	sadd.s32 s8, s22;
	[dreg:$0x8] =	wrdreg s24;
	(pc) =	sbr.rel .LBB2_1-.Ltmp0, $4  }
0x13: {  	s3 =	sadd.s32 s9, s22;
	s0 =	simm.s32 $0x1800;
	[dreg:$0x9] =	wrdreg s25  }
0x14: {  	s11 =	simm.s32 $0x80;
	s15 =	simm.s32 $0x5800;
	[dreg:$0xc] =	wrdreg s30  }
0x15: {  	s26 =	simm.s32 $0x3;
	[dreg:$0xd] =	wrdreg s3;
	s23 =	smax.u32 s17, $0x1  }
0x16: {  	s24 =	sshrl.u32 s10, $0x3;
	s25 =	simm.s32 $0x6;
	s10 =	simm.s32 $0x1  }
.LBB2_19:
0x17: {  	s17 =	rddreg [dreg:$0x5]  }
.LBB2_20:
0x18: {  	_ =	swait.ge [sflag:s26], $0x4000  }
0x19: {  	[sflag:s26] =	ssyncset.done $0x0  }
0x1a: {  	[sflag:s26] =	ssyncadd.s32 $0xFFFFC000  }
0x1b: {  	_ =	swait.ge [sflag:s16], $0x4000  }
0x1c: {  	s4 =	sadd.s32 $0x1, s4;
	[sflag:s16] =	ssyncset.done $0x0  }
0x1d: {  	p1 =	sne.s32 s4, s23;
	[sflag:s16] =	ssyncadd.s32 $0xFFFFC000  }
.Ltmp1:
0x1e: {  	s3 =	sadd.s32 s17, s7;
	[bflag:$0x0] =	sbarrier.arrive $0xFFFF;
	(pc) =	sbr.rel @!p1 .LBB2_21-.Ltmp1, $4  }
0x1f: {  	[hbm:s3], [sflag:s13] =	dma.local [spmem:s24], $0x2780  }
0x20: {  	_ =	swait.ge [sflag:s25], $0x2780  }
0x21: {  	[sflag:s25] =	ssyncset.done $0x0  }
0x22: {  	[sflag:s25] =	ssyncadd.s32 $0xFFFFD880  }
.LBB2_1:
0x23: {  	[spmem:s24], [sflag:s13] =	dma.local [hbm:s12], $0x2780  }
.Ltmp2:
0x24: {  	_ =	swait.ge [sflag:s25], $0x2780;
	(pc) =	sbr.rel @!p0 .LBB2_2-.Ltmp2, $3  }
0x25: {  	[sflag:s25] =	ssyncset.done $0x0  }
0x26: {  	[sflag:s25] =	ssyncadd.s32 $0xFFFFD880  }
0x27: {  	[bflag:$0x0] =	sbarrier.arrive $0xFFFF;
	_ =	sdelay $0x1  }
0x28: {  	s19 =	simm.s32 $0x0;
	s3 =	rddreg [dreg:$0xa]  }
0x29: {  	[tilespmem:s19], [sflag:$0x5] =	stream.linear.gather [hbm4b:s3+s19], $0x400, $0x38;
	[tilespmem:$0x1D400] =	vst v63  }
0x2a: {  	s30 =	rddreg [dreg:$0xb];
	s17 =	simm.s32 $0xC00  }
0x2b: {  	[tilespmem:s17], [sflag:$0x5] =	stream.linear.gather [hbm4b:s30+s19], $0x400, $0x38;
	[tilespmem:$0x1D400] =	vst v63  }
0x2c: {  	_ =	swait.ge [sflag:s28], $0x400  }
0x2d: {  	[sflag:s28] =	ssyncset.done $0x0  }
0x2e: {  	[sflag:s28] =	ssyncadd.s32 $0xFFFFFC00  }
0x2f: {  	_ =	swait.ge [sflag:s28], $0x400  }
0x30: {  	[sflag:s28] =	ssyncset.done $0x0  }
0x31: {  	s21 =	simm.s32 $0x400;
	s20 =	rddreg [dreg:$0xc];
	[sflag:s28] =	ssyncadd.s32 $0xFFFFFC00  }
0x32: {  	[tilespmem:s21], [sflag:$0x5] =	stream.linear.gather [hbm4b:s20+s19], $0x400, $0x38;
	[tilespmem:$0x1D400] =	vst v63  }
0x33: {  	s29 =	simm.s32 $0x1000;
	s22 =	rddreg [dreg:$0xd]  }
0x34: {  	[tilespmem:s29], [sflag:$0x5] =	stream.linear.gather [hbm4b:s22+s19], $0x400, $0x38;
	[tilespmem:$0x1D400] =	vst v63  }
.Ltmp3:
0x35: {  	_ = 	snop;
	(pc) =	sbr.rel .LBB2_12-.Ltmp3, $4  }
0x36: {  	_ = 	snop  }
0x37: {  	[tilespmem:s0], [sflag:$0x1] =	stream.indirect.gather [hbm4b:s5+s31], $0x80, s19, s31, $0xb8;
	[tilespmem:$0x1D400] =	vst v63  }
0x38: {  	s30 =	simm.s32 $0x3800;
	s17 =	simm.s32 $0x0  }
0x39: {  	[tilespmem:s30], [sflag:$0x1] =	stream.indirect.gather [hbm4b:s5+s31], $0x80, s31, s31, $0xb8;
	[tilespmem:$0x1D400] =	vst v63  }
.LBB2_17:
0x3a: {  	_ =	swait.ge [sflag:s14], $0x4000;
	s3 =	sand.u32 $0x380, s17;
	s19 =	sshll.u32 s20, $0xA  }
0x3b: {  	[sflag:s14] =	ssyncset.done $0x0;
	s3 =	sor.u32 s3, s19  }
0x3c: {  	[sflag:s14] =	ssyncadd.s32 $0xFFFFC000;
	s3 =	sadd.s32 $0xC00, s3  }
0x3d: {  	[spmem:s2] =	stream.indirect.scatter.add.f32 [tilespmem:s15], [sflag:$0x4], $0x80, s3, s11, $0xb8;
	[tilespmem:$0x1D400] =	vst v63  }
.LBB2_18:
0x3e: {  	p1 =	sne.s32 s29, $0x50  }
.Ltmp4:
0x3f: {  	_ = 	snop;
	(pc) =	sbr.rel @!p1 .LBB2_19-.Ltmp4, $2  }
0x40: {  	_ =	sdelay $0x2  }
0x41: {  	s17 =	sadd.s32 $0x80, s17;
	s19 =	smov.u32 s29  }
.LBB2_12:
0x42: {  	s29 =	sadd.s32 $0x1, s19  }
0x43: {  	p1 =	seq.s32 s19, $0x4F;
	s30 =	sand.u32 $0x7, s29  }
0x44: {  	p2 =	sne.s32 @!p1 s30, $0x0  }
0x45: {  	p3 =	por p2, p1  }
0x46: {  	p4 =	sgt.u32 @!p3 s19, $0x46  }
0x47: {  	p2 =	por @!p1 p4, p2  }
0x48: {  	p2 =	por p2, p1  }
0x49: {  	s3 =	sshrl.u32 @!p2 s29, $0x3  }
0x4a: {  	s3 =	sadd.s32 @!p2 $0x1, s3  }
0x4b: {  	s20 =	smul.u32 @!p2 $0xAB, s3  }
0x4c: {  	s21 =	simm.s32 @!p3 $0x5  }
0x4d: {  	_ =	swait.ge @!p3 [sflag:s21], $0x400;
	s20 =	sshrl.u32 @!p2 s20, $0x9  }
0x4e: {  	[sflag:s21] =	ssyncset.done @!p3 $0x0;
	s20 =	sand.u32 @!p2 $0x7F, s20  }
0x4f: {  	[sflag:s21] =	ssyncadd.s32 @!p3 $0xFFFFFC00;
	s20 =	smul.u32 @!p2 $0x3, s20  }
0x50: {  	_ =	swait.ge @!p3 [sflag:s21], $0x400;
	s22 =	sadd.s32 @!p2 s18, s3  }
0x51: {  	[sflag:s21] =	ssyncset.done @!p3 $0x0;
	s3 =	ssub.s32 @!p2 s3, s20;
	s20 =	sshll.u32 @!p2 s22, $0x7  }
0x52: {  	[sflag:s21] =	ssyncadd.s32 @!p3 $0xFFFFFC00;
	s3 =	sand.u32 @!p2 $0xFF, s3;
	s20 =	sand.u32 @!p2 $0x1FFFFF80, s20  }
0x53: {  	s22 =	simm.s32 @!p2 $0x0;
	s3 =	sshll.u32 @!p2 s3, $0xA;
	s21 =	sadd.s32 @!p2 s8, s20  }
0x54: {  	[tilespmem:s3], [sflag:$0x5] =	stream.linear.gather @!p2 [hbm4b:s21+s22], $0x400, $0x38;
	[tilespmem:$0x1D400] =	vst v63  }
0x55: {  	s20 =	sadd.s32 @!p2 s9, s20;
	s3 =	sadd.s32 @!p2 $0xC00, s3  }
0x56: {  	[tilespmem:s3], [sflag:$0x5] =	stream.linear.gather @!p2 [hbm4b:s20+s22], $0x400, $0x38;
	[tilespmem:$0x1D400] =	vst v63  }
0x57: {  	p2 =	seq.s32 s19, $0x0  }
.Ltmp5:
0x58: {  	_ = 	snop;
	(pc) =	sbr.rel @p2 .LBB2_15-.Ltmp5, $1  }
0x59: {  	_ =	sdelay $0x3  }
.Ltmp6:
0x5a: {  	(pc) =	sbr.rel @p1 .LBB2_17-.Ltmp6, $2  }
0x5b: {  	_ =	sdelay $0x2  }
0x5c: {  	s20 =	simm.s32 $0x0  }
0x5d: {  	s3 =	sand.u32 $0x1, s29  }
0x5e: {  	p1 =	seq.s32 s3, $0x1;
	s3 =	simm.s32 $0x4  }
0x5f: {  	s3 =	simm.s32 @!p1 $0x3  }
0x60: {  	_ =	swait.ge [sflag:s3], $0x4000  }
0x61: {  	[sflag:s3] =	ssyncset.done $0x0  }
0x62: {  	[sflag:s3] =	ssyncadd.s32 $0xFFFFC000  }
.LBB2_15:
0x63: {  	s3 =	sshrl.u32 s29, $0x3  }
0x64: {  	s20 =	smul.u32 $0xAB, s3;
	_ =	sdelay $0x1  }
0x65: {  	s20 =	sshrl.u32 s20, $0x9  }
0x66: {  	s20 =	sand.u32 $0x7F, s20  }
0x67: {  	s20 =	smul.u32 $0x3, s20;
	_ =	sdelay $0x1  }
0x68: {  	s3 =	ssub.s32 s3, s20  }
0x69: {  	s22 =	sand.u32 $0x1, s29;
	s3 =	sand.u32 $0xFF, s3  }
0x6a: {  	s21 =	sshll.u32 s30, $0x7;
	p1 =	seq.s32 s22, $0x1;
	s3 =	sshll.u32 s3, $0xA  }
0x6b: {  	s20 =	simm.s32 @p1 $0x40;
	s3 =	sor.u32 s21, s3;
	s21 =	simm.s32 @p1 $0x5800  }
0x6c: {  	[tilespmem:s21], [sflag:$0x2] =	stream.indirect.gather @p1 [hbm4b:s5+s20], $0x80, s3, s20, $0xb8;
	[tilespmem:$0x1D400] =	vst v63  }
0x6d: {  	s22 =	simm.s32 @p1 $0x7800;
	s21 =	sor.u32 $0x40, s3  }
0x6e: {  	[tilespmem:s22], [sflag:$0x2] =	stream.indirect.gather @p1 [hbm4b:s5+s20], $0x80, s21, s20, $0xb8;
	[tilespmem:$0x1D400] =	vst v63  }
0x6f: {  	s20 =	simm.s32 @!p1 $0x40;
	s22 =	simm.s32 @!p1 $0x1800  }
0x70: {  	[tilespmem:s22], [sflag:$0x1] =	stream.indirect.gather @!p1 [hbm4b:s5+s20], $0x80, s3, s20, $0xb8;
	[tilespmem:$0x1D400] =	vst v63  }
0x71: {  	s3 =	sshrl.u32 s19, $0x3  }
0x72: {  	s22 =	simm.s32 @!p1 $0x3800;
	s30 =	smul.u32 $0xAB, s3  }
0x73: {  	[tilespmem:s22], [sflag:$0x1] =	stream.indirect.gather @!p1 [hbm4b:s5+s20], $0x80, s21, s20, $0xb8;
	[tilespmem:$0x1D400] =	vst v63  }
0x74: {  	s22 =	sshrl.u32 s30, $0x9;
	s30 =	sand.u32 $0x1, s19  }
0x75: {  	p1 =	seq.s32 s30, $0x1  }
.Ltmp7:
0x76: {  	s20 =	sand.u32 $0x7F, s22;
	(pc) =	sbr.rel @p1 .LBB2_17-.Ltmp7, $3  }
0x77: {  	s20 =	smul.u32 $0x3, s20;
	_ =	sdelay $0x1  }
0x78: {  	s3 =	ssub.s32 s3, s20  }
0x79: {  	s20 =	sand.u32 $0xFF, s3  }
.Ltmp8:
0x7a: {  	(pc) =	sbr.rel .LBB2_18-.Ltmp8, $4  }
0x7b: {  	_ =	swait.ge [sflag:s10], $0x4000;
	s3 =	sand.u32 $0x300, s17;
	s19 =	sshll.u32 s20, $0xA  }
0x7c: {  	[sflag:s10] =	ssyncset.done $0x0;
	s3 =	sor.u32 s3, s19  }
0x7d: {  	[sflag:s10] =	ssyncadd.s32 $0xFFFFC000;
	s3 =	sadd.s32 $0xC00, s3  }
0x7e: {  	[spmem:s2] =	stream.indirect.scatter.add.f32 [tilespmem:s0], [sflag:$0x3], $0x80, s3, s11, $0xb8;
	[tilespmem:$0x1D400] =	vst v63  }
.LBB2_2:
0x7f: {  	s29 =	simm.s32 $0x0;
	s3 =	rddreg [dreg:$0x6]  }
0x80: {  	[tilespmem:s29], [sflag:$0x5] =	stream.linear.gather [hbm4b:s3+s29], $0x400, $0x38;
	[tilespmem:$0x1D400] =	vst v63  }
0x81: {  	s30 =	rddreg [dreg:$0x7];
	s17 =	simm.s32 $0xC00  }
0x82: {  	[tilespmem:s17], [sflag:$0x5] =	stream.linear.gather [hbm4b:s30+s29], $0x400, $0x38;
	[tilespmem:$0x1D400] =	vst v63  }
0x83: {  	_ =	swait.ge [sflag:s28], $0x400  }
0x84: {  	[sflag:s28] =	ssyncset.done $0x0  }
0x85: {  	[sflag:s28] =	ssyncadd.s32 $0xFFFFFC00  }
0x86: {  	_ =	swait.ge [sflag:s28], $0x400  }
0x87: {  	[sflag:s28] =	ssyncset.done $0x0  }
0x88: {  	s20 =	simm.s32 $0x400;
	s19 =	rddreg [dreg:$0x8];
	[sflag:s28] =	ssyncadd.s32 $0xFFFFFC00  }
0x89: {  	[tilespmem:s20], [sflag:$0x5] =	stream.linear.gather [hbm4b:s19+s29], $0x400, $0x38;
	[tilespmem:$0x1D400] =	vst v63  }
0x8a: {  	s22 =	simm.s32 $0x1000;
	s21 =	rddreg [dreg:$0x9]  }
0x8b: {  	[tilespmem:s22], [sflag:$0x5] =	stream.linear.gather [hbm4b:s21+s29], $0x400, $0x38;
	[tilespmem:$0x1D400] =	vst v63  }
.Ltmp9:
0x8c: {  	_ = 	snop;
	(pc) =	sbr.rel .LBB2_3-.Ltmp9, $4  }
0x8d: {  	_ = 	snop  }
0x8e: {  	[tilespmem:s0], [sflag:$0x1] =	stream.indirect.gather [hbm4b:s5+s31], $0x80, s29, s31, $0xb8;
	[tilespmem:$0x1D400] =	vst v63  }
0x8f: {  	s30 =	simm.s32 $0x3800;
	s17 =	simm.s32 $0x0  }
0x90: {  	[tilespmem:s30], [sflag:$0x1] =	stream.indirect.gather [hbm4b:s5+s31], $0x80, s31, s31, $0xb8;
	[tilespmem:$0x1D400] =	vst v63  }
.LBB2_8:
0x91: {  	_ =	swait.ge [sflag:s14], $0x4000;
	s3 =	sand.u32 $0x380, s17;
	s20 =	sshll.u32 s20, $0xA  }
0x92: {  	[sflag:s14] =	ssyncset.done $0x0;
	s3 =	sor.u32 s3, s20  }
0x93: {  	[sflag:s14] =	ssyncadd.s32 $0xFFFFC000;
	s3 =	sadd.s32 $0xC00, s3  }
0x94: {  	[spmem:s2] =	stream.indirect.scatter.add.f32 [tilespmem:s15], [sflag:$0x4], $0x80, s3, s11, $0xb8;
	[tilespmem:$0x1D400] =	vst v63  }
.LBB2_9:
0x95: {  	p1 =	seq.s32 s19, $0x50  }
.Ltmp10:
0x96: {  	_ = 	snop;
	(pc) =	sbr.rel @p1 .LBB2_10-.Ltmp10, $2  }
0x97: {  	_ =	sdelay $0x2  }
0x98: {  	s17 =	sadd.s32 $0x80, s17;
	s29 =	smov.u32 s19  }
.LBB2_3:
0x99: {  	s19 =	sadd.s32 $0x1, s29  }
0x9a: {  	p1 =	seq.s32 s29, $0x4F;
	s30 =	sand.u32 $0x7, s19  }
0x9b: {  	p2 =	sne.s32 @!p1 s30, $0x0  }
0x9c: {  	p3 =	por p2, p1  }
0x9d: {  	p4 =	sgt.u32 @!p3 s29, $0x46  }
0x9e: {  	p2 =	por @!p1 p4, p2  }
0x9f: {  	p2 =	por p2, p1  }
0xa0: {  	s20 =	sshrl.u32 @!p2 s19, $0x3  }
0xa1: {  	s20 =	sadd.s32 @!p2 $0x1, s20  }
0xa2: {  	s21 =	smul.u32 @!p2 $0xAB, s20  }
0xa3: {  	s22 =	simm.s32 @!p3 $0x5  }
0xa4: {  	_ =	swait.ge @!p3 [sflag:s22], $0x400;
	s21 =	sshrl.u32 @!p2 s21, $0x9  }
0xa5: {  	[sflag:s22] =	ssyncset.done @!p3 $0x0;
	s21 =	sand.u32 @!p2 $0x7F, s21  }
0xa6: {  	[sflag:s22] =	ssyncadd.s32 @!p3 $0xFFFFFC00;
	s21 =	smul.u32 @!p2 $0x3, s21  }
0xa7: {  	_ =	swait.ge @!p3 [sflag:s22], $0x400;
	s3 =	sadd.s32 @!p2 s18, s20  }
0xa8: {  	[sflag:s22] =	ssyncset.done @!p3 $0x0;
	s3 =	sshll.u32 @!p2 s3, $0x7;
	s20 =	ssub.s32 @!p2 s20, s21  }
0xa9: {  	[sflag:s22] =	ssyncadd.s32 @!p3 $0xFFFFFC00;
	s3 =	sand.u32 @!p2 $0x1FFFFF80, s3;
	s20 =	sand.u32 @!p2 $0xFF, s20  }
0xaa: {  	s22 =	simm.s32 @!p2 $0x0;
	s21 =	sadd.s32 @!p2 s6, s3;
	s20 =	sshll.u32 @!p2 s20, $0xA  }
0xab: {  	[tilespmem:s20], [sflag:$0x5] =	stream.linear.gather @!p2 [hbm4b:s21+s22], $0x400, $0x38;
	[tilespmem:$0x1D400] =	vst v63  }
0xac: {  	s3 =	sadd.s32 @!p2 s1, s3;
	s20 =	sadd.s32 @!p2 $0xC00, s20  }
0xad: {  	[tilespmem:s20], [sflag:$0x5] =	stream.linear.gather @!p2 [hbm4b:s3+s22], $0x400, $0x38;
	[tilespmem:$0x1D400] =	vst v63  }
0xae: {  	p2 =	seq.s32 s29, $0x0  }
.Ltmp11:
0xaf: {  	_ = 	snop;
	(pc) =	sbr.rel @p2 .LBB2_6-.Ltmp11, $1  }
0xb0: {  	_ =	sdelay $0x3  }
.Ltmp12:
0xb1: {  	(pc) =	sbr.rel @p1 .LBB2_8-.Ltmp12, $2  }
0xb2: {  	_ =	sdelay $0x2  }
0xb3: {  	s20 =	simm.s32 $0x0  }
0xb4: {  	s3 =	sand.u32 $0x1, s19  }
0xb5: {  	p1 =	seq.s32 s3, $0x1;
	s3 =	simm.s32 $0x4  }
0xb6: {  	s3 =	simm.s32 @!p1 $0x3  }
0xb7: {  	_ =	swait.ge [sflag:s3], $0x4000  }
0xb8: {  	[sflag:s3] =	ssyncset.done $0x0  }
0xb9: {  	[sflag:s3] =	ssyncadd.s32 $0xFFFFC000  }
.LBB2_6:
0xba: {  	s3 =	sshrl.u32 s19, $0x3  }
0xbb: {  	s20 =	smul.u32 $0xAB, s3;
	_ =	sdelay $0x1  }
0xbc: {  	s20 =	sshrl.u32 s20, $0x9  }
0xbd: {  	s20 =	sand.u32 $0x7F, s20  }
0xbe: {  	s20 =	smul.u32 $0x3, s20;
	_ =	sdelay $0x1  }
0xbf: {  	s3 =	ssub.s32 s3, s20  }
0xc0: {  	s22 =	sand.u32 $0x1, s19;
	s3 =	sand.u32 $0xFF, s3  }
0xc1: {  	s21 =	sshll.u32 s30, $0x7;
	p1 =	seq.s32 s22, $0x1;
	s3 =	sshll.u32 s3, $0xA  }
0xc2: {  	s20 =	simm.s32 @p1 $0x40;
	s3 =	sor.u32 s21, s3;
	s21 =	simm.s32 @p1 $0x5800  }
0xc3: {  	[tilespmem:s21], [sflag:$0x2] =	stream.indirect.gather @p1 [hbm4b:s5+s20], $0x80, s3, s20, $0xb8;
	[tilespmem:$0x1D400] =	vst v63  }
0xc4: {  	s22 =	simm.s32 @p1 $0x7800;
	s21 =	sor.u32 $0x40, s3  }
0xc5: {  	[tilespmem:s22], [sflag:$0x2] =	stream.indirect.gather @p1 [hbm4b:s5+s20], $0x80, s21, s20, $0xb8;
	[tilespmem:$0x1D400] =	vst v63  }
0xc6: {  	s20 =	simm.s32 @!p1 $0x40;
	s22 =	simm.s32 @!p1 $0x1800  }
0xc7: {  	[tilespmem:s22], [sflag:$0x1] =	stream.indirect.gather @!p1 [hbm4b:s5+s20], $0x80, s3, s20, $0xb8;
	[tilespmem:$0x1D400] =	vst v63  }
0xc8: {  	s3 =	sshrl.u32 s29, $0x3  }
0xc9: {  	s22 =	simm.s32 @!p1 $0x3800;
	s30 =	smul.u32 $0xAB, s3  }
0xca: {  	[tilespmem:s22], [sflag:$0x1] =	stream.indirect.gather @!p1 [hbm4b:s5+s20], $0x80, s21, s20, $0xb8;
	[tilespmem:$0x1D400] =	vst v63  }
0xcb: {  	s22 =	sshrl.u32 s30, $0x9;
	s30 =	sand.u32 $0x1, s29  }
0xcc: {  	p1 =	seq.s32 s30, $0x1  }
.Ltmp13:
0xcd: {  	s20 =	sand.u32 $0x7F, s22;
	(pc) =	sbr.rel @p1 .LBB2_8-.Ltmp13, $3  }
0xce: {  	s20 =	smul.u32 $0x3, s20;
	_ =	sdelay $0x1  }
0xcf: {  	s3 =	ssub.s32 s3, s20  }
0xd0: {  	s20 =	sand.u32 $0xFF, s3  }
.Ltmp14:
0xd1: {  	(pc) =	sbr.rel .LBB2_9-.Ltmp14, $4  }
0xd2: {  	_ =	swait.ge [sflag:s10], $0x4000;
	s3 =	sand.u32 $0x300, s17;
	s20 =	sshll.u32 s20, $0xA  }
0xd3: {  	[sflag:s10] =	ssyncset.done $0x0;
	s3 =	sor.u32 s3, s20  }
0xd4: {  	[sflag:s10] =	ssyncadd.s32 $0xFFFFC000;
	s3 =	sadd.s32 $0xC00, s3  }
0xd5: {  	[spmem:s2] =	stream.indirect.scatter.add.f32 [tilespmem:s0], [sflag:$0x3], $0x80, s3, s11, $0xb8;
	[tilespmem:$0x1D400] =	vst v63  }
.LBB2_10:
.Ltmp15:
0xd6: {  	(pc) =	sbr.rel .LBB2_20-.Ltmp15, $2  }
0xd7: {  	_ =	sdelay $0x2  }
0xd8: {  	s17 =	rddreg [dreg:$0x4]  }
.LBB2_21:
0xd9: {  	_ =	sfence.sel $0x180000  }
0xda: {  	[bflag:$0x0] =	sbarrier.arrive $0xFFFF  }
0xdb: {  	_ =	strace $0x90000047  }
0xdc: {  	s0 =	stileid.u32;
	[bflag:$0x2] =	sbarrier.arrive $0xFFFF  }
0xdd: {  	p0 =	sne.s32 s0, $0x0;
	s0 =	rddreg [dreg:$0x3]  }
0xde: {  	s0 =	sadd.s32 @!p0 $0x100000, s0  }
0xdf: {  	[sflag:s0] =	ssyncadd.tile.s32 @!p0 $0x1;
	_ =	shalt  }
.Lfunc_end2:
_tile_overlayer_lowered:
.L_overlay_start_2:
0xe0: {  	(tag) =	ssettag $0x2  }
0xe1: {  	s0 =	rddreg [dreg:$0x0];
	s2 =	stileid.u32  }
0xe2: {  	s1 =	rddreg [dreg:$0x1];
	p0 =	sne.s32 s2, $0x0  }
0xe3: {  	s3 =	rddreg [dreg:$0x2];
	[bflag:$0x3] =	sbarrier.arrive $0xFFFF;
	s2 =	simm.s32 @!p0 $0x1C06  }
0xe4: {  	[timem:s3], [sflag:s2] =	dma.local @!p0 [hbm:s0], s1  }
0xe5: {  	s0 =	simm.s32 @!p0 $0x6  }
0xe6: {  	_ =	swait.ge @!p0 [sflag:s0], s1  }
0xe7: {  	s1 =	ssub.s32 @!p0 $0x0, s1;
	[sflag:s0] =	ssyncset.done @!p0 $0x0  }
0xe8: {  	[sflag:s0] =	ssyncadd.s32 @!p0 s1  }
0xe9: {  	[bflag:$0x3] =	sbarrier.arrive $0xFFFF  }
0xea: {  	_ =	shalt  }

</sc_bundles>
